<compile_context>
chip_gen: v7x
topology: tpu7x:2x2x1
jax: 0.10.2.dev20260603
libtpu: 0.0.44.dev20260713+nightly
codegen_flags: <defaults>
</compile_context>

<pallas_src>
import functools

import jax
import jax.numpy as jnp
from jax import lax
from jax.experimental import pallas as pl
from jax.experimental.pallas import tpu as pltpu
from jax.experimental.pallas import tpu_sc as plsc

DIM = 32
SCALE = float(DIM ** 0.5)

NUM_CORES = 2
NUM_SUBCORES = 16
NW = NUM_CORES * NUM_SUBCORES

S0 = 16384
S1 = 50
BPW = S0 // NW
TC_BLK = BPW // 128

mesh = plsc.VectorSubcoreMesh(core_axis_name="c", subcore_axis_name="s")


@functools.partial(
    pl.kernel,
    mesh=mesh,
    out_type=jax.ShapeDtypeStruct((S1, DIM // 8, S0 // 128, 8, 128),
                                  jnp.float32),
    scratch_types=[
        pltpu.VMEM((S1, TC_BLK, 128), jnp.int32),
        pltpu.VMEM((2, BPW, DIM), jnp.float32),
        pltpu.VMEM((2, DIM, BPW), jnp.float32),
        pltpu.SemaphoreType.DMA,
        pltpu.SemaphoreType.DMA,
    ],
    compiler_params=pltpu.CompilerParams(
        use_tc_tiling_on_sc=False, needs_layout_passes=False),
)
def _emb(xt_hbm, table_hbm, out_hbm, idx_v, rows_v, trans_v, gsem, wsem):
    wid = lax.axis_index("s") * NUM_CORES + lax.axis_index("c")
    lanes = lax.iota(jnp.int32, 16)

    pltpu.sync_copy(xt_hbm.at[:, pl.ds(wid * TC_BLK, TC_BLK)], idx_v)

    def fire_gathers(d1, b):
        for j in range(TC_BLK):
            pltpu.async_copy(
                table_hbm.at[idx_v.at[d1, j]],
                rows_v.at[b, pl.ds(j * 128, 128)],
                gsem,
            )

    def drain_gathers(b):
        for j in range(TC_BLK):
            pltpu.make_async_copy(
                table_hbm.at[pl.ds(0, 128)],
                rows_v.at[b, pl.ds(j * 128, 128)],
                gsem,
            ).wait()

    def fire_writes(d1, b):
        for tr in range(DIM // 8):
            for t in range(TC_BLK):
                pltpu.async_copy(
                    trans_v.at[b, pl.ds(tr * 8, 8), pl.ds(t * 128, 128)],
                    out_hbm.at[d1, tr, wid * TC_BLK + t],
                    wsem,
                )

    def drain_writes(d1, b):
        for tr in range(DIM // 8):
            for t in range(TC_BLK):
                pltpu.make_async_copy(
                    trans_v.at[b, pl.ds(tr * 8, 8), pl.ds(t * 128, 128)],
                    out_hbm.at[d1, tr, wid * TC_BLK + t],
                    wsem,
                ).wait()

    fire_gathers(0, 0)

    def col_body(d1, carry):
        b = lax.rem(d1, 2)

        drain_gathers(b)

        @pl.when(d1 + 1 < S1)
        def _():
            fire_gathers(d1 + 1, 1 - b)

        @pl.when(d1 >= 2)
        def _():
            drain_writes(d1 - 2, b)

        def k_outer(k0, c):
            k_vec = jnp.bitwise_and(lanes + k0, DIM - 1)

            def b_body(bi, b_vec):
                v = plsc.load_gather(rows_v.at[b], [b_vec, k_vec])
                plsc.store_scatter(trans_v.at[b], [k_vec, b_vec], v * SCALE)
                return b_vec + 16

            lax.fori_loop(0, BPW // 16, b_body, lanes, unroll=8)
            return c

        lax.fori_loop(0, DIM, k_outer, 0)

        fire_writes(d1, b)
        return carry

    lax.fori_loop(0, S1, col_body, 0)
    drain_writes(S1 - 2, lax.rem(S1 - 2, 2))
    drain_writes(S1 - 1, lax.rem(S1 - 1, 2))


VOC = 1000000
FULL_COLS = (VOC // 128) * 128
CCHUNK = 512
N_CHUNKS = FULL_COLS // CCHUNK
BASE_LOCAL = N_CHUNKS // NW
TAIL = VOC - FULL_COLS


@functools.partial(
    pl.kernel,
    mesh=mesh,
    out_type=jax.ShapeDtypeStruct((VOC * DIM,), jnp.float32),
    scratch_types=[
        pltpu.VMEM((DIM, CCHUNK), jnp.float32),
        pltpu.VMEM((DIM, CCHUNK), jnp.float32),
        pltpu.VMEM((CCHUNK * DIM,), jnp.float32),
        pltpu.VMEM((CCHUNK * DIM,), jnp.float32),
        pltpu.SemaphoreType.DMA,
        pltpu.SemaphoreType.DMA,
    ],
    compiler_params=pltpu.CompilerParams(
        use_tc_tiling_on_sc=True, needs_layout_passes=False),
)
def _fmt(tt_hbm, tail_hbm, out_hbm, blk0, blk1, tr0, tr1, isem, wsem):
    wid = lax.axis_index("s") * NUM_CORES + lax.axis_index("c")
    lanes = lax.iota(jnp.int32, 16)
    n_local = BASE_LOCAL + jnp.where(wid < N_CHUNKS - BASE_LOCAL * NW, 1, 0)
    bufs = ((blk0, tr0), (blk1, tr1))

    def col_of(li):
        return (li * NW + wid) * CCHUNK

    def fire_load(li, blk):
        pltpu.async_copy(tt_hbm.at[:, pl.ds(col_of(li), CCHUNK)],
                         blk, isem)

    def drain_load(blk):
        pltpu.make_async_copy(tt_hbm.at[:, pl.ds(0, CCHUNK)],
                              blk, isem).wait()

    def fire_write(li, trs):
        pltpu.async_copy(trs,
                         out_hbm.at[pl.ds(col_of(li) * DIM, CCHUNK * DIM)],
                         wsem)

    def drain_write(trs):
        pltpu.make_async_copy(trs,
                              out_hbm.at[pl.ds(0, CCHUNK * DIM)],
                              wsem).wait()

    def transpose(blk, trs):
        def k_outer(k0, c):
            k_vec = jnp.bitwise_and(lanes + k0, DIM - 1)

            def c_body(ci, carry):
                c_vec, c_shift = carry
                v = plsc.load_gather(blk, [k_vec, c_vec])
                plsc.store_scatter(trs, [c_shift + k_vec], v)
                return (c_vec + 16, c_shift + 512)

            lax.fori_loop(0, CCHUNK // 16, c_body,
                          (lanes, jnp.left_shift(lanes, 5)), unroll=8)
            return c

        lax.fori_loop(0, DIM, k_outer, 0)

    fire_load(0, blk0)

    def pair_body(li2, carry):
        for b in range(2):
            blk, trs = bufs[b]
            li = li2 * 2 + b

            @pl.when(li < n_local)
            def _():
                drain_load(blk)

                @pl.when(li + 1 < n_local)
                def _():
                    fire_load(li + 1, bufs[1 - b][0])

                @pl.when(li >= 2)
                def _():
                    drain_write(trs)

                transpose(blk, trs)
                fire_write(li, trs)
        return carry

    lax.fori_loop(0, (BASE_LOCAL + 2) // 2, pair_body, 0)

    drain_write(tr0)
    drain_write(tr1)

    @pl.when(wid == 0)
    def _():
        pltpu.sync_copy(tail_hbm, tr0.at[pl.ds(0, TAIL * DIM)])
        pltpu.sync_copy(tr0.at[pl.ds(0, TAIL * DIM)],
                        out_hbm.at[pl.ds(FULL_COLS * DIM, TAIL * DIM)])


def kernel(x, table):
    xt = x.T.astype(jnp.int32).reshape(S1, S0 // 128, 128)
    tail_flat = table[FULL_COLS:].reshape(TAIL * DIM)
    flat_table = _fmt(table.T, tail_flat)
    a = _emb(xt, flat_table.reshape(VOC, DIM))
    return a.transpose(2, 4, 0, 1, 3).reshape(S0, S1, DIM)

# --- scband reference (transcript-rebuilt; emitter-appended) ---
"""Pipeline reference for scband-input-embeddings-79886391705817 (READ-ONLY COPY).

The authoritative reference and input builder live on the scoring server;
editing this copy changes nothing except your own understanding.
"""

import jax, jax.numpy as jnp
import numpy as np

VOCAB = 1000000
DIM = 32

def setup_inputs(seed: int = 0) -> dict:
    key = jax.random.key(seed)
    k_idx, k_tab = jax.random.split(key)
    x = jax.random.randint(k_idx, (16384, 50), 0, VOCAB, dtype=jnp.int64 if jax.config.jax_enable_x64 else jnp.int32)
    table = jax.random.normal(k_tab, (VOCAB, DIM), dtype=jnp.float32)
    return {"x": x, "table": table}

def reference(x, table):
    emb = jnp.take(table, x, axis=0)
    return emb * (DIM ** 0.5)

if __name__ == "__main__":
    import jax
    _d = setup_inputs()
    print(jax.jit(kernel)(*tuple(_d.values())))

</pallas_src>

<mosaic_0001>
#map = affine_map<(d0, d1) -> (0, 0)>
#map1 = affine_map<(d0, d1) -> (0)>
module attributes {stable_mosaic.version = 14 : i64} {
  func.func @_fmt(%arg0: i32, %arg1: i32, %arg2: memref<32x1000000xf32, #tpu.memory_space<hbm>>, %arg3: memref<2048xf32, #tpu.memory_space<hbm>>, %arg4: memref<32000000xf32, #tpu.memory_space<hbm>>, %arg5: memref<32x512xf32, #tpu.memory_space<vmem>>, %arg6: memref<32x512xf32, #tpu.memory_space<vmem>>, %arg7: memref<16384xf32, #tpu.memory_space<vmem>>, %arg8: memref<16384xf32, #tpu.memory_space<vmem>>, %arg9: memref<!tpu.dma_semaphore, #tpu.memory_space<semaphore_mem>>, %arg10: memref<!tpu.dma_semaphore, #tpu.memory_space<semaphore_mem>>) attributes {dimension_semantics = [#tpu.dimension_semantics<core_parallel>, #tpu.dimension_semantics<subcore_parallel>], iteration_bounds = array<i64: 2, 16>, scalar_prefetch = 0 : i64, scratch_operands = 6 : i64, tpu.core_type = #tpu.core_type<sc_vector_subcore>, window_params = [{transform_indices = #map}, {transform_indices = #map1}, {transform_indices = #map1}]} {
    %mul3A = arith.constant 2 : i32
    %mul3A_0 = arith.muli %arg1, %mul3A : i32
    %add3A = arith.addi %mul3A_0, %arg0 : i32
    %iota3A = tpu.iota {dimensions = array<i32: 0>} : vector<16xi32>
    %lt3A = arith.constant 1 : i32
    %lt3A_1 = arith.cmpi slt, %add3A, %lt3A : i32
    %jit3A = arith.constant 1 : i32
    %jit3A_2 = arith.constant 0 : i32
    %select_n3A = arith.select %lt3A_1, %jit3A, %jit3A_2 : i32
    %add3A_3 = arith.constant 61 : i32
    %add3A_4 = arith.addi %add3A_3, %select_n3A : i32
    %add3A_5 = arith.constant 0 : i32
    %add3A_6 = arith.addi %add3A_5, %add3A : i32
    %mul3A_7 = arith.constant 512 : i32
    %mul3A_8 = arith.muli %add3A_6, %mul3A_7 : i32
    %dma_start3A = arith.constant 0 : i32
    %dma_start3A_9 = tpu.memref_slice %arg2[%dma_start3A, %mul3A_8] : memref<32x1000000xf32, #tpu.memory_space<hbm>> -> memref<32x512xf32, #tpu.memory_space<hbm>>
    %dma_start3A_10 = arith.constant 0 : i32
    %dma_start3A_11 = tpu.memref_slice %arg2[%dma_start3A_10, %mul3A_8] : memref<32x1000000xf32, #tpu.memory_space<hbm>> -> memref<32x512xf32, #tpu.memory_space<hbm>>
    tpu.enqueue_dma source(%dma_start3A_11 : memref<32x512xf32, #tpu.memory_space<hbm>>) target(%arg5 : memref<32x512xf32, #tpu.memory_space<vmem>>) target_semaphore(%arg9 : memref<!tpu.dma_semaphore, #tpu.memory_space<semaphore_mem>>)
    %scan3A = arith.constant 0 : i32
    %scan3A_12 = arith.constant 0 : i32
    %scan3A_13 = arith.constant 31 : i32
    %scan3A_14 = arith.addi %scan3A_12, %scan3A_13 : i32
    %scan3A_15 = arith.constant 1 : i32
    scf.for %scan3A_26 = %scan3A_12 to %scan3A_14 step %scan3A_15  : i32 {
      %mul3A_27 = arith.constant 2 : i32
      %mul3A_28 = arith.muli %scan3A_26, %mul3A_27 : i32
      %add3A_29 = arith.constant 0 : i32
      %add3A_30 = arith.addi %mul3A_28, %add3A_29 : i32
      %lt3A_31 = arith.cmpi slt, %add3A_30, %add3A_4 : i32
      %convert_element_type3A_32 = arith.extui %lt3A_31 : i1 to i32
      %cond3A_33 = arith.constant 0 : i32
      %cond3A_34 = arith.cmpi ne, %convert_element_type3A_32, %cond3A_33 : i32
      scf.if %cond3A_34 {
        %dma_wait3A_43 = arith.constant 0 : i32
        %dma_wait3A_44 = arith.constant 0 : i32
        %dma_wait3A_45 = tpu.memref_slice %arg2[%dma_wait3A_43, %dma_wait3A_44] : memref<32x1000000xf32, #tpu.memory_space<hbm>> -> memref<32x512xf32, #tpu.memory_space<hbm>>
        %dma_wait3A_46 = arith.constant 0 : i32
        %dma_wait3A_47 = arith.constant 0 : i32
        %dma_wait3A_48 = tpu.memref_slice %arg2[%dma_wait3A_46, %dma_wait3A_47] : memref<32x1000000xf32, #tpu.memory_space<hbm>> -> memref<32x512xf32, #tpu.memory_space<hbm>>
        tpu.wait_dma2 semaphore(%arg9 : memref<!tpu.dma_semaphore, #tpu.memory_space<semaphore_mem>>) src(%dma_wait3A_48 : memref<32x512xf32, #tpu.memory_space<hbm>>) dst(%arg5 : memref<32x512xf32, #tpu.memory_space<vmem>>)
        %add3A_49 = arith.constant 1 : i32
        %add3A_50 = arith.addi %add3A_30, %add3A_49 : i32
        %lt3A_51 = arith.cmpi slt, %add3A_50, %add3A_4 : i32
        %convert_element_type3A_52 = arith.extui %lt3A_51 : i1 to i32
        %cond3A_53 = arith.constant 0 : i32
        %cond3A_54 = arith.cmpi ne, %convert_element_type3A_52, %cond3A_53 : i32
        scf.if %cond3A_54 {
          %add3A_74 = arith.constant 1 : i32
          %add3A_75 = arith.addi %add3A_30, %add3A_74 : i32
          %mul3A_76 = arith.constant 32 : i32
          %mul3A_77 = arith.muli %add3A_75, %mul3A_76 : i32
          %add3A_78 = arith.addi %mul3A_77, %add3A : i32
          %mul3A_79 = arith.constant 512 : i32
          %mul3A_80 = arith.muli %add3A_78, %mul3A_79 : i32
          %dma_start3A_81 = arith.constant 0 : i32
          %dma_start3A_82 = tpu.memref_slice %arg2[%dma_start3A_81, %mul3A_80] : memref<32x1000000xf32, #tpu.memory_space<hbm>> -> memref<32x512xf32, #tpu.memory_space<hbm>>
          %dma_start3A_83 = arith.constant 0 : i32
          %dma_start3A_84 = tpu.memref_slice %arg2[%dma_start3A_83, %mul3A_80] : memref<32x1000000xf32, #tpu.memory_space<hbm>> -> memref<32x512xf32, #tpu.memory_space<hbm>>
          tpu.enqueue_dma source(%dma_start3A_84 : memref<32x512xf32, #tpu.memory_space<hbm>>) target(%arg6 : memref<32x512xf32, #tpu.memory_space<vmem>>) target_semaphore(%arg9 : memref<!tpu.dma_semaphore, #tpu.memory_space<semaphore_mem>>)
        } else {
        }
        %ge3A = arith.constant 2 : i32
        %ge3A_55 = arith.cmpi sge, %add3A_30, %ge3A : i32
        %convert_element_type3A_56 = arith.extui %ge3A_55 : i1 to i32
        %cond3A_57 = arith.constant 0 : i32
        %cond3A_58 = arith.cmpi ne, %convert_element_type3A_56, %cond3A_57 : i32
        scf.if %cond3A_58 {
          %dma_wait3A_74 = arith.constant 0 : i32
          %dma_wait3A_75 = tpu.memref_slice %arg4[%dma_wait3A_74] : memref<32000000xf32, #tpu.memory_space<hbm>> -> memref<16384xf32, #tpu.memory_space<hbm>>
          %dma_wait3A_76 = arith.constant 0 : i32
          %dma_wait3A_77 = tpu.memref_slice %arg4[%dma_wait3A_76] : memref<32000000xf32, #tpu.memory_space<hbm>> -> memref<16384xf32, #tpu.memory_space<hbm>>
          tpu.wait_dma2 semaphore(%arg10 : memref<!tpu.dma_semaphore, #tpu.memory_space<semaphore_mem>>) src(%arg7 : memref<16384xf32, #tpu.memory_space<vmem>>) dst(%dma_wait3A_77 : memref<16384xf32, #tpu.memory_space<hbm>>)
        } else {
        }
        %scan3A_59 = arith.constant 0 : i32
        %scan3A_60 = arith.constant 0 : i32
        %scan3A_61 = arith.constant 32 : i32
        %scan3A_62 = arith.addi %scan3A_60, %scan3A_61 : i32
        %scan3A_63 = arith.constant 1 : i32
        scf.for %scan3A_74 = %scan3A_60 to %scan3A_62 step %scan3A_63  : i32 {
          %add3A_75 = vector.broadcast %scan3A_74 : i32 to vector<16xi32>
          %add3A_76 = arith.addi %iota3A, %add3A_75 : vector<16xi32>
          %and3A = arith.constant 31 : i32
          %and3A_77 = vector.broadcast %and3A : i32 to vector<16xi32>
          %and3A_78 = arith.andi %add3A_76, %and3A_77 : vector<16xi32>
          %shift_left3A = arith.constant 5 : i32
          %shift_left3A_79 = vector.broadcast %shift_left3A : i32 to vector<16xi32>
          %shift_left3A_80 = arith.shli %iota3A, %shift_left3A_79 : vector<16xi32>
          %scan3A_81 = arith.constant 0 : i32
          %scan3A_82 = arith.constant 32 : i32
          %scan3A_83 = arith.addi %scan3A_81, %scan3A_82 : i32
          %scan3A_84 = arith.constant 8 : i32
          %scan3A_85:2 = scf.for %scan3A_87 = %scan3A_81 to %scan3A_83 step %scan3A_84 iter_args(%scan3A_88 = %iota3A, %scan3A_89 = %shift_left3A_80) -> (vector<16xi32>, vector<16xi32>)  : i32 {
            %gather3A = tpu.vector_load_idx %arg5[%and3A_78, %scan3A_88] : memref<32x512xf32, #tpu.memory_space<vmem>>[vector<16xi32>, vector<16xi32>], vector<16xf32>,
            %add3A_90 = arith.addi %scan3A_89, %and3A_78 : vector<16xi32>
            tpu.vector_store_idx %arg7[%add3A_90], %gather3A : memref<16384xf32, #tpu.memory_space<vmem>>[vector<16xi32>], vector<16xf32>,
            %add3A_91 = arith.constant 16 : i32
            %add3A_92 = vector.broadcast %add3A_91 : i32 to vector<16xi32>
            %add3A_93 = arith.addi %scan3A_88, %add3A_92 : vector<16xi32>
            %add3A_94 = arith.constant 512 : i32
            %add3A_95 = vector.broadcast %add3A_94 : i32 to vector<16xi32>
            %add3A_96 = arith.addi %scan3A_89, %add3A_95 : vector<16xi32>
            %scan3A_97 = arith.constant 1 : i32
            %scan3A_98 = arith.addi %scan3A_87, %scan3A_97 : i32
            %gather3A_99 = tpu.vector_load_idx %arg5[%and3A_78, %add3A_93] : memref<32x512xf32, #tpu.memory_space<vmem>>[vector<16xi32>, vector<16xi32>], vector<16xf32>,
            %add3A_100 = arith.addi %add3A_96, %and3A_78 : vector<16xi32>
            tpu.vector_store_idx %arg7[%add3A_100], %gather3A_99 : memref<16384xf32, #tpu.memory_space<vmem>>[vector<16xi32>], vector<16xf32>,
            %add3A_101 = arith.constant 16 : i32
            %add3A_102 = vector.broadcast %add3A_101 : i32 to vector<16xi32>
            %add3A_103 = arith.addi %add3A_93, %add3A_102 : vector<16xi32>
            %add3A_104 = arith.constant 512 : i32
            %add3A_105 = vector.broadcast %add3A_104 : i32 to vector<16xi32>
            %add3A_106 = arith.addi %add3A_96, %add3A_105 : vector<16xi32>
            %scan3A_107 = arith.constant 2 : i32
            %scan3A_108 = arith.addi %scan3A_87, %scan3A_107 : i32
            %gather3A_109 = tpu.vector_load_idx %arg5[%and3A_78, %add3A_103] : memref<32x512xf32, #tpu.memory_space<vmem>>[vector<16xi32>, vector<16xi32>], vector<16xf32>,
            %add3A_110 = arith.addi %add3A_106, %and3A_78 : vector<16xi32>
            tpu.vector_store_idx %arg7[%add3A_110], %gather3A_109 : memref<16384xf32, #tpu.memory_space<vmem>>[vector<16xi32>], vector<16xf32>,
            %add3A_111 = arith.constant 16 : i32
            %add3A_112 = vector.broadcast %add3A_111 : i32 to vector<16xi32>
            %add3A_113 = arith.addi %add3A_103, %add3A_112 : vector<16xi32>
            %add3A_114 = arith.constant 512 : i32
            %add3A_115 = vector.broadcast %add3A_114 : i32 to vector<16xi32>
            %add3A_116 = arith.addi %add3A_106, %add3A_115 : vector<16xi32>
            %scan3A_117 = arith.constant 3 : i32
            %scan3A_118 = arith.addi %scan3A_87, %scan3A_117 : i32
            %gather3A_119 = tpu.vector_load_idx %arg5[%and3A_78, %add3A_113] : memref<32x512xf32, #tpu.memory_space<vmem>>[vector<16xi32>, vector<16xi32>], vector<16xf32>,
            %add3A_120 = arith.addi %add3A_116, %and3A_78 : vector<16xi32>
            tpu.vector_store_idx %arg7[%add3A_120], %gather3A_119 : memref<16384xf32, #tpu.memory_space<vmem>>[vector<16xi32>], vector<16xf32>,
            %add3A_121 = arith.constant 16 : i32
            %add3A_122 = vector.broadcast %add3A_121 : i32 to vector<16xi32>
            %add3A_123 = arith.addi %add3A_113, %add3A_122 : vector<16xi32>
            %add3A_124 = arith.constant 512 : i32
            %add3A_125 = vector.broadcast %add3A_124 : i32 to vector<16xi32>
            %add3A_126 = arith.addi %add3A_116, %add3A_125 : vector<16xi32>
            %scan3A_127 = arith.constant 4 : i32
            %scan3A_128 = arith.addi %scan3A_87, %scan3A_127 : i32
            %gather3A_129 = tpu.vector_load_idx %arg5[%and3A_78, %add3A_123] : memref<32x512xf32, #tpu.memory_space<vmem>>[vector<16xi32>, vector<16xi32>], vector<16xf32>,
            %add3A_130 = arith.addi %add3A_126, %and3A_78 : vector<16xi32>
            tpu.vector_store_idx %arg7[%add3A_130], %gather3A_129 : memref<16384xf32, #tpu.memory_space<vmem>>[vector<16xi32>], vector<16xf32>,
            %add3A_131 = arith.constant 16 : i32
            %add3A_132 = vector.broadcast %add3A_131 : i32 to vector<16xi32>
            %add3A_133 = arith.addi %add3A_123, %add3A_132 : vector<16xi32>
            %add3A_134 = arith.constant 512 : i32
            %add3A_135 = vector.broadcast %add3A_134 : i32 to vector<16xi32>
            %add3A_136 = arith.addi %add3A_126, %add3A_135 : vector<16xi32>
            %scan3A_137 = arith.constant 5 : i32
            %scan3A_138 = arith.addi %scan3A_87, %scan3A_137 : i32
            %gather3A_139 = tpu.vector_load_idx %arg5[%and3A_78, %add3A_133] : memref<32x512xf32, #tpu.memory_space<vmem>>[vector<16xi32>, vector<16xi32>], vector<16xf32>,
            %add3A_140 = arith.addi %add3A_136, %and3A_78 : vector<16xi32>
            tpu.vector_store_idx %arg7[%add3A_140], %gather3A_139 : memref<16384xf32, #tpu.memory_space<vmem>>[vector<16xi32>], vector<16xf32>,
            %add3A_141 = arith.constant 16 : i32
            %add3A_142 = vector.broadcast %add3A_141 : i32 to vector<16xi32>
            %add3A_143 = arith.addi %add3A_133, %add3A_142 : vector<16xi32>
            %add3A_144 = arith.constant 512 : i32
            %add3A_145 = vector.broadcast %add3A_144 : i32 to vector<16xi32>
            %add3A_146 = arith.addi %add3A_136, %add3A_145 : vector<16xi32>
            %scan3A_147 = arith.constant 6 : i32
            %scan3A_148 = arith.addi %scan3A_87, %scan3A_147 : i32
            %gather3A_149 = tpu.vector_load_idx %arg5[%and3A_78, %add3A_143] : memref<32x512xf32, #tpu.memory_space<vmem>>[vector<16xi32>, vector<16xi32>], vector<16xf32>,
            %add3A_150 = arith.addi %add3A_146, %and3A_78 : vector<16xi32>
            tpu.vector_store_idx %arg7[%add3A_150], %gather3A_149 : memref<16384xf32, #tpu.memory_space<vmem>>[vector<16xi32>], vector<16xf32>,
            %add3A_151 = arith.constant 16 : i32
            %add3A_152 = vector.broadcast %add3A_151 : i32 to vector<16xi32>
            %add3A_153 = arith.addi %add3A_143, %add3A_152 : vector<16xi32>
            %add3A_154 = arith.constant 512 : i32
            %add3A_155 = vector.broadcast %add3A_154 : i32 to vector<16xi32>
            %add3A_156 = arith.addi %add3A_146, %add3A_155 : vector<16xi32>
            %scan3A_157 = arith.constant 7 : i32
            %scan3A_158 = arith.addi %scan3A_87, %scan3A_157 : i32
            %gather3A_159 = tpu.vector_load_idx %arg5[%and3A_78, %add3A_153] : memref<32x512xf32, #tpu.memory_space<vmem>>[vector<16xi32>, vector<16xi32>], vector<16xf32>,
            %add3A_160 = arith.addi %add3A_156, %and3A_78 : vector<16xi32>
            tpu.vector_store_idx %arg7[%add3A_160], %gather3A_159 : memref<16384xf32, #tpu.memory_space<vmem>>[vector<16xi32>], vector<16xf32>,
            %add3A_161 = arith.constant 16 : i32
            %add3A_162 = vector.broadcast %add3A_161 : i32 to vector<16xi32>
            %add3A_163 = arith.addi %add3A_153, %add3A_162 : vector<16xi32>
            %add3A_164 = arith.constant 512 : i32
            %add3A_165 = vector.broadcast %add3A_164 : i32 to vector<16xi32>
            %add3A_166 = arith.addi %add3A_156, %add3A_165 : vector<16xi32>
            scf.yield %add3A_163, %add3A_166 : vector<16xi32>, vector<16xi32>
          }
          %scan3A_86 = arith.constant 32 : i32
        }
        %scan3A_64 = arith.constant 32 : i32
        %mul3A_65 = arith.constant 32 : i32
        %mul3A_66 = arith.muli %add3A_30, %mul3A_65 : i32
        %add3A_67 = arith.addi %mul3A_66, %add3A : i32
        %mul3A_68 = arith.constant 512 : i32
        %mul3A_69 = arith.muli %add3A_67, %mul3A_68 : i32
        %mul3A_70 = arith.constant 32 : i32
        %mul3A_71 = arith.muli %mul3A_69, %mul3A_70 : i32
        %dma_start3A_72 = tpu.memref_slice %arg4[%mul3A_71] : memref<32000000xf32, #tpu.memory_space<hbm>> -> memref<16384xf32, #tpu.memory_space<hbm>>
        %dma_start3A_73 = tpu.memref_slice %arg4[%mul3A_71] : memref<32000000xf32, #tpu.memory_space<hbm>> -> memref<16384xf32, #tpu.memory_space<hbm>>
        tpu.enqueue_dma source(%arg7 : memref<16384xf32, #tpu.memory_space<vmem>>) target(%dma_start3A_73 : memref<16384xf32, #tpu.memory_space<hbm>>) target_semaphore(%arg10 : memref<!tpu.dma_semaphore, #tpu.memory_space<semaphore_mem>>)
      } else {
      }
      %mul3A_35 = arith.constant 2 : i32
      %mul3A_36 = arith.muli %scan3A_26, %mul3A_35 : i32
      %add3A_37 = arith.constant 1 : i32
      %add3A_38 = arith.addi %mul3A_36, %add3A_37 : i32
      %lt3A_39 = arith.cmpi slt, %add3A_38, %add3A_4 : i32
      %convert_element_type3A_40 = arith.extui %lt3A_39 : i1 to i32
      %cond3A_41 = arith.constant 0 : i32
      %cond3A_42 = arith.cmpi ne, %convert_element_type3A_40, %cond3A_41 : i32
      scf.if %cond3A_42 {
        %dma_wait3A_43 = arith.constant 0 : i32
        %dma_wait3A_44 = arith.constant 0 : i32
        %dma_wait3A_45 = tpu.memref_slice %arg2[%dma_wait3A_43, %dma_wait3A_44] : memref<32x1000000xf32, #tpu.memory_space<hbm>> -> memref<32x512xf32, #tpu.memory_space<hbm>>
        %dma_wait3A_46 = arith.constant 0 : i32
        %dma_wait3A_47 = arith.constant 0 : i32
        %dma_wait3A_48 = tpu.memref_slice %arg2[%dma_wait3A_46, %dma_wait3A_47] : memref<32x1000000xf32, #tpu.memory_space<hbm>> -> memref<32x512xf32, #tpu.memory_space<hbm>>
        tpu.wait_dma2 semaphore(%arg9 : memref<!tpu.dma_semaphore, #tpu.memory_space<semaphore_mem>>) src(%dma_wait3A_48 : memref<32x512xf32, #tpu.memory_space<hbm>>) dst(%arg6 : memref<32x512xf32, #tpu.memory_space<vmem>>)
        %add3A_49 = arith.constant 1 : i32
        %add3A_50 = arith.addi %add3A_38, %add3A_49 : i32
        %lt3A_51 = arith.cmpi slt, %add3A_50, %add3A_4 : i32
        %convert_element_type3A_52 = arith.extui %lt3A_51 : i1 to i32
        %cond3A_53 = arith.constant 0 : i32
        %cond3A_54 = arith.cmpi ne, %convert_element_type3A_52, %cond3A_53 : i32
        scf.if %cond3A_54 {
          %add3A_74 = arith.constant 1 : i32
          %add3A_75 = arith.addi %add3A_38, %add3A_74 : i32
          %mul3A_76 = arith.constant 32 : i32
          %mul3A_77 = arith.muli %add3A_75, %mul3A_76 : i32
          %add3A_78 = arith.addi %mul3A_77, %add3A : i32
          %mul3A_79 = arith.constant 512 : i32
          %mul3A_80 = arith.muli %add3A_78, %mul3A_79 : i32
          %dma_start3A_81 = arith.constant 0 : i32
          %dma_start3A_82 = tpu.memref_slice %arg2[%dma_start3A_81, %mul3A_80] : memref<32x1000000xf32, #tpu.memory_space<hbm>> -> memref<32x512xf32, #tpu.memory_space<hbm>>
          %dma_start3A_83 = arith.constant 0 : i32
          %dma_start3A_84 = tpu.memref_slice %arg2[%dma_start3A_83, %mul3A_80] : memref<32x1000000xf32, #tpu.memory_space<hbm>> -> memref<32x512xf32, #tpu.memory_space<hbm>>
          tpu.enqueue_dma source(%dma_start3A_84 : memref<32x512xf32, #tpu.memory_space<hbm>>) target(%arg5 : memref<32x512xf32, #tpu.memory_space<vmem>>) target_semaphore(%arg9 : memref<!tpu.dma_semaphore, #tpu.memory_space<semaphore_mem>>)
        } else {
        }
        %ge3A = arith.constant 2 : i32
        %ge3A_55 = arith.cmpi sge, %add3A_38, %ge3A : i32
        %convert_element_type3A_56 = arith.extui %ge3A_55 : i1 to i32
        %cond3A_57 = arith.constant 0 : i32
        %cond3A_58 = arith.cmpi ne, %convert_element_type3A_56, %cond3A_57 : i32
        scf.if %cond3A_58 {
          %dma_wait3A_74 = arith.constant 0 : i32
          %dma_wait3A_75 = tpu.memref_slice %arg4[%dma_wait3A_74] : memref<32000000xf32, #tpu.memory_space<hbm>> -> memref<16384xf32, #tpu.memory_space<hbm>>
          %dma_wait3A_76 = arith.constant 0 : i32
          %dma_wait3A_77 = tpu.memref_slice %arg4[%dma_wait3A_76] : memref<32000000xf32, #tpu.memory_space<hbm>> -> memref<16384xf32, #tpu.memory_space<hbm>>
          tpu.wait_dma2 semaphore(%arg10 : memref<!tpu.dma_semaphore, #tpu.memory_space<semaphore_mem>>) src(%arg8 : memref<16384xf32, #tpu.memory_space<vmem>>) dst(%dma_wait3A_77 : memref<16384xf32, #tpu.memory_space<hbm>>)
        } else {
        }
        %scan3A_59 = arith.constant 0 : i32
        %scan3A_60 = arith.constant 0 : i32
        %scan3A_61 = arith.constant 32 : i32
        %scan3A_62 = arith.addi %scan3A_60, %scan3A_61 : i32
        %scan3A_63 = arith.constant 1 : i32
        scf.for %scan3A_74 = %scan3A_60 to %scan3A_62 step %scan3A_63  : i32 {
          %add3A_75 = vector.broadcast %scan3A_74 : i32 to vector<16xi32>
          %add3A_76 = arith.addi %iota3A, %add3A_75 : vector<16xi32>
          %and3A = arith.constant 31 : i32
          %and3A_77 = vector.broadcast %and3A : i32 to vector<16xi32>
          %and3A_78 = arith.andi %add3A_76, %and3A_77 : vector<16xi32>
          %shift_left3A = arith.constant 5 : i32
          %shift_left3A_79 = vector.broadcast %shift_left3A : i32 to vector<16xi32>
          %shift_left3A_80 = arith.shli %iota3A, %shift_left3A_79 : vector<16xi32>
          %scan3A_81 = arith.constant 0 : i32
          %scan3A_82 = arith.constant 32 : i32
          %scan3A_83 = arith.addi %scan3A_81, %scan3A_82 : i32
          %scan3A_84 = arith.constant 8 : i32
          %scan3A_85:2 = scf.for %scan3A_87 = %scan3A_81 to %scan3A_83 step %scan3A_84 iter_args(%scan3A_88 = %iota3A, %scan3A_89 = %shift_left3A_80) -> (vector<16xi32>, vector<16xi32>)  : i32 {
            %gather3A = tpu.vector_load_idx %arg6[%and3A_78, %scan3A_88] : memref<32x512xf32, #tpu.memory_space<vmem>>[vector<16xi32>, vector<16xi32>], vector<16xf32>,
            %add3A_90 = arith.addi %scan3A_89, %and3A_78 : vector<16xi32>
            tpu.vector_store_idx %arg8[%add3A_90], %gather3A : memref<16384xf32, #tpu.memory_space<vmem>>[vector<16xi32>], vector<16xf32>,
            %add3A_91 = arith.constant 16 : i32
            %add3A_92 = vector.broadcast %add3A_91 : i32 to vector<16xi32>
            %add3A_93 = arith.addi %scan3A_88, %add3A_92 : vector<16xi32>
            %add3A_94 = arith.constant 512 : i32
            %add3A_95 = vector.broadcast %add3A_94 : i32 to vector<16xi32>
            %add3A_96 = arith.addi %scan3A_89, %add3A_95 : vector<16xi32>
            %scan3A_97 = arith.constant 1 : i32
            %scan3A_98 = arith.addi %scan3A_87, %scan3A_97 : i32
            %gather3A_99 = tpu.vector_load_idx %arg6[%and3A_78, %add3A_93] : memref<32x512xf32, #tpu.memory_space<vmem>>[vector<16xi32>, vector<16xi32>], vector<16xf32>,
            %add3A_100 = arith.addi %add3A_96, %and3A_78 : vector<16xi32>
            tpu.vector_store_idx %arg8[%add3A_100], %gather3A_99 : memref<16384xf32, #tpu.memory_space<vmem>>[vector<16xi32>], vector<16xf32>,
            %add3A_101 = arith.constant 16 : i32
            %add3A_102 = vector.broadcast %add3A_101 : i32 to vector<16xi32>
            %add3A_103 = arith.addi %add3A_93, %add3A_102 : vector<16xi32>
            %add3A_104 = arith.constant 512 : i32
            %add3A_105 = vector.broadcast %add3A_104 : i32 to vector<16xi32>
            %add3A_106 = arith.addi %add3A_96, %add3A_105 : vector<16xi32>
            %scan3A_107 = arith.constant 2 : i32
            %scan3A_108 = arith.addi %scan3A_87, %scan3A_107 : i32
            %gather3A_109 = tpu.vector_load_idx %arg6[%and3A_78, %add3A_103] : memref<32x512xf32, #tpu.memory_space<vmem>>[vector<16xi32>, vector<16xi32>], vector<16xf32>,
            %add3A_110 = arith.addi %add3A_106, %and3A_78 : vector<16xi32>
            tpu.vector_store_idx %arg8[%add3A_110], %gather3A_109 : memref<16384xf32, #tpu.memory_space<vmem>>[vector<16xi32>], vector<16xf32>,
            %add3A_111 = arith.constant 16 : i32
            %add3A_112 = vector.broadcast %add3A_111 : i32 to vector<16xi32>
            %add3A_113 = arith.addi %add3A_103, %add3A_112 : vector<16xi32>
            %add3A_114 = arith.constant 512 : i32
            %add3A_115 = vector.broadcast %add3A_114 : i32 to vector<16xi32>
            %add3A_116 = arith.addi %add3A_106, %add3A_115 : vector<16xi32>
            %scan3A_117 = arith.constant 3 : i32
            %scan3A_118 = arith.addi %scan3A_87, %scan3A_117 : i32
            %gather3A_119 = tpu.vector_load_idx %arg6[%and3A_78, %add3A_113] : memref<32x512xf32, #tpu.memory_space<vmem>>[vector<16xi32>, vector<16xi32>], vector<16xf32>,
            %add3A_120 = arith.addi %add3A_116, %and3A_78 : vector<16xi32>
            tpu.vector_store_idx %arg8[%add3A_120], %gather3A_119 : memref<16384xf32, #tpu.memory_space<vmem>>[vector<16xi32>], vector<16xf32>,
            %add3A_121 = arith.constant 16 : i32
            %add3A_122 = vector.broadcast %add3A_121 : i32 to vector<16xi32>
            %add3A_123 = arith.addi %add3A_113, %add3A_122 : vector<16xi32>
            %add3A_124 = arith.constant 512 : i32
            %add3A_125 = vector.broadcast %add3A_124 : i32 to vector<16xi32>
            %add3A_126 = arith.addi %add3A_116, %add3A_125 : vector<16xi32>
            %scan3A_127 = arith.constant 4 : i32
            %scan3A_128 = arith.addi %scan3A_87, %scan3A_127 : i32
            %gather3A_129 = tpu.vector_load_idx %arg6[%and3A_78, %add3A_123] : memref<32x512xf32, #tpu.memory_space<vmem>>[vector<16xi32>, vector<16xi32>], vector<16xf32>,
            %add3A_130 = arith.addi %add3A_126, %and3A_78 : vector<16xi32>
            tpu.vector_store_idx %arg8[%add3A_130], %gather3A_129 : memref<16384xf32, #tpu.memory_space<vmem>>[vector<16xi32>], vector<16xf32>,
            %add3A_131 = arith.constant 16 : i32
            %add3A_132 = vector.broadcast %add3A_131 : i32 to vector<16xi32>
            %add3A_133 = arith.addi %add3A_123, %add3A_132 : vector<16xi32>
            %add3A_134 = arith.constant 512 : i32
            %add3A_135 = vector.broadcast %add3A_134 : i32 to vector<16xi32>
            %add3A_136 = arith.addi %add3A_126, %add3A_135 : vector<16xi32>
            %scan3A_137 = arith.constant 5 : i32
            %scan3A_138 = arith.addi %scan3A_87, %scan3A_137 : i32
            %gather3A_139 = tpu.vector_load_idx %arg6[%and3A_78, %add3A_133] : memref<32x512xf32, #tpu.memory_space<vmem>>[vector<16xi32>, vector<16xi32>], vector<16xf32>,
            %add3A_140 = arith.addi %add3A_136, %and3A_78 : vector<16xi32>
            tpu.vector_store_idx %arg8[%add3A_140], %gather3A_139 : memref<16384xf32, #tpu.memory_space<vmem>>[vector<16xi32>], vector<16xf32>,
            %add3A_141 = arith.constant 16 : i32
            %add3A_142 = vector.broadcast %add3A_141 : i32 to vector<16xi32>
            %add3A_143 = arith.addi %add3A_133, %add3A_142 : vector<16xi32>
            %add3A_144 = arith.constant 512 : i32
            %add3A_145 = vector.broadcast %add3A_144 : i32 to vector<16xi32>
            %add3A_146 = arith.addi %add3A_136, %add3A_145 : vector<16xi32>
            %scan3A_147 = arith.constant 6 : i32
            %scan3A_148 = arith.addi %scan3A_87, %scan3A_147 : i32
            %gather3A_149 = tpu.vector_load_idx %arg6[%and3A_78, %add3A_143] : memref<32x512xf32, #tpu.memory_space<vmem>>[vector<16xi32>, vector<16xi32>], vector<16xf32>,
            %add3A_150 = arith.addi %add3A_146, %and3A_78 : vector<16xi32>
            tpu.vector_store_idx %arg8[%add3A_150], %gather3A_149 : memref<16384xf32, #tpu.memory_space<vmem>>[vector<16xi32>], vector<16xf32>,
            %add3A_151 = arith.constant 16 : i32
            %add3A_152 = vector.broadcast %add3A_151 : i32 to vector<16xi32>
            %add3A_153 = arith.addi %add3A_143, %add3A_152 : vector<16xi32>
            %add3A_154 = arith.constant 512 : i32
            %add3A_155 = vector.broadcast %add3A_154 : i32 to vector<16xi32>
            %add3A_156 = arith.addi %add3A_146, %add3A_155 : vector<16xi32>
            %scan3A_157 = arith.constant 7 : i32
            %scan3A_158 = arith.addi %scan3A_87, %scan3A_157 : i32
            %gather3A_159 = tpu.vector_load_idx %arg6[%and3A_78, %add3A_153] : memref<32x512xf32, #tpu.memory_space<vmem>>[vector<16xi32>, vector<16xi32>], vector<16xf32>,
            %add3A_160 = arith.addi %add3A_156, %and3A_78 : vector<16xi32>
            tpu.vector_store_idx %arg8[%add3A_160], %gather3A_159 : memref<16384xf32, #tpu.memory_space<vmem>>[vector<16xi32>], vector<16xf32>,
            %add3A_161 = arith.constant 16 : i32
            %add3A_162 = vector.broadcast %add3A_161 : i32 to vector<16xi32>
            %add3A_163 = arith.addi %add3A_153, %add3A_162 : vector<16xi32>
            %add3A_164 = arith.constant 512 : i32
            %add3A_165 = vector.broadcast %add3A_164 : i32 to vector<16xi32>
            %add3A_166 = arith.addi %add3A_156, %add3A_165 : vector<16xi32>
            scf.yield %add3A_163, %add3A_166 : vector<16xi32>, vector<16xi32>
          }
          %scan3A_86 = arith.constant 32 : i32
        }
        %scan3A_64 = arith.constant 32 : i32
        %mul3A_65 = arith.constant 32 : i32
        %mul3A_66 = arith.muli %add3A_38, %mul3A_65 : i32
        %add3A_67 = arith.addi %mul3A_66, %add3A : i32
        %mul3A_68 = arith.constant 512 : i32
        %mul3A_69 = arith.muli %add3A_67, %mul3A_68 : i32
        %mul3A_70 = arith.constant 32 : i32
        %mul3A_71 = arith.muli %mul3A_69, %mul3A_70 : i32
        %dma_start3A_72 = tpu.memref_slice %arg4[%mul3A_71] : memref<32000000xf32, #tpu.memory_space<hbm>> -> memref<16384xf32, #tpu.memory_space<hbm>>
        %dma_start3A_73 = tpu.memref_slice %arg4[%mul3A_71] : memref<32000000xf32, #tpu.memory_space<hbm>> -> memref<16384xf32, #tpu.memory_space<hbm>>
        tpu.enqueue_dma source(%arg8 : memref<16384xf32, #tpu.memory_space<vmem>>) target(%dma_start3A_73 : memref<16384xf32, #tpu.memory_space<hbm>>) target_semaphore(%arg10 : memref<!tpu.dma_semaphore, #tpu.memory_space<semaphore_mem>>)
      } else {
      }
    }
    %scan3A_16 = arith.constant 31 : i32
    %dma_wait3A = arith.constant 0 : i32
    %dma_wait3A_17 = tpu.memref_slice %arg4[%dma_wait3A] : memref<32000000xf32, #tpu.memory_space<hbm>> -> memref<16384xf32, #tpu.memory_space<hbm>>
    %dma_wait3A_18 = arith.constant 0 : i32
    %dma_wait3A_19 = tpu.memref_slice %arg4[%dma_wait3A_18] : memref<32000000xf32, #tpu.memory_space<hbm>> -> memref<16384xf32, #tpu.memory_space<hbm>>
    tpu.wait_dma2 semaphore(%arg10 : memref<!tpu.dma_semaphore, #tpu.memory_space<semaphore_mem>>) src(%arg7 : memref<16384xf32, #tpu.memory_space<vmem>>) dst(%dma_wait3A_19 : memref<16384xf32, #tpu.memory_space<hbm>>)
    %dma_wait3A_20 = arith.constant 0 : i32
    %dma_wait3A_21 = tpu.memref_slice %arg4[%dma_wait3A_20] : memref<32000000xf32, #tpu.memory_space<hbm>> -> memref<16384xf32, #tpu.memory_space<hbm>>
    %dma_wait3A_22 = arith.constant 0 : i32
    %dma_wait3A_23 = tpu.memref_slice %arg4[%dma_wait3A_22] : memref<32000000xf32, #tpu.memory_space<hbm>> -> memref<16384xf32, #tpu.memory_space<hbm>>
    tpu.wait_dma2 semaphore(%arg10 : memref<!tpu.dma_semaphore, #tpu.memory_space<semaphore_mem>>) src(%arg8 : memref<16384xf32, #tpu.memory_space<vmem>>) dst(%dma_wait3A_23 : memref<16384xf32, #tpu.memory_space<hbm>>)
    %eq3A = arith.constant 0 : i32
    %eq3A_24 = arith.cmpi eq, %add3A, %eq3A : i32
    %convert_element_type3A = arith.extui %eq3A_24 : i1 to i32
    %cond3A = arith.constant 0 : i32
    %cond3A_25 = arith.cmpi ne, %convert_element_type3A, %cond3A : i32
    scf.if %cond3A_25 {
      "tpu.region"() ({
        %run_scoped3A = tpu.sem_alloc : memref<!tpu.dma_semaphore, #tpu.memory_space<semaphore_mem>>
        %dma_start3A_26 = arith.constant 0 : i32
        %dma_start3A_27 = tpu.memref_slice %arg7[%dma_start3A_26] : memref<16384xf32, #tpu.memory_space<vmem>> -> memref<2048xf32, #tpu.memory_space<vmem>>
        %dma_start3A_28 = arith.constant 0 : i32
        %dma_start3A_29 = tpu.memref_slice %arg7[%dma_start3A_28] : memref<16384xf32, #tpu.memory_space<vmem>> -> memref<2048xf32, #tpu.memory_space<vmem>>
        tpu.enqueue_dma source(%arg3 : memref<2048xf32, #tpu.memory_space<hbm>>) target(%dma_start3A_29 : memref<2048xf32, #tpu.memory_space<vmem>>) target_semaphore(%run_scoped3A : memref<!tpu.dma_semaphore, #tpu.memory_space<semaphore_mem>>)
        %dma_wait3A_30 = arith.constant 0 : i32
        %dma_wait3A_31 = tpu.memref_slice %arg7[%dma_wait3A_30] : memref<16384xf32, #tpu.memory_space<vmem>> -> memref<2048xf32, #tpu.memory_space<vmem>>
        %dma_wait3A_32 = arith.constant 0 : i32
        %dma_wait3A_33 = tpu.memref_slice %arg7[%dma_wait3A_32] : memref<16384xf32, #tpu.memory_space<vmem>> -> memref<2048xf32, #tpu.memory_space<vmem>>
        tpu.wait_dma2 semaphore(%run_scoped3A : memref<!tpu.dma_semaphore, #tpu.memory_space<semaphore_mem>>) src(%arg3 : memref<2048xf32, #tpu.memory_space<hbm>>) dst(%dma_wait3A_33 : memref<2048xf32, #tpu.memory_space<vmem>>)
        tpu.yield
      }) : () -> ()
      "tpu.region"() ({
        %run_scoped3A = tpu.sem_alloc : memref<!tpu.dma_semaphore, #tpu.memory_space<semaphore_mem>>
        %dma_start3A_26 = arith.constant 0 : i32
        %dma_start3A_27 = tpu.memref_slice %arg7[%dma_start3A_26] : memref<16384xf32, #tpu.memory_space<vmem>> -> memref<2048xf32, #tpu.memory_space<vmem>>
        %dma_start3A_28 = arith.constant 31997952 : i32
        %dma_start3A_29 = tpu.memref_slice %arg4[%dma_start3A_28] : memref<32000000xf32, #tpu.memory_space<hbm>> -> memref<2048xf32, #tpu.memory_space<hbm>>
        %dma_start3A_30 = arith.constant 31997952 : i32
        %dma_start3A_31 = tpu.memref_slice %arg4[%dma_start3A_30] : memref<32000000xf32, #tpu.memory_space<hbm>> -> memref<2048xf32, #tpu.memory_space<hbm>>
        %dma_start3A_32 = arith.constant 0 : i32
        %dma_start3A_33 = tpu.memref_slice %arg7[%dma_start3A_32] : memref<16384xf32, #tpu.memory_space<vmem>> -> memref<2048xf32, #tpu.memory_space<vmem>>
        tpu.enqueue_dma source(%dma_start3A_33 : memref<2048xf32, #tpu.memory_space<vmem>>) target(%dma_start3A_31 : memref<2048xf32, #tpu.memory_space<hbm>>) target_semaphore(%run_scoped3A : memref<!tpu.dma_semaphore, #tpu.memory_space<semaphore_mem>>)
        %dma_wait3A_34 = arith.constant 0 : i32
        %dma_wait3A_35 = tpu.memref_slice %arg7[%dma_wait3A_34] : memref<16384xf32, #tpu.memory_space<vmem>> -> memref<2048xf32, #tpu.memory_space<vmem>>
        %dma_wait3A_36 = arith.constant 31997952 : i32
        %dma_wait3A_37 = tpu.memref_slice %arg4[%dma_wait3A_36] : memref<32000000xf32, #tpu.memory_space<hbm>> -> memref<2048xf32, #tpu.memory_space<hbm>>
        %dma_wait3A_38 = arith.constant 31997952 : i32
        %dma_wait3A_39 = tpu.memref_slice %arg4[%dma_wait3A_38] : memref<32000000xf32, #tpu.memory_space<hbm>> -> memref<2048xf32, #tpu.memory_space<hbm>>
        %dma_wait3A_40 = arith.constant 0 : i32
        %dma_wait3A_41 = tpu.memref_slice %arg7[%dma_wait3A_40] : memref<16384xf32, #tpu.memory_space<vmem>> -> memref<2048xf32, #tpu.memory_space<vmem>>
        tpu.wait_dma2 semaphore(%run_scoped3A : memref<!tpu.dma_semaphore, #tpu.memory_space<semaphore_mem>>) src(%dma_wait3A_41 : memref<2048xf32, #tpu.memory_space<vmem>>) dst(%dma_wait3A_39 : memref<2048xf32, #tpu.memory_space<hbm>>)
        tpu.yield
      }) : () -> ()
    } else {
    }
    return
  }
}

#map = affine_map<(d0, d1) -> (0, 0, 0)>
#map1 = affine_map<(d0, d1) -> (0, 0)>
#map2 = affine_map<(d0, d1) -> (0, 0, 0, 0, 0)>
module attributes {stable_mosaic.version = 14 : i64} {
  func.func @_emb(%arg0: i32, %arg1: i32, %arg2: memref<50x128x128xi32, #tpu.memory_space<hbm>>, %arg3: memref<1000000x32xf32, #tpu.memory_space<hbm>>, %arg4: memref<50x4x128x8x128xf32, #tpu.memory_space<hbm>>, %arg5: memref<50x4x128xi32, #tpu.memory_space<vmem>>, %arg6: memref<2x512x32xf32, #tpu.memory_space<vmem>>, %arg7: memref<2x32x512xf32, #tpu.memory_space<vmem>>, %arg8: memref<!tpu.dma_semaphore, #tpu.memory_space<semaphore_mem>>, %arg9: memref<!tpu.dma_semaphore, #tpu.memory_space<semaphore_mem>>) attributes {dimension_semantics = [#tpu.dimension_semantics<core_parallel>, #tpu.dimension_semantics<subcore_parallel>], iteration_bounds = array<i64: 2, 16>, scalar_prefetch = 0 : i64, scratch_operands = 5 : i64, tpu.core_type = #tpu.core_type<sc_vector_subcore>, window_params = [{transform_indices = #map}, {transform_indices = #map1}, {transform_indices = #map2}]} {
    %mul3A = arith.constant 2 : i32
    %mul3A_0 = arith.muli %arg1, %mul3A : i32
    %add3A = arith.addi %mul3A_0, %arg0 : i32
    %iota3A = tpu.iota {dimensions = array<i32: 0>} : vector<16xi32>
    %mul3A_1 = arith.constant 4 : i32
    %mul3A_2 = arith.muli %add3A, %mul3A_1 : i32
    "tpu.region"() ({
      %run_scoped3A = tpu.sem_alloc : memref<!tpu.dma_semaphore, #tpu.memory_space<semaphore_mem>>
      %dma_start3A_767 = arith.constant 0 : i32
      %dma_start3A_768 = arith.constant 0 : i32
      %dma_start3A_769 = tpu.memref_slice %arg2[%dma_start3A_767, %mul3A_2, %dma_start3A_768] : memref<50x128x128xi32, #tpu.memory_space<hbm>> -> memref<50x4x128xi32, #tpu.memory_space<hbm>>
      %dma_start3A_770 = arith.constant 0 : i32
      %dma_start3A_771 = arith.constant 0 : i32
      %dma_start3A_772 = tpu.memref_slice %arg2[%dma_start3A_770, %mul3A_2, %dma_start3A_771] : memref<50x128x128xi32, #tpu.memory_space<hbm>> -> memref<50x4x128xi32, #tpu.memory_space<hbm>>
      tpu.enqueue_dma source(%dma_start3A_772 : memref<50x4x128xi32, #tpu.memory_space<hbm>>) target(%arg5 : memref<50x4x128xi32, #tpu.memory_space<vmem>>) target_semaphore(%run_scoped3A : memref<!tpu.dma_semaphore, #tpu.memory_space<semaphore_mem>>)
      %dma_wait3A_773 = arith.constant 0 : i32
      %dma_wait3A_774 = arith.constant 0 : i32
      %dma_wait3A_775 = tpu.memref_slice %arg2[%dma_wait3A_773, %mul3A_2, %dma_wait3A_774] : memref<50x128x128xi32, #tpu.memory_space<hbm>> -> memref<50x4x128xi32, #tpu.memory_space<hbm>>
      %dma_wait3A_776 = arith.constant 0 : i32
      %dma_wait3A_777 = arith.constant 0 : i32
      %dma_wait3A_778 = tpu.memref_slice %arg2[%dma_wait3A_776, %mul3A_2, %dma_wait3A_777] : memref<50x128x128xi32, #tpu.memory_space<hbm>> -> memref<50x4x128xi32, #tpu.memory_space<hbm>>
      tpu.wait_dma2 semaphore(%run_scoped3A : memref<!tpu.dma_semaphore, #tpu.memory_space<semaphore_mem>>) src(%dma_wait3A_778 : memref<50x4x128xi32, #tpu.memory_space<hbm>>) dst(%arg5 : memref<50x4x128xi32, #tpu.memory_space<vmem>>)
      tpu.yield
    }) : () -> ()
    %dma_start3A = arith.constant 0 : i32
    %dma_start3A_3 = arith.constant 0 : i32
    %dma_start3A_4 = arith.constant 0 : i32
    %dma_start3A_5 = arith.constant 0 : i32
    %dma_start3A_6 = arith.constant 0 : i32
    %dma_start3A_7 = tpu.memref_slice %arg6[%dma_start3A_4, %dma_start3A_5, %dma_start3A_6] : memref<2x512x32xf32, #tpu.memory_space<vmem>> -> memref<1x128x32xf32, #tpu.memory_space<vmem>>
    %dma_start3A_8 = tpu.memref_squeeze %dma_start3A_7 : memref<1x128x32xf32, #tpu.memory_space<vmem>> -> memref<128x32xf32, #tpu.memory_space<vmem>>
    %dma_start3A_9 = arith.constant 0 : i32
    %dma_start3A_10 = tpu.memref_slice %arg5[%dma_start3A, %dma_start3A_3, %dma_start3A_9] : memref<50x4x128xi32, #tpu.memory_space<vmem>> -> memref<1x1x128xi32, #tpu.memory_space<vmem>>
    %dma_start3A_11 = tpu.memref_squeeze %dma_start3A_10 : memref<1x1x128xi32, #tpu.memory_space<vmem>> -> memref<128xi32, #tpu.memory_space<vmem>>
    %dma_start3A_12 = arith.constant 0 : i32
    %dma_start3A_13 = arith.constant 0 : i32
    %dma_start3A_14 = tpu.memref_slice %arg3[%dma_start3A_12, %dma_start3A_13] : memref<1000000x32xf32, #tpu.memory_space<hbm>> -> memref<1000000x32xf32, #tpu.memory_space<hbm>>
    tpu.enqueue_indirect_dma source(%dma_start3A_14 : memref<1000000x32xf32, #tpu.memory_space<hbm>>) target(%dma_start3A_8 : memref<128x32xf32, #tpu.memory_space<vmem>>) offsets(%dma_start3A_11 : memref<128xi32, #tpu.memory_space<vmem>>) semaphore(%arg8 : memref<!tpu.dma_semaphore, #tpu.memory_space<semaphore_mem>>)
    %dma_start3A_15 = arith.constant 0 : i32
    %dma_start3A_16 = arith.constant 1 : i32
    %dma_start3A_17 = arith.constant 0 : i32
    %dma_start3A_18 = arith.constant 128 : i32
    %dma_start3A_19 = arith.constant 0 : i32
    %dma_start3A_20 = tpu.memref_slice %arg6[%dma_start3A_17, %dma_start3A_18, %dma_start3A_19] : memref<2x512x32xf32, #tpu.memory_space<vmem>> -> memref<1x128x32xf32, #tpu.memory_space<vmem>>
    %dma_start3A_21 = tpu.memref_squeeze %dma_start3A_20 : memref<1x128x32xf32, #tpu.memory_space<vmem>> -> memref<128x32xf32, #tpu.memory_space<vmem>>
    %dma_start3A_22 = arith.constant 0 : i32
    %dma_start3A_23 = tpu.memref_slice %arg5[%dma_start3A_15, %dma_start3A_16, %dma_start3A_22] : memref<50x4x128xi32, #tpu.memory_space<vmem>> -> memref<1x1x128xi32, #tpu.memory_space<vmem>>
    %dma_start3A_24 = tpu.memref_squeeze %dma_start3A_23 : memref<1x1x128xi32, #tpu.memory_space<vmem>> -> memref<128xi32, #tpu.memory_space<vmem>>
    %dma_start3A_25 = arith.constant 0 : i32
    %dma_start3A_26 = arith.constant 0 : i32
    %dma_start3A_27 = tpu.memref_slice %arg3[%dma_start3A_25, %dma_start3A_26] : memref<1000000x32xf32, #tpu.memory_space<hbm>> -> memref<1000000x32xf32, #tpu.memory_space<hbm>>
    tpu.enqueue_indirect_dma source(%dma_start3A_27 : memref<1000000x32xf32, #tpu.memory_space<hbm>>) target(%dma_start3A_21 : memref<128x32xf32, #tpu.memory_space<vmem>>) offsets(%dma_start3A_24 : memref<128xi32, #tpu.memory_space<vmem>>) semaphore(%arg8 : memref<!tpu.dma_semaphore, #tpu.memory_space<semaphore_mem>>)
    %dma_start3A_28 = arith.constant 0 : i32
    %dma_start3A_29 = arith.constant 2 : i32
    %dma_start3A_30 = arith.constant 0 : i32
    %dma_start3A_31 = arith.constant 256 : i32
    %dma_start3A_32 = arith.constant 0 : i32
    %dma_start3A_33 = tpu.memref_slice %arg6[%dma_start3A_30, %dma_start3A_31, %dma_start3A_32] : memref<2x512x32xf32, #tpu.memory_space<vmem>> -> memref<1x128x32xf32, #tpu.memory_space<vmem>>
    %dma_start3A_34 = tpu.memref_squeeze %dma_start3A_33 : memref<1x128x32xf32, #tpu.memory_space<vmem>> -> memref<128x32xf32, #tpu.memory_space<vmem>>
    %dma_start3A_35 = arith.constant 0 : i32
    %dma_start3A_36 = tpu.memref_slice %arg5[%dma_start3A_28, %dma_start3A_29, %dma_start3A_35] : memref<50x4x128xi32, #tpu.memory_space<vmem>> -> memref<1x1x128xi32, #tpu.memory_space<vmem>>
    %dma_start3A_37 = tpu.memref_squeeze %dma_start3A_36 : memref<1x1x128xi32, #tpu.memory_space<vmem>> -> memref<128xi32, #tpu.memory_space<vmem>>
    %dma_start3A_38 = arith.constant 0 : i32
    %dma_start3A_39 = arith.constant 0 : i32
    %dma_start3A_40 = tpu.memref_slice %arg3[%dma_start3A_38, %dma_start3A_39] : memref<1000000x32xf32, #tpu.memory_space<hbm>> -> memref<1000000x32xf32, #tpu.memory_space<hbm>>
    tpu.enqueue_indirect_dma source(%dma_start3A_40 : memref<1000000x32xf32, #tpu.memory_space<hbm>>) target(%dma_start3A_34 : memref<128x32xf32, #tpu.memory_space<vmem>>) offsets(%dma_start3A_37 : memref<128xi32, #tpu.memory_space<vmem>>) semaphore(%arg8 : memref<!tpu.dma_semaphore, #tpu.memory_space<semaphore_mem>>)
    %dma_start3A_41 = arith.constant 0 : i32
    %dma_start3A_42 = arith.constant 3 : i32
    %dma_start3A_43 = arith.constant 0 : i32
    %dma_start3A_44 = arith.constant 384 : i32
    %dma_start3A_45 = arith.constant 0 : i32
    %dma_start3A_46 = tpu.memref_slice %arg6[%dma_start3A_43, %dma_start3A_44, %dma_start3A_45] : memref<2x512x32xf32, #tpu.memory_space<vmem>> -> memref<1x128x32xf32, #tpu.memory_space<vmem>>
    %dma_start3A_47 = tpu.memref_squeeze %dma_start3A_46 : memref<1x128x32xf32, #tpu.memory_space<vmem>> -> memref<128x32xf32, #tpu.memory_space<vmem>>
    %dma_start3A_48 = arith.constant 0 : i32
    %dma_start3A_49 = tpu.memref_slice %arg5[%dma_start3A_41, %dma_start3A_42, %dma_start3A_48] : memref<50x4x128xi32, #tpu.memory_space<vmem>> -> memref<1x1x128xi32, #tpu.memory_space<vmem>>
    %dma_start3A_50 = tpu.memref_squeeze %dma_start3A_49 : memref<1x1x128xi32, #tpu.memory_space<vmem>> -> memref<128xi32, #tpu.memory_space<vmem>>
    %dma_start3A_51 = arith.constant 0 : i32
    %dma_start3A_52 = arith.constant 0 : i32
    %dma_start3A_53 = tpu.memref_slice %arg3[%dma_start3A_51, %dma_start3A_52] : memref<1000000x32xf32, #tpu.memory_space<hbm>> -> memref<1000000x32xf32, #tpu.memory_space<hbm>>
    tpu.enqueue_indirect_dma source(%dma_start3A_53 : memref<1000000x32xf32, #tpu.memory_space<hbm>>) target(%dma_start3A_47 : memref<128x32xf32, #tpu.memory_space<vmem>>) offsets(%dma_start3A_50 : memref<128xi32, #tpu.memory_space<vmem>>) semaphore(%arg8 : memref<!tpu.dma_semaphore, #tpu.memory_space<semaphore_mem>>)
    %scan3A = arith.constant 0 : i32
    %scan3A_54 = arith.constant 0 : i32
    %scan3A_55 = arith.constant 50 : i32
    %scan3A_56 = arith.addi %scan3A_54, %scan3A_55 : i32
    %scan3A_57 = arith.constant 1 : i32
    scf.for %scan3A_767 = %scan3A_54 to %scan3A_56 step %scan3A_57  : i32 {
      %rem3A_768 = arith.constant 2 : i32
      %rem3A_769 = arith.remsi %scan3A_767, %rem3A_768 : i32
      %dma_wait3A_770 = arith.constant 0 : i32
      %dma_wait3A_771 = arith.constant 0 : i32
      %dma_wait3A_772 = tpu.memref_slice %arg6[%rem3A_769, %dma_wait3A_770, %dma_wait3A_771] : memref<2x512x32xf32, #tpu.memory_space<vmem>> -> memref<1x128x32xf32, #tpu.memory_space<vmem>>
      %dma_wait3A_773 = tpu.memref_squeeze %dma_wait3A_772 : memref<1x128x32xf32, #tpu.memory_space<vmem>> -> memref<128x32xf32, #tpu.memory_space<vmem>>
      %dma_wait3A_774 = arith.constant 0 : i32
      %dma_wait3A_775 = arith.constant 0 : i32
      %dma_wait3A_776 = tpu.memref_slice %arg3[%dma_wait3A_774, %dma_wait3A_775] : memref<1000000x32xf32, #tpu.memory_space<hbm>> -> memref<128x32xf32, #tpu.memory_space<hbm>>
      %dma_wait3A_777 = arith.constant 0 : i32
      %dma_wait3A_778 = arith.constant 0 : i32
      %dma_wait3A_779 = tpu.memref_slice %arg6[%rem3A_769, %dma_wait3A_777, %dma_wait3A_778] : memref<2x512x32xf32, #tpu.memory_space<vmem>> -> memref<1x128x32xf32, #tpu.memory_space<vmem>>
      %dma_wait3A_780 = tpu.memref_squeeze %dma_wait3A_779 : memref<1x128x32xf32, #tpu.memory_space<vmem>> -> memref<128x32xf32, #tpu.memory_space<vmem>>
      %dma_wait3A_781 = arith.constant 0 : i32
      %dma_wait3A_782 = arith.constant 0 : i32
      %dma_wait3A_783 = tpu.memref_slice %arg3[%dma_wait3A_781, %dma_wait3A_782] : memref<1000000x32xf32, #tpu.memory_space<hbm>> -> memref<128x32xf32, #tpu.memory_space<hbm>>
      tpu.wait_dma2 semaphore(%arg8 : memref<!tpu.dma_semaphore, #tpu.memory_space<semaphore_mem>>) src(%dma_wait3A_783 : memref<128x32xf32, #tpu.memory_space<hbm>>) dst(%dma_wait3A_780 : memref<128x32xf32, #tpu.memory_space<vmem>>)
      %dma_wait3A_784 = arith.constant 128 : i32
      %dma_wait3A_785 = arith.constant 0 : i32
      %dma_wait3A_786 = tpu.memref_slice %arg6[%rem3A_769, %dma_wait3A_784, %dma_wait3A_785] : memref<2x512x32xf32, #tpu.memory_space<vmem>> -> memref<1x128x32xf32, #tpu.memory_space<vmem>>
      %dma_wait3A_787 = tpu.memref_squeeze %dma_wait3A_786 : memref<1x128x32xf32, #tpu.memory_space<vmem>> -> memref<128x32xf32, #tpu.memory_space<vmem>>
      %dma_wait3A_788 = arith.constant 0 : i32
      %dma_wait3A_789 = arith.constant 0 : i32
      %dma_wait3A_790 = tpu.memref_slice %arg3[%dma_wait3A_788, %dma_wait3A_789] : memref<1000000x32xf32, #tpu.memory_space<hbm>> -> memref<128x32xf32, #tpu.memory_space<hbm>>
      %dma_wait3A_791 = arith.constant 128 : i32
      %dma_wait3A_792 = arith.constant 0 : i32
      %dma_wait3A_793 = tpu.memref_slice %arg6[%rem3A_769, %dma_wait3A_791, %dma_wait3A_792] : memref<2x512x32xf32, #tpu.memory_space<vmem>> -> memref<1x128x32xf32, #tpu.memory_space<vmem>>
      %dma_wait3A_794 = tpu.memref_squeeze %dma_wait3A_793 : memref<1x128x32xf32, #tpu.memory_space<vmem>> -> memref<128x32xf32, #tpu.memory_space<vmem>>
      %dma_wait3A_795 = arith.constant 0 : i32
      %dma_wait3A_796 = arith.constant 0 : i32
      %dma_wait3A_797 = tpu.memref_slice %arg3[%dma_wait3A_795, %dma_wait3A_796] : memref<1000000x32xf32, #tpu.memory_space<hbm>> -> memref<128x32xf32, #tpu.memory_space<hbm>>
      tpu.wait_dma2 semaphore(%arg8 : memref<!tpu.dma_semaphore, #tpu.memory_space<semaphore_mem>>) src(%dma_wait3A_797 : memref<128x32xf32, #tpu.memory_space<hbm>>) dst(%dma_wait3A_794 : memref<128x32xf32, #tpu.memory_space<vmem>>)
      %dma_wait3A_798 = arith.constant 256 : i32
      %dma_wait3A_799 = arith.constant 0 : i32
      %dma_wait3A_800 = tpu.memref_slice %arg6[%rem3A_769, %dma_wait3A_798, %dma_wait3A_799] : memref<2x512x32xf32, #tpu.memory_space<vmem>> -> memref<1x128x32xf32, #tpu.memory_space<vmem>>
      %dma_wait3A_801 = tpu.memref_squeeze %dma_wait3A_800 : memref<1x128x32xf32, #tpu.memory_space<vmem>> -> memref<128x32xf32, #tpu.memory_space<vmem>>
      %dma_wait3A_802 = arith.constant 0 : i32
      %dma_wait3A_803 = arith.constant 0 : i32
      %dma_wait3A_804 = tpu.memref_slice %arg3[%dma_wait3A_802, %dma_wait3A_803] : memref<1000000x32xf32, #tpu.memory_space<hbm>> -> memref<128x32xf32, #tpu.memory_space<hbm>>
      %dma_wait3A_805 = arith.constant 256 : i32
      %dma_wait3A_806 = arith.constant 0 : i32
      %dma_wait3A_807 = tpu.memref_slice %arg6[%rem3A_769, %dma_wait3A_805, %dma_wait3A_806] : memref<2x512x32xf32, #tpu.memory_space<vmem>> -> memref<1x128x32xf32, #tpu.memory_space<vmem>>
      %dma_wait3A_808 = tpu.memref_squeeze %dma_wait3A_807 : memref<1x128x32xf32, #tpu.memory_space<vmem>> -> memref<128x32xf32, #tpu.memory_space<vmem>>
      %dma_wait3A_809 = arith.constant 0 : i32
      %dma_wait3A_810 = arith.constant 0 : i32
      %dma_wait3A_811 = tpu.memref_slice %arg3[%dma_wait3A_809, %dma_wait3A_810] : memref<1000000x32xf32, #tpu.memory_space<hbm>> -> memref<128x32xf32, #tpu.memory_space<hbm>>
      tpu.wait_dma2 semaphore(%arg8 : memref<!tpu.dma_semaphore, #tpu.memory_space<semaphore_mem>>) src(%dma_wait3A_811 : memref<128x32xf32, #tpu.memory_space<hbm>>) dst(%dma_wait3A_808 : memref<128x32xf32, #tpu.memory_space<vmem>>)
      %dma_wait3A_812 = arith.constant 384 : i32
      %dma_wait3A_813 = arith.constant 0 : i32
      %dma_wait3A_814 = tpu.memref_slice %arg6[%rem3A_769, %dma_wait3A_812, %dma_wait3A_813] : memref<2x512x32xf32, #tpu.memory_space<vmem>> -> memref<1x128x32xf32, #tpu.memory_space<vmem>>
      %dma_wait3A_815 = tpu.memref_squeeze %dma_wait3A_814 : memref<1x128x32xf32, #tpu.memory_space<vmem>> -> memref<128x32xf32, #tpu.memory_space<vmem>>
      %dma_wait3A_816 = arith.constant 0 : i32
      %dma_wait3A_817 = arith.constant 0 : i32
      %dma_wait3A_818 = tpu.memref_slice %arg3[%dma_wait3A_816, %dma_wait3A_817] : memref<1000000x32xf32, #tpu.memory_space<hbm>> -> memref<128x32xf32, #tpu.memory_space<hbm>>
      %dma_wait3A_819 = arith.constant 384 : i32
      %dma_wait3A_820 = arith.constant 0 : i32
      %dma_wait3A_821 = tpu.memref_slice %arg6[%rem3A_769, %dma_wait3A_819, %dma_wait3A_820] : memref<2x512x32xf32, #tpu.memory_space<vmem>> -> memref<1x128x32xf32, #tpu.memory_space<vmem>>
      %dma_wait3A_822 = tpu.memref_squeeze %dma_wait3A_821 : memref<1x128x32xf32, #tpu.memory_space<vmem>> -> memref<128x32xf32, #tpu.memory_space<vmem>>
      %dma_wait3A_823 = arith.constant 0 : i32
      %dma_wait3A_824 = arith.constant 0 : i32
      %dma_wait3A_825 = tpu.memref_slice %arg3[%dma_wait3A_823, %dma_wait3A_824] : memref<1000000x32xf32, #tpu.memory_space<hbm>> -> memref<128x32xf32, #tpu.memory_space<hbm>>
      tpu.wait_dma2 semaphore(%arg8 : memref<!tpu.dma_semaphore, #tpu.memory_space<semaphore_mem>>) src(%dma_wait3A_825 : memref<128x32xf32, #tpu.memory_space<hbm>>) dst(%dma_wait3A_822 : memref<128x32xf32, #tpu.memory_space<vmem>>)
      %add3A_826 = arith.constant 1 : i32
      %add3A_827 = arith.addi %scan3A_767, %add3A_826 : i32
      %lt3A = arith.constant 50 : i32
      %lt3A_828 = arith.cmpi slt, %add3A_827, %lt3A : i32
      %convert_element_type3A = arith.extui %lt3A_828 : i1 to i32
      %cond3A = arith.constant 0 : i32
      %cond3A_829 = arith.cmpi ne, %convert_element_type3A, %cond3A : i32
      scf.if %cond3A_829 {
        %add3A_1176 = arith.constant 1 : i32
        %add3A_1177 = arith.addi %scan3A_767, %add3A_1176 : i32
        %sub3A = arith.constant 1 : i32
        %sub3A_1178 = arith.subi %sub3A, %rem3A_769 : i32
        %dma_start3A_1179 = arith.constant 0 : i32
        %dma_start3A_1180 = arith.constant 0 : i32
        %dma_start3A_1181 = arith.constant 0 : i32
        %dma_start3A_1182 = tpu.memref_slice %arg6[%sub3A_1178, %dma_start3A_1180, %dma_start3A_1181] : memref<2x512x32xf32, #tpu.memory_space<vmem>> -> memref<1x128x32xf32, #tpu.memory_space<vmem>>
        %dma_start3A_1183 = tpu.memref_squeeze %dma_start3A_1182 : memref<1x128x32xf32, #tpu.memory_space<vmem>> -> memref<128x32xf32, #tpu.memory_space<vmem>>
        %dma_start3A_1184 = arith.constant 0 : i32
        %dma_start3A_1185 = tpu.memref_slice %arg5[%add3A_1177, %dma_start3A_1179, %dma_start3A_1184] : memref<50x4x128xi32, #tpu.memory_space<vmem>> -> memref<1x1x128xi32, #tpu.memory_space<vmem>>
        %dma_start3A_1186 = tpu.memref_squeeze %dma_start3A_1185 : memref<1x1x128xi32, #tpu.memory_space<vmem>> -> memref<128xi32, #tpu.memory_space<vmem>>
        %dma_start3A_1187 = arith.constant 0 : i32
        %dma_start3A_1188 = arith.constant 0 : i32
        %dma_start3A_1189 = tpu.memref_slice %arg3[%dma_start3A_1187, %dma_start3A_1188] : memref<1000000x32xf32, #tpu.memory_space<hbm>> -> memref<1000000x32xf32, #tpu.memory_space<hbm>>
        tpu.enqueue_indirect_dma source(%dma_start3A_1189 : memref<1000000x32xf32, #tpu.memory_space<hbm>>) target(%dma_start3A_1183 : memref<128x32xf32, #tpu.memory_space<vmem>>) offsets(%dma_start3A_1186 : memref<128xi32, #tpu.memory_space<vmem>>) semaphore(%arg8 : memref<!tpu.dma_semaphore, #tpu.memory_space<semaphore_mem>>)
        %dma_start3A_1190 = arith.constant 1 : i32
        %dma_start3A_1191 = arith.constant 128 : i32
        %dma_start3A_1192 = arith.constant 0 : i32
        %dma_start3A_1193 = tpu.memref_slice %arg6[%sub3A_1178, %dma_start3A_1191, %dma_start3A_1192] : memref<2x512x32xf32, #tpu.memory_space<vmem>> -> memref<1x128x32xf32, #tpu.memory_space<vmem>>
        %dma_start3A_1194 = tpu.memref_squeeze %dma_start3A_1193 : memref<1x128x32xf32, #tpu.memory_space<vmem>> -> memref<128x32xf32, #tpu.memory_space<vmem>>
        %dma_start3A_1195 = arith.constant 0 : i32
        %dma_start3A_1196 = tpu.memref_slice %arg5[%add3A_1177, %dma_start3A_1190, %dma_start3A_1195] : memref<50x4x128xi32, #tpu.memory_space<vmem>> -> memref<1x1x128xi32, #tpu.memory_space<vmem>>
        %dma_start3A_1197 = tpu.memref_squeeze %dma_start3A_1196 : memref<1x1x128xi32, #tpu.memory_space<vmem>> -> memref<128xi32, #tpu.memory_space<vmem>>
        %dma_start3A_1198 = arith.constant 0 : i32
        %dma_start3A_1199 = arith.constant 0 : i32
        %dma_start3A_1200 = tpu.memref_slice %arg3[%dma_start3A_1198, %dma_start3A_1199] : memref<1000000x32xf32, #tpu.memory_space<hbm>> -> memref<1000000x32xf32, #tpu.memory_space<hbm>>
        tpu.enqueue_indirect_dma source(%dma_start3A_1200 : memref<1000000x32xf32, #tpu.memory_space<hbm>>) target(%dma_start3A_1194 : memref<128x32xf32, #tpu.memory_space<vmem>>) offsets(%dma_start3A_1197 : memref<128xi32, #tpu.memory_space<vmem>>) semaphore(%arg8 : memref<!tpu.dma_semaphore, #tpu.memory_space<semaphore_mem>>)
        %dma_start3A_1201 = arith.constant 2 : i32
        %dma_start3A_1202 = arith.constant 256 : i32
        %dma_start3A_1203 = arith.constant 0 : i32
        %dma_start3A_1204 = tpu.memref_slice %arg6[%sub3A_1178, %dma_start3A_1202, %dma_start3A_1203] : memref<2x512x32xf32, #tpu.memory_space<vmem>> -> memref<1x128x32xf32, #tpu.memory_space<vmem>>
        %dma_start3A_1205 = tpu.memref_squeeze %dma_start3A_1204 : memref<1x128x32xf32, #tpu.memory_space<vmem>> -> memref<128x32xf32, #tpu.memory_space<vmem>>
        %dma_start3A_1206 = arith.constant 0 : i32
        %dma_start3A_1207 = tpu.memref_slice %arg5[%add3A_1177, %dma_start3A_1201, %dma_start3A_1206] : memref<50x4x128xi32, #tpu.memory_space<vmem>> -> memref<1x1x128xi32, #tpu.memory_space<vmem>>
        %dma_start3A_1208 = tpu.memref_squeeze %dma_start3A_1207 : memref<1x1x128xi32, #tpu.memory_space<vmem>> -> memref<128xi32, #tpu.memory_space<vmem>>
        %dma_start3A_1209 = arith.constant 0 : i32
        %dma_start3A_1210 = arith.constant 0 : i32
        %dma_start3A_1211 = tpu.memref_slice %arg3[%dma_start3A_1209, %dma_start3A_1210] : memref<1000000x32xf32, #tpu.memory_space<hbm>> -> memref<1000000x32xf32, #tpu.memory_space<hbm>>
        tpu.enqueue_indirect_dma source(%dma_start3A_1211 : memref<1000000x32xf32, #tpu.memory_space<hbm>>) target(%dma_start3A_1205 : memref<128x32xf32, #tpu.memory_space<vmem>>) offsets(%dma_start3A_1208 : memref<128xi32, #tpu.memory_space<vmem>>) semaphore(%arg8 : memref<!tpu.dma_semaphore, #tpu.memory_space<semaphore_mem>>)
        %dma_start3A_1212 = arith.constant 3 : i32
        %dma_start3A_1213 = arith.constant 384 : i32
        %dma_start3A_1214 = arith.constant 0 : i32
        %dma_start3A_1215 = tpu.memref_slice %arg6[%sub3A_1178, %dma_start3A_1213, %dma_start3A_1214] : memref<2x512x32xf32, #tpu.memory_space<vmem>> -> memref<1x128x32xf32, #tpu.memory_space<vmem>>
        %dma_start3A_1216 = tpu.memref_squeeze %dma_start3A_1215 : memref<1x128x32xf32, #tpu.memory_space<vmem>> -> memref<128x32xf32, #tpu.memory_space<vmem>>
        %dma_start3A_1217 = arith.constant 0 : i32
        %dma_start3A_1218 = tpu.memref_slice %arg5[%add3A_1177, %dma_start3A_1212, %dma_start3A_1217] : memref<50x4x128xi32, #tpu.memory_space<vmem>> -> memref<1x1x128xi32, #tpu.memory_space<vmem>>
        %dma_start3A_1219 = tpu.memref_squeeze %dma_start3A_1218 : memref<1x1x128xi32, #tpu.memory_space<vmem>> -> memref<128xi32, #tpu.memory_space<vmem>>
        %dma_start3A_1220 = arith.constant 0 : i32
        %dma_start3A_1221 = arith.constant 0 : i32
        %dma_start3A_1222 = tpu.memref_slice %arg3[%dma_start3A_1220, %dma_start3A_1221] : memref<1000000x32xf32, #tpu.memory_space<hbm>> -> memref<1000000x32xf32, #tpu.memory_space<hbm>>
        tpu.enqueue_indirect_dma source(%dma_start3A_1222 : memref<1000000x32xf32, #tpu.memory_space<hbm>>) target(%dma_start3A_1216 : memref<128x32xf32, #tpu.memory_space<vmem>>) offsets(%dma_start3A_1219 : memref<128xi32, #tpu.memory_space<vmem>>) semaphore(%arg8 : memref<!tpu.dma_semaphore, #tpu.memory_space<semaphore_mem>>)
      } else {
      }
      %ge3A = arith.constant 2 : i32
      %ge3A_830 = arith.cmpi sge, %scan3A_767, %ge3A : i32
      %convert_element_type3A_831 = arith.extui %ge3A_830 : i1 to i32
      %cond3A_832 = arith.constant 0 : i32
      %cond3A_833 = arith.cmpi ne, %convert_element_type3A_831, %cond3A_832 : i32
      scf.if %cond3A_833 {
        %sub3A = arith.constant 2 : i32
        %sub3A_1176 = arith.subi %scan3A_767, %sub3A : i32
        %mul3A_1177 = arith.constant 4 : i32
        %mul3A_1178 = arith.muli %add3A, %mul3A_1177 : i32
        %add3A_1179 = arith.constant 0 : i32
        %add3A_1180 = arith.addi %mul3A_1178, %add3A_1179 : i32
        %dma_wait3A_1181 = arith.constant 0 : i32
        %dma_wait3A_1182 = arith.constant 0 : i32
        %dma_wait3A_1183 = arith.constant 0 : i32
        %dma_wait3A_1184 = tpu.memref_slice %arg7[%rem3A_769, %dma_wait3A_1182, %dma_wait3A_1183] : memref<2x32x512xf32, #tpu.memory_space<vmem>> -> memref<1x8x128xf32, #tpu.memory_space<vmem>>
        %dma_wait3A_1185 = tpu.memref_squeeze %dma_wait3A_1184 : memref<1x8x128xf32, #tpu.memory_space<vmem>> -> memref<8x128xf32, #tpu.memory_space<vmem>>
        %dma_wait3A_1186 = arith.constant 0 : i32
        %dma_wait3A_1187 = arith.constant 0 : i32
        %dma_wait3A_1188 = tpu.memref_slice %arg4[%sub3A_1176, %dma_wait3A_1181, %add3A_1180, %dma_wait3A_1186, %dma_wait3A_1187] : memref<50x4x128x8x128xf32, #tpu.memory_space<hbm>> -> memref<1x1x1x8x128xf32, #tpu.memory_space<hbm>>
        %dma_wait3A_1189 = tpu.memref_squeeze %dma_wait3A_1188 : memref<1x1x1x8x128xf32, #tpu.memory_space<hbm>> -> memref<8x128xf32, #tpu.memory_space<hbm>>
        %dma_wait3A_1190 = arith.constant 0 : i32
        %dma_wait3A_1191 = arith.constant 0 : i32
        %dma_wait3A_1192 = tpu.memref_slice %arg4[%sub3A_1176, %dma_wait3A_1181, %add3A_1180, %dma_wait3A_1190, %dma_wait3A_1191] : memref<50x4x128x8x128xf32, #tpu.memory_space<hbm>> -> memref<1x1x1x8x128xf32, #tpu.memory_space<hbm>>
        %dma_wait3A_1193 = tpu.memref_squeeze %dma_wait3A_1192 : memref<1x1x1x8x128xf32, #tpu.memory_space<hbm>> -> memref<8x128xf32, #tpu.memory_space<hbm>>
        %dma_wait3A_1194 = arith.constant 0 : i32
        %dma_wait3A_1195 = arith.constant 0 : i32
        %dma_wait3A_1196 = tpu.memref_slice %arg7[%rem3A_769, %dma_wait3A_1194, %dma_wait3A_1195] : memref<2x32x512xf32, #tpu.memory_space<vmem>> -> memref<1x8x128xf32, #tpu.memory_space<vmem>>
        %dma_wait3A_1197 = tpu.memref_squeeze %dma_wait3A_1196 : memref<1x8x128xf32, #tpu.memory_space<vmem>> -> memref<8x128xf32, #tpu.memory_space<vmem>>
        tpu.wait_dma2 semaphore(%arg9 : memref<!tpu.dma_semaphore, #tpu.memory_space<semaphore_mem>>) src(%dma_wait3A_1197 : memref<8x128xf32, #tpu.memory_space<vmem>>) dst(%dma_wait3A_1193 : memref<8x128xf32, #tpu.memory_space<hbm>>)
        %mul3A_1198 = arith.constant 4 : i32
        %mul3A_1199 = arith.muli %add3A, %mul3A_1198 : i32
        %add3A_1200 = arith.constant 1 : i32
        %add3A_1201 = arith.addi %mul3A_1199, %add3A_1200 : i32
        %dma_wait3A_1202 = arith.constant 0 : i32
        %dma_wait3A_1203 = arith.constant 0 : i32
        %dma_wait3A_1204 = arith.constant 128 : i32
        %dma_wait3A_1205 = tpu.memref_slice %arg7[%rem3A_769, %dma_wait3A_1203, %dma_wait3A_1204] : memref<2x32x512xf32, #tpu.memory_space<vmem>> -> memref<1x8x128xf32, #tpu.memory_space<vmem>>
        %dma_wait3A_1206 = tpu.memref_squeeze %dma_wait3A_1205 : memref<1x8x128xf32, #tpu.memory_space<vmem>> -> memref<8x128xf32, #tpu.memory_space<vmem>>
        %dma_wait3A_1207 = arith.constant 0 : i32
        %dma_wait3A_1208 = arith.constant 0 : i32
        %dma_wait3A_1209 = tpu.memref_slice %arg4[%sub3A_1176, %dma_wait3A_1202, %add3A_1201, %dma_wait3A_1207, %dma_wait3A_1208] : memref<50x4x128x8x128xf32, #tpu.memory_space<hbm>> -> memref<1x1x1x8x128xf32, #tpu.memory_space<hbm>>
        %dma_wait3A_1210 = tpu.memref_squeeze %dma_wait3A_1209 : memref<1x1x1x8x128xf32, #tpu.memory_space<hbm>> -> memref<8x128xf32, #tpu.memory_space<hbm>>
        %dma_wait3A_1211 = arith.constant 0 : i32
        %dma_wait3A_1212 = arith.constant 0 : i32
        %dma_wait3A_1213 = tpu.memref_slice %arg4[%sub3A_1176, %dma_wait3A_1202, %add3A_1201, %dma_wait3A_1211, %dma_wait3A_1212] : memref<50x4x128x8x128xf32, #tpu.memory_space<hbm>> -> memref<1x1x1x8x128xf32, #tpu.memory_space<hbm>>
        %dma_wait3A_1214 = tpu.memref_squeeze %dma_wait3A_1213 : memref<1x1x1x8x128xf32, #tpu.memory_space<hbm>> -> memref<8x128xf32, #tpu.memory_space<hbm>>
        %dma_wait3A_1215 = arith.constant 0 : i32
        %dma_wait3A_1216 = arith.constant 128 : i32
        %dma_wait3A_1217 = tpu.memref_slice %arg7[%rem3A_769, %dma_wait3A_1215, %dma_wait3A_1216] : memref<2x32x512xf32, #tpu.memory_space<vmem>> -> memref<1x8x128xf32, #tpu.memory_space<vmem>>
        %dma_wait3A_1218 = tpu.memref_squeeze %dma_wait3A_1217 : memref<1x8x128xf32, #tpu.memory_space<vmem>> -> memref<8x128xf32, #tpu.memory_space<vmem>>
        tpu.wait_dma2 semaphore(%arg9 : memref<!tpu.dma_semaphore, #tpu.memory_space<semaphore_mem>>) src(%dma_wait3A_1218 : memref<8x128xf32, #tpu.memory_space<vmem>>) dst(%dma_wait3A_1214 : memref<8x128xf32, #tpu.memory_space<hbm>>)
        %mul3A_1219 = arith.constant 4 : i32
        %mul3A_1220 = arith.muli %add3A, %mul3A_1219 : i32
        %add3A_1221 = arith.constant 2 : i32
        %add3A_1222 = arith.addi %mul3A_1220, %add3A_1221 : i32
        %dma_wait3A_1223 = arith.constant 0 : i32
        %dma_wait3A_1224 = arith.constant 0 : i32
        %dma_wait3A_1225 = arith.constant 256 : i32
        %dma_wait3A_1226 = tpu.memref_slice %arg7[%rem3A_769, %dma_wait3A_1224, %dma_wait3A_1225] : memref<2x32x512xf32, #tpu.memory_space<vmem>> -> memref<1x8x128xf32, #tpu.memory_space<vmem>>
        %dma_wait3A_1227 = tpu.memref_squeeze %dma_wait3A_1226 : memref<1x8x128xf32, #tpu.memory_space<vmem>> -> memref<8x128xf32, #tpu.memory_space<vmem>>
        %dma_wait3A_1228 = arith.constant 0 : i32
        %dma_wait3A_1229 = arith.constant 0 : i32
        %dma_wait3A_1230 = tpu.memref_slice %arg4[%sub3A_1176, %dma_wait3A_1223, %add3A_1222, %dma_wait3A_1228, %dma_wait3A_1229] : memref<50x4x128x8x128xf32, #tpu.memory_space<hbm>> -> memref<1x1x1x8x128xf32, #tpu.memory_space<hbm>>
        %dma_wait3A_1231 = tpu.memref_squeeze %dma_wait3A_1230 : memref<1x1x1x8x128xf32, #tpu.memory_space<hbm>> -> memref<8x128xf32, #tpu.memory_space<hbm>>
        %dma_wait3A_1232 = arith.constant 0 : i32
        %dma_wait3A_1233 = arith.constant 0 : i32
        %dma_wait3A_1234 = tpu.memref_slice %arg4[%sub3A_1176, %dma_wait3A_1223, %add3A_1222, %dma_wait3A_1232, %dma_wait3A_1233] : memref<50x4x128x8x128xf32, #tpu.memory_space<hbm>> -> memref<1x1x1x8x128xf32, #tpu.memory_space<hbm>>
        %dma_wait3A_1235 = tpu.memref_squeeze %dma_wait3A_1234 : memref<1x1x1x8x128xf32, #tpu.memory_space<hbm>> -> memref<8x128xf32, #tpu.memory_space<hbm>>
        %dma_wait3A_1236 = arith.constant 0 : i32
        %dma_wait3A_1237 = arith.constant 256 : i32
        %dma_wait3A_1238 = tpu.memref_slice %arg7[%rem3A_769, %dma_wait3A_1236, %dma_wait3A_1237] : memref<2x32x512xf32, #tpu.memory_space<vmem>> -> memref<1x8x128xf32, #tpu.memory_space<vmem>>
        %dma_wait3A_1239 = tpu.memref_squeeze %dma_wait3A_1238 : memref<1x8x128xf32, #tpu.memory_space<vmem>> -> memref<8x128xf32, #tpu.memory_space<vmem>>
        tpu.wait_dma2 semaphore(%arg9 : memref<!tpu.dma_semaphore, #tpu.memory_space<semaphore_mem>>) src(%dma_wait3A_1239 : memref<8x128xf32, #tpu.memory_space<vmem>>) dst(%dma_wait3A_1235 : memref<8x128xf32, #tpu.memory_space<hbm>>)
        %mul3A_1240 = arith.constant 4 : i32
        %mul3A_1241 = arith.muli %add3A, %mul3A_1240 : i32
        %add3A_1242 = arith.constant 3 : i32
        %add3A_1243 = arith.addi %mul3A_1241, %add3A_1242 : i32
        %dma_wait3A_1244 = arith.constant 0 : i32
        %dma_wait3A_1245 = arith.constant 0 : i32
        %dma_wait3A_1246 = arith.constant 384 : i32
        %dma_wait3A_1247 = tpu.memref_slice %arg7[%rem3A_769, %dma_wait3A_1245, %dma_wait3A_1246] : memref<2x32x512xf32, #tpu.memory_space<vmem>> -> memref<1x8x128xf32, #tpu.memory_space<vmem>>
        %dma_wait3A_1248 = tpu.memref_squeeze %dma_wait3A_1247 : memref<1x8x128xf32, #tpu.memory_space<vmem>> -> memref<8x128xf32, #tpu.memory_space<vmem>>
        %dma_wait3A_1249 = arith.constant 0 : i32
        %dma_wait3A_1250 = arith.constant 0 : i32
        %dma_wait3A_1251 = tpu.memref_slice %arg4[%sub3A_1176, %dma_wait3A_1244, %add3A_1243, %dma_wait3A_1249, %dma_wait3A_1250] : memref<50x4x128x8x128xf32, #tpu.memory_space<hbm>> -> memref<1x1x1x8x128xf32, #tpu.memory_space<hbm>>
        %dma_wait3A_1252 = tpu.memref_squeeze %dma_wait3A_1251 : memref<1x1x1x8x128xf32, #tpu.memory_space<hbm>> -> memref<8x128xf32, #tpu.memory_space<hbm>>
        %dma_wait3A_1253 = arith.constant 0 : i32
        %dma_wait3A_1254 = arith.constant 0 : i32
        %dma_wait3A_1255 = tpu.memref_slice %arg4[%sub3A_1176, %dma_wait3A_1244, %add3A_1243, %dma_wait3A_1253, %dma_wait3A_1254] : memref<50x4x128x8x128xf32, #tpu.memory_space<hbm>> -> memref<1x1x1x8x128xf32, #tpu.memory_space<hbm>>
        %dma_wait3A_1256 = tpu.memref_squeeze %dma_wait3A_1255 : memref<1x1x1x8x128xf32, #tpu.memory_space<hbm>> -> memref<8x128xf32, #tpu.memory_space<hbm>>
        %dma_wait3A_1257 = arith.constant 0 : i32
        %dma_wait3A_1258 = arith.constant 384 : i32
        %dma_wait3A_1259 = tpu.memref_slice %arg7[%rem3A_769, %dma_wait3A_1257, %dma_wait3A_1258] : memref<2x32x512xf32, #tpu.memory_space<vmem>> -> memref<1x8x128xf32, #tpu.memory_space<vmem>>
        %dma_wait3A_1260 = tpu.memref_squeeze %dma_wait3A_1259 : memref<1x8x128xf32, #tpu.memory_space<vmem>> -> memref<8x128xf32, #tpu.memory_space<vmem>>
        tpu.wait_dma2 semaphore(%arg9 : memref<!tpu.dma_semaphore, #tpu.memory_space<semaphore_mem>>) src(%dma_wait3A_1260 : memref<8x128xf32, #tpu.memory_space<vmem>>) dst(%dma_wait3A_1256 : memref<8x128xf32, #tpu.memory_space<hbm>>)
        %mul3A_1261 = arith.constant 4 : i32
        %mul3A_1262 = arith.muli %add3A, %mul3A_1261 : i32
        %add3A_1263 = arith.constant 0 : i32
        %add3A_1264 = arith.addi %mul3A_1262, %add3A_1263 : i32
        %dma_wait3A_1265 = arith.constant 1 : i32
        %dma_wait3A_1266 = arith.constant 8 : i32
        %dma_wait3A_1267 = arith.constant 0 : i32
        %dma_wait3A_1268 = tpu.memref_slice %arg7[%rem3A_769, %dma_wait3A_1266, %dma_wait3A_1267] : memref<2x32x512xf32, #tpu.memory_space<vmem>> -> memref<1x8x128xf32, #tpu.memory_space<vmem>>
        %dma_wait3A_1269 = tpu.memref_squeeze %dma_wait3A_1268 : memref<1x8x128xf32, #tpu.memory_space<vmem>> -> memref<8x128xf32, #tpu.memory_space<vmem>>
        %dma_wait3A_1270 = arith.constant 0 : i32
        %dma_wait3A_1271 = arith.constant 0 : i32
        %dma_wait3A_1272 = tpu.memref_slice %arg4[%sub3A_1176, %dma_wait3A_1265, %add3A_1264, %dma_wait3A_1270, %dma_wait3A_1271] : memref<50x4x128x8x128xf32, #tpu.memory_space<hbm>> -> memref<1x1x1x8x128xf32, #tpu.memory_space<hbm>>
        %dma_wait3A_1273 = tpu.memref_squeeze %dma_wait3A_1272 : memref<1x1x1x8x128xf32, #tpu.memory_space<hbm>> -> memref<8x128xf32, #tpu.memory_space<hbm>>
        %dma_wait3A_1274 = arith.constant 0 : i32
        %dma_wait3A_1275 = arith.constant 0 : i32
        %dma_wait3A_1276 = tpu.memref_slice %arg4[%sub3A_1176, %dma_wait3A_1265, %add3A_1264, %dma_wait3A_1274, %dma_wait3A_1275] : memref<50x4x128x8x128xf32, #tpu.memory_space<hbm>> -> memref<1x1x1x8x128xf32, #tpu.memory_space<hbm>>
        %dma_wait3A_1277 = tpu.memref_squeeze %dma_wait3A_1276 : memref<1x1x1x8x128xf32, #tpu.memory_space<hbm>> -> memref<8x128xf32, #tpu.memory_space<hbm>>
        %dma_wait3A_1278 = arith.constant 8 : i32
        %dma_wait3A_1279 = arith.constant 0 : i32
        %dma_wait3A_1280 = tpu.memref_slice %arg7[%rem3A_769, %dma_wait3A_1278, %dma_wait3A_1279] : memref<2x32x512xf32, #tpu.memory_space<vmem>> -> memref<1x8x128xf32, #tpu.memory_space<vmem>>
        %dma_wait3A_1281 = tpu.memref_squeeze %dma_wait3A_1280 : memref<1x8x128xf32, #tpu.memory_space<vmem>> -> memref<8x128xf32, #tpu.memory_space<vmem>>
        tpu.wait_dma2 semaphore(%arg9 : memref<!tpu.dma_semaphore, #tpu.memory_space<semaphore_mem>>) src(%dma_wait3A_1281 : memref<8x128xf32, #tpu.memory_space<vmem>>) dst(%dma_wait3A_1277 : memref<8x128xf32, #tpu.memory_space<hbm>>)
        %mul3A_1282 = arith.constant 4 : i32
        %mul3A_1283 = arith.muli %add3A, %mul3A_1282 : i32
        %add3A_1284 = arith.constant 1 : i32
        %add3A_1285 = arith.addi %mul3A_1283, %add3A_1284 : i32
        %dma_wait3A_1286 = arith.constant 1 : i32
        %dma_wait3A_1287 = arith.constant 8 : i32
        %dma_wait3A_1288 = arith.constant 128 : i32
        %dma_wait3A_1289 = tpu.memref_slice %arg7[%rem3A_769, %dma_wait3A_1287, %dma_wait3A_1288] : memref<2x32x512xf32, #tpu.memory_space<vmem>> -> memref<1x8x128xf32, #tpu.memory_space<vmem>>
        %dma_wait3A_1290 = tpu.memref_squeeze %dma_wait3A_1289 : memref<1x8x128xf32, #tpu.memory_space<vmem>> -> memref<8x128xf32, #tpu.memory_space<vmem>>
        %dma_wait3A_1291 = arith.constant 0 : i32
        %dma_wait3A_1292 = arith.constant 0 : i32
        %dma_wait3A_1293 = tpu.memref_slice %arg4[%sub3A_1176, %dma_wait3A_1286, %add3A_1285, %dma_wait3A_1291, %dma_wait3A_1292] : memref<50x4x128x8x128xf32, #tpu.memory_space<hbm>> -> memref<1x1x1x8x128xf32, #tpu.memory_space<hbm>>
        %dma_wait3A_1294 = tpu.memref_squeeze %dma_wait3A_1293 : memref<1x1x1x8x128xf32, #tpu.memory_space<hbm>> -> memref<8x128xf32, #tpu.memory_space<hbm>>
        %dma_wait3A_1295 = arith.constant 0 : i32
        %dma_wait3A_1296 = arith.constant 0 : i32
        %dma_wait3A_1297 = tpu.memref_slice %arg4[%sub3A_1176, %dma_wait3A_1286, %add3A_1285, %dma_wait3A_1295, %dma_wait3A_1296] : memref<50x4x128x8x128xf32, #tpu.memory_space<hbm>> -> memref<1x1x1x8x128xf32, #tpu.memory_space<hbm>>
        %dma_wait3A_1298 = tpu.memref_squeeze %dma_wait3A_1297 : memref<1x1x1x8x128xf32, #tpu.memory_space<hbm>> -> memref<8x128xf32, #tpu.memory_space<hbm>>
        %dma_wait3A_1299 = arith.constant 8 : i32
        %dma_wait3A_1300 = arith.constant 128 : i32
        %dma_wait3A_1301 = tpu.memref_slice %arg7[%rem3A_769, %dma_wait3A_1299, %dma_wait3A_1300] : memref<2x32x512xf32, #tpu.memory_space<vmem>> -> memref<1x8x128xf32, #tpu.memory_space<vmem>>
        %dma_wait3A_1302 = tpu.memref_squeeze %dma_wait3A_1301 : memref<1x8x128xf32, #tpu.memory_space<vmem>> -> memref<8x128xf32, #tpu.memory_space<vmem>>
        tpu.wait_dma2 semaphore(%arg9 : memref<!tpu.dma_semaphore, #tpu.memory_space<semaphore_mem>>) src(%dma_wait3A_1302 : memref<8x128xf32, #tpu.memory_space<vmem>>) dst(%dma_wait3A_1298 : memref<8x128xf32, #tpu.memory_space<hbm>>)
        %mul3A_1303 = arith.constant 4 : i32
        %mul3A_1304 = arith.muli %add3A, %mul3A_1303 : i32
        %add3A_1305 = arith.constant 2 : i32
        %add3A_1306 = arith.addi %mul3A_1304, %add3A_1305 : i32
        %dma_wait3A_1307 = arith.constant 1 : i32
        %dma_wait3A_1308 = arith.constant 8 : i32
        %dma_wait3A_1309 = arith.constant 256 : i32
        %dma_wait3A_1310 = tpu.memref_slice %arg7[%rem3A_769, %dma_wait3A_1308, %dma_wait3A_1309] : memref<2x32x512xf32, #tpu.memory_space<vmem>> -> memref<1x8x128xf32, #tpu.memory_space<vmem>>
        %dma_wait3A_1311 = tpu.memref_squeeze %dma_wait3A_1310 : memref<1x8x128xf32, #tpu.memory_space<vmem>> -> memref<8x128xf32, #tpu.memory_space<vmem>>
        %dma_wait3A_1312 = arith.constant 0 : i32
        %dma_wait3A_1313 = arith.constant 0 : i32
        %dma_wait3A_1314 = tpu.memref_slice %arg4[%sub3A_1176, %dma_wait3A_1307, %add3A_1306, %dma_wait3A_1312, %dma_wait3A_1313] : memref<50x4x128x8x128xf32, #tpu.memory_space<hbm>> -> memref<1x1x1x8x128xf32, #tpu.memory_space<hbm>>
        %dma_wait3A_1315 = tpu.memref_squeeze %dma_wait3A_1314 : memref<1x1x1x8x128xf32, #tpu.memory_space<hbm>> -> memref<8x128xf32, #tpu.memory_space<hbm>>
        %dma_wait3A_1316 = arith.constant 0 : i32
        %dma_wait3A_1317 = arith.constant 0 : i32
        %dma_wait3A_1318 = tpu.memref_slice %arg4[%sub3A_1176, %dma_wait3A_1307, %add3A_1306, %dma_wait3A_1316, %dma_wait3A_1317] : memref<50x4x128x8x128xf32, #tpu.memory_space<hbm>> -> memref<1x1x1x8x128xf32, #tpu.memory_space<hbm>>
        %dma_wait3A_1319 = tpu.memref_squeeze %dma_wait3A_1318 : memref<1x1x1x8x128xf32, #tpu.memory_space<hbm>> -> memref<8x128xf32, #tpu.memory_space<hbm>>
        %dma_wait3A_1320 = arith.constant 8 : i32
        %dma_wait3A_1321 = arith.constant 256 : i32
        %dma_wait3A_1322 = tpu.memref_slice %arg7[%rem3A_769, %dma_wait3A_1320, %dma_wait3A_1321] : memref<2x32x512xf32, #tpu.memory_space<vmem>> -> memref<1x8x128xf32, #tpu.memory_space<vmem>>
        %dma_wait3A_1323 = tpu.memref_squeeze %dma_wait3A_1322 : memref<1x8x128xf32, #tpu.memory_space<vmem>> -> memref<8x128xf32, #tpu.memory_space<vmem>>
        tpu.wait_dma2 semaphore(%arg9 : memref<!tpu.dma_semaphore, #tpu.memory_space<semaphore_mem>>) src(%dma_wait3A_1323 : memref<8x128xf32, #tpu.memory_space<vmem>>) dst(%dma_wait3A_1319 : memref<8x128xf32, #tpu.memory_space<hbm>>)
        %mul3A_1324 = arith.constant 4 : i32
        %mul3A_1325 = arith.muli %add3A, %mul3A_1324 : i32
        %add3A_1326 = arith.constant 3 : i32
        %add3A_1327 = arith.addi %mul3A_1325, %add3A_1326 : i32
        %dma_wait3A_1328 = arith.constant 1 : i32
        %dma_wait3A_1329 = arith.constant 8 : i32
        %dma_wait3A_1330 = arith.constant 384 : i32
        %dma_wait3A_1331 = tpu.memref_slice %arg7[%rem3A_769, %dma_wait3A_1329, %dma_wait3A_1330] : memref<2x32x512xf32, #tpu.memory_space<vmem>> -> memref<1x8x128xf32, #tpu.memory_space<vmem>>
        %dma_wait3A_1332 = tpu.memref_squeeze %dma_wait3A_1331 : memref<1x8x128xf32, #tpu.memory_space<vmem>> -> memref<8x128xf32, #tpu.memory_space<vmem>>
        %dma_wait3A_1333 = arith.constant 0 : i32
        %dma_wait3A_1334 = arith.constant 0 : i32
        %dma_wait3A_1335 = tpu.memref_slice %arg4[%sub3A_1176, %dma_wait3A_1328, %add3A_1327, %dma_wait3A_1333, %dma_wait3A_1334] : memref<50x4x128x8x128xf32, #tpu.memory_space<hbm>> -> memref<1x1x1x8x128xf32, #tpu.memory_space<hbm>>
        %dma_wait3A_1336 = tpu.memref_squeeze %dma_wait3A_1335 : memref<1x1x1x8x128xf32, #tpu.memory_space<hbm>> -> memref<8x128xf32, #tpu.memory_space<hbm>>
        %dma_wait3A_1337 = arith.constant 0 : i32
        %dma_wait3A_1338 = arith.constant 0 : i32
        %dma_wait3A_1339 = tpu.memref_slice %arg4[%sub3A_1176, %dma_wait3A_1328, %add3A_1327, %dma_wait3A_1337, %dma_wait3A_1338] : memref<50x4x128x8x128xf32, #tpu.memory_space<hbm>> -> memref<1x1x1x8x128xf32, #tpu.memory_space<hbm>>
        %dma_wait3A_1340 = tpu.memref_squeeze %dma_wait3A_1339 : memref<1x1x1x8x128xf32, #tpu.memory_space<hbm>> -> memref<8x128xf32, #tpu.memory_space<hbm>>
        %dma_wait3A_1341 = arith.constant 8 : i32
        %dma_wait3A_1342 = arith.constant 384 : i32
        %dma_wait3A_1343 = tpu.memref_slice %arg7[%rem3A_769, %dma_wait3A_1341, %dma_wait3A_1342] : memref<2x32x512xf32, #tpu.memory_space<vmem>> -> memref<1x8x128xf32, #tpu.memory_space<vmem>>
        %dma_wait3A_1344 = tpu.memref_squeeze %dma_wait3A_1343 : memref<1x8x128xf32, #tpu.memory_space<vmem>> -> memref<8x128xf32, #tpu.memory_space<vmem>>
        tpu.wait_dma2 semaphore(%arg9 : memref<!tpu.dma_semaphore, #tpu.memory_space<semaphore_mem>>) src(%dma_wait3A_1344 : memref<8x128xf32, #tpu.memory_space<vmem>>) dst(%dma_wait3A_1340 : memref<8x128xf32, #tpu.memory_space<hbm>>)
        %mul3A_1345 = arith.constant 4 : i32
        %mul3A_1346 = arith.muli %add3A, %mul3A_1345 : i32
        %add3A_1347 = arith.constant 0 : i32
        %add3A_1348 = arith.addi %mul3A_1346, %add3A_1347 : i32
        %dma_wait3A_1349 = arith.constant 2 : i32
        %dma_wait3A_1350 = arith.constant 16 : i32
        %dma_wait3A_1351 = arith.constant 0 : i32
        %dma_wait3A_1352 = tpu.memref_slice %arg7[%rem3A_769, %dma_wait3A_1350, %dma_wait3A_1351] : memref<2x32x512xf32, #tpu.memory_space<vmem>> -> memref<1x8x128xf32, #tpu.memory_space<vmem>>
        %dma_wait3A_1353 = tpu.memref_squeeze %dma_wait3A_1352 : memref<1x8x128xf32, #tpu.memory_space<vmem>> -> memref<8x128xf32, #tpu.memory_space<vmem>>
        %dma_wait3A_1354 = arith.constant 0 : i32
        %dma_wait3A_1355 = arith.constant 0 : i32
        %dma_wait3A_1356 = tpu.memref_slice %arg4[%sub3A_1176, %dma_wait3A_1349, %add3A_1348, %dma_wait3A_1354, %dma_wait3A_1355] : memref<50x4x128x8x128xf32, #tpu.memory_space<hbm>> -> memref<1x1x1x8x128xf32, #tpu.memory_space<hbm>>
        %dma_wait3A_1357 = tpu.memref_squeeze %dma_wait3A_1356 : memref<1x1x1x8x128xf32, #tpu.memory_space<hbm>> -> memref<8x128xf32, #tpu.memory_space<hbm>>
        %dma_wait3A_1358 = arith.constant 0 : i32
        %dma_wait3A_1359 = arith.constant 0 : i32
        %dma_wait3A_1360 = tpu.memref_slice %arg4[%sub3A_1176, %dma_wait3A_1349, %add3A_1348, %dma_wait3A_1358, %dma_wait3A_1359] : memref<50x4x128x8x128xf32, #tpu.memory_space<hbm>> -> memref<1x1x1x8x128xf32, #tpu.memory_space<hbm>>
        %dma_wait3A_1361 = tpu.memref_squeeze %dma_wait3A_1360 : memref<1x1x1x8x128xf32, #tpu.memory_space<hbm>> -> memref<8x128xf32, #tpu.memory_space<hbm>>
        %dma_wait3A_1362 = arith.constant 16 : i32
        %dma_wait3A_1363 = arith.constant 0 : i32
        %dma_wait3A_1364 = tpu.memref_slice %arg7[%rem3A_769, %dma_wait3A_1362, %dma_wait3A_1363] : memref<2x32x512xf32, #tpu.memory_space<vmem>> -> memref<1x8x128xf32, #tpu.memory_space<vmem>>
        %dma_wait3A_1365 = tpu.memref_squeeze %dma_wait3A_1364 : memref<1x8x128xf32, #tpu.memory_space<vmem>> -> memref<8x128xf32, #tpu.memory_space<vmem>>
        tpu.wait_dma2 semaphore(%arg9 : memref<!tpu.dma_semaphore, #tpu.memory_space<semaphore_mem>>) src(%dma_wait3A_1365 : memref<8x128xf32, #tpu.memory_space<vmem>>) dst(%dma_wait3A_1361 : memref<8x128xf32, #tpu.memory_space<hbm>>)
        %mul3A_1366 = arith.constant 4 : i32
        %mul3A_1367 = arith.muli %add3A, %mul3A_1366 : i32
        %add3A_1368 = arith.constant 1 : i32
        %add3A_1369 = arith.addi %mul3A_1367, %add3A_1368 : i32
        %dma_wait3A_1370 = arith.constant 2 : i32
        %dma_wait3A_1371 = arith.constant 16 : i32
        %dma_wait3A_1372 = arith.constant 128 : i32
        %dma_wait3A_1373 = tpu.memref_slice %arg7[%rem3A_769, %dma_wait3A_1371, %dma_wait3A_1372] : memref<2x32x512xf32, #tpu.memory_space<vmem>> -> memref<1x8x128xf32, #tpu.memory_space<vmem>>
        %dma_wait3A_1374 = tpu.memref_squeeze %dma_wait3A_1373 : memref<1x8x128xf32, #tpu.memory_space<vmem>> -> memref<8x128xf32, #tpu.memory_space<vmem>>
        %dma_wait3A_1375 = arith.constant 0 : i32
        %dma_wait3A_1376 = arith.constant 0 : i32
        %dma_wait3A_1377 = tpu.memref_slice %arg4[%sub3A_1176, %dma_wait3A_1370, %add3A_1369, %dma_wait3A_1375, %dma_wait3A_1376] : memref<50x4x128x8x128xf32, #tpu.memory_space<hbm>> -> memref<1x1x1x8x128xf32, #tpu.memory_space<hbm>>
        %dma_wait3A_1378 = tpu.memref_squeeze %dma_wait3A_1377 : memref<1x1x1x8x128xf32, #tpu.memory_space<hbm>> -> memref<8x128xf32, #tpu.memory_space<hbm>>
        %dma_wait3A_1379 = arith.constant 0 : i32
        %dma_wait3A_1380 = arith.constant 0 : i32
        %dma_wait3A_1381 = tpu.memref_slice %arg4[%sub3A_1176, %dma_wait3A_1370, %add3A_1369, %dma_wait3A_1379, %dma_wait3A_1380] : memref<50x4x128x8x128xf32, #tpu.memory_space<hbm>> -> memref<1x1x1x8x128xf32, #tpu.memory_space<hbm>>
        %dma_wait3A_1382 = tpu.memref_squeeze %dma_wait3A_1381 : memref<1x1x1x8x128xf32, #tpu.memory_space<hbm>> -> memref<8x128xf32, #tpu.memory_space<hbm>>
        %dma_wait3A_1383 = arith.constant 16 : i32
        %dma_wait3A_1384 = arith.constant 128 : i32
        %dma_wait3A_1385 = tpu.memref_slice %arg7[%rem3A_769, %dma_wait3A_1383, %dma_wait3A_1384] : memref<2x32x512xf32, #tpu.memory_space<vmem>> -> memref<1x8x128xf32, #tpu.memory_space<vmem>>
        %dma_wait3A_1386 = tpu.memref_squeeze %dma_wait3A_1385 : memref<1x8x128xf32, #tpu.memory_space<vmem>> -> memref<8x128xf32, #tpu.memory_space<vmem>>
        tpu.wait_dma2 semaphore(%arg9 : memref<!tpu.dma_semaphore, #tpu.memory_space<semaphore_mem>>) src(%dma_wait3A_1386 : memref<8x128xf32, #tpu.memory_space<vmem>>) dst(%dma_wait3A_1382 : memref<8x128xf32, #tpu.memory_space<hbm>>)
        %mul3A_1387 = arith.constant 4 : i32
        %mul3A_1388 = arith.muli %add3A, %mul3A_1387 : i32
        %add3A_1389 = arith.constant 2 : i32
        %add3A_1390 = arith.addi %mul3A_1388, %add3A_1389 : i32
        %dma_wait3A_1391 = arith.constant 2 : i32
        %dma_wait3A_1392 = arith.constant 16 : i32
        %dma_wait3A_1393 = arith.constant 256 : i32
        %dma_wait3A_1394 = tpu.memref_slice %arg7[%rem3A_769, %dma_wait3A_1392, %dma_wait3A_1393] : memref<2x32x512xf32, #tpu.memory_space<vmem>> -> memref<1x8x128xf32, #tpu.memory_space<vmem>>
        %dma_wait3A_1395 = tpu.memref_squeeze %dma_wait3A_1394 : memref<1x8x128xf32, #tpu.memory_space<vmem>> -> memref<8x128xf32, #tpu.memory_space<vmem>>
        %dma_wait3A_1396 = arith.constant 0 : i32
        %dma_wait3A_1397 = arith.constant 0 : i32
        %dma_wait3A_1398 = tpu.memref_slice %arg4[%sub3A_1176, %dma_wait3A_1391, %add3A_1390, %dma_wait3A_1396, %dma_wait3A_1397] : memref<50x4x128x8x128xf32, #tpu.memory_space<hbm>> -> memref<1x1x1x8x128xf32, #tpu.memory_space<hbm>>
        %dma_wait3A_1399 = tpu.memref_squeeze %dma_wait3A_1398 : memref<1x1x1x8x128xf32, #tpu.memory_space<hbm>> -> memref<8x128xf32, #tpu.memory_space<hbm>>
        %dma_wait3A_1400 = arith.constant 0 : i32
        %dma_wait3A_1401 = arith.constant 0 : i32
        %dma_wait3A_1402 = tpu.memref_slice %arg4[%sub3A_1176, %dma_wait3A_1391, %add3A_1390, %dma_wait3A_1400, %dma_wait3A_1401] : memref<50x4x128x8x128xf32, #tpu.memory_space<hbm>> -> memref<1x1x1x8x128xf32, #tpu.memory_space<hbm>>
        %dma_wait3A_1403 = tpu.memref_squeeze %dma_wait3A_1402 : memref<1x1x1x8x128xf32, #tpu.memory_space<hbm>> -> memref<8x128xf32, #tpu.memory_space<hbm>>
        %dma_wait3A_1404 = arith.constant 16 : i32
        %dma_wait3A_1405 = arith.constant 256 : i32
        %dma_wait3A_1406 = tpu.memref_slice %arg7[%rem3A_769, %dma_wait3A_1404, %dma_wait3A_1405] : memref<2x32x512xf32, #tpu.memory_space<vmem>> -> memref<1x8x128xf32, #tpu.memory_space<vmem>>
        %dma_wait3A_1407 = tpu.memref_squeeze %dma_wait3A_1406 : memref<1x8x128xf32, #tpu.memory_space<vmem>> -> memref<8x128xf32, #tpu.memory_space<vmem>>
        tpu.wait_dma2 semaphore(%arg9 : memref<!tpu.dma_semaphore, #tpu.memory_space<semaphore_mem>>) src(%dma_wait3A_1407 : memref<8x128xf32, #tpu.memory_space<vmem>>) dst(%dma_wait3A_1403 : memref<8x128xf32, #tpu.memory_space<hbm>>)
        %mul3A_1408 = arith.constant 4 : i32
        %mul3A_1409 = arith.muli %add3A, %mul3A_1408 : i32
        %add3A_1410 = arith.constant 3 : i32
        %add3A_1411 = arith.addi %mul3A_1409, %add3A_1410 : i32
        %dma_wait3A_1412 = arith.constant 2 : i32
        %dma_wait3A_1413 = arith.constant 16 : i32
        %dma_wait3A_1414 = arith.constant 384 : i32
        %dma_wait3A_1415 = tpu.memref_slice %arg7[%rem3A_769, %dma_wait3A_1413, %dma_wait3A_1414] : memref<2x32x512xf32, #tpu.memory_space<vmem>> -> memref<1x8x128xf32, #tpu.memory_space<vmem>>
        %dma_wait3A_1416 = tpu.memref_squeeze %dma_wait3A_1415 : memref<1x8x128xf32, #tpu.memory_space<vmem>> -> memref<8x128xf32, #tpu.memory_space<vmem>>
        %dma_wait3A_1417 = arith.constant 0 : i32
        %dma_wait3A_1418 = arith.constant 0 : i32
        %dma_wait3A_1419 = tpu.memref_slice %arg4[%sub3A_1176, %dma_wait3A_1412, %add3A_1411, %dma_wait3A_1417, %dma_wait3A_1418] : memref<50x4x128x8x128xf32, #tpu.memory_space<hbm>> -> memref<1x1x1x8x128xf32, #tpu.memory_space<hbm>>
        %dma_wait3A_1420 = tpu.memref_squeeze %dma_wait3A_1419 : memref<1x1x1x8x128xf32, #tpu.memory_space<hbm>> -> memref<8x128xf32, #tpu.memory_space<hbm>>
        %dma_wait3A_1421 = arith.constant 0 : i32
        %dma_wait3A_1422 = arith.constant 0 : i32
        %dma_wait3A_1423 = tpu.memref_slice %arg4[%sub3A_1176, %dma_wait3A_1412, %add3A_1411, %dma_wait3A_1421, %dma_wait3A_1422] : memref<50x4x128x8x128xf32, #tpu.memory_space<hbm>> -> memref<1x1x1x8x128xf32, #tpu.memory_space<hbm>>
        %dma_wait3A_1424 = tpu.memref_squeeze %dma_wait3A_1423 : memref<1x1x1x8x128xf32, #tpu.memory_space<hbm>> -> memref<8x128xf32, #tpu.memory_space<hbm>>
        %dma_wait3A_1425 = arith.constant 16 : i32
        %dma_wait3A_1426 = arith.constant 384 : i32
        %dma_wait3A_1427 = tpu.memref_slice %arg7[%rem3A_769, %dma_wait3A_1425, %dma_wait3A_1426] : memref<2x32x512xf32, #tpu.memory_space<vmem>> -> memref<1x8x128xf32, #tpu.memory_space<vmem>>
        %dma_wait3A_1428 = tpu.memref_squeeze %dma_wait3A_1427 : memref<1x8x128xf32, #tpu.memory_space<vmem>> -> memref<8x128xf32, #tpu.memory_space<vmem>>
        tpu.wait_dma2 semaphore(%arg9 : memref<!tpu.dma_semaphore, #tpu.memory_space<semaphore_mem>>) src(%dma_wait3A_1428 : memref<8x128xf32, #tpu.memory_space<vmem>>) dst(%dma_wait3A_1424 : memref<8x128xf32, #tpu.memory_space<hbm>>)
        %mul3A_1429 = arith.constant 4 : i32
        %mul3A_1430 = arith.muli %add3A, %mul3A_1429 : i32
        %add3A_1431 = arith.constant 0 : i32
        %add3A_1432 = arith.addi %mul3A_1430, %add3A_1431 : i32
        %dma_wait3A_1433 = arith.constant 3 : i32
        %dma_wait3A_1434 = arith.constant 24 : i32
        %dma_wait3A_1435 = arith.constant 0 : i32
        %dma_wait3A_1436 = tpu.memref_slice %arg7[%rem3A_769, %dma_wait3A_1434, %dma_wait3A_1435] : memref<2x32x512xf32, #tpu.memory_space<vmem>> -> memref<1x8x128xf32, #tpu.memory_space<vmem>>
        %dma_wait3A_1437 = tpu.memref_squeeze %dma_wait3A_1436 : memref<1x8x128xf32, #tpu.memory_space<vmem>> -> memref<8x128xf32, #tpu.memory_space<vmem>>
        %dma_wait3A_1438 = arith.constant 0 : i32
        %dma_wait3A_1439 = arith.constant 0 : i32
        %dma_wait3A_1440 = tpu.memref_slice %arg4[%sub3A_1176, %dma_wait3A_1433, %add3A_1432, %dma_wait3A_1438, %dma_wait3A_1439] : memref<50x4x128x8x128xf32, #tpu.memory_space<hbm>> -> memref<1x1x1x8x128xf32, #tpu.memory_space<hbm>>
        %dma_wait3A_1441 = tpu.memref_squeeze %dma_wait3A_1440 : memref<1x1x1x8x128xf32, #tpu.memory_space<hbm>> -> memref<8x128xf32, #tpu.memory_space<hbm>>
        %dma_wait3A_1442 = arith.constant 0 : i32
        %dma_wait3A_1443 = arith.constant 0 : i32
        %dma_wait3A_1444 = tpu.memref_slice %arg4[%sub3A_1176, %dma_wait3A_1433, %add3A_1432, %dma_wait3A_1442, %dma_wait3A_1443] : memref<50x4x128x8x128xf32, #tpu.memory_space<hbm>> -> memref<1x1x1x8x128xf32, #tpu.memory_space<hbm>>
        %dma_wait3A_1445 = tpu.memref_squeeze %dma_wait3A_1444 : memref<1x1x1x8x128xf32, #tpu.memory_space<hbm>> -> memref<8x128xf32, #tpu.memory_space<hbm>>
        %dma_wait3A_1446 = arith.constant 24 : i32
        %dma_wait3A_1447 = arith.constant 0 : i32
        %dma_wait3A_1448 = tpu.memref_slice %arg7[%rem3A_769, %dma_wait3A_1446, %dma_wait3A_1447] : memref<2x32x512xf32, #tpu.memory_space<vmem>> -> memref<1x8x128xf32, #tpu.memory_space<vmem>>
        %dma_wait3A_1449 = tpu.memref_squeeze %dma_wait3A_1448 : memref<1x8x128xf32, #tpu.memory_space<vmem>> -> memref<8x128xf32, #tpu.memory_space<vmem>>
        tpu.wait_dma2 semaphore(%arg9 : memref<!tpu.dma_semaphore, #tpu.memory_space<semaphore_mem>>) src(%dma_wait3A_1449 : memref<8x128xf32, #tpu.memory_space<vmem>>) dst(%dma_wait3A_1445 : memref<8x128xf32, #tpu.memory_space<hbm>>)
        %mul3A_1450 = arith.constant 4 : i32
        %mul3A_1451 = arith.muli %add3A, %mul3A_1450 : i32
        %add3A_1452 = arith.constant 1 : i32
        %add3A_1453 = arith.addi %mul3A_1451, %add3A_1452 : i32
        %dma_wait3A_1454 = arith.constant 3 : i32
        %dma_wait3A_1455 = arith.constant 24 : i32
        %dma_wait3A_1456 = arith.constant 128 : i32
        %dma_wait3A_1457 = tpu.memref_slice %arg7[%rem3A_769, %dma_wait3A_1455, %dma_wait3A_1456] : memref<2x32x512xf32, #tpu.memory_space<vmem>> -> memref<1x8x128xf32, #tpu.memory_space<vmem>>
        %dma_wait3A_1458 = tpu.memref_squeeze %dma_wait3A_1457 : memref<1x8x128xf32, #tpu.memory_space<vmem>> -> memref<8x128xf32, #tpu.memory_space<vmem>>
        %dma_wait3A_1459 = arith.constant 0 : i32
        %dma_wait3A_1460 = arith.constant 0 : i32
        %dma_wait3A_1461 = tpu.memref_slice %arg4[%sub3A_1176, %dma_wait3A_1454, %add3A_1453, %dma_wait3A_1459, %dma_wait3A_1460] : memref<50x4x128x8x128xf32, #tpu.memory_space<hbm>> -> memref<1x1x1x8x128xf32, #tpu.memory_space<hbm>>
        %dma_wait3A_1462 = tpu.memref_squeeze %dma_wait3A_1461 : memref<1x1x1x8x128xf32, #tpu.memory_space<hbm>> -> memref<8x128xf32, #tpu.memory_space<hbm>>
        %dma_wait3A_1463 = arith.constant 0 : i32
        %dma_wait3A_1464 = arith.constant 0 : i32
        %dma_wait3A_1465 = tpu.memref_slice %arg4[%sub3A_1176, %dma_wait3A_1454, %add3A_1453, %dma_wait3A_1463, %dma_wait3A_1464] : memref<50x4x128x8x128xf32, #tpu.memory_space<hbm>> -> memref<1x1x1x8x128xf32, #tpu.memory_space<hbm>>
        %dma_wait3A_1466 = tpu.memref_squeeze %dma_wait3A_1465 : memref<1x1x1x8x128xf32, #tpu.memory_space<hbm>> -> memref<8x128xf32, #tpu.memory_space<hbm>>
        %dma_wait3A_1467 = arith.constant 24 : i32
        %dma_wait3A_1468 = arith.constant 128 : i32
        %dma_wait3A_1469 = tpu.memref_slice %arg7[%rem3A_769, %dma_wait3A_1467, %dma_wait3A_1468] : memref<2x32x512xf32, #tpu.memory_space<vmem>> -> memref<1x8x128xf32, #tpu.memory_space<vmem>>
        %dma_wait3A_1470 = tpu.memref_squeeze %dma_wait3A_1469 : memref<1x8x128xf32, #tpu.memory_space<vmem>> -> memref<8x128xf32, #tpu.memory_space<vmem>>
        tpu.wait_dma2 semaphore(%arg9 : memref<!tpu.dma_semaphore, #tpu.memory_space<semaphore_mem>>) src(%dma_wait3A_1470 : memref<8x128xf32, #tpu.memory_space<vmem>>) dst(%dma_wait3A_1466 : memref<8x128xf32, #tpu.memory_space<hbm>>)
        %mul3A_1471 = arith.constant 4 : i32
        %mul3A_1472 = arith.muli %add3A, %mul3A_1471 : i32
        %add3A_1473 = arith.constant 2 : i32
        %add3A_1474 = arith.addi %mul3A_1472, %add3A_1473 : i32
        %dma_wait3A_1475 = arith.constant 3 : i32
        %dma_wait3A_1476 = arith.constant 24 : i32
        %dma_wait3A_1477 = arith.constant 256 : i32
        %dma_wait3A_1478 = tpu.memref_slice %arg7[%rem3A_769, %dma_wait3A_1476, %dma_wait3A_1477] : memref<2x32x512xf32, #tpu.memory_space<vmem>> -> memref<1x8x128xf32, #tpu.memory_space<vmem>>
        %dma_wait3A_1479 = tpu.memref_squeeze %dma_wait3A_1478 : memref<1x8x128xf32, #tpu.memory_space<vmem>> -> memref<8x128xf32, #tpu.memory_space<vmem>>
        %dma_wait3A_1480 = arith.constant 0 : i32
        %dma_wait3A_1481 = arith.constant 0 : i32
        %dma_wait3A_1482 = tpu.memref_slice %arg4[%sub3A_1176, %dma_wait3A_1475, %add3A_1474, %dma_wait3A_1480, %dma_wait3A_1481] : memref<50x4x128x8x128xf32, #tpu.memory_space<hbm>> -> memref<1x1x1x8x128xf32, #tpu.memory_space<hbm>>
        %dma_wait3A_1483 = tpu.memref_squeeze %dma_wait3A_1482 : memref<1x1x1x8x128xf32, #tpu.memory_space<hbm>> -> memref<8x128xf32, #tpu.memory_space<hbm>>
        %dma_wait3A_1484 = arith.constant 0 : i32
        %dma_wait3A_1485 = arith.constant 0 : i32
        %dma_wait3A_1486 = tpu.memref_slice %arg4[%sub3A_1176, %dma_wait3A_1475, %add3A_1474, %dma_wait3A_1484, %dma_wait3A_1485] : memref<50x4x128x8x128xf32, #tpu.memory_space<hbm>> -> memref<1x1x1x8x128xf32, #tpu.memory_space<hbm>>
        %dma_wait3A_1487 = tpu.memref_squeeze %dma_wait3A_1486 : memref<1x1x1x8x128xf32, #tpu.memory_space<hbm>> -> memref<8x128xf32, #tpu.memory_space<hbm>>
        %dma_wait3A_1488 = arith.constant 24 : i32
        %dma_wait3A_1489 = arith.constant 256 : i32
        %dma_wait3A_1490 = tpu.memref_slice %arg7[%rem3A_769, %dma_wait3A_1488, %dma_wait3A_1489] : memref<2x32x512xf32, #tpu.memory_space<vmem>> -> memref<1x8x128xf32, #tpu.memory_space<vmem>>
        %dma_wait3A_1491 = tpu.memref_squeeze %dma_wait3A_1490 : memref<1x8x128xf32, #tpu.memory_space<vmem>> -> memref<8x128xf32, #tpu.memory_space<vmem>>
        tpu.wait_dma2 semaphore(%arg9 : memref<!tpu.dma_semaphore, #tpu.memory_space<semaphore_mem>>) src(%dma_wait3A_1491 : memref<8x128xf32, #tpu.memory_space<vmem>>) dst(%dma_wait3A_1487 : memref<8x128xf32, #tpu.memory_space<hbm>>)
        %mul3A_1492 = arith.constant 4 : i32
        %mul3A_1493 = arith.muli %add3A, %mul3A_1492 : i32
        %add3A_1494 = arith.constant 3 : i32
        %add3A_1495 = arith.addi %mul3A_1493, %add3A_1494 : i32
        %dma_wait3A_1496 = arith.constant 3 : i32
        %dma_wait3A_1497 = arith.constant 24 : i32
        %dma_wait3A_1498 = arith.constant 384 : i32
        %dma_wait3A_1499 = tpu.memref_slice %arg7[%rem3A_769, %dma_wait3A_1497, %dma_wait3A_1498] : memref<2x32x512xf32, #tpu.memory_space<vmem>> -> memref<1x8x128xf32, #tpu.memory_space<vmem>>
        %dma_wait3A_1500 = tpu.memref_squeeze %dma_wait3A_1499 : memref<1x8x128xf32, #tpu.memory_space<vmem>> -> memref<8x128xf32, #tpu.memory_space<vmem>>
        %dma_wait3A_1501 = arith.constant 0 : i32
        %dma_wait3A_1502 = arith.constant 0 : i32
        %dma_wait3A_1503 = tpu.memref_slice %arg4[%sub3A_1176, %dma_wait3A_1496, %add3A_1495, %dma_wait3A_1501, %dma_wait3A_1502] : memref<50x4x128x8x128xf32, #tpu.memory_space<hbm>> -> memref<1x1x1x8x128xf32, #tpu.memory_space<hbm>>
        %dma_wait3A_1504 = tpu.memref_squeeze %dma_wait3A_1503 : memref<1x1x1x8x128xf32, #tpu.memory_space<hbm>> -> memref<8x128xf32, #tpu.memory_space<hbm>>
        %dma_wait3A_1505 = arith.constant 0 : i32
        %dma_wait3A_1506 = arith.constant 0 : i32
        %dma_wait3A_1507 = tpu.memref_slice %arg4[%sub3A_1176, %dma_wait3A_1496, %add3A_1495, %dma_wait3A_1505, %dma_wait3A_1506] : memref<50x4x128x8x128xf32, #tpu.memory_space<hbm>> -> memref<1x1x1x8x128xf32, #tpu.memory_space<hbm>>
        %dma_wait3A_1508 = tpu.memref_squeeze %dma_wait3A_1507 : memref<1x1x1x8x128xf32, #tpu.memory_space<hbm>> -> memref<8x128xf32, #tpu.memory_space<hbm>>
        %dma_wait3A_1509 = arith.constant 24 : i32
        %dma_wait3A_1510 = arith.constant 384 : i32
        %dma_wait3A_1511 = tpu.memref_slice %arg7[%rem3A_769, %dma_wait3A_1509, %dma_wait3A_1510] : memref<2x32x512xf32, #tpu.memory_space<vmem>> -> memref<1x8x128xf32, #tpu.memory_space<vmem>>
        %dma_wait3A_1512 = tpu.memref_squeeze %dma_wait3A_1511 : memref<1x8x128xf32, #tpu.memory_space<vmem>> -> memref<8x128xf32, #tpu.memory_space<vmem>>
        tpu.wait_dma2 semaphore(%arg9 : memref<!tpu.dma_semaphore, #tpu.memory_space<semaphore_mem>>) src(%dma_wait3A_1512 : memref<8x128xf32, #tpu.memory_space<vmem>>) dst(%dma_wait3A_1508 : memref<8x128xf32, #tpu.memory_space<hbm>>)
      } else {
      }
      %scan3A_834 = arith.constant 0 : i32
      %scan3A_835 = arith.constant 0 : i32
      %scan3A_836 = arith.constant 32 : i32
      %scan3A_837 = arith.addi %scan3A_835, %scan3A_836 : i32
      %scan3A_838 = arith.constant 1 : i32
      scf.for %scan3A_1176 = %scan3A_835 to %scan3A_837 step %scan3A_838  : i32 {
        %add3A_1177 = vector.broadcast %scan3A_1176 : i32 to vector<16xi32>
        %add3A_1178 = arith.addi %iota3A, %add3A_1177 : vector<16xi32>
        %and3A = arith.constant 31 : i32
        %and3A_1179 = vector.broadcast %and3A : i32 to vector<16xi32>
        %and3A_1180 = arith.andi %add3A_1178, %and3A_1179 : vector<16xi32>
        %scan3A_1181 = arith.constant 0 : i32
        %scan3A_1182 = arith.constant 32 : i32
        %scan3A_1183 = arith.addi %scan3A_1181, %scan3A_1182 : i32
        %scan3A_1184 = arith.constant 8 : i32
        %scan3A_1185 = scf.for %scan3A_1187 = %scan3A_1181 to %scan3A_1183 step %scan3A_1184 iter_args(%scan3A_1188 = %iota3A) -> (vector<16xi32>)  : i32 {
          %gather3A = arith.constant 0 : i32
          %gather3A_1189 = arith.constant 0 : i32
          %gather3A_1190 = tpu.memref_slice %arg6[%rem3A_769, %gather3A, %gather3A_1189] : memref<2x512x32xf32, #tpu.memory_space<vmem>> -> memref<1x512x32xf32, #tpu.memory_space<vmem>>
          %gather3A_1191 = tpu.memref_squeeze %gather3A_1190 : memref<1x512x32xf32, #tpu.memory_space<vmem>> -> memref<512x32xf32, #tpu.memory_space<vmem>>
          %gather3A_1192 = tpu.vector_load_idx %gather3A_1191[%scan3A_1188, %and3A_1180] : memref<512x32xf32, #tpu.memory_space<vmem>>[vector<16xi32>, vector<16xi32>], vector<16xf32>,
          %mul3A_1193 = arith.constant 5.65685415 : f32
          %mul3A_1194 = vector.broadcast %mul3A_1193 : f32 to vector<16xf32>
          %mul3A_1195 = arith.mulf %gather3A_1192, %mul3A_1194 : vector<16xf32>
          %scatter3A = arith.constant 0 : i32
          %scatter3A_1196 = arith.constant 0 : i32
          %scatter3A_1197 = tpu.memref_slice %arg7[%rem3A_769, %scatter3A, %scatter3A_1196] : memref<2x32x512xf32, #tpu.memory_space<vmem>> -> memref<1x32x512xf32, #tpu.memory_space<vmem>>
          %scatter3A_1198 = tpu.memref_squeeze %scatter3A_1197 : memref<1x32x512xf32, #tpu.memory_space<vmem>> -> memref<32x512xf32, #tpu.memory_space<vmem>>
          tpu.vector_store_idx %scatter3A_1198[%and3A_1180, %scan3A_1188], %mul3A_1195 : memref<32x512xf32, #tpu.memory_space<vmem>>[vector<16xi32>, vector<16xi32>], vector<16xf32>,
          %add3A_1199 = arith.constant 16 : i32
          %add3A_1200 = vector.broadcast %add3A_1199 : i32 to vector<16xi32>
          %add3A_1201 = arith.addi %scan3A_1188, %add3A_1200 : vector<16xi32>
          %scan3A_1202 = arith.constant 1 : i32
          %scan3A_1203 = arith.addi %scan3A_1187, %scan3A_1202 : i32
          %gather3A_1204 = arith.constant 0 : i32
          %gather3A_1205 = arith.constant 0 : i32
          %gather3A_1206 = tpu.memref_slice %arg6[%rem3A_769, %gather3A_1204, %gather3A_1205] : memref<2x512x32xf32, #tpu.memory_space<vmem>> -> memref<1x512x32xf32, #tpu.memory_space<vmem>>
          %gather3A_1207 = tpu.memref_squeeze %gather3A_1206 : memref<1x512x32xf32, #tpu.memory_space<vmem>> -> memref<512x32xf32, #tpu.memory_space<vmem>>
          %gather3A_1208 = tpu.vector_load_idx %gather3A_1207[%add3A_1201, %and3A_1180] : memref<512x32xf32, #tpu.memory_space<vmem>>[vector<16xi32>, vector<16xi32>], vector<16xf32>,
          %mul3A_1209 = arith.constant 5.65685415 : f32
          %mul3A_1210 = vector.broadcast %mul3A_1209 : f32 to vector<16xf32>
          %mul3A_1211 = arith.mulf %gather3A_1208, %mul3A_1210 : vector<16xf32>
          %scatter3A_1212 = arith.constant 0 : i32
          %scatter3A_1213 = arith.constant 0 : i32
          %scatter3A_1214 = tpu.memref_slice %arg7[%rem3A_769, %scatter3A_1212, %scatter3A_1213] : memref<2x32x512xf32, #tpu.memory_space<vmem>> -> memref<1x32x512xf32, #tpu.memory_space<vmem>>
          %scatter3A_1215 = tpu.memref_squeeze %scatter3A_1214 : memref<1x32x512xf32, #tpu.memory_space<vmem>> -> memref<32x512xf32, #tpu.memory_space<vmem>>
          tpu.vector_store_idx %scatter3A_1215[%and3A_1180, %add3A_1201], %mul3A_1211 : memref<32x512xf32, #tpu.memory_space<vmem>>[vector<16xi32>, vector<16xi32>], vector<16xf32>,
          %add3A_1216 = arith.constant 16 : i32
          %add3A_1217 = vector.broadcast %add3A_1216 : i32 to vector<16xi32>
          %add3A_1218 = arith.addi %add3A_1201, %add3A_1217 : vector<16xi32>
          %scan3A_1219 = arith.constant 2 : i32
          %scan3A_1220 = arith.addi %scan3A_1187, %scan3A_1219 : i32
          %gather3A_1221 = arith.constant 0 : i32
          %gather3A_1222 = arith.constant 0 : i32
          %gather3A_1223 = tpu.memref_slice %arg6[%rem3A_769, %gather3A_1221, %gather3A_1222] : memref<2x512x32xf32, #tpu.memory_space<vmem>> -> memref<1x512x32xf32, #tpu.memory_space<vmem>>
          %gather3A_1224 = tpu.memref_squeeze %gather3A_1223 : memref<1x512x32xf32, #tpu.memory_space<vmem>> -> memref<512x32xf32, #tpu.memory_space<vmem>>
          %gather3A_1225 = tpu.vector_load_idx %gather3A_1224[%add3A_1218, %and3A_1180] : memref<512x32xf32, #tpu.memory_space<vmem>>[vector<16xi32>, vector<16xi32>], vector<16xf32>,
          %mul3A_1226 = arith.constant 5.65685415 : f32
          %mul3A_1227 = vector.broadcast %mul3A_1226 : f32 to vector<16xf32>
          %mul3A_1228 = arith.mulf %gather3A_1225, %mul3A_1227 : vector<16xf32>
          %scatter3A_1229 = arith.constant 0 : i32
          %scatter3A_1230 = arith.constant 0 : i32
          %scatter3A_1231 = tpu.memref_slice %arg7[%rem3A_769, %scatter3A_1229, %scatter3A_1230] : memref<2x32x512xf32, #tpu.memory_space<vmem>> -> memref<1x32x512xf32, #tpu.memory_space<vmem>>
          %scatter3A_1232 = tpu.memref_squeeze %scatter3A_1231 : memref<1x32x512xf32, #tpu.memory_space<vmem>> -> memref<32x512xf32, #tpu.memory_space<vmem>>
          tpu.vector_store_idx %scatter3A_1232[%and3A_1180, %add3A_1218], %mul3A_1228 : memref<32x512xf32, #tpu.memory_space<vmem>>[vector<16xi32>, vector<16xi32>], vector<16xf32>,
          %add3A_1233 = arith.constant 16 : i32
          %add3A_1234 = vector.broadcast %add3A_1233 : i32 to vector<16xi32>
          %add3A_1235 = arith.addi %add3A_1218, %add3A_1234 : vector<16xi32>
          %scan3A_1236 = arith.constant 3 : i32
          %scan3A_1237 = arith.addi %scan3A_1187, %scan3A_1236 : i32
          %gather3A_1238 = arith.constant 0 : i32
          %gather3A_1239 = arith.constant 0 : i32
          %gather3A_1240 = tpu.memref_slice %arg6[%rem3A_769, %gather3A_1238, %gather3A_1239] : memref<2x512x32xf32, #tpu.memory_space<vmem>> -> memref<1x512x32xf32, #tpu.memory_space<vmem>>
          %gather3A_1241 = tpu.memref_squeeze %gather3A_1240 : memref<1x512x32xf32, #tpu.memory_space<vmem>> -> memref<512x32xf32, #tpu.memory_space<vmem>>
          %gather3A_1242 = tpu.vector_load_idx %gather3A_1241[%add3A_1235, %and3A_1180] : memref<512x32xf32, #tpu.memory_space<vmem>>[vector<16xi32>, vector<16xi32>], vector<16xf32>,
          %mul3A_1243 = arith.constant 5.65685415 : f32
          %mul3A_1244 = vector.broadcast %mul3A_1243 : f32 to vector<16xf32>
          %mul3A_1245 = arith.mulf %gather3A_1242, %mul3A_1244 : vector<16xf32>
          %scatter3A_1246 = arith.constant 0 : i32
          %scatter3A_1247 = arith.constant 0 : i32
          %scatter3A_1248 = tpu.memref_slice %arg7[%rem3A_769, %scatter3A_1246, %scatter3A_1247] : memref<2x32x512xf32, #tpu.memory_space<vmem>> -> memref<1x32x512xf32, #tpu.memory_space<vmem>>
          %scatter3A_1249 = tpu.memref_squeeze %scatter3A_1248 : memref<1x32x512xf32, #tpu.memory_space<vmem>> -> memref<32x512xf32, #tpu.memory_space<vmem>>
          tpu.vector_store_idx %scatter3A_1249[%and3A_1180, %add3A_1235], %mul3A_1245 : memref<32x512xf32, #tpu.memory_space<vmem>>[vector<16xi32>, vector<16xi32>], vector<16xf32>,
          %add3A_1250 = arith.constant 16 : i32
          %add3A_1251 = vector.broadcast %add3A_1250 : i32 to vector<16xi32>
          %add3A_1252 = arith.addi %add3A_1235, %add3A_1251 : vector<16xi32>
          %scan3A_1253 = arith.constant 4 : i32
          %scan3A_1254 = arith.addi %scan3A_1187, %scan3A_1253 : i32
          %gather3A_1255 = arith.constant 0 : i32
          %gather3A_1256 = arith.constant 0 : i32
          %gather3A_1257 = tpu.memref_slice %arg6[%rem3A_769, %gather3A_1255, %gather3A_1256] : memref<2x512x32xf32, #tpu.memory_space<vmem>> -> memref<1x512x32xf32, #tpu.memory_space<vmem>>
          %gather3A_1258 = tpu.memref_squeeze %gather3A_1257 : memref<1x512x32xf32, #tpu.memory_space<vmem>> -> memref<512x32xf32, #tpu.memory_space<vmem>>
          %gather3A_1259 = tpu.vector_load_idx %gather3A_1258[%add3A_1252, %and3A_1180] : memref<512x32xf32, #tpu.memory_space<vmem>>[vector<16xi32>, vector<16xi32>], vector<16xf32>,
          %mul3A_1260 = arith.constant 5.65685415 : f32
          %mul3A_1261 = vector.broadcast %mul3A_1260 : f32 to vector<16xf32>
          %mul3A_1262 = arith.mulf %gather3A_1259, %mul3A_1261 : vector<16xf32>
          %scatter3A_1263 = arith.constant 0 : i32
          %scatter3A_1264 = arith.constant 0 : i32
          %scatter3A_1265 = tpu.memref_slice %arg7[%rem3A_769, %scatter3A_1263, %scatter3A_1264] : memref<2x32x512xf32, #tpu.memory_space<vmem>> -> memref<1x32x512xf32, #tpu.memory_space<vmem>>
          %scatter3A_1266 = tpu.memref_squeeze %scatter3A_1265 : memref<1x32x512xf32, #tpu.memory_space<vmem>> -> memref<32x512xf32, #tpu.memory_space<vmem>>
          tpu.vector_store_idx %scatter3A_1266[%and3A_1180, %add3A_1252], %mul3A_1262 : memref<32x512xf32, #tpu.memory_space<vmem>>[vector<16xi32>, vector<16xi32>], vector<16xf32>,
          %add3A_1267 = arith.constant 16 : i32
          %add3A_1268 = vector.broadcast %add3A_1267 : i32 to vector<16xi32>
          %add3A_1269 = arith.addi %add3A_1252, %add3A_1268 : vector<16xi32>
          %scan3A_1270 = arith.constant 5 : i32
          %scan3A_1271 = arith.addi %scan3A_1187, %scan3A_1270 : i32
          %gather3A_1272 = arith.constant 0 : i32
          %gather3A_1273 = arith.constant 0 : i32
          %gather3A_1274 = tpu.memref_slice %arg6[%rem3A_769, %gather3A_1272, %gather3A_1273] : memref<2x512x32xf32, #tpu.memory_space<vmem>> -> memref<1x512x32xf32, #tpu.memory_space<vmem>>
          %gather3A_1275 = tpu.memref_squeeze %gather3A_1274 : memref<1x512x32xf32, #tpu.memory_space<vmem>> -> memref<512x32xf32, #tpu.memory_space<vmem>>
          %gather3A_1276 = tpu.vector_load_idx %gather3A_1275[%add3A_1269, %and3A_1180] : memref<512x32xf32, #tpu.memory_space<vmem>>[vector<16xi32>, vector<16xi32>], vector<16xf32>,
          %mul3A_1277 = arith.constant 5.65685415 : f32
          %mul3A_1278 = vector.broadcast %mul3A_1277 : f32 to vector<16xf32>
          %mul3A_1279 = arith.mulf %gather3A_1276, %mul3A_1278 : vector<16xf32>
          %scatter3A_1280 = arith.constant 0 : i32
          %scatter3A_1281 = arith.constant 0 : i32
          %scatter3A_1282 = tpu.memref_slice %arg7[%rem3A_769, %scatter3A_1280, %scatter3A_1281] : memref<2x32x512xf32, #tpu.memory_space<vmem>> -> memref<1x32x512xf32, #tpu.memory_space<vmem>>
          %scatter3A_1283 = tpu.memref_squeeze %scatter3A_1282 : memref<1x32x512xf32, #tpu.memory_space<vmem>> -> memref<32x512xf32, #tpu.memory_space<vmem>>
          tpu.vector_store_idx %scatter3A_1283[%and3A_1180, %add3A_1269], %mul3A_1279 : memref<32x512xf32, #tpu.memory_space<vmem>>[vector<16xi32>, vector<16xi32>], vector<16xf32>,
          %add3A_1284 = arith.constant 16 : i32
          %add3A_1285 = vector.broadcast %add3A_1284 : i32 to vector<16xi32>
          %add3A_1286 = arith.addi %add3A_1269, %add3A_1285 : vector<16xi32>
          %scan3A_1287 = arith.constant 6 : i32
          %scan3A_1288 = arith.addi %scan3A_1187, %scan3A_1287 : i32
          %gather3A_1289 = arith.constant 0 : i32
          %gather3A_1290 = arith.constant 0 : i32
          %gather3A_1291 = tpu.memref_slice %arg6[%rem3A_769, %gather3A_1289, %gather3A_1290] : memref<2x512x32xf32, #tpu.memory_space<vmem>> -> memref<1x512x32xf32, #tpu.memory_space<vmem>>
          %gather3A_1292 = tpu.memref_squeeze %gather3A_1291 : memref<1x512x32xf32, #tpu.memory_space<vmem>> -> memref<512x32xf32, #tpu.memory_space<vmem>>
          %gather3A_1293 = tpu.vector_load_idx %gather3A_1292[%add3A_1286, %and3A_1180] : memref<512x32xf32, #tpu.memory_space<vmem>>[vector<16xi32>, vector<16xi32>], vector<16xf32>,
          %mul3A_1294 = arith.constant 5.65685415 : f32
          %mul3A_1295 = vector.broadcast %mul3A_1294 : f32 to vector<16xf32>
          %mul3A_1296 = arith.mulf %gather3A_1293, %mul3A_1295 : vector<16xf32>
          %scatter3A_1297 = arith.constant 0 : i32
          %scatter3A_1298 = arith.constant 0 : i32
          %scatter3A_1299 = tpu.memref_slice %arg7[%rem3A_769, %scatter3A_1297, %scatter3A_1298] : memref<2x32x512xf32, #tpu.memory_space<vmem>> -> memref<1x32x512xf32, #tpu.memory_space<vmem>>
          %scatter3A_1300 = tpu.memref_squeeze %scatter3A_1299 : memref<1x32x512xf32, #tpu.memory_space<vmem>> -> memref<32x512xf32, #tpu.memory_space<vmem>>
          tpu.vector_store_idx %scatter3A_1300[%and3A_1180, %add3A_1286], %mul3A_1296 : memref<32x512xf32, #tpu.memory_space<vmem>>[vector<16xi32>, vector<16xi32>], vector<16xf32>,
          %add3A_1301 = arith.constant 16 : i32
          %add3A_1302 = vector.broadcast %add3A_1301 : i32 to vector<16xi32>
          %add3A_1303 = arith.addi %add3A_1286, %add3A_1302 : vector<16xi32>
          %scan3A_1304 = arith.constant 7 : i32
          %scan3A_1305 = arith.addi %scan3A_1187, %scan3A_1304 : i32
          %gather3A_1306 = arith.constant 0 : i32
          %gather3A_1307 = arith.constant 0 : i32
          %gather3A_1308 = tpu.memref_slice %arg6[%rem3A_769, %gather3A_1306, %gather3A_1307] : memref<2x512x32xf32, #tpu.memory_space<vmem>> -> memref<1x512x32xf32, #tpu.memory_space<vmem>>
          %gather3A_1309 = tpu.memref_squeeze %gather3A_1308 : memref<1x512x32xf32, #tpu.memory_space<vmem>> -> memref<512x32xf32, #tpu.memory_space<vmem>>
          %gather3A_1310 = tpu.vector_load_idx %gather3A_1309[%add3A_1303, %and3A_1180] : memref<512x32xf32, #tpu.memory_space<vmem>>[vector<16xi32>, vector<16xi32>], vector<16xf32>,
          %mul3A_1311 = arith.constant 5.65685415 : f32
          %mul3A_1312 = vector.broadcast %mul3A_1311 : f32 to vector<16xf32>
          %mul3A_1313 = arith.mulf %gather3A_1310, %mul3A_1312 : vector<16xf32>
          %scatter3A_1314 = arith.constant 0 : i32
          %scatter3A_1315 = arith.constant 0 : i32
          %scatter3A_1316 = tpu.memref_slice %arg7[%rem3A_769, %scatter3A_1314, %scatter3A_1315] : memref<2x32x512xf32, #tpu.memory_space<vmem>> -> memref<1x32x512xf32, #tpu.memory_space<vmem>>
          %scatter3A_1317 = tpu.memref_squeeze %scatter3A_1316 : memref<1x32x512xf32, #tpu.memory_space<vmem>> -> memref<32x512xf32, #tpu.memory_space<vmem>>
          tpu.vector_store_idx %scatter3A_1317[%and3A_1180, %add3A_1303], %mul3A_1313 : memref<32x512xf32, #tpu.memory_space<vmem>>[vector<16xi32>, vector<16xi32>], vector<16xf32>,
          %add3A_1318 = arith.constant 16 : i32
          %add3A_1319 = vector.broadcast %add3A_1318 : i32 to vector<16xi32>
          %add3A_1320 = arith.addi %add3A_1303, %add3A_1319 : vector<16xi32>
          scf.yield %add3A_1320 : vector<16xi32>
        }
        %scan3A_1186 = arith.constant 32 : i32
      }
      %scan3A_839 = arith.constant 32 : i32
      %mul3A_840 = arith.constant 4 : i32
      %mul3A_841 = arith.muli %add3A, %mul3A_840 : i32
      %add3A_842 = arith.constant 0 : i32
      %add3A_843 = arith.addi %mul3A_841, %add3A_842 : i32
      %dma_start3A_844 = arith.constant 0 : i32
      %dma_start3A_845 = arith.constant 0 : i32
      %dma_start3A_846 = arith.constant 0 : i32
      %dma_start3A_847 = tpu.memref_slice %arg7[%rem3A_769, %dma_start3A_845, %dma_start3A_846] : memref<2x32x512xf32, #tpu.memory_space<vmem>> -> memref<1x8x128xf32, #tpu.memory_space<vmem>>
      %dma_start3A_848 = tpu.memref_squeeze %dma_start3A_847 : memref<1x8x128xf32, #tpu.memory_space<vmem>> -> memref<8x128xf32, #tpu.memory_space<vmem>>
      %dma_start3A_849 = arith.constant 0 : i32
      %dma_start3A_850 = arith.constant 0 : i32
      %dma_start3A_851 = tpu.memref_slice %arg4[%scan3A_767, %dma_start3A_844, %add3A_843, %dma_start3A_849, %dma_start3A_850] : memref<50x4x128x8x128xf32, #tpu.memory_space<hbm>> -> memref<1x1x1x8x128xf32, #tpu.memory_space<hbm>>
      %dma_start3A_852 = tpu.memref_squeeze %dma_start3A_851 : memref<1x1x1x8x128xf32, #tpu.memory_space<hbm>> -> memref<8x128xf32, #tpu.memory_space<hbm>>
      %dma_start3A_853 = arith.constant 0 : i32
      %dma_start3A_854 = arith.constant 0 : i32
      %dma_start3A_855 = tpu.memref_slice %arg4[%scan3A_767, %dma_start3A_844, %add3A_843, %dma_start3A_853, %dma_start3A_854] : memref<50x4x128x8x128xf32, #tpu.memory_space<hbm>> -> memref<1x1x1x8x128xf32, #tpu.memory_space<hbm>>
      %dma_start3A_856 = tpu.memref_squeeze %dma_start3A_855 : memref<1x1x1x8x128xf32, #tpu.memory_space<hbm>> -> memref<8x128xf32, #tpu.memory_space<hbm>>
      %dma_start3A_857 = arith.constant 0 : i32
      %dma_start3A_858 = arith.constant 0 : i32
      %dma_start3A_859 = tpu.memref_slice %arg7[%rem3A_769, %dma_start3A_857, %dma_start3A_858] : memref<2x32x512xf32, #tpu.memory_space<vmem>> -> memref<1x8x128xf32, #tpu.memory_space<vmem>>
      %dma_start3A_860 = tpu.memref_squeeze %dma_start3A_859 : memref<1x8x128xf32, #tpu.memory_space<vmem>> -> memref<8x128xf32, #tpu.memory_space<vmem>>
      tpu.enqueue_dma source(%dma_start3A_860 : memref<8x128xf32, #tpu.memory_space<vmem>>) target(%dma_start3A_856 : memref<8x128xf32, #tpu.memory_space<hbm>>) target_semaphore(%arg9 : memref<!tpu.dma_semaphore, #tpu.memory_space<semaphore_mem>>)
      %mul3A_861 = arith.constant 4 : i32
      %mul3A_862 = arith.muli %add3A, %mul3A_861 : i32
      %add3A_863 = arith.constant 1 : i32
      %add3A_864 = arith.addi %mul3A_862, %add3A_863 : i32
      %dma_start3A_865 = arith.constant 0 : i32
      %dma_start3A_866 = arith.constant 0 : i32
      %dma_start3A_867 = arith.constant 128 : i32
      %dma_start3A_868 = tpu.memref_slice %arg7[%rem3A_769, %dma_start3A_866, %dma_start3A_867] : memref<2x32x512xf32, #tpu.memory_space<vmem>> -> memref<1x8x128xf32, #tpu.memory_space<vmem>>
      %dma_start3A_869 = tpu.memref_squeeze %dma_start3A_868 : memref<1x8x128xf32, #tpu.memory_space<vmem>> -> memref<8x128xf32, #tpu.memory_space<vmem>>
      %dma_start3A_870 = arith.constant 0 : i32
      %dma_start3A_871 = arith.constant 0 : i32
      %dma_start3A_872 = tpu.memref_slice %arg4[%scan3A_767, %dma_start3A_865, %add3A_864, %dma_start3A_870, %dma_start3A_871] : memref<50x4x128x8x128xf32, #tpu.memory_space<hbm>> -> memref<1x1x1x8x128xf32, #tpu.memory_space<hbm>>
      %dma_start3A_873 = tpu.memref_squeeze %dma_start3A_872 : memref<1x1x1x8x128xf32, #tpu.memory_space<hbm>> -> memref<8x128xf32, #tpu.memory_space<hbm>>
      %dma_start3A_874 = arith.constant 0 : i32
      %dma_start3A_875 = arith.constant 0 : i32
      %dma_start3A_876 = tpu.memref_slice %arg4[%scan3A_767, %dma_start3A_865, %add3A_864, %dma_start3A_874, %dma_start3A_875] : memref<50x4x128x8x128xf32, #tpu.memory_space<hbm>> -> memref<1x1x1x8x128xf32, #tpu.memory_space<hbm>>
      %dma_start3A_877 = tpu.memref_squeeze %dma_start3A_876 : memref<1x1x1x8x128xf32, #tpu.memory_space<hbm>> -> memref<8x128xf32, #tpu.memory_space<hbm>>
      %dma_start3A_878 = arith.constant 0 : i32
      %dma_start3A_879 = arith.constant 128 : i32
      %dma_start3A_880 = tpu.memref_slice %arg7[%rem3A_769, %dma_start3A_878, %dma_start3A_879] : memref<2x32x512xf32, #tpu.memory_space<vmem>> -> memref<1x8x128xf32, #tpu.memory_space<vmem>>
      %dma_start3A_881 = tpu.memref_squeeze %dma_start3A_880 : memref<1x8x128xf32, #tpu.memory_space<vmem>> -> memref<8x128xf32, #tpu.memory_space<vmem>>
      tpu.enqueue_dma source(%dma_start3A_881 : memref<8x128xf32, #tpu.memory_space<vmem>>) target(%dma_start3A_877 : memref<8x128xf32, #tpu.memory_space<hbm>>) target_semaphore(%arg9 : memref<!tpu.dma_semaphore, #tpu.memory_space<semaphore_mem>>)
      %mul3A_882 = arith.constant 4 : i32
      %mul3A_883 = arith.muli %add3A, %mul3A_882 : i32
      %add3A_884 = arith.constant 2 : i32
      %add3A_885 = arith.addi %mul3A_883, %add3A_884 : i32
      %dma_start3A_886 = arith.constant 0 : i32
      %dma_start3A_887 = arith.constant 0 : i32
      %dma_start3A_888 = arith.constant 256 : i32
      %dma_start3A_889 = tpu.memref_slice %arg7[%rem3A_769, %dma_start3A_887, %dma_start3A_888] : memref<2x32x512xf32, #tpu.memory_space<vmem>> -> memref<1x8x128xf32, #tpu.memory_space<vmem>>
      %dma_start3A_890 = tpu.memref_squeeze %dma_start3A_889 : memref<1x8x128xf32, #tpu.memory_space<vmem>> -> memref<8x128xf32, #tpu.memory_space<vmem>>
      %dma_start3A_891 = arith.constant 0 : i32
      %dma_start3A_892 = arith.constant 0 : i32
      %dma_start3A_893 = tpu.memref_slice %arg4[%scan3A_767, %dma_start3A_886, %add3A_885, %dma_start3A_891, %dma_start3A_892] : memref<50x4x128x8x128xf32, #tpu.memory_space<hbm>> -> memref<1x1x1x8x128xf32, #tpu.memory_space<hbm>>
      %dma_start3A_894 = tpu.memref_squeeze %dma_start3A_893 : memref<1x1x1x8x128xf32, #tpu.memory_space<hbm>> -> memref<8x128xf32, #tpu.memory_space<hbm>>
      %dma_start3A_895 = arith.constant 0 : i32
      %dma_start3A_896 = arith.constant 0 : i32
      %dma_start3A_897 = tpu.memref_slice %arg4[%scan3A_767, %dma_start3A_886, %add3A_885, %dma_start3A_895, %dma_start3A_896] : memref<50x4x128x8x128xf32, #tpu.memory_space<hbm>> -> memref<1x1x1x8x128xf32, #tpu.memory_space<hbm>>
      %dma_start3A_898 = tpu.memref_squeeze %dma_start3A_897 : memref<1x1x1x8x128xf32, #tpu.memory_space<hbm>> -> memref<8x128xf32, #tpu.memory_space<hbm>>
      %dma_start3A_899 = arith.constant 0 : i32
      %dma_start3A_900 = arith.constant 256 : i32
      %dma_start3A_901 = tpu.memref_slice %arg7[%rem3A_769, %dma_start3A_899, %dma_start3A_900] : memref<2x32x512xf32, #tpu.memory_space<vmem>> -> memref<1x8x128xf32, #tpu.memory_space<vmem>>
      %dma_start3A_902 = tpu.memref_squeeze %dma_start3A_901 : memref<1x8x128xf32, #tpu.memory_space<vmem>> -> memref<8x128xf32, #tpu.memory_space<vmem>>
      tpu.enqueue_dma source(%dma_start3A_902 : memref<8x128xf32, #tpu.memory_space<vmem>>) target(%dma_start3A_898 : memref<8x128xf32, #tpu.memory_space<hbm>>) target_semaphore(%arg9 : memref<!tpu.dma_semaphore, #tpu.memory_space<semaphore_mem>>)
      %mul3A_903 = arith.constant 4 : i32
      %mul3A_904 = arith.muli %add3A, %mul3A_903 : i32
      %add3A_905 = arith.constant 3 : i32
      %add3A_906 = arith.addi %mul3A_904, %add3A_905 : i32
      %dma_start3A_907 = arith.constant 0 : i32
      %dma_start3A_908 = arith.constant 0 : i32
      %dma_start3A_909 = arith.constant 384 : i32
      %dma_start3A_910 = tpu.memref_slice %arg7[%rem3A_769, %dma_start3A_908, %dma_start3A_909] : memref<2x32x512xf32, #tpu.memory_space<vmem>> -> memref<1x8x128xf32, #tpu.memory_space<vmem>>
      %dma_start3A_911 = tpu.memref_squeeze %dma_start3A_910 : memref<1x8x128xf32, #tpu.memory_space<vmem>> -> memref<8x128xf32, #tpu.memory_space<vmem>>
      %dma_start3A_912 = arith.constant 0 : i32
      %dma_start3A_913 = arith.constant 0 : i32
      %dma_start3A_914 = tpu.memref_slice %arg4[%scan3A_767, %dma_start3A_907, %add3A_906, %dma_start3A_912, %dma_start3A_913] : memref<50x4x128x8x128xf32, #tpu.memory_space<hbm>> -> memref<1x1x1x8x128xf32, #tpu.memory_space<hbm>>
      %dma_start3A_915 = tpu.memref_squeeze %dma_start3A_914 : memref<1x1x1x8x128xf32, #tpu.memory_space<hbm>> -> memref<8x128xf32, #tpu.memory_space<hbm>>
      %dma_start3A_916 = arith.constant 0 : i32
      %dma_start3A_917 = arith.constant 0 : i32
      %dma_start3A_918 = tpu.memref_slice %arg4[%scan3A_767, %dma_start3A_907, %add3A_906, %dma_start3A_916, %dma_start3A_917] : memref<50x4x128x8x128xf32, #tpu.memory_space<hbm>> -> memref<1x1x1x8x128xf32, #tpu.memory_space<hbm>>
      %dma_start3A_919 = tpu.memref_squeeze %dma_start3A_918 : memref<1x1x1x8x128xf32, #tpu.memory_space<hbm>> -> memref<8x128xf32, #tpu.memory_space<hbm>>
      %dma_start3A_920 = arith.constant 0 : i32
      %dma_start3A_921 = arith.constant 384 : i32
      %dma_start3A_922 = tpu.memref_slice %arg7[%rem3A_769, %dma_start3A_920, %dma_start3A_921] : memref<2x32x512xf32, #tpu.memory_space<vmem>> -> memref<1x8x128xf32, #tpu.memory_space<vmem>>
      %dma_start3A_923 = tpu.memref_squeeze %dma_start3A_922 : memref<1x8x128xf32, #tpu.memory_space<vmem>> -> memref<8x128xf32, #tpu.memory_space<vmem>>
      tpu.enqueue_dma source(%dma_start3A_923 : memref<8x128xf32, #tpu.memory_space<vmem>>) target(%dma_start3A_919 : memref<8x128xf32, #tpu.memory_space<hbm>>) target_semaphore(%arg9 : memref<!tpu.dma_semaphore, #tpu.memory_space<semaphore_mem>>)
      %mul3A_924 = arith.constant 4 : i32
      %mul3A_925 = arith.muli %add3A, %mul3A_924 : i32
      %add3A_926 = arith.constant 0 : i32
      %add3A_927 = arith.addi %mul3A_925, %add3A_926 : i32
      %dma_start3A_928 = arith.constant 1 : i32
      %dma_start3A_929 = arith.constant 8 : i32
      %dma_start3A_930 = arith.constant 0 : i32
      %dma_start3A_931 = tpu.memref_slice %arg7[%rem3A_769, %dma_start3A_929, %dma_start3A_930] : memref<2x32x512xf32, #tpu.memory_space<vmem>> -> memref<1x8x128xf32, #tpu.memory_space<vmem>>
      %dma_start3A_932 = tpu.memref_squeeze %dma_start3A_931 : memref<1x8x128xf32, #tpu.memory_space<vmem>> -> memref<8x128xf32, #tpu.memory_space<vmem>>
      %dma_start3A_933 = arith.constant 0 : i32
      %dma_start3A_934 = arith.constant 0 : i32
      %dma_start3A_935 = tpu.memref_slice %arg4[%scan3A_767, %dma_start3A_928, %add3A_927, %dma_start3A_933, %dma_start3A_934] : memref<50x4x128x8x128xf32, #tpu.memory_space<hbm>> -> memref<1x1x1x8x128xf32, #tpu.memory_space<hbm>>
      %dma_start3A_936 = tpu.memref_squeeze %dma_start3A_935 : memref<1x1x1x8x128xf32, #tpu.memory_space<hbm>> -> memref<8x128xf32, #tpu.memory_space<hbm>>
      %dma_start3A_937 = arith.constant 0 : i32
      %dma_start3A_938 = arith.constant 0 : i32
      %dma_start3A_939 = tpu.memref_slice %arg4[%scan3A_767, %dma_start3A_928, %add3A_927, %dma_start3A_937, %dma_start3A_938] : memref<50x4x128x8x128xf32, #tpu.memory_space<hbm>> -> memref<1x1x1x8x128xf32, #tpu.memory_space<hbm>>
      %dma_start3A_940 = tpu.memref_squeeze %dma_start3A_939 : memref<1x1x1x8x128xf32, #tpu.memory_space<hbm>> -> memref<8x128xf32, #tpu.memory_space<hbm>>
      %dma_start3A_941 = arith.constant 8 : i32
      %dma_start3A_942 = arith.constant 0 : i32
      %dma_start3A_943 = tpu.memref_slice %arg7[%rem3A_769, %dma_start3A_941, %dma_start3A_942] : memref<2x32x512xf32, #tpu.memory_space<vmem>> -> memref<1x8x128xf32, #tpu.memory_space<vmem>>
      %dma_start3A_944 = tpu.memref_squeeze %dma_start3A_943 : memref<1x8x128xf32, #tpu.memory_space<vmem>> -> memref<8x128xf32, #tpu.memory_space<vmem>>
      tpu.enqueue_dma source(%dma_start3A_944 : memref<8x128xf32, #tpu.memory_space<vmem>>) target(%dma_start3A_940 : memref<8x128xf32, #tpu.memory_space<hbm>>) target_semaphore(%arg9 : memref<!tpu.dma_semaphore, #tpu.memory_space<semaphore_mem>>)
      %mul3A_945 = arith.constant 4 : i32
      %mul3A_946 = arith.muli %add3A, %mul3A_945 : i32
      %add3A_947 = arith.constant 1 : i32
      %add3A_948 = arith.addi %mul3A_946, %add3A_947 : i32
      %dma_start3A_949 = arith.constant 1 : i32
      %dma_start3A_950 = arith.constant 8 : i32
      %dma_start3A_951 = arith.constant 128 : i32
      %dma_start3A_952 = tpu.memref_slice %arg7[%rem3A_769, %dma_start3A_950, %dma_start3A_951] : memref<2x32x512xf32, #tpu.memory_space<vmem>> -> memref<1x8x128xf32, #tpu.memory_space<vmem>>
      %dma_start3A_953 = tpu.memref_squeeze %dma_start3A_952 : memref<1x8x128xf32, #tpu.memory_space<vmem>> -> memref<8x128xf32, #tpu.memory_space<vmem>>
      %dma_start3A_954 = arith.constant 0 : i32
      %dma_start3A_955 = arith.constant 0 : i32
      %dma_start3A_956 = tpu.memref_slice %arg4[%scan3A_767, %dma_start3A_949, %add3A_948, %dma_start3A_954, %dma_start3A_955] : memref<50x4x128x8x128xf32, #tpu.memory_space<hbm>> -> memref<1x1x1x8x128xf32, #tpu.memory_space<hbm>>
      %dma_start3A_957 = tpu.memref_squeeze %dma_start3A_956 : memref<1x1x1x8x128xf32, #tpu.memory_space<hbm>> -> memref<8x128xf32, #tpu.memory_space<hbm>>
      %dma_start3A_958 = arith.constant 0 : i32
      %dma_start3A_959 = arith.constant 0 : i32
      %dma_start3A_960 = tpu.memref_slice %arg4[%scan3A_767, %dma_start3A_949, %add3A_948, %dma_start3A_958, %dma_start3A_959] : memref<50x4x128x8x128xf32, #tpu.memory_space<hbm>> -> memref<1x1x1x8x128xf32, #tpu.memory_space<hbm>>
      %dma_start3A_961 = tpu.memref_squeeze %dma_start3A_960 : memref<1x1x1x8x128xf32, #tpu.memory_space<hbm>> -> memref<8x128xf32, #tpu.memory_space<hbm>>
      %dma_start3A_962 = arith.constant 8 : i32
      %dma_start3A_963 = arith.constant 128 : i32
      %dma_start3A_964 = tpu.memref_slice %arg7[%rem3A_769, %dma_start3A_962, %dma_start3A_963] : memref<2x32x512xf32, #tpu.memory_space<vmem>> -> memref<1x8x128xf32, #tpu.memory_space<vmem>>
      %dma_start3A_965 = tpu.memref_squeeze %dma_start3A_964 : memref<1x8x128xf32, #tpu.memory_space<vmem>> -> memref<8x128xf32, #tpu.memory_space<vmem>>
      tpu.enqueue_dma source(%dma_start3A_965 : memref<8x128xf32, #tpu.memory_space<vmem>>) target(%dma_start3A_961 : memref<8x128xf32, #tpu.memory_space<hbm>>) target_semaphore(%arg9 : memref<!tpu.dma_semaphore, #tpu.memory_space<semaphore_mem>>)
      %mul3A_966 = arith.constant 4 : i32
      %mul3A_967 = arith.muli %add3A, %mul3A_966 : i32
      %add3A_968 = arith.constant 2 : i32
      %add3A_969 = arith.addi %mul3A_967, %add3A_968 : i32
      %dma_start3A_970 = arith.constant 1 : i32
      %dma_start3A_971 = arith.constant 8 : i32
      %dma_start3A_972 = arith.constant 256 : i32
      %dma_start3A_973 = tpu.memref_slice %arg7[%rem3A_769, %dma_start3A_971, %dma_start3A_972] : memref<2x32x512xf32, #tpu.memory_space<vmem>> -> memref<1x8x128xf32, #tpu.memory_space<vmem>>
      %dma_start3A_974 = tpu.memref_squeeze %dma_start3A_973 : memref<1x8x128xf32, #tpu.memory_space<vmem>> -> memref<8x128xf32, #tpu.memory_space<vmem>>
      %dma_start3A_975 = arith.constant 0 : i32
      %dma_start3A_976 = arith.constant 0 : i32
      %dma_start3A_977 = tpu.memref_slice %arg4[%scan3A_767, %dma_start3A_970, %add3A_969, %dma_start3A_975, %dma_start3A_976] : memref<50x4x128x8x128xf32, #tpu.memory_space<hbm>> -> memref<1x1x1x8x128xf32, #tpu.memory_space<hbm>>
      %dma_start3A_978 = tpu.memref_squeeze %dma_start3A_977 : memref<1x1x1x8x128xf32, #tpu.memory_space<hbm>> -> memref<8x128xf32, #tpu.memory_space<hbm>>
      %dma_start3A_979 = arith.constant 0 : i32
      %dma_start3A_980 = arith.constant 0 : i32
      %dma_start3A_981 = tpu.memref_slice %arg4[%scan3A_767, %dma_start3A_970, %add3A_969, %dma_start3A_979, %dma_start3A_980] : memref<50x4x128x8x128xf32, #tpu.memory_space<hbm>> -> memref<1x1x1x8x128xf32, #tpu.memory_space<hbm>>
      %dma_start3A_982 = tpu.memref_squeeze %dma_start3A_981 : memref<1x1x1x8x128xf32, #tpu.memory_space<hbm>> -> memref<8x128xf32, #tpu.memory_space<hbm>>
      %dma_start3A_983 = arith.constant 8 : i32
      %dma_start3A_984 = arith.constant 256 : i32
      %dma_start3A_985 = tpu.memref_slice %arg7[%rem3A_769, %dma_start3A_983, %dma_start3A_984] : memref<2x32x512xf32, #tpu.memory_space<vmem>> -> memref<1x8x128xf32, #tpu.memory_space<vmem>>
      %dma_start3A_986 = tpu.memref_squeeze %dma_start3A_985 : memref<1x8x128xf32, #tpu.memory_space<vmem>> -> memref<8x128xf32, #tpu.memory_space<vmem>>
      tpu.enqueue_dma source(%dma_start3A_986 : memref<8x128xf32, #tpu.memory_space<vmem>>) target(%dma_start3A_982 : memref<8x128xf32, #tpu.memory_space<hbm>>) target_semaphore(%arg9 : memref<!tpu.dma_semaphore, #tpu.memory_space<semaphore_mem>>)
      %mul3A_987 = arith.constant 4 : i32
      %mul3A_988 = arith.muli %add3A, %mul3A_987 : i32
      %add3A_989 = arith.constant 3 : i32
      %add3A_990 = arith.addi %mul3A_988, %add3A_989 : i32
      %dma_start3A_991 = arith.constant 1 : i32
      %dma_start3A_992 = arith.constant 8 : i32
      %dma_start3A_993 = arith.constant 384 : i32
      %dma_start3A_994 = tpu.memref_slice %arg7[%rem3A_769, %dma_start3A_992, %dma_start3A_993] : memref<2x32x512xf32, #tpu.memory_space<vmem>> -> memref<1x8x128xf32, #tpu.memory_space<vmem>>
      %dma_start3A_995 = tpu.memref_squeeze %dma_start3A_994 : memref<1x8x128xf32, #tpu.memory_space<vmem>> -> memref<8x128xf32, #tpu.memory_space<vmem>>
      %dma_start3A_996 = arith.constant 0 : i32
      %dma_start3A_997 = arith.constant 0 : i32
      %dma_start3A_998 = tpu.memref_slice %arg4[%scan3A_767, %dma_start3A_991, %add3A_990, %dma_start3A_996, %dma_start3A_997] : memref<50x4x128x8x128xf32, #tpu.memory_space<hbm>> -> memref<1x1x1x8x128xf32, #tpu.memory_space<hbm>>
      %dma_start3A_999 = tpu.memref_squeeze %dma_start3A_998 : memref<1x1x1x8x128xf32, #tpu.memory_space<hbm>> -> memref<8x128xf32, #tpu.memory_space<hbm>>
      %dma_start3A_1000 = arith.constant 0 : i32
      %dma_start3A_1001 = arith.constant 0 : i32
      %dma_start3A_1002 = tpu.memref_slice %arg4[%scan3A_767, %dma_start3A_991, %add3A_990, %dma_start3A_1000, %dma_start3A_1001] : memref<50x4x128x8x128xf32, #tpu.memory_space<hbm>> -> memref<1x1x1x8x128xf32, #tpu.memory_space<hbm>>
      %dma_start3A_1003 = tpu.memref_squeeze %dma_start3A_1002 : memref<1x1x1x8x128xf32, #tpu.memory_space<hbm>> -> memref<8x128xf32, #tpu.memory_space<hbm>>
      %dma_start3A_1004 = arith.constant 8 : i32
      %dma_start3A_1005 = arith.constant 384 : i32
      %dma_start3A_1006 = tpu.memref_slice %arg7[%rem3A_769, %dma_start3A_1004, %dma_start3A_1005] : memref<2x32x512xf32, #tpu.memory_space<vmem>> -> memref<1x8x128xf32, #tpu.memory_space<vmem>>
      %dma_start3A_1007 = tpu.memref_squeeze %dma_start3A_1006 : memref<1x8x128xf32, #tpu.memory_space<vmem>> -> memref<8x128xf32, #tpu.memory_space<vmem>>
      tpu.enqueue_dma source(%dma_start3A_1007 : memref<8x128xf32, #tpu.memory_space<vmem>>) target(%dma_start3A_1003 : memref<8x128xf32, #tpu.memory_space<hbm>>) target_semaphore(%arg9 : memref<!tpu.dma_semaphore, #tpu.memory_space<semaphore_mem>>)
      %mul3A_1008 = arith.constant 4 : i32
      %mul3A_1009 = arith.muli %add3A, %mul3A_1008 : i32
      %add3A_1010 = arith.constant 0 : i32
      %add3A_1011 = arith.addi %mul3A_1009, %add3A_1010 : i32
      %dma_start3A_1012 = arith.constant 2 : i32
      %dma_start3A_1013 = arith.constant 16 : i32
      %dma_start3A_1014 = arith.constant 0 : i32
      %dma_start3A_1015 = tpu.memref_slice %arg7[%rem3A_769, %dma_start3A_1013, %dma_start3A_1014] : memref<2x32x512xf32, #tpu.memory_space<vmem>> -> memref<1x8x128xf32, #tpu.memory_space<vmem>>
      %dma_start3A_1016 = tpu.memref_squeeze %dma_start3A_1015 : memref<1x8x128xf32, #tpu.memory_space<vmem>> -> memref<8x128xf32, #tpu.memory_space<vmem>>
      %dma_start3A_1017 = arith.constant 0 : i32
      %dma_start3A_1018 = arith.constant 0 : i32
      %dma_start3A_1019 = tpu.memref_slice %arg4[%scan3A_767, %dma_start3A_1012, %add3A_1011, %dma_start3A_1017, %dma_start3A_1018] : memref<50x4x128x8x128xf32, #tpu.memory_space<hbm>> -> memref<1x1x1x8x128xf32, #tpu.memory_space<hbm>>
      %dma_start3A_1020 = tpu.memref_squeeze %dma_start3A_1019 : memref<1x1x1x8x128xf32, #tpu.memory_space<hbm>> -> memref<8x128xf32, #tpu.memory_space<hbm>>
      %dma_start3A_1021 = arith.constant 0 : i32
      %dma_start3A_1022 = arith.constant 0 : i32
      %dma_start3A_1023 = tpu.memref_slice %arg4[%scan3A_767, %dma_start3A_1012, %add3A_1011, %dma_start3A_1021, %dma_start3A_1022] : memref<50x4x128x8x128xf32, #tpu.memory_space<hbm>> -> memref<1x1x1x8x128xf32, #tpu.memory_space<hbm>>
      %dma_start3A_1024 = tpu.memref_squeeze %dma_start3A_1023 : memref<1x1x1x8x128xf32, #tpu.memory_space<hbm>> -> memref<8x128xf32, #tpu.memory_space<hbm>>
      %dma_start3A_1025 = arith.constant 16 : i32
      %dma_start3A_1026 = arith.constant 0 : i32
      %dma_start3A_1027 = tpu.memref_slice %arg7[%rem3A_769, %dma_start3A_1025, %dma_start3A_1026] : memref<2x32x512xf32, #tpu.memory_space<vmem>> -> memref<1x8x128xf32, #tpu.memory_space<vmem>>
      %dma_start3A_1028 = tpu.memref_squeeze %dma_start3A_1027 : memref<1x8x128xf32, #tpu.memory_space<vmem>> -> memref<8x128xf32, #tpu.memory_space<vmem>>
      tpu.enqueue_dma source(%dma_start3A_1028 : memref<8x128xf32, #tpu.memory_space<vmem>>) target(%dma_start3A_1024 : memref<8x128xf32, #tpu.memory_space<hbm>>) target_semaphore(%arg9 : memref<!tpu.dma_semaphore, #tpu.memory_space<semaphore_mem>>)
      %mul3A_1029 = arith.constant 4 : i32
      %mul3A_1030 = arith.muli %add3A, %mul3A_1029 : i32
      %add3A_1031 = arith.constant 1 : i32
      %add3A_1032 = arith.addi %mul3A_1030, %add3A_1031 : i32
      %dma_start3A_1033 = arith.constant 2 : i32
      %dma_start3A_1034 = arith.constant 16 : i32
      %dma_start3A_1035 = arith.constant 128 : i32
      %dma_start3A_1036 = tpu.memref_slice %arg7[%rem3A_769, %dma_start3A_1034, %dma_start3A_1035] : memref<2x32x512xf32, #tpu.memory_space<vmem>> -> memref<1x8x128xf32, #tpu.memory_space<vmem>>
      %dma_start3A_1037 = tpu.memref_squeeze %dma_start3A_1036 : memref<1x8x128xf32, #tpu.memory_space<vmem>> -> memref<8x128xf32, #tpu.memory_space<vmem>>
      %dma_start3A_1038 = arith.constant 0 : i32
      %dma_start3A_1039 = arith.constant 0 : i32
      %dma_start3A_1040 = tpu.memref_slice %arg4[%scan3A_767, %dma_start3A_1033, %add3A_1032, %dma_start3A_1038, %dma_start3A_1039] : memref<50x4x128x8x128xf32, #tpu.memory_space<hbm>> -> memref<1x1x1x8x128xf32, #tpu.memory_space<hbm>>
      %dma_start3A_1041 = tpu.memref_squeeze %dma_start3A_1040 : memref<1x1x1x8x128xf32, #tpu.memory_space<hbm>> -> memref<8x128xf32, #tpu.memory_space<hbm>>
      %dma_start3A_1042 = arith.constant 0 : i32
      %dma_start3A_1043 = arith.constant 0 : i32
      %dma_start3A_1044 = tpu.memref_slice %arg4[%scan3A_767, %dma_start3A_1033, %add3A_1032, %dma_start3A_1042, %dma_start3A_1043] : memref<50x4x128x8x128xf32, #tpu.memory_space<hbm>> -> memref<1x1x1x8x128xf32, #tpu.memory_space<hbm>>
      %dma_start3A_1045 = tpu.memref_squeeze %dma_start3A_1044 : memref<1x1x1x8x128xf32, #tpu.memory_space<hbm>> -> memref<8x128xf32, #tpu.memory_space<hbm>>
      %dma_start3A_1046 = arith.constant 16 : i32
      %dma_start3A_1047 = arith.constant 128 : i32
      %dma_start3A_1048 = tpu.memref_slice %arg7[%rem3A_769, %dma_start3A_1046, %dma_start3A_1047] : memref<2x32x512xf32, #tpu.memory_space<vmem>> -> memref<1x8x128xf32, #tpu.memory_space<vmem>>
      %dma_start3A_1049 = tpu.memref_squeeze %dma_start3A_1048 : memref<1x8x128xf32, #tpu.memory_space<vmem>> -> memref<8x128xf32, #tpu.memory_space<vmem>>
      tpu.enqueue_dma source(%dma_start3A_1049 : memref<8x128xf32, #tpu.memory_space<vmem>>) target(%dma_start3A_1045 : memref<8x128xf32, #tpu.memory_space<hbm>>) target_semaphore(%arg9 : memref<!tpu.dma_semaphore, #tpu.memory_space<semaphore_mem>>)
      %mul3A_1050 = arith.constant 4 : i32
      %mul3A_1051 = arith.muli %add3A, %mul3A_1050 : i32
      %add3A_1052 = arith.constant 2 : i32
      %add3A_1053 = arith.addi %mul3A_1051, %add3A_1052 : i32
      %dma_start3A_1054 = arith.constant 2 : i32
      %dma_start3A_1055 = arith.constant 16 : i32
      %dma_start3A_1056 = arith.constant 256 : i32
      %dma_start3A_1057 = tpu.memref_slice %arg7[%rem3A_769, %dma_start3A_1055, %dma_start3A_1056] : memref<2x32x512xf32, #tpu.memory_space<vmem>> -> memref<1x8x128xf32, #tpu.memory_space<vmem>>
      %dma_start3A_1058 = tpu.memref_squeeze %dma_start3A_1057 : memref<1x8x128xf32, #tpu.memory_space<vmem>> -> memref<8x128xf32, #tpu.memory_space<vmem>>
      %dma_start3A_1059 = arith.constant 0 : i32
      %dma_start3A_1060 = arith.constant 0 : i32
      %dma_start3A_1061 = tpu.memref_slice %arg4[%scan3A_767, %dma_start3A_1054, %add3A_1053, %dma_start3A_1059, %dma_start3A_1060] : memref<50x4x128x8x128xf32, #tpu.memory_space<hbm>> -> memref<1x1x1x8x128xf32, #tpu.memory_space<hbm>>
      %dma_start3A_1062 = tpu.memref_squeeze %dma_start3A_1061 : memref<1x1x1x8x128xf32, #tpu.memory_space<hbm>> -> memref<8x128xf32, #tpu.memory_space<hbm>>
      %dma_start3A_1063 = arith.constant 0 : i32
      %dma_start3A_1064 = arith.constant 0 : i32
      %dma_start3A_1065 = tpu.memref_slice %arg4[%scan3A_767, %dma_start3A_1054, %add3A_1053, %dma_start3A_1063, %dma_start3A_1064] : memref<50x4x128x8x128xf32, #tpu.memory_space<hbm>> -> memref<1x1x1x8x128xf32, #tpu.memory_space<hbm>>
      %dma_start3A_1066 = tpu.memref_squeeze %dma_start3A_1065 : memref<1x1x1x8x128xf32, #tpu.memory_space<hbm>> -> memref<8x128xf32, #tpu.memory_space<hbm>>
      %dma_start3A_1067 = arith.constant 16 : i32
      %dma_start3A_1068 = arith.constant 256 : i32
      %dma_start3A_1069 = tpu.memref_slice %arg7[%rem3A_769, %dma_start3A_1067, %dma_start3A_1068] : memref<2x32x512xf32, #tpu.memory_space<vmem>> -> memref<1x8x128xf32, #tpu.memory_space<vmem>>
      %dma_start3A_1070 = tpu.memref_squeeze %dma_start3A_1069 : memref<1x8x128xf32, #tpu.memory_space<vmem>> -> memref<8x128xf32, #tpu.memory_space<vmem>>
      tpu.enqueue_dma source(%dma_start3A_1070 : memref<8x128xf32, #tpu.memory_space<vmem>>) target(%dma_start3A_1066 : memref<8x128xf32, #tpu.memory_space<hbm>>) target_semaphore(%arg9 : memref<!tpu.dma_semaphore, #tpu.memory_space<semaphore_mem>>)
      %mul3A_1071 = arith.constant 4 : i32
      %mul3A_1072 = arith.muli %add3A, %mul3A_1071 : i32
      %add3A_1073 = arith.constant 3 : i32
      %add3A_1074 = arith.addi %mul3A_1072, %add3A_1073 : i32
      %dma_start3A_1075 = arith.constant 2 : i32
      %dma_start3A_1076 = arith.constant 16 : i32
      %dma_start3A_1077 = arith.constant 384 : i32
      %dma_start3A_1078 = tpu.memref_slice %arg7[%rem3A_769, %dma_start3A_1076, %dma_start3A_1077] : memref<2x32x512xf32, #tpu.memory_space<vmem>> -> memref<1x8x128xf32, #tpu.memory_space<vmem>>
      %dma_start3A_1079 = tpu.memref_squeeze %dma_start3A_1078 : memref<1x8x128xf32, #tpu.memory_space<vmem>> -> memref<8x128xf32, #tpu.memory_space<vmem>>
      %dma_start3A_1080 = arith.constant 0 : i32
      %dma_start3A_1081 = arith.constant 0 : i32
      %dma_start3A_1082 = tpu.memref_slice %arg4[%scan3A_767, %dma_start3A_1075, %add3A_1074, %dma_start3A_1080, %dma_start3A_1081] : memref<50x4x128x8x128xf32, #tpu.memory_space<hbm>> -> memref<1x1x1x8x128xf32, #tpu.memory_space<hbm>>
      %dma_start3A_1083 = tpu.memref_squeeze %dma_start3A_1082 : memref<1x1x1x8x128xf32, #tpu.memory_space<hbm>> -> memref<8x128xf32, #tpu.memory_space<hbm>>
      %dma_start3A_1084 = arith.constant 0 : i32
      %dma_start3A_1085 = arith.constant 0 : i32
      %dma_start3A_1086 = tpu.memref_slice %arg4[%scan3A_767, %dma_start3A_1075, %add3A_1074, %dma_start3A_1084, %dma_start3A_1085] : memref<50x4x128x8x128xf32, #tpu.memory_space<hbm>> -> memref<1x1x1x8x128xf32, #tpu.memory_space<hbm>>
      %dma_start3A_1087 = tpu.memref_squeeze %dma_start3A_1086 : memref<1x1x1x8x128xf32, #tpu.memory_space<hbm>> -> memref<8x128xf32, #tpu.memory_space<hbm>>
      %dma_start3A_1088 = arith.constant 16 : i32
      %dma_start3A_1089 = arith.constant 384 : i32
      %dma_start3A_1090 = tpu.memref_slice %arg7[%rem3A_769, %dma_start3A_1088, %dma_start3A_1089] : memref<2x32x512xf32, #tpu.memory_space<vmem>> -> memref<1x8x128xf32, #tpu.memory_space<vmem>>
      %dma_start3A_1091 = tpu.memref_squeeze %dma_start3A_1090 : memref<1x8x128xf32, #tpu.memory_space<vmem>> -> memref<8x128xf32, #tpu.memory_space<vmem>>
      tpu.enqueue_dma source(%dma_start3A_1091 : memref<8x128xf32, #tpu.memory_space<vmem>>) target(%dma_start3A_1087 : memref<8x128xf32, #tpu.memory_space<hbm>>) target_semaphore(%arg9 : memref<!tpu.dma_semaphore, #tpu.memory_space<semaphore_mem>>)
      %mul3A_1092 = arith.constant 4 : i32
      %mul3A_1093 = arith.muli %add3A, %mul3A_1092 : i32
      %add3A_1094 = arith.constant 0 : i32
      %add3A_1095 = arith.addi %mul3A_1093, %add3A_1094 : i32
      %dma_start3A_1096 = arith.constant 3 : i32
      %dma_start3A_1097 = arith.constant 24 : i32
      %dma_start3A_1098 = arith.constant 0 : i32
      %dma_start3A_1099 = tpu.memref_slice %arg7[%rem3A_769, %dma_start3A_1097, %dma_start3A_1098] : memref<2x32x512xf32, #tpu.memory_space<vmem>> -> memref<1x8x128xf32, #tpu.memory_space<vmem>>
      %dma_start3A_1100 = tpu.memref_squeeze %dma_start3A_1099 : memref<1x8x128xf32, #tpu.memory_space<vmem>> -> memref<8x128xf32, #tpu.memory_space<vmem>>
      %dma_start3A_1101 = arith.constant 0 : i32
      %dma_start3A_1102 = arith.constant 0 : i32
      %dma_start3A_1103 = tpu.memref_slice %arg4[%scan3A_767, %dma_start3A_1096, %add3A_1095, %dma_start3A_1101, %dma_start3A_1102] : memref<50x4x128x8x128xf32, #tpu.memory_space<hbm>> -> memref<1x1x1x8x128xf32, #tpu.memory_space<hbm>>
      %dma_start3A_1104 = tpu.memref_squeeze %dma_start3A_1103 : memref<1x1x1x8x128xf32, #tpu.memory_space<hbm>> -> memref<8x128xf32, #tpu.memory_space<hbm>>
      %dma_start3A_1105 = arith.constant 0 : i32
      %dma_start3A_1106 = arith.constant 0 : i32
      %dma_start3A_1107 = tpu.memref_slice %arg4[%scan3A_767, %dma_start3A_1096, %add3A_1095, %dma_start3A_1105, %dma_start3A_1106] : memref<50x4x128x8x128xf32, #tpu.memory_space<hbm>> -> memref<1x1x1x8x128xf32, #tpu.memory_space<hbm>>
      %dma_start3A_1108 = tpu.memref_squeeze %dma_start3A_1107 : memref<1x1x1x8x128xf32, #tpu.memory_space<hbm>> -> memref<8x128xf32, #tpu.memory_space<hbm>>
      %dma_start3A_1109 = arith.constant 24 : i32
      %dma_start3A_1110 = arith.constant 0 : i32
      %dma_start3A_1111 = tpu.memref_slice %arg7[%rem3A_769, %dma_start3A_1109, %dma_start3A_1110] : memref<2x32x512xf32, #tpu.memory_space<vmem>> -> memref<1x8x128xf32, #tpu.memory_space<vmem>>
      %dma_start3A_1112 = tpu.memref_squeeze %dma_start3A_1111 : memref<1x8x128xf32, #tpu.memory_space<vmem>> -> memref<8x128xf32, #tpu.memory_space<vmem>>
      tpu.enqueue_dma source(%dma_start3A_1112 : memref<8x128xf32, #tpu.memory_space<vmem>>) target(%dma_start3A_1108 : memref<8x128xf32, #tpu.memory_space<hbm>>) target_semaphore(%arg9 : memref<!tpu.dma_semaphore, #tpu.memory_space<semaphore_mem>>)
      %mul3A_1113 = arith.constant 4 : i32
      %mul3A_1114 = arith.muli %add3A, %mul3A_1113 : i32
      %add3A_1115 = arith.constant 1 : i32
      %add3A_1116 = arith.addi %mul3A_1114, %add3A_1115 : i32
      %dma_start3A_1117 = arith.constant 3 : i32
      %dma_start3A_1118 = arith.constant 24 : i32
      %dma_start3A_1119 = arith.constant 128 : i32
      %dma_start3A_1120 = tpu.memref_slice %arg7[%rem3A_769, %dma_start3A_1118, %dma_start3A_1119] : memref<2x32x512xf32, #tpu.memory_space<vmem>> -> memref<1x8x128xf32, #tpu.memory_space<vmem>>
      %dma_start3A_1121 = tpu.memref_squeeze %dma_start3A_1120 : memref<1x8x128xf32, #tpu.memory_space<vmem>> -> memref<8x128xf32, #tpu.memory_space<vmem>>
      %dma_start3A_1122 = arith.constant 0 : i32
      %dma_start3A_1123 = arith.constant 0 : i32
      %dma_start3A_1124 = tpu.memref_slice %arg4[%scan3A_767, %dma_start3A_1117, %add3A_1116, %dma_start3A_1122, %dma_start3A_1123] : memref<50x4x128x8x128xf32, #tpu.memory_space<hbm>> -> memref<1x1x1x8x128xf32, #tpu.memory_space<hbm>>
      %dma_start3A_1125 = tpu.memref_squeeze %dma_start3A_1124 : memref<1x1x1x8x128xf32, #tpu.memory_space<hbm>> -> memref<8x128xf32, #tpu.memory_space<hbm>>
      %dma_start3A_1126 = arith.constant 0 : i32
      %dma_start3A_1127 = arith.constant 0 : i32
      %dma_start3A_1128 = tpu.memref_slice %arg4[%scan3A_767, %dma_start3A_1117, %add3A_1116, %dma_start3A_1126, %dma_start3A_1127] : memref<50x4x128x8x128xf32, #tpu.memory_space<hbm>> -> memref<1x1x1x8x128xf32, #tpu.memory_space<hbm>>
      %dma_start3A_1129 = tpu.memref_squeeze %dma_start3A_1128 : memref<1x1x1x8x128xf32, #tpu.memory_space<hbm>> -> memref<8x128xf32, #tpu.memory_space<hbm>>
      %dma_start3A_1130 = arith.constant 24 : i32
      %dma_start3A_1131 = arith.constant 128 : i32
      %dma_start3A_1132 = tpu.memref_slice %arg7[%rem3A_769, %dma_start3A_1130, %dma_start3A_1131] : memref<2x32x512xf32, #tpu.memory_space<vmem>> -> memref<1x8x128xf32, #tpu.memory_space<vmem>>
      %dma_start3A_1133 = tpu.memref_squeeze %dma_start3A_1132 : memref<1x8x128xf32, #tpu.memory_space<vmem>> -> memref<8x128xf32, #tpu.memory_space<vmem>>
      tpu.enqueue_dma source(%dma_start3A_1133 : memref<8x128xf32, #tpu.memory_space<vmem>>) target(%dma_start3A_1129 : memref<8x128xf32, #tpu.memory_space<hbm>>) target_semaphore(%arg9 : memref<!tpu.dma_semaphore, #tpu.memory_space<semaphore_mem>>)
      %mul3A_1134 = arith.constant 4 : i32
      %mul3A_1135 = arith.muli %add3A, %mul3A_1134 : i32
      %add3A_1136 = arith.constant 2 : i32
      %add3A_1137 = arith.addi %mul3A_1135, %add3A_1136 : i32
      %dma_start3A_1138 = arith.constant 3 : i32
      %dma_start3A_1139 = arith.constant 24 : i32
      %dma_start3A_1140 = arith.constant 256 : i32
      %dma_start3A_1141 = tpu.memref_slice %arg7[%rem3A_769, %dma_start3A_1139, %dma_start3A_1140] : memref<2x32x512xf32, #tpu.memory_space<vmem>> -> memref<1x8x128xf32, #tpu.memory_space<vmem>>
      %dma_start3A_1142 = tpu.memref_squeeze %dma_start3A_1141 : memref<1x8x128xf32, #tpu.memory_space<vmem>> -> memref<8x128xf32, #tpu.memory_space<vmem>>
      %dma_start3A_1143 = arith.constant 0 : i32
      %dma_start3A_1144 = arith.constant 0 : i32
      %dma_start3A_1145 = tpu.memref_slice %arg4[%scan3A_767, %dma_start3A_1138, %add3A_1137, %dma_start3A_1143, %dma_start3A_1144] : memref<50x4x128x8x128xf32, #tpu.memory_space<hbm>> -> memref<1x1x1x8x128xf32, #tpu.memory_space<hbm>>
      %dma_start3A_1146 = tpu.memref_squeeze %dma_start3A_1145 : memref<1x1x1x8x128xf32, #tpu.memory_space<hbm>> -> memref<8x128xf32, #tpu.memory_space<hbm>>
      %dma_start3A_1147 = arith.constant 0 : i32
      %dma_start3A_1148 = arith.constant 0 : i32
      %dma_start3A_1149 = tpu.memref_slice %arg4[%scan3A_767, %dma_start3A_1138, %add3A_1137, %dma_start3A_1147, %dma_start3A_1148] : memref<50x4x128x8x128xf32, #tpu.memory_space<hbm>> -> memref<1x1x1x8x128xf32, #tpu.memory_space<hbm>>
      %dma_start3A_1150 = tpu.memref_squeeze %dma_start3A_1149 : memref<1x1x1x8x128xf32, #tpu.memory_space<hbm>> -> memref<8x128xf32, #tpu.memory_space<hbm>>
      %dma_start3A_1151 = arith.constant 24 : i32
      %dma_start3A_1152 = arith.constant 256 : i32
      %dma_start3A_1153 = tpu.memref_slice %arg7[%rem3A_769, %dma_start3A_1151, %dma_start3A_1152] : memref<2x32x512xf32, #tpu.memory_space<vmem>> -> memref<1x8x128xf32, #tpu.memory_space<vmem>>
      %dma_start3A_1154 = tpu.memref_squeeze %dma_start3A_1153 : memref<1x8x128xf32, #tpu.memory_space<vmem>> -> memref<8x128xf32, #tpu.memory_space<vmem>>
      tpu.enqueue_dma source(%dma_start3A_1154 : memref<8x128xf32, #tpu.memory_space<vmem>>) target(%dma_start3A_1150 : memref<8x128xf32, #tpu.memory_space<hbm>>) target_semaphore(%arg9 : memref<!tpu.dma_semaphore, #tpu.memory_space<semaphore_mem>>)
      %mul3A_1155 = arith.constant 4 : i32
      %mul3A_1156 = arith.muli %add3A, %mul3A_1155 : i32
      %add3A_1157 = arith.constant 3 : i32
      %add3A_1158 = arith.addi %mul3A_1156, %add3A_1157 : i32
      %dma_start3A_1159 = arith.constant 3 : i32
      %dma_start3A_1160 = arith.constant 24 : i32
      %dma_start3A_1161 = arith.constant 384 : i32
      %dma_start3A_1162 = tpu.memref_slice %arg7[%rem3A_769, %dma_start3A_1160, %dma_start3A_1161] : memref<2x32x512xf32, #tpu.memory_space<vmem>> -> memref<1x8x128xf32, #tpu.memory_space<vmem>>
      %dma_start3A_1163 = tpu.memref_squeeze %dma_start3A_1162 : memref<1x8x128xf32, #tpu.memory_space<vmem>> -> memref<8x128xf32, #tpu.memory_space<vmem>>
      %dma_start3A_1164 = arith.constant 0 : i32
      %dma_start3A_1165 = arith.constant 0 : i32
      %dma_start3A_1166 = tpu.memref_slice %arg4[%scan3A_767, %dma_start3A_1159, %add3A_1158, %dma_start3A_1164, %dma_start3A_1165] : memref<50x4x128x8x128xf32, #tpu.memory_space<hbm>> -> memref<1x1x1x8x128xf32, #tpu.memory_space<hbm>>
      %dma_start3A_1167 = tpu.memref_squeeze %dma_start3A_1166 : memref<1x1x1x8x128xf32, #tpu.memory_space<hbm>> -> memref<8x128xf32, #tpu.memory_space<hbm>>
      %dma_start3A_1168 = arith.constant 0 : i32
      %dma_start3A_1169 = arith.constant 0 : i32
      %dma_start3A_1170 = tpu.memref_slice %arg4[%scan3A_767, %dma_start3A_1159, %add3A_1158, %dma_start3A_1168, %dma_start3A_1169] : memref<50x4x128x8x128xf32, #tpu.memory_space<hbm>> -> memref<1x1x1x8x128xf32, #tpu.memory_space<hbm>>
      %dma_start3A_1171 = tpu.memref_squeeze %dma_start3A_1170 : memref<1x1x1x8x128xf32, #tpu.memory_space<hbm>> -> memref<8x128xf32, #tpu.memory_space<hbm>>
      %dma_start3A_1172 = arith.constant 24 : i32
      %dma_start3A_1173 = arith.constant 384 : i32
      %dma_start3A_1174 = tpu.memref_slice %arg7[%rem3A_769, %dma_start3A_1172, %dma_start3A_1173] : memref<2x32x512xf32, #tpu.memory_space<vmem>> -> memref<1x8x128xf32, #tpu.memory_space<vmem>>
      %dma_start3A_1175 = tpu.memref_squeeze %dma_start3A_1174 : memref<1x8x128xf32, #tpu.memory_space<vmem>> -> memref<8x128xf32, #tpu.memory_space<vmem>>
      tpu.enqueue_dma source(%dma_start3A_1175 : memref<8x128xf32, #tpu.memory_space<vmem>>) target(%dma_start3A_1171 : memref<8x128xf32, #tpu.memory_space<hbm>>) target_semaphore(%arg9 : memref<!tpu.dma_semaphore, #tpu.memory_space<semaphore_mem>>)
    }
    %scan3A_58 = arith.constant 50 : i32
    %rem3A = arith.constant 48 : i32
    %rem3A_59 = arith.constant 2 : i32
    %rem3A_60 = arith.remsi %rem3A, %rem3A_59 : i32
    %mul3A_61 = arith.constant 4 : i32
    %mul3A_62 = arith.muli %add3A, %mul3A_61 : i32
    %add3A_63 = arith.constant 0 : i32
    %add3A_64 = arith.addi %mul3A_62, %add3A_63 : i32
    %dma_wait3A = arith.constant 48 : i32
    %dma_wait3A_65 = arith.constant 0 : i32
    %dma_wait3A_66 = arith.constant 0 : i32
    %dma_wait3A_67 = arith.constant 0 : i32
    %dma_wait3A_68 = tpu.memref_slice %arg7[%rem3A_60, %dma_wait3A_66, %dma_wait3A_67] : memref<2x32x512xf32, #tpu.memory_space<vmem>> -> memref<1x8x128xf32, #tpu.memory_space<vmem>>
    %dma_wait3A_69 = tpu.memref_squeeze %dma_wait3A_68 : memref<1x8x128xf32, #tpu.memory_space<vmem>> -> memref<8x128xf32, #tpu.memory_space<vmem>>
    %dma_wait3A_70 = arith.constant 0 : i32
    %dma_wait3A_71 = arith.constant 0 : i32
    %dma_wait3A_72 = tpu.memref_slice %arg4[%dma_wait3A, %dma_wait3A_65, %add3A_64, %dma_wait3A_70, %dma_wait3A_71] : memref<50x4x128x8x128xf32, #tpu.memory_space<hbm>> -> memref<1x1x1x8x128xf32, #tpu.memory_space<hbm>>
    %dma_wait3A_73 = tpu.memref_squeeze %dma_wait3A_72 : memref<1x1x1x8x128xf32, #tpu.memory_space<hbm>> -> memref<8x128xf32, #tpu.memory_space<hbm>>
    %dma_wait3A_74 = arith.constant 0 : i32
    %dma_wait3A_75 = arith.constant 0 : i32
    %dma_wait3A_76 = tpu.memref_slice %arg4[%dma_wait3A, %dma_wait3A_65, %add3A_64, %dma_wait3A_74, %dma_wait3A_75] : memref<50x4x128x8x128xf32, #tpu.memory_space<hbm>> -> memref<1x1x1x8x128xf32, #tpu.memory_space<hbm>>
    %dma_wait3A_77 = tpu.memref_squeeze %dma_wait3A_76 : memref<1x1x1x8x128xf32, #tpu.memory_space<hbm>> -> memref<8x128xf32, #tpu.memory_space<hbm>>
    %dma_wait3A_78 = arith.constant 0 : i32
    %dma_wait3A_79 = arith.constant 0 : i32
    %dma_wait3A_80 = tpu.memref_slice %arg7[%rem3A_60, %dma_wait3A_78, %dma_wait3A_79] : memref<2x32x512xf32, #tpu.memory_space<vmem>> -> memref<1x8x128xf32, #tpu.memory_space<vmem>>
    %dma_wait3A_81 = tpu.memref_squeeze %dma_wait3A_80 : memref<1x8x128xf32, #tpu.memory_space<vmem>> -> memref<8x128xf32, #tpu.memory_space<vmem>>
    tpu.wait_dma2 semaphore(%arg9 : memref<!tpu.dma_semaphore, #tpu.memory_space<semaphore_mem>>) src(%dma_wait3A_81 : memref<8x128xf32, #tpu.memory_space<vmem>>) dst(%dma_wait3A_77 : memref<8x128xf32, #tpu.memory_space<hbm>>)
    %mul3A_82 = arith.constant 4 : i32
    %mul3A_83 = arith.muli %add3A, %mul3A_82 : i32
    %add3A_84 = arith.constant 1 : i32
    %add3A_85 = arith.addi %mul3A_83, %add3A_84 : i32
    %dma_wait3A_86 = arith.constant 48 : i32
    %dma_wait3A_87 = arith.constant 0 : i32
    %dma_wait3A_88 = arith.constant 0 : i32
    %dma_wait3A_89 = arith.constant 128 : i32
    %dma_wait3A_90 = tpu.memref_slice %arg7[%rem3A_60, %dma_wait3A_88, %dma_wait3A_89] : memref<2x32x512xf32, #tpu.memory_space<vmem>> -> memref<1x8x128xf32, #tpu.memory_space<vmem>>
    %dma_wait3A_91 = tpu.memref_squeeze %dma_wait3A_90 : memref<1x8x128xf32, #tpu.memory_space<vmem>> -> memref<8x128xf32, #tpu.memory_space<vmem>>
    %dma_wait3A_92 = arith.constant 0 : i32
    %dma_wait3A_93 = arith.constant 0 : i32
    %dma_wait3A_94 = tpu.memref_slice %arg4[%dma_wait3A_86, %dma_wait3A_87, %add3A_85, %dma_wait3A_92, %dma_wait3A_93] : memref<50x4x128x8x128xf32, #tpu.memory_space<hbm>> -> memref<1x1x1x8x128xf32, #tpu.memory_space<hbm>>
    %dma_wait3A_95 = tpu.memref_squeeze %dma_wait3A_94 : memref<1x1x1x8x128xf32, #tpu.memory_space<hbm>> -> memref<8x128xf32, #tpu.memory_space<hbm>>
    %dma_wait3A_96 = arith.constant 0 : i32
    %dma_wait3A_97 = arith.constant 0 : i32
    %dma_wait3A_98 = tpu.memref_slice %arg4[%dma_wait3A_86, %dma_wait3A_87, %add3A_85, %dma_wait3A_96, %dma_wait3A_97] : memref<50x4x128x8x128xf32, #tpu.memory_space<hbm>> -> memref<1x1x1x8x128xf32, #tpu.memory_space<hbm>>
    %dma_wait3A_99 = tpu.memref_squeeze %dma_wait3A_98 : memref<1x1x1x8x128xf32, #tpu.memory_space<hbm>> -> memref<8x128xf32, #tpu.memory_space<hbm>>
    %dma_wait3A_100 = arith.constant 0 : i32
    %dma_wait3A_101 = arith.constant 128 : i32
    %dma_wait3A_102 = tpu.memref_slice %arg7[%rem3A_60, %dma_wait3A_100, %dma_wait3A_101] : memref<2x32x512xf32, #tpu.memory_space<vmem>> -> memref<1x8x128xf32, #tpu.memory_space<vmem>>
    %dma_wait3A_103 = tpu.memref_squeeze %dma_wait3A_102 : memref<1x8x128xf32, #tpu.memory_space<vmem>> -> memref<8x128xf32, #tpu.memory_space<vmem>>
    tpu.wait_dma2 semaphore(%arg9 : memref<!tpu.dma_semaphore, #tpu.memory_space<semaphore_mem>>) src(%dma_wait3A_103 : memref<8x128xf32, #tpu.memory_space<vmem>>) dst(%dma_wait3A_99 : memref<8x128xf32, #tpu.memory_space<hbm>>)
    %mul3A_104 = arith.constant 4 : i32
    %mul3A_105 = arith.muli %add3A, %mul3A_104 : i32
    %add3A_106 = arith.constant 2 : i32
    %add3A_107 = arith.addi %mul3A_105, %add3A_106 : i32
    %dma_wait3A_108 = arith.constant 48 : i32
    %dma_wait3A_109 = arith.constant 0 : i32
    %dma_wait3A_110 = arith.constant 0 : i32
    %dma_wait3A_111 = arith.constant 256 : i32
    %dma_wait3A_112 = tpu.memref_slice %arg7[%rem3A_60, %dma_wait3A_110, %dma_wait3A_111] : memref<2x32x512xf32, #tpu.memory_space<vmem>> -> memref<1x8x128xf32, #tpu.memory_space<vmem>>
    %dma_wait3A_113 = tpu.memref_squeeze %dma_wait3A_112 : memref<1x8x128xf32, #tpu.memory_space<vmem>> -> memref<8x128xf32, #tpu.memory_space<vmem>>
    %dma_wait3A_114 = arith.constant 0 : i32
    %dma_wait3A_115 = arith.constant 0 : i32
    %dma_wait3A_116 = tpu.memref_slice %arg4[%dma_wait3A_108, %dma_wait3A_109, %add3A_107, %dma_wait3A_114, %dma_wait3A_115] : memref<50x4x128x8x128xf32, #tpu.memory_space<hbm>> -> memref<1x1x1x8x128xf32, #tpu.memory_space<hbm>>
    %dma_wait3A_117 = tpu.memref_squeeze %dma_wait3A_116 : memref<1x1x1x8x128xf32, #tpu.memory_space<hbm>> -> memref<8x128xf32, #tpu.memory_space<hbm>>
    %dma_wait3A_118 = arith.constant 0 : i32
    %dma_wait3A_119 = arith.constant 0 : i32
    %dma_wait3A_120 = tpu.memref_slice %arg4[%dma_wait3A_108, %dma_wait3A_109, %add3A_107, %dma_wait3A_118, %dma_wait3A_119] : memref<50x4x128x8x128xf32, #tpu.memory_space<hbm>> -> memref<1x1x1x8x128xf32, #tpu.memory_space<hbm>>
    %dma_wait3A_121 = tpu.memref_squeeze %dma_wait3A_120 : memref<1x1x1x8x128xf32, #tpu.memory_space<hbm>> -> memref<8x128xf32, #tpu.memory_space<hbm>>
    %dma_wait3A_122 = arith.constant 0 : i32
    %dma_wait3A_123 = arith.constant 256 : i32
    %dma_wait3A_124 = tpu.memref_slice %arg7[%rem3A_60, %dma_wait3A_122, %dma_wait3A_123] : memref<2x32x512xf32, #tpu.memory_space<vmem>> -> memref<1x8x128xf32, #tpu.memory_space<vmem>>
    %dma_wait3A_125 = tpu.memref_squeeze %dma_wait3A_124 : memref<1x8x128xf32, #tpu.memory_space<vmem>> -> memref<8x128xf32, #tpu.memory_space<vmem>>
    tpu.wait_dma2 semaphore(%arg9 : memref<!tpu.dma_semaphore, #tpu.memory_space<semaphore_mem>>) src(%dma_wait3A_125 : memref<8x128xf32, #tpu.memory_space<vmem>>) dst(%dma_wait3A_121 : memref<8x128xf32, #tpu.memory_space<hbm>>)
    %mul3A_126 = arith.constant 4 : i32
    %mul3A_127 = arith.muli %add3A, %mul3A_126 : i32
    %add3A_128 = arith.constant 3 : i32
    %add3A_129 = arith.addi %mul3A_127, %add3A_128 : i32
    %dma_wait3A_130 = arith.constant 48 : i32
    %dma_wait3A_131 = arith.constant 0 : i32
    %dma_wait3A_132 = arith.constant 0 : i32
    %dma_wait3A_133 = arith.constant 384 : i32
    %dma_wait3A_134 = tpu.memref_slice %arg7[%rem3A_60, %dma_wait3A_132, %dma_wait3A_133] : memref<2x32x512xf32, #tpu.memory_space<vmem>> -> memref<1x8x128xf32, #tpu.memory_space<vmem>>
    %dma_wait3A_135 = tpu.memref_squeeze %dma_wait3A_134 : memref<1x8x128xf32, #tpu.memory_space<vmem>> -> memref<8x128xf32, #tpu.memory_space<vmem>>
    %dma_wait3A_136 = arith.constant 0 : i32
    %dma_wait3A_137 = arith.constant 0 : i32
    %dma_wait3A_138 = tpu.memref_slice %arg4[%dma_wait3A_130, %dma_wait3A_131, %add3A_129, %dma_wait3A_136, %dma_wait3A_137] : memref<50x4x128x8x128xf32, #tpu.memory_space<hbm>> -> memref<1x1x1x8x128xf32, #tpu.memory_space<hbm>>
    %dma_wait3A_139 = tpu.memref_squeeze %dma_wait3A_138 : memref<1x1x1x8x128xf32, #tpu.memory_space<hbm>> -> memref<8x128xf32, #tpu.memory_space<hbm>>
    %dma_wait3A_140 = arith.constant 0 : i32
    %dma_wait3A_141 = arith.constant 0 : i32
    %dma_wait3A_142 = tpu.memref_slice %arg4[%dma_wait3A_130, %dma_wait3A_131, %add3A_129, %dma_wait3A_140, %dma_wait3A_141] : memref<50x4x128x8x128xf32, #tpu.memory_space<hbm>> -> memref<1x1x1x8x128xf32, #tpu.memory_space<hbm>>
    %dma_wait3A_143 = tpu.memref_squeeze %dma_wait3A_142 : memref<1x1x1x8x128xf32, #tpu.memory_space<hbm>> -> memref<8x128xf32, #tpu.memory_space<hbm>>
    %dma_wait3A_144 = arith.constant 0 : i32
    %dma_wait3A_145 = arith.constant 384 : i32
    %dma_wait3A_146 = tpu.memref_slice %arg7[%rem3A_60, %dma_wait3A_144, %dma_wait3A_145] : memref<2x32x512xf32, #tpu.memory_space<vmem>> -> memref<1x8x128xf32, #tpu.memory_space<vmem>>
    %dma_wait3A_147 = tpu.memref_squeeze %dma_wait3A_146 : memref<1x8x128xf32, #tpu.memory_space<vmem>> -> memref<8x128xf32, #tpu.memory_space<vmem>>
    tpu.wait_dma2 semaphore(%arg9 : memref<!tpu.dma_semaphore, #tpu.memory_space<semaphore_mem>>) src(%dma_wait3A_147 : memref<8x128xf32, #tpu.memory_space<vmem>>) dst(%dma_wait3A_143 : memref<8x128xf32, #tpu.memory_space<hbm>>)
    %mul3A_148 = arith.constant 4 : i32
    %mul3A_149 = arith.muli %add3A, %mul3A_148 : i32
    %add3A_150 = arith.constant 0 : i32
    %add3A_151 = arith.addi %mul3A_149, %add3A_150 : i32
    %dma_wait3A_152 = arith.constant 48 : i32
    %dma_wait3A_153 = arith.constant 1 : i32
    %dma_wait3A_154 = arith.constant 8 : i32
    %dma_wait3A_155 = arith.constant 0 : i32
    %dma_wait3A_156 = tpu.memref_slice %arg7[%rem3A_60, %dma_wait3A_154, %dma_wait3A_155] : memref<2x32x512xf32, #tpu.memory_space<vmem>> -> memref<1x8x128xf32, #tpu.memory_space<vmem>>
    %dma_wait3A_157 = tpu.memref_squeeze %dma_wait3A_156 : memref<1x8x128xf32, #tpu.memory_space<vmem>> -> memref<8x128xf32, #tpu.memory_space<vmem>>
    %dma_wait3A_158 = arith.constant 0 : i32
    %dma_wait3A_159 = arith.constant 0 : i32
    %dma_wait3A_160 = tpu.memref_slice %arg4[%dma_wait3A_152, %dma_wait3A_153, %add3A_151, %dma_wait3A_158, %dma_wait3A_159] : memref<50x4x128x8x128xf32, #tpu.memory_space<hbm>> -> memref<1x1x1x8x128xf32, #tpu.memory_space<hbm>>
    %dma_wait3A_161 = tpu.memref_squeeze %dma_wait3A_160 : memref<1x1x1x8x128xf32, #tpu.memory_space<hbm>> -> memref<8x128xf32, #tpu.memory_space<hbm>>
    %dma_wait3A_162 = arith.constant 0 : i32
    %dma_wait3A_163 = arith.constant 0 : i32
    %dma_wait3A_164 = tpu.memref_slice %arg4[%dma_wait3A_152, %dma_wait3A_153, %add3A_151, %dma_wait3A_162, %dma_wait3A_163] : memref<50x4x128x8x128xf32, #tpu.memory_space<hbm>> -> memref<1x1x1x8x128xf32, #tpu.memory_space<hbm>>
    %dma_wait3A_165 = tpu.memref_squeeze %dma_wait3A_164 : memref<1x1x1x8x128xf32, #tpu.memory_space<hbm>> -> memref<8x128xf32, #tpu.memory_space<hbm>>
    %dma_wait3A_166 = arith.constant 8 : i32
    %dma_wait3A_167 = arith.constant 0 : i32
    %dma_wait3A_168 = tpu.memref_slice %arg7[%rem3A_60, %dma_wait3A_166, %dma_wait3A_167] : memref<2x32x512xf32, #tpu.memory_space<vmem>> -> memref<1x8x128xf32, #tpu.memory_space<vmem>>
    %dma_wait3A_169 = tpu.memref_squeeze %dma_wait3A_168 : memref<1x8x128xf32, #tpu.memory_space<vmem>> -> memref<8x128xf32, #tpu.memory_space<vmem>>
    tpu.wait_dma2 semaphore(%arg9 : memref<!tpu.dma_semaphore, #tpu.memory_space<semaphore_mem>>) src(%dma_wait3A_169 : memref<8x128xf32, #tpu.memory_space<vmem>>) dst(%dma_wait3A_165 : memref<8x128xf32, #tpu.memory_space<hbm>>)
    %mul3A_170 = arith.constant 4 : i32
    %mul3A_171 = arith.muli %add3A, %mul3A_170 : i32
    %add3A_172 = arith.constant 1 : i32
    %add3A_173 = arith.addi %mul3A_171, %add3A_172 : i32
    %dma_wait3A_174 = arith.constant 48 : i32
    %dma_wait3A_175 = arith.constant 1 : i32
    %dma_wait3A_176 = arith.constant 8 : i32
    %dma_wait3A_177 = arith.constant 128 : i32
    %dma_wait3A_178 = tpu.memref_slice %arg7[%rem3A_60, %dma_wait3A_176, %dma_wait3A_177] : memref<2x32x512xf32, #tpu.memory_space<vmem>> -> memref<1x8x128xf32, #tpu.memory_space<vmem>>
    %dma_wait3A_179 = tpu.memref_squeeze %dma_wait3A_178 : memref<1x8x128xf32, #tpu.memory_space<vmem>> -> memref<8x128xf32, #tpu.memory_space<vmem>>
    %dma_wait3A_180 = arith.constant 0 : i32
    %dma_wait3A_181 = arith.constant 0 : i32
    %dma_wait3A_182 = tpu.memref_slice %arg4[%dma_wait3A_174, %dma_wait3A_175, %add3A_173, %dma_wait3A_180, %dma_wait3A_181] : memref<50x4x128x8x128xf32, #tpu.memory_space<hbm>> -> memref<1x1x1x8x128xf32, #tpu.memory_space<hbm>>
    %dma_wait3A_183 = tpu.memref_squeeze %dma_wait3A_182 : memref<1x1x1x8x128xf32, #tpu.memory_space<hbm>> -> memref<8x128xf32, #tpu.memory_space<hbm>>
    %dma_wait3A_184 = arith.constant 0 : i32
    %dma_wait3A_185 = arith.constant 0 : i32
    %dma_wait3A_186 = tpu.memref_slice %arg4[%dma_wait3A_174, %dma_wait3A_175, %add3A_173, %dma_wait3A_184, %dma_wait3A_185] : memref<50x4x128x8x128xf32, #tpu.memory_space<hbm>> -> memref<1x1x1x8x128xf32, #tpu.memory_space<hbm>>
    %dma_wait3A_187 = tpu.memref_squeeze %dma_wait3A_186 : memref<1x1x1x8x128xf32, #tpu.memory_space<hbm>> -> memref<8x128xf32, #tpu.memory_space<hbm>>
    %dma_wait3A_188 = arith.constant 8 : i32
    %dma_wait3A_189 = arith.constant 128 : i32
    %dma_wait3A_190 = tpu.memref_slice %arg7[%rem3A_60, %dma_wait3A_188, %dma_wait3A_189] : memref<2x32x512xf32, #tpu.memory_space<vmem>> -> memref<1x8x128xf32, #tpu.memory_space<vmem>>
    %dma_wait3A_191 = tpu.memref_squeeze %dma_wait3A_190 : memref<1x8x128xf32, #tpu.memory_space<vmem>> -> memref<8x128xf32, #tpu.memory_space<vmem>>
    tpu.wait_dma2 semaphore(%arg9 : memref<!tpu.dma_semaphore, #tpu.memory_space<semaphore_mem>>) src(%dma_wait3A_191 : memref<8x128xf32, #tpu.memory_space<vmem>>) dst(%dma_wait3A_187 : memref<8x128xf32, #tpu.memory_space<hbm>>)
    %mul3A_192 = arith.constant 4 : i32
    %mul3A_193 = arith.muli %add3A, %mul3A_192 : i32
    %add3A_194 = arith.constant 2 : i32
    %add3A_195 = arith.addi %mul3A_193, %add3A_194 : i32
    %dma_wait3A_196 = arith.constant 48 : i32
    %dma_wait3A_197 = arith.constant 1 : i32
    %dma_wait3A_198 = arith.constant 8 : i32
    %dma_wait3A_199 = arith.constant 256 : i32
    %dma_wait3A_200 = tpu.memref_slice %arg7[%rem3A_60, %dma_wait3A_198, %dma_wait3A_199] : memref<2x32x512xf32, #tpu.memory_space<vmem>> -> memref<1x8x128xf32, #tpu.memory_space<vmem>>
    %dma_wait3A_201 = tpu.memref_squeeze %dma_wait3A_200 : memref<1x8x128xf32, #tpu.memory_space<vmem>> -> memref<8x128xf32, #tpu.memory_space<vmem>>
    %dma_wait3A_202 = arith.constant 0 : i32
    %dma_wait3A_203 = arith.constant 0 : i32
    %dma_wait3A_204 = tpu.memref_slice %arg4[%dma_wait3A_196, %dma_wait3A_197, %add3A_195, %dma_wait3A_202, %dma_wait3A_203] : memref<50x4x128x8x128xf32, #tpu.memory_space<hbm>> -> memref<1x1x1x8x128xf32, #tpu.memory_space<hbm>>
    %dma_wait3A_205 = tpu.memref_squeeze %dma_wait3A_204 : memref<1x1x1x8x128xf32, #tpu.memory_space<hbm>> -> memref<8x128xf32, #tpu.memory_space<hbm>>
    %dma_wait3A_206 = arith.constant 0 : i32
    %dma_wait3A_207 = arith.constant 0 : i32
    %dma_wait3A_208 = tpu.memref_slice %arg4[%dma_wait3A_196, %dma_wait3A_197, %add3A_195, %dma_wait3A_206, %dma_wait3A_207] : memref<50x4x128x8x128xf32, #tpu.memory_space<hbm>> -> memref<1x1x1x8x128xf32, #tpu.memory_space<hbm>>
    %dma_wait3A_209 = tpu.memref_squeeze %dma_wait3A_208 : memref<1x1x1x8x128xf32, #tpu.memory_space<hbm>> -> memref<8x128xf32, #tpu.memory_space<hbm>>
    %dma_wait3A_210 = arith.constant 8 : i32
    %dma_wait3A_211 = arith.constant 256 : i32
    %dma_wait3A_212 = tpu.memref_slice %arg7[%rem3A_60, %dma_wait3A_210, %dma_wait3A_211] : memref<2x32x512xf32, #tpu.memory_space<vmem>> -> memref<1x8x128xf32, #tpu.memory_space<vmem>>
    %dma_wait3A_213 = tpu.memref_squeeze %dma_wait3A_212 : memref<1x8x128xf32, #tpu.memory_space<vmem>> -> memref<8x128xf32, #tpu.memory_space<vmem>>
    tpu.wait_dma2 semaphore(%arg9 : memref<!tpu.dma_semaphore, #tpu.memory_space<semaphore_mem>>) src(%dma_wait3A_213 : memref<8x128xf32, #tpu.memory_space<vmem>>) dst(%dma_wait3A_209 : memref<8x128xf32, #tpu.memory_space<hbm>>)
    %mul3A_214 = arith.constant 4 : i32
    %mul3A_215 = arith.muli %add3A, %mul3A_214 : i32
    %add3A_216 = arith.constant 3 : i32
    %add3A_217 = arith.addi %mul3A_215, %add3A_216 : i32
    %dma_wait3A_218 = arith.constant 48 : i32
    %dma_wait3A_219 = arith.constant 1 : i32
    %dma_wait3A_220 = arith.constant 8 : i32
    %dma_wait3A_221 = arith.constant 384 : i32
    %dma_wait3A_222 = tpu.memref_slice %arg7[%rem3A_60, %dma_wait3A_220, %dma_wait3A_221] : memref<2x32x512xf32, #tpu.memory_space<vmem>> -> memref<1x8x128xf32, #tpu.memory_space<vmem>>
    %dma_wait3A_223 = tpu.memref_squeeze %dma_wait3A_222 : memref<1x8x128xf32, #tpu.memory_space<vmem>> -> memref<8x128xf32, #tpu.memory_space<vmem>>
    %dma_wait3A_224 = arith.constant 0 : i32
    %dma_wait3A_225 = arith.constant 0 : i32
    %dma_wait3A_226 = tpu.memref_slice %arg4[%dma_wait3A_218, %dma_wait3A_219, %add3A_217, %dma_wait3A_224, %dma_wait3A_225] : memref<50x4x128x8x128xf32, #tpu.memory_space<hbm>> -> memref<1x1x1x8x128xf32, #tpu.memory_space<hbm>>
    %dma_wait3A_227 = tpu.memref_squeeze %dma_wait3A_226 : memref<1x1x1x8x128xf32, #tpu.memory_space<hbm>> -> memref<8x128xf32, #tpu.memory_space<hbm>>
    %dma_wait3A_228 = arith.constant 0 : i32
    %dma_wait3A_229 = arith.constant 0 : i32
    %dma_wait3A_230 = tpu.memref_slice %arg4[%dma_wait3A_218, %dma_wait3A_219, %add3A_217, %dma_wait3A_228, %dma_wait3A_229] : memref<50x4x128x8x128xf32, #tpu.memory_space<hbm>> -> memref<1x1x1x8x128xf32, #tpu.memory_space<hbm>>
    %dma_wait3A_231 = tpu.memref_squeeze %dma_wait3A_230 : memref<1x1x1x8x128xf32, #tpu.memory_space<hbm>> -> memref<8x128xf32, #tpu.memory_space<hbm>>
    %dma_wait3A_232 = arith.constant 8 : i32
    %dma_wait3A_233 = arith.constant 384 : i32
    %dma_wait3A_234 = tpu.memref_slice %arg7[%rem3A_60, %dma_wait3A_232, %dma_wait3A_233] : memref<2x32x512xf32, #tpu.memory_space<vmem>> -> memref<1x8x128xf32, #tpu.memory_space<vmem>>
    %dma_wait3A_235 = tpu.memref_squeeze %dma_wait3A_234 : memref<1x8x128xf32, #tpu.memory_space<vmem>> -> memref<8x128xf32, #tpu.memory_space<vmem>>
    tpu.wait_dma2 semaphore(%arg9 : memref<!tpu.dma_semaphore, #tpu.memory_space<semaphore_mem>>) src(%dma_wait3A_235 : memref<8x128xf32, #tpu.memory_space<vmem>>) dst(%dma_wait3A_231 : memref<8x128xf32, #tpu.memory_space<hbm>>)
    %mul3A_236 = arith.constant 4 : i32
    %mul3A_237 = arith.muli %add3A, %mul3A_236 : i32
    %add3A_238 = arith.constant 0 : i32
    %add3A_239 = arith.addi %mul3A_237, %add3A_238 : i32
    %dma_wait3A_240 = arith.constant 48 : i32
    %dma_wait3A_241 = arith.constant 2 : i32
    %dma_wait3A_242 = arith.constant 16 : i32
    %dma_wait3A_243 = arith.constant 0 : i32
    %dma_wait3A_244 = tpu.memref_slice %arg7[%rem3A_60, %dma_wait3A_242, %dma_wait3A_243] : memref<2x32x512xf32, #tpu.memory_space<vmem>> -> memref<1x8x128xf32, #tpu.memory_space<vmem>>
    %dma_wait3A_245 = tpu.memref_squeeze %dma_wait3A_244 : memref<1x8x128xf32, #tpu.memory_space<vmem>> -> memref<8x128xf32, #tpu.memory_space<vmem>>
    %dma_wait3A_246 = arith.constant 0 : i32
    %dma_wait3A_247 = arith.constant 0 : i32
    %dma_wait3A_248 = tpu.memref_slice %arg4[%dma_wait3A_240, %dma_wait3A_241, %add3A_239, %dma_wait3A_246, %dma_wait3A_247] : memref<50x4x128x8x128xf32, #tpu.memory_space<hbm>> -> memref<1x1x1x8x128xf32, #tpu.memory_space<hbm>>
    %dma_wait3A_249 = tpu.memref_squeeze %dma_wait3A_248 : memref<1x1x1x8x128xf32, #tpu.memory_space<hbm>> -> memref<8x128xf32, #tpu.memory_space<hbm>>
    %dma_wait3A_250 = arith.constant 0 : i32
    %dma_wait3A_251 = arith.constant 0 : i32
    %dma_wait3A_252 = tpu.memref_slice %arg4[%dma_wait3A_240, %dma_wait3A_241, %add3A_239, %dma_wait3A_250, %dma_wait3A_251] : memref<50x4x128x8x128xf32, #tpu.memory_space<hbm>> -> memref<1x1x1x8x128xf32, #tpu.memory_space<hbm>>
    %dma_wait3A_253 = tpu.memref_squeeze %dma_wait3A_252 : memref<1x1x1x8x128xf32, #tpu.memory_space<hbm>> -> memref<8x128xf32, #tpu.memory_space<hbm>>
    %dma_wait3A_254 = arith.constant 16 : i32
    %dma_wait3A_255 = arith.constant 0 : i32
    %dma_wait3A_256 = tpu.memref_slice %arg7[%rem3A_60, %dma_wait3A_254, %dma_wait3A_255] : memref<2x32x512xf32, #tpu.memory_space<vmem>> -> memref<1x8x128xf32, #tpu.memory_space<vmem>>
    %dma_wait3A_257 = tpu.memref_squeeze %dma_wait3A_256 : memref<1x8x128xf32, #tpu.memory_space<vmem>> -> memref<8x128xf32, #tpu.memory_space<vmem>>
    tpu.wait_dma2 semaphore(%arg9 : memref<!tpu.dma_semaphore, #tpu.memory_space<semaphore_mem>>) src(%dma_wait3A_257 : memref<8x128xf32, #tpu.memory_space<vmem>>) dst(%dma_wait3A_253 : memref<8x128xf32, #tpu.memory_space<hbm>>)
    %mul3A_258 = arith.constant 4 : i32
    %mul3A_259 = arith.muli %add3A, %mul3A_258 : i32
    %add3A_260 = arith.constant 1 : i32
    %add3A_261 = arith.addi %mul3A_259, %add3A_260 : i32
    %dma_wait3A_262 = arith.constant 48 : i32
    %dma_wait3A_263 = arith.constant 2 : i32
    %dma_wait3A_264 = arith.constant 16 : i32
    %dma_wait3A_265 = arith.constant 128 : i32
    %dma_wait3A_266 = tpu.memref_slice %arg7[%rem3A_60, %dma_wait3A_264, %dma_wait3A_265] : memref<2x32x512xf32, #tpu.memory_space<vmem>> -> memref<1x8x128xf32, #tpu.memory_space<vmem>>
    %dma_wait3A_267 = tpu.memref_squeeze %dma_wait3A_266 : memref<1x8x128xf32, #tpu.memory_space<vmem>> -> memref<8x128xf32, #tpu.memory_space<vmem>>
    %dma_wait3A_268 = arith.constant 0 : i32
    %dma_wait3A_269 = arith.constant 0 : i32
    %dma_wait3A_270 = tpu.memref_slice %arg4[%dma_wait3A_262, %dma_wait3A_263, %add3A_261, %dma_wait3A_268, %dma_wait3A_269] : memref<50x4x128x8x128xf32, #tpu.memory_space<hbm>> -> memref<1x1x1x8x128xf32, #tpu.memory_space<hbm>>
    %dma_wait3A_271 = tpu.memref_squeeze %dma_wait3A_270 : memref<1x1x1x8x128xf32, #tpu.memory_space<hbm>> -> memref<8x128xf32, #tpu.memory_space<hbm>>
    %dma_wait3A_272 = arith.constant 0 : i32
    %dma_wait3A_273 = arith.constant 0 : i32
    %dma_wait3A_274 = tpu.memref_slice %arg4[%dma_wait3A_262, %dma_wait3A_263, %add3A_261, %dma_wait3A_272, %dma_wait3A_273] : memref<50x4x128x8x128xf32, #tpu.memory_space<hbm>> -> memref<1x1x1x8x128xf32, #tpu.memory_space<hbm>>
    %dma_wait3A_275 = tpu.memref_squeeze %dma_wait3A_274 : memref<1x1x1x8x128xf32, #tpu.memory_space<hbm>> -> memref<8x128xf32, #tpu.memory_space<hbm>>
    %dma_wait3A_276 = arith.constant 16 : i32
    %dma_wait3A_277 = arith.constant 128 : i32
    %dma_wait3A_278 = tpu.memref_slice %arg7[%rem3A_60, %dma_wait3A_276, %dma_wait3A_277] : memref<2x32x512xf32, #tpu.memory_space<vmem>> -> memref<1x8x128xf32, #tpu.memory_space<vmem>>
    %dma_wait3A_279 = tpu.memref_squeeze %dma_wait3A_278 : memref<1x8x128xf32, #tpu.memory_space<vmem>> -> memref<8x128xf32, #tpu.memory_space<vmem>>
    tpu.wait_dma2 semaphore(%arg9 : memref<!tpu.dma_semaphore, #tpu.memory_space<semaphore_mem>>) src(%dma_wait3A_279 : memref<8x128xf32, #tpu.memory_space<vmem>>) dst(%dma_wait3A_275 : memref<8x128xf32, #tpu.memory_space<hbm>>)
    %mul3A_280 = arith.constant 4 : i32
    %mul3A_281 = arith.muli %add3A, %mul3A_280 : i32
    %add3A_282 = arith.constant 2 : i32
    %add3A_283 = arith.addi %mul3A_281, %add3A_282 : i32
    %dma_wait3A_284 = arith.constant 48 : i32
    %dma_wait3A_285 = arith.constant 2 : i32
    %dma_wait3A_286 = arith.constant 16 : i32
    %dma_wait3A_287 = arith.constant 256 : i32
    %dma_wait3A_288 = tpu.memref_slice %arg7[%rem3A_60, %dma_wait3A_286, %dma_wait3A_287] : memref<2x32x512xf32, #tpu.memory_space<vmem>> -> memref<1x8x128xf32, #tpu.memory_space<vmem>>
    %dma_wait3A_289 = tpu.memref_squeeze %dma_wait3A_288 : memref<1x8x128xf32, #tpu.memory_space<vmem>> -> memref<8x128xf32, #tpu.memory_space<vmem>>
    %dma_wait3A_290 = arith.constant 0 : i32
    %dma_wait3A_291 = arith.constant 0 : i32
    %dma_wait3A_292 = tpu.memref_slice %arg4[%dma_wait3A_284, %dma_wait3A_285, %add3A_283, %dma_wait3A_290, %dma_wait3A_291] : memref<50x4x128x8x128xf32, #tpu.memory_space<hbm>> -> memref<1x1x1x8x128xf32, #tpu.memory_space<hbm>>
    %dma_wait3A_293 = tpu.memref_squeeze %dma_wait3A_292 : memref<1x1x1x8x128xf32, #tpu.memory_space<hbm>> -> memref<8x128xf32, #tpu.memory_space<hbm>>
    %dma_wait3A_294 = arith.constant 0 : i32
    %dma_wait3A_295 = arith.constant 0 : i32
    %dma_wait3A_296 = tpu.memref_slice %arg4[%dma_wait3A_284, %dma_wait3A_285, %add3A_283, %dma_wait3A_294, %dma_wait3A_295] : memref<50x4x128x8x128xf32, #tpu.memory_space<hbm>> -> memref<1x1x1x8x128xf32, #tpu.memory_space<hbm>>
    %dma_wait3A_297 = tpu.memref_squeeze %dma_wait3A_296 : memref<1x1x1x8x128xf32, #tpu.memory_space<hbm>> -> memref<8x128xf32, #tpu.memory_space<hbm>>
    %dma_wait3A_298 = arith.constant 16 : i32
    %dma_wait3A_299 = arith.constant 256 : i32
    %dma_wait3A_300 = tpu.memref_slice %arg7[%rem3A_60, %dma_wait3A_298, %dma_wait3A_299] : memref<2x32x512xf32, #tpu.memory_space<vmem>> -> memref<1x8x128xf32, #tpu.memory_space<vmem>>
    %dma_wait3A_301 = tpu.memref_squeeze %dma_wait3A_300 : memref<1x8x128xf32, #tpu.memory_space<vmem>> -> memref<8x128xf32, #tpu.memory_space<vmem>>
    tpu.wait_dma2 semaphore(%arg9 : memref<!tpu.dma_semaphore, #tpu.memory_space<semaphore_mem>>) src(%dma_wait3A_301 : memref<8x128xf32, #tpu.memory_space<vmem>>) dst(%dma_wait3A_297 : memref<8x128xf32, #tpu.memory_space<hbm>>)
    %mul3A_302 = arith.constant 4 : i32
    %mul3A_303 = arith.muli %add3A, %mul3A_302 : i32
    %add3A_304 = arith.constant 3 : i32
    %add3A_305 = arith.addi %mul3A_303, %add3A_304 : i32
    %dma_wait3A_306 = arith.constant 48 : i32
    %dma_wait3A_307 = arith.constant 2 : i32
    %dma_wait3A_308 = arith.constant 16 : i32
    %dma_wait3A_309 = arith.constant 384 : i32
    %dma_wait3A_310 = tpu.memref_slice %arg7[%rem3A_60, %dma_wait3A_308, %dma_wait3A_309] : memref<2x32x512xf32, #tpu.memory_space<vmem>> -> memref<1x8x128xf32, #tpu.memory_space<vmem>>
    %dma_wait3A_311 = tpu.memref_squeeze %dma_wait3A_310 : memref<1x8x128xf32, #tpu.memory_space<vmem>> -> memref<8x128xf32, #tpu.memory_space<vmem>>
    %dma_wait3A_312 = arith.constant 0 : i32
    %dma_wait3A_313 = arith.constant 0 : i32
    %dma_wait3A_314 = tpu.memref_slice %arg4[%dma_wait3A_306, %dma_wait3A_307, %add3A_305, %dma_wait3A_312, %dma_wait3A_313] : memref<50x4x128x8x128xf32, #tpu.memory_space<hbm>> -> memref<1x1x1x8x128xf32, #tpu.memory_space<hbm>>
    %dma_wait3A_315 = tpu.memref_squeeze %dma_wait3A_314 : memref<1x1x1x8x128xf32, #tpu.memory_space<hbm>> -> memref<8x128xf32, #tpu.memory_space<hbm>>
    %dma_wait3A_316 = arith.constant 0 : i32
    %dma_wait3A_317 = arith.constant 0 : i32
    %dma_wait3A_318 = tpu.memref_slice %arg4[%dma_wait3A_306, %dma_wait3A_307, %add3A_305, %dma_wait3A_316, %dma_wait3A_317] : memref<50x4x128x8x128xf32, #tpu.memory_space<hbm>> -> memref<1x1x1x8x128xf32, #tpu.memory_space<hbm>>
    %dma_wait3A_319 = tpu.memref_squeeze %dma_wait3A_318 : memref<1x1x1x8x128xf32, #tpu.memory_space<hbm>> -> memref<8x128xf32, #tpu.memory_space<hbm>>
    %dma_wait3A_320 = arith.constant 16 : i32
    %dma_wait3A_321 = arith.constant 384 : i32
    %dma_wait3A_322 = tpu.memref_slice %arg7[%rem3A_60, %dma_wait3A_320, %dma_wait3A_321] : memref<2x32x512xf32, #tpu.memory_space<vmem>> -> memref<1x8x128xf32, #tpu.memory_space<vmem>>
    %dma_wait3A_323 = tpu.memref_squeeze %dma_wait3A_322 : memref<1x8x128xf32, #tpu.memory_space<vmem>> -> memref<8x128xf32, #tpu.memory_space<vmem>>
    tpu.wait_dma2 semaphore(%arg9 : memref<!tpu.dma_semaphore, #tpu.memory_space<semaphore_mem>>) src(%dma_wait3A_323 : memref<8x128xf32, #tpu.memory_space<vmem>>) dst(%dma_wait3A_319 : memref<8x128xf32, #tpu.memory_space<hbm>>)
    %mul3A_324 = arith.constant 4 : i32
    %mul3A_325 = arith.muli %add3A, %mul3A_324 : i32
    %add3A_326 = arith.constant 0 : i32
    %add3A_327 = arith.addi %mul3A_325, %add3A_326 : i32
    %dma_wait3A_328 = arith.constant 48 : i32
    %dma_wait3A_329 = arith.constant 3 : i32
    %dma_wait3A_330 = arith.constant 24 : i32
    %dma_wait3A_331 = arith.constant 0 : i32
    %dma_wait3A_332 = tpu.memref_slice %arg7[%rem3A_60, %dma_wait3A_330, %dma_wait3A_331] : memref<2x32x512xf32, #tpu.memory_space<vmem>> -> memref<1x8x128xf32, #tpu.memory_space<vmem>>
    %dma_wait3A_333 = tpu.memref_squeeze %dma_wait3A_332 : memref<1x8x128xf32, #tpu.memory_space<vmem>> -> memref<8x128xf32, #tpu.memory_space<vmem>>
    %dma_wait3A_334 = arith.constant 0 : i32
    %dma_wait3A_335 = arith.constant 0 : i32
    %dma_wait3A_336 = tpu.memref_slice %arg4[%dma_wait3A_328, %dma_wait3A_329, %add3A_327, %dma_wait3A_334, %dma_wait3A_335] : memref<50x4x128x8x128xf32, #tpu.memory_space<hbm>> -> memref<1x1x1x8x128xf32, #tpu.memory_space<hbm>>
    %dma_wait3A_337 = tpu.memref_squeeze %dma_wait3A_336 : memref<1x1x1x8x128xf32, #tpu.memory_space<hbm>> -> memref<8x128xf32, #tpu.memory_space<hbm>>
    %dma_wait3A_338 = arith.constant 0 : i32
    %dma_wait3A_339 = arith.constant 0 : i32
    %dma_wait3A_340 = tpu.memref_slice %arg4[%dma_wait3A_328, %dma_wait3A_329, %add3A_327, %dma_wait3A_338, %dma_wait3A_339] : memref<50x4x128x8x128xf32, #tpu.memory_space<hbm>> -> memref<1x1x1x8x128xf32, #tpu.memory_space<hbm>>
    %dma_wait3A_341 = tpu.memref_squeeze %dma_wait3A_340 : memref<1x1x1x8x128xf32, #tpu.memory_space<hbm>> -> memref<8x128xf32, #tpu.memory_space<hbm>>
    %dma_wait3A_342 = arith.constant 24 : i32
    %dma_wait3A_343 = arith.constant 0 : i32
    %dma_wait3A_344 = tpu.memref_slice %arg7[%rem3A_60, %dma_wait3A_342, %dma_wait3A_343] : memref<2x32x512xf32, #tpu.memory_space<vmem>> -> memref<1x8x128xf32, #tpu.memory_space<vmem>>
    %dma_wait3A_345 = tpu.memref_squeeze %dma_wait3A_344 : memref<1x8x128xf32, #tpu.memory_space<vmem>> -> memref<8x128xf32, #tpu.memory_space<vmem>>
    tpu.wait_dma2 semaphore(%arg9 : memref<!tpu.dma_semaphore, #tpu.memory_space<semaphore_mem>>) src(%dma_wait3A_345 : memref<8x128xf32, #tpu.memory_space<vmem>>) dst(%dma_wait3A_341 : memref<8x128xf32, #tpu.memory_space<hbm>>)
    %mul3A_346 = arith.constant 4 : i32
    %mul3A_347 = arith.muli %add3A, %mul3A_346 : i32
    %add3A_348 = arith.constant 1 : i32
    %add3A_349 = arith.addi %mul3A_347, %add3A_348 : i32
    %dma_wait3A_350 = arith.constant 48 : i32
    %dma_wait3A_351 = arith.constant 3 : i32
    %dma_wait3A_352 = arith.constant 24 : i32
    %dma_wait3A_353 = arith.constant 128 : i32
    %dma_wait3A_354 = tpu.memref_slice %arg7[%rem3A_60, %dma_wait3A_352, %dma_wait3A_353] : memref<2x32x512xf32, #tpu.memory_space<vmem>> -> memref<1x8x128xf32, #tpu.memory_space<vmem>>
    %dma_wait3A_355 = tpu.memref_squeeze %dma_wait3A_354 : memref<1x8x128xf32, #tpu.memory_space<vmem>> -> memref<8x128xf32, #tpu.memory_space<vmem>>
    %dma_wait3A_356 = arith.constant 0 : i32
    %dma_wait3A_357 = arith.constant 0 : i32
    %dma_wait3A_358 = tpu.memref_slice %arg4[%dma_wait3A_350, %dma_wait3A_351, %add3A_349, %dma_wait3A_356, %dma_wait3A_357] : memref<50x4x128x8x128xf32, #tpu.memory_space<hbm>> -> memref<1x1x1x8x128xf32, #tpu.memory_space<hbm>>
    %dma_wait3A_359 = tpu.memref_squeeze %dma_wait3A_358 : memref<1x1x1x8x128xf32, #tpu.memory_space<hbm>> -> memref<8x128xf32, #tpu.memory_space<hbm>>
    %dma_wait3A_360 = arith.constant 0 : i32
    %dma_wait3A_361 = arith.constant 0 : i32
    %dma_wait3A_362 = tpu.memref_slice %arg4[%dma_wait3A_350, %dma_wait3A_351, %add3A_349, %dma_wait3A_360, %dma_wait3A_361] : memref<50x4x128x8x128xf32, #tpu.memory_space<hbm>> -> memref<1x1x1x8x128xf32, #tpu.memory_space<hbm>>
    %dma_wait3A_363 = tpu.memref_squeeze %dma_wait3A_362 : memref<1x1x1x8x128xf32, #tpu.memory_space<hbm>> -> memref<8x128xf32, #tpu.memory_space<hbm>>
    %dma_wait3A_364 = arith.constant 24 : i32
    %dma_wait3A_365 = arith.constant 128 : i32
    %dma_wait3A_366 = tpu.memref_slice %arg7[%rem3A_60, %dma_wait3A_364, %dma_wait3A_365] : memref<2x32x512xf32, #tpu.memory_space<vmem>> -> memref<1x8x128xf32, #tpu.memory_space<vmem>>
    %dma_wait3A_367 = tpu.memref_squeeze %dma_wait3A_366 : memref<1x8x128xf32, #tpu.memory_space<vmem>> -> memref<8x128xf32, #tpu.memory_space<vmem>>
    tpu.wait_dma2 semaphore(%arg9 : memref<!tpu.dma_semaphore, #tpu.memory_space<semaphore_mem>>) src(%dma_wait3A_367 : memref<8x128xf32, #tpu.memory_space<vmem>>) dst(%dma_wait3A_363 : memref<8x128xf32, #tpu.memory_space<hbm>>)
    %mul3A_368 = arith.constant 4 : i32
    %mul3A_369 = arith.muli %add3A, %mul3A_368 : i32
    %add3A_370 = arith.constant 2 : i32
    %add3A_371 = arith.addi %mul3A_369, %add3A_370 : i32
    %dma_wait3A_372 = arith.constant 48 : i32
    %dma_wait3A_373 = arith.constant 3 : i32
    %dma_wait3A_374 = arith.constant 24 : i32
    %dma_wait3A_375 = arith.constant 256 : i32
    %dma_wait3A_376 = tpu.memref_slice %arg7[%rem3A_60, %dma_wait3A_374, %dma_wait3A_375] : memref<2x32x512xf32, #tpu.memory_space<vmem>> -> memref<1x8x128xf32, #tpu.memory_space<vmem>>
    %dma_wait3A_377 = tpu.memref_squeeze %dma_wait3A_376 : memref<1x8x128xf32, #tpu.memory_space<vmem>> -> memref<8x128xf32, #tpu.memory_space<vmem>>
    %dma_wait3A_378 = arith.constant 0 : i32
    %dma_wait3A_379 = arith.constant 0 : i32
    %dma_wait3A_380 = tpu.memref_slice %arg4[%dma_wait3A_372, %dma_wait3A_373, %add3A_371, %dma_wait3A_378, %dma_wait3A_379] : memref<50x4x128x8x128xf32, #tpu.memory_space<hbm>> -> memref<1x1x1x8x128xf32, #tpu.memory_space<hbm>>
    %dma_wait3A_381 = tpu.memref_squeeze %dma_wait3A_380 : memref<1x1x1x8x128xf32, #tpu.memory_space<hbm>> -> memref<8x128xf32, #tpu.memory_space<hbm>>
    %dma_wait3A_382 = arith.constant 0 : i32
    %dma_wait3A_383 = arith.constant 0 : i32
    %dma_wait3A_384 = tpu.memref_slice %arg4[%dma_wait3A_372, %dma_wait3A_373, %add3A_371, %dma_wait3A_382, %dma_wait3A_383] : memref<50x4x128x8x128xf32, #tpu.memory_space<hbm>> -> memref<1x1x1x8x128xf32, #tpu.memory_space<hbm>>
    %dma_wait3A_385 = tpu.memref_squeeze %dma_wait3A_384 : memref<1x1x1x8x128xf32, #tpu.memory_space<hbm>> -> memref<8x128xf32, #tpu.memory_space<hbm>>
    %dma_wait3A_386 = arith.constant 24 : i32
    %dma_wait3A_387 = arith.constant 256 : i32
    %dma_wait3A_388 = tpu.memref_slice %arg7[%rem3A_60, %dma_wait3A_386, %dma_wait3A_387] : memref<2x32x512xf32, #tpu.memory_space<vmem>> -> memref<1x8x128xf32, #tpu.memory_space<vmem>>
    %dma_wait3A_389 = tpu.memref_squeeze %dma_wait3A_388 : memref<1x8x128xf32, #tpu.memory_space<vmem>> -> memref<8x128xf32, #tpu.memory_space<vmem>>
    tpu.wait_dma2 semaphore(%arg9 : memref<!tpu.dma_semaphore, #tpu.memory_space<semaphore_mem>>) src(%dma_wait3A_389 : memref<8x128xf32, #tpu.memory_space<vmem>>) dst(%dma_wait3A_385 : memref<8x128xf32, #tpu.memory_space<hbm>>)
    %mul3A_390 = arith.constant 4 : i32
    %mul3A_391 = arith.muli %add3A, %mul3A_390 : i32
    %add3A_392 = arith.constant 3 : i32
    %add3A_393 = arith.addi %mul3A_391, %add3A_392 : i32
    %dma_wait3A_394 = arith.constant 48 : i32
    %dma_wait3A_395 = arith.constant 3 : i32
    %dma_wait3A_396 = arith.constant 24 : i32
    %dma_wait3A_397 = arith.constant 384 : i32
    %dma_wait3A_398 = tpu.memref_slice %arg7[%rem3A_60, %dma_wait3A_396, %dma_wait3A_397] : memref<2x32x512xf32, #tpu.memory_space<vmem>> -> memref<1x8x128xf32, #tpu.memory_space<vmem>>
    %dma_wait3A_399 = tpu.memref_squeeze %dma_wait3A_398 : memref<1x8x128xf32, #tpu.memory_space<vmem>> -> memref<8x128xf32, #tpu.memory_space<vmem>>
    %dma_wait3A_400 = arith.constant 0 : i32
    %dma_wait3A_401 = arith.constant 0 : i32
    %dma_wait3A_402 = tpu.memref_slice %arg4[%dma_wait3A_394, %dma_wait3A_395, %add3A_393, %dma_wait3A_400, %dma_wait3A_401] : memref<50x4x128x8x128xf32, #tpu.memory_space<hbm>> -> memref<1x1x1x8x128xf32, #tpu.memory_space<hbm>>
    %dma_wait3A_403 = tpu.memref_squeeze %dma_wait3A_402 : memref<1x1x1x8x128xf32, #tpu.memory_space<hbm>> -> memref<8x128xf32, #tpu.memory_space<hbm>>
    %dma_wait3A_404 = arith.constant 0 : i32
    %dma_wait3A_405 = arith.constant 0 : i32
    %dma_wait3A_406 = tpu.memref_slice %arg4[%dma_wait3A_394, %dma_wait3A_395, %add3A_393, %dma_wait3A_404, %dma_wait3A_405] : memref<50x4x128x8x128xf32, #tpu.memory_space<hbm>> -> memref<1x1x1x8x128xf32, #tpu.memory_space<hbm>>
    %dma_wait3A_407 = tpu.memref_squeeze %dma_wait3A_406 : memref<1x1x1x8x128xf32, #tpu.memory_space<hbm>> -> memref<8x128xf32, #tpu.memory_space<hbm>>
    %dma_wait3A_408 = arith.constant 24 : i32
    %dma_wait3A_409 = arith.constant 384 : i32
    %dma_wait3A_410 = tpu.memref_slice %arg7[%rem3A_60, %dma_wait3A_408, %dma_wait3A_409] : memref<2x32x512xf32, #tpu.memory_space<vmem>> -> memref<1x8x128xf32, #tpu.memory_space<vmem>>
    %dma_wait3A_411 = tpu.memref_squeeze %dma_wait3A_410 : memref<1x8x128xf32, #tpu.memory_space<vmem>> -> memref<8x128xf32, #tpu.memory_space<vmem>>
    tpu.wait_dma2 semaphore(%arg9 : memref<!tpu.dma_semaphore, #tpu.memory_space<semaphore_mem>>) src(%dma_wait3A_411 : memref<8x128xf32, #tpu.memory_space<vmem>>) dst(%dma_wait3A_407 : memref<8x128xf32, #tpu.memory_space<hbm>>)
    %rem3A_412 = arith.constant 49 : i32
    %rem3A_413 = arith.constant 2 : i32
    %rem3A_414 = arith.remsi %rem3A_412, %rem3A_413 : i32
    %mul3A_415 = arith.constant 4 : i32
    %mul3A_416 = arith.muli %add3A, %mul3A_415 : i32
    %add3A_417 = arith.constant 0 : i32
    %add3A_418 = arith.addi %mul3A_416, %add3A_417 : i32
    %dma_wait3A_419 = arith.constant 49 : i32
    %dma_wait3A_420 = arith.constant 0 : i32
    %dma_wait3A_421 = arith.constant 0 : i32
    %dma_wait3A_422 = arith.constant 0 : i32
    %dma_wait3A_423 = tpu.memref_slice %arg7[%rem3A_414, %dma_wait3A_421, %dma_wait3A_422] : memref<2x32x512xf32, #tpu.memory_space<vmem>> -> memref<1x8x128xf32, #tpu.memory_space<vmem>>
    %dma_wait3A_424 = tpu.memref_squeeze %dma_wait3A_423 : memref<1x8x128xf32, #tpu.memory_space<vmem>> -> memref<8x128xf32, #tpu.memory_space<vmem>>
    %dma_wait3A_425 = arith.constant 0 : i32
    %dma_wait3A_426 = arith.constant 0 : i32
    %dma_wait3A_427 = tpu.memref_slice %arg4[%dma_wait3A_419, %dma_wait3A_420, %add3A_418, %dma_wait3A_425, %dma_wait3A_426] : memref<50x4x128x8x128xf32, #tpu.memory_space<hbm>> -> memref<1x1x1x8x128xf32, #tpu.memory_space<hbm>>
    %dma_wait3A_428 = tpu.memref_squeeze %dma_wait3A_427 : memref<1x1x1x8x128xf32, #tpu.memory_space<hbm>> -> memref<8x128xf32, #tpu.memory_space<hbm>>
    %dma_wait3A_429 = arith.constant 0 : i32
    %dma_wait3A_430 = arith.constant 0 : i32
    %dma_wait3A_431 = tpu.memref_slice %arg4[%dma_wait3A_419, %dma_wait3A_420, %add3A_418, %dma_wait3A_429, %dma_wait3A_430] : memref<50x4x128x8x128xf32, #tpu.memory_space<hbm>> -> memref<1x1x1x8x128xf32, #tpu.memory_space<hbm>>
    %dma_wait3A_432 = tpu.memref_squeeze %dma_wait3A_431 : memref<1x1x1x8x128xf32, #tpu.memory_space<hbm>> -> memref<8x128xf32, #tpu.memory_space<hbm>>
    %dma_wait3A_433 = arith.constant 0 : i32
    %dma_wait3A_434 = arith.constant 0 : i32
    %dma_wait3A_435 = tpu.memref_slice %arg7[%rem3A_414, %dma_wait3A_433, %dma_wait3A_434] : memref<2x32x512xf32, #tpu.memory_space<vmem>> -> memref<1x8x128xf32, #tpu.memory_space<vmem>>
    %dma_wait3A_436 = tpu.memref_squeeze %dma_wait3A_435 : memref<1x8x128xf32, #tpu.memory_space<vmem>> -> memref<8x128xf32, #tpu.memory_space<vmem>>
    tpu.wait_dma2 semaphore(%arg9 : memref<!tpu.dma_semaphore, #tpu.memory_space<semaphore_mem>>) src(%dma_wait3A_436 : memref<8x128xf32, #tpu.memory_space<vmem>>) dst(%dma_wait3A_432 : memref<8x128xf32, #tpu.memory_space<hbm>>)
    %mul3A_437 = arith.constant 4 : i32
    %mul3A_438 = arith.muli %add3A, %mul3A_437 : i32
    %add3A_439 = arith.constant 1 : i32
    %add3A_440 = arith.addi %mul3A_438, %add3A_439 : i32
    %dma_wait3A_441 = arith.constant 49 : i32
    %dma_wait3A_442 = arith.constant 0 : i32
    %dma_wait3A_443 = arith.constant 0 : i32
    %dma_wait3A_444 = arith.constant 128 : i32
    %dma_wait3A_445 = tpu.memref_slice %arg7[%rem3A_414, %dma_wait3A_443, %dma_wait3A_444] : memref<2x32x512xf32, #tpu.memory_space<vmem>> -> memref<1x8x128xf32, #tpu.memory_space<vmem>>
    %dma_wait3A_446 = tpu.memref_squeeze %dma_wait3A_445 : memref<1x8x128xf32, #tpu.memory_space<vmem>> -> memref<8x128xf32, #tpu.memory_space<vmem>>
    %dma_wait3A_447 = arith.constant 0 : i32
    %dma_wait3A_448 = arith.constant 0 : i32
    %dma_wait3A_449 = tpu.memref_slice %arg4[%dma_wait3A_441, %dma_wait3A_442, %add3A_440, %dma_wait3A_447, %dma_wait3A_448] : memref<50x4x128x8x128xf32, #tpu.memory_space<hbm>> -> memref<1x1x1x8x128xf32, #tpu.memory_space<hbm>>
    %dma_wait3A_450 = tpu.memref_squeeze %dma_wait3A_449 : memref<1x1x1x8x128xf32, #tpu.memory_space<hbm>> -> memref<8x128xf32, #tpu.memory_space<hbm>>
    %dma_wait3A_451 = arith.constant 0 : i32
    %dma_wait3A_452 = arith.constant 0 : i32
    %dma_wait3A_453 = tpu.memref_slice %arg4[%dma_wait3A_441, %dma_wait3A_442, %add3A_440, %dma_wait3A_451, %dma_wait3A_452] : memref<50x4x128x8x128xf32, #tpu.memory_space<hbm>> -> memref<1x1x1x8x128xf32, #tpu.memory_space<hbm>>
    %dma_wait3A_454 = tpu.memref_squeeze %dma_wait3A_453 : memref<1x1x1x8x128xf32, #tpu.memory_space<hbm>> -> memref<8x128xf32, #tpu.memory_space<hbm>>
    %dma_wait3A_455 = arith.constant 0 : i32
    %dma_wait3A_456 = arith.constant 128 : i32
    %dma_wait3A_457 = tpu.memref_slice %arg7[%rem3A_414, %dma_wait3A_455, %dma_wait3A_456] : memref<2x32x512xf32, #tpu.memory_space<vmem>> -> memref<1x8x128xf32, #tpu.memory_space<vmem>>
    %dma_wait3A_458 = tpu.memref_squeeze %dma_wait3A_457 : memref<1x8x128xf32, #tpu.memory_space<vmem>> -> memref<8x128xf32, #tpu.memory_space<vmem>>
    tpu.wait_dma2 semaphore(%arg9 : memref<!tpu.dma_semaphore, #tpu.memory_space<semaphore_mem>>) src(%dma_wait3A_458 : memref<8x128xf32, #tpu.memory_space<vmem>>) dst(%dma_wait3A_454 : memref<8x128xf32, #tpu.memory_space<hbm>>)
    %mul3A_459 = arith.constant 4 : i32
    %mul3A_460 = arith.muli %add3A, %mul3A_459 : i32
    %add3A_461 = arith.constant 2 : i32
    %add3A_462 = arith.addi %mul3A_460, %add3A_461 : i32
    %dma_wait3A_463 = arith.constant 49 : i32
    %dma_wait3A_464 = arith.constant 0 : i32
    %dma_wait3A_465 = arith.constant 0 : i32
    %dma_wait3A_466 = arith.constant 256 : i32
    %dma_wait3A_467 = tpu.memref_slice %arg7[%rem3A_414, %dma_wait3A_465, %dma_wait3A_466] : memref<2x32x512xf32, #tpu.memory_space<vmem>> -> memref<1x8x128xf32, #tpu.memory_space<vmem>>
    %dma_wait3A_468 = tpu.memref_squeeze %dma_wait3A_467 : memref<1x8x128xf32, #tpu.memory_space<vmem>> -> memref<8x128xf32, #tpu.memory_space<vmem>>
    %dma_wait3A_469 = arith.constant 0 : i32
    %dma_wait3A_470 = arith.constant 0 : i32
    %dma_wait3A_471 = tpu.memref_slice %arg4[%dma_wait3A_463, %dma_wait3A_464, %add3A_462, %dma_wait3A_469, %dma_wait3A_470] : memref<50x4x128x8x128xf32, #tpu.memory_space<hbm>> -> memref<1x1x1x8x128xf32, #tpu.memory_space<hbm>>
    %dma_wait3A_472 = tpu.memref_squeeze %dma_wait3A_471 : memref<1x1x1x8x128xf32, #tpu.memory_space<hbm>> -> memref<8x128xf32, #tpu.memory_space<hbm>>
    %dma_wait3A_473 = arith.constant 0 : i32
    %dma_wait3A_474 = arith.constant 0 : i32
    %dma_wait3A_475 = tpu.memref_slice %arg4[%dma_wait3A_463, %dma_wait3A_464, %add3A_462, %dma_wait3A_473, %dma_wait3A_474] : memref<50x4x128x8x128xf32, #tpu.memory_space<hbm>> -> memref<1x1x1x8x128xf32, #tpu.memory_space<hbm>>
    %dma_wait3A_476 = tpu.memref_squeeze %dma_wait3A_475 : memref<1x1x1x8x128xf32, #tpu.memory_space<hbm>> -> memref<8x128xf32, #tpu.memory_space<hbm>>
    %dma_wait3A_477 = arith.constant 0 : i32
    %dma_wait3A_478 = arith.constant 256 : i32
    %dma_wait3A_479 = tpu.memref_slice %arg7[%rem3A_414, %dma_wait3A_477, %dma_wait3A_478] : memref<2x32x512xf32, #tpu.memory_space<vmem>> -> memref<1x8x128xf32, #tpu.memory_space<vmem>>
    %dma_wait3A_480 = tpu.memref_squeeze %dma_wait3A_479 : memref<1x8x128xf32, #tpu.memory_space<vmem>> -> memref<8x128xf32, #tpu.memory_space<vmem>>
    tpu.wait_dma2 semaphore(%arg9 : memref<!tpu.dma_semaphore, #tpu.memory_space<semaphore_mem>>) src(%dma_wait3A_480 : memref<8x128xf32, #tpu.memory_space<vmem>>) dst(%dma_wait3A_476 : memref<8x128xf32, #tpu.memory_space<hbm>>)
    %mul3A_481 = arith.constant 4 : i32
    %mul3A_482 = arith.muli %add3A, %mul3A_481 : i32
    %add3A_483 = arith.constant 3 : i32
    %add3A_484 = arith.addi %mul3A_482, %add3A_483 : i32
    %dma_wait3A_485 = arith.constant 49 : i32
    %dma_wait3A_486 = arith.constant 0 : i32
    %dma_wait3A_487 = arith.constant 0 : i32
    %dma_wait3A_488 = arith.constant 384 : i32
    %dma_wait3A_489 = tpu.memref_slice %arg7[%rem3A_414, %dma_wait3A_487, %dma_wait3A_488] : memref<2x32x512xf32, #tpu.memory_space<vmem>> -> memref<1x8x128xf32, #tpu.memory_space<vmem>>
    %dma_wait3A_490 = tpu.memref_squeeze %dma_wait3A_489 : memref<1x8x128xf32, #tpu.memory_space<vmem>> -> memref<8x128xf32, #tpu.memory_space<vmem>>
    %dma_wait3A_491 = arith.constant 0 : i32
    %dma_wait3A_492 = arith.constant 0 : i32
    %dma_wait3A_493 = tpu.memref_slice %arg4[%dma_wait3A_485, %dma_wait3A_486, %add3A_484, %dma_wait3A_491, %dma_wait3A_492] : memref<50x4x128x8x128xf32, #tpu.memory_space<hbm>> -> memref<1x1x1x8x128xf32, #tpu.memory_space<hbm>>
    %dma_wait3A_494 = tpu.memref_squeeze %dma_wait3A_493 : memref<1x1x1x8x128xf32, #tpu.memory_space<hbm>> -> memref<8x128xf32, #tpu.memory_space<hbm>>
    %dma_wait3A_495 = arith.constant 0 : i32
    %dma_wait3A_496 = arith.constant 0 : i32
    %dma_wait3A_497 = tpu.memref_slice %arg4[%dma_wait3A_485, %dma_wait3A_486, %add3A_484, %dma_wait3A_495, %dma_wait3A_496] : memref<50x4x128x8x128xf32, #tpu.memory_space<hbm>> -> memref<1x1x1x8x128xf32, #tpu.memory_space<hbm>>
    %dma_wait3A_498 = tpu.memref_squeeze %dma_wait3A_497 : memref<1x1x1x8x128xf32, #tpu.memory_space<hbm>> -> memref<8x128xf32, #tpu.memory_space<hbm>>
    %dma_wait3A_499 = arith.constant 0 : i32
    %dma_wait3A_500 = arith.constant 384 : i32
    %dma_wait3A_501 = tpu.memref_slice %arg7[%rem3A_414, %dma_wait3A_499, %dma_wait3A_500] : memref<2x32x512xf32, #tpu.memory_space<vmem>> -> memref<1x8x128xf32, #tpu.memory_space<vmem>>
    %dma_wait3A_502 = tpu.memref_squeeze %dma_wait3A_501 : memref<1x8x128xf32, #tpu.memory_space<vmem>> -> memref<8x128xf32, #tpu.memory_space<vmem>>
    tpu.wait_dma2 semaphore(%arg9 : memref<!tpu.dma_semaphore, #tpu.memory_space<semaphore_mem>>) src(%dma_wait3A_502 : memref<8x128xf32, #tpu.memory_space<vmem>>) dst(%dma_wait3A_498 : memref<8x128xf32, #tpu.memory_space<hbm>>)
    %mul3A_503 = arith.constant 4 : i32
    %mul3A_504 = arith.muli %add3A, %mul3A_503 : i32
    %add3A_505 = arith.constant 0 : i32
    %add3A_506 = arith.addi %mul3A_504, %add3A_505 : i32
    %dma_wait3A_507 = arith.constant 49 : i32
    %dma_wait3A_508 = arith.constant 1 : i32
    %dma_wait3A_509 = arith.constant 8 : i32
    %dma_wait3A_510 = arith.constant 0 : i32
    %dma_wait3A_511 = tpu.memref_slice %arg7[%rem3A_414, %dma_wait3A_509, %dma_wait3A_510] : memref<2x32x512xf32, #tpu.memory_space<vmem>> -> memref<1x8x128xf32, #tpu.memory_space<vmem>>
    %dma_wait3A_512 = tpu.memref_squeeze %dma_wait3A_511 : memref<1x8x128xf32, #tpu.memory_space<vmem>> -> memref<8x128xf32, #tpu.memory_space<vmem>>
    %dma_wait3A_513 = arith.constant 0 : i32
    %dma_wait3A_514 = arith.constant 0 : i32
    %dma_wait3A_515 = tpu.memref_slice %arg4[%dma_wait3A_507, %dma_wait3A_508, %add3A_506, %dma_wait3A_513, %dma_wait3A_514] : memref<50x4x128x8x128xf32, #tpu.memory_space<hbm>> -> memref<1x1x1x8x128xf32, #tpu.memory_space<hbm>>
    %dma_wait3A_516 = tpu.memref_squeeze %dma_wait3A_515 : memref<1x1x1x8x128xf32, #tpu.memory_space<hbm>> -> memref<8x128xf32, #tpu.memory_space<hbm>>
    %dma_wait3A_517 = arith.constant 0 : i32
    %dma_wait3A_518 = arith.constant 0 : i32
    %dma_wait3A_519 = tpu.memref_slice %arg4[%dma_wait3A_507, %dma_wait3A_508, %add3A_506, %dma_wait3A_517, %dma_wait3A_518] : memref<50x4x128x8x128xf32, #tpu.memory_space<hbm>> -> memref<1x1x1x8x128xf32, #tpu.memory_space<hbm>>
    %dma_wait3A_520 = tpu.memref_squeeze %dma_wait3A_519 : memref<1x1x1x8x128xf32, #tpu.memory_space<hbm>> -> memref<8x128xf32, #tpu.memory_space<hbm>>
    %dma_wait3A_521 = arith.constant 8 : i32
    %dma_wait3A_522 = arith.constant 0 : i32
    %dma_wait3A_523 = tpu.memref_slice %arg7[%rem3A_414, %dma_wait3A_521, %dma_wait3A_522] : memref<2x32x512xf32, #tpu.memory_space<vmem>> -> memref<1x8x128xf32, #tpu.memory_space<vmem>>
    %dma_wait3A_524 = tpu.memref_squeeze %dma_wait3A_523 : memref<1x8x128xf32, #tpu.memory_space<vmem>> -> memref<8x128xf32, #tpu.memory_space<vmem>>
    tpu.wait_dma2 semaphore(%arg9 : memref<!tpu.dma_semaphore, #tpu.memory_space<semaphore_mem>>) src(%dma_wait3A_524 : memref<8x128xf32, #tpu.memory_space<vmem>>) dst(%dma_wait3A_520 : memref<8x128xf32, #tpu.memory_space<hbm>>)
    %mul3A_525 = arith.constant 4 : i32
    %mul3A_526 = arith.muli %add3A, %mul3A_525 : i32
    %add3A_527 = arith.constant 1 : i32
    %add3A_528 = arith.addi %mul3A_526, %add3A_527 : i32
    %dma_wait3A_529 = arith.constant 49 : i32
    %dma_wait3A_530 = arith.constant 1 : i32
    %dma_wait3A_531 = arith.constant 8 : i32
    %dma_wait3A_532 = arith.constant 128 : i32
    %dma_wait3A_533 = tpu.memref_slice %arg7[%rem3A_414, %dma_wait3A_531, %dma_wait3A_532] : memref<2x32x512xf32, #tpu.memory_space<vmem>> -> memref<1x8x128xf32, #tpu.memory_space<vmem>>
    %dma_wait3A_534 = tpu.memref_squeeze %dma_wait3A_533 : memref<1x8x128xf32, #tpu.memory_space<vmem>> -> memref<8x128xf32, #tpu.memory_space<vmem>>
    %dma_wait3A_535 = arith.constant 0 : i32
    %dma_wait3A_536 = arith.constant 0 : i32
    %dma_wait3A_537 = tpu.memref_slice %arg4[%dma_wait3A_529, %dma_wait3A_530, %add3A_528, %dma_wait3A_535, %dma_wait3A_536] : memref<50x4x128x8x128xf32, #tpu.memory_space<hbm>> -> memref<1x1x1x8x128xf32, #tpu.memory_space<hbm>>
    %dma_wait3A_538 = tpu.memref_squeeze %dma_wait3A_537 : memref<1x1x1x8x128xf32, #tpu.memory_space<hbm>> -> memref<8x128xf32, #tpu.memory_space<hbm>>
    %dma_wait3A_539 = arith.constant 0 : i32
    %dma_wait3A_540 = arith.constant 0 : i32
    %dma_wait3A_541 = tpu.memref_slice %arg4[%dma_wait3A_529, %dma_wait3A_530, %add3A_528, %dma_wait3A_539, %dma_wait3A_540] : memref<50x4x128x8x128xf32, #tpu.memory_space<hbm>> -> memref<1x1x1x8x128xf32, #tpu.memory_space<hbm>>
    %dma_wait3A_542 = tpu.memref_squeeze %dma_wait3A_541 : memref<1x1x1x8x128xf32, #tpu.memory_space<hbm>> -> memref<8x128xf32, #tpu.memory_space<hbm>>
    %dma_wait3A_543 = arith.constant 8 : i32
    %dma_wait3A_544 = arith.constant 128 : i32
    %dma_wait3A_545 = tpu.memref_slice %arg7[%rem3A_414, %dma_wait3A_543, %dma_wait3A_544] : memref<2x32x512xf32, #tpu.memory_space<vmem>> -> memref<1x8x128xf32, #tpu.memory_space<vmem>>
    %dma_wait3A_546 = tpu.memref_squeeze %dma_wait3A_545 : memref<1x8x128xf32, #tpu.memory_space<vmem>> -> memref<8x128xf32, #tpu.memory_space<vmem>>
    tpu.wait_dma2 semaphore(%arg9 : memref<!tpu.dma_semaphore, #tpu.memory_space<semaphore_mem>>) src(%dma_wait3A_546 : memref<8x128xf32, #tpu.memory_space<vmem>>) dst(%dma_wait3A_542 : memref<8x128xf32, #tpu.memory_space<hbm>>)
    %mul3A_547 = arith.constant 4 : i32
    %mul3A_548 = arith.muli %add3A, %mul3A_547 : i32
    %add3A_549 = arith.constant 2 : i32
    %add3A_550 = arith.addi %mul3A_548, %add3A_549 : i32
    %dma_wait3A_551 = arith.constant 49 : i32
    %dma_wait3A_552 = arith.constant 1 : i32
    %dma_wait3A_553 = arith.constant 8 : i32
    %dma_wait3A_554 = arith.constant 256 : i32
    %dma_wait3A_555 = tpu.memref_slice %arg7[%rem3A_414, %dma_wait3A_553, %dma_wait3A_554] : memref<2x32x512xf32, #tpu.memory_space<vmem>> -> memref<1x8x128xf32, #tpu.memory_space<vmem>>
    %dma_wait3A_556 = tpu.memref_squeeze %dma_wait3A_555 : memref<1x8x128xf32, #tpu.memory_space<vmem>> -> memref<8x128xf32, #tpu.memory_space<vmem>>
    %dma_wait3A_557 = arith.constant 0 : i32
    %dma_wait3A_558 = arith.constant 0 : i32
    %dma_wait3A_559 = tpu.memref_slice %arg4[%dma_wait3A_551, %dma_wait3A_552, %add3A_550, %dma_wait3A_557, %dma_wait3A_558] : memref<50x4x128x8x128xf32, #tpu.memory_space<hbm>> -> memref<1x1x1x8x128xf32, #tpu.memory_space<hbm>>
    %dma_wait3A_560 = tpu.memref_squeeze %dma_wait3A_559 : memref<1x1x1x8x128xf32, #tpu.memory_space<hbm>> -> memref<8x128xf32, #tpu.memory_space<hbm>>
    %dma_wait3A_561 = arith.constant 0 : i32
    %dma_wait3A_562 = arith.constant 0 : i32
    %dma_wait3A_563 = tpu.memref_slice %arg4[%dma_wait3A_551, %dma_wait3A_552, %add3A_550, %dma_wait3A_561, %dma_wait3A_562] : memref<50x4x128x8x128xf32, #tpu.memory_space<hbm>> -> memref<1x1x1x8x128xf32, #tpu.memory_space<hbm>>
    %dma_wait3A_564 = tpu.memref_squeeze %dma_wait3A_563 : memref<1x1x1x8x128xf32, #tpu.memory_space<hbm>> -> memref<8x128xf32, #tpu.memory_space<hbm>>
    %dma_wait3A_565 = arith.constant 8 : i32
    %dma_wait3A_566 = arith.constant 256 : i32
    %dma_wait3A_567 = tpu.memref_slice %arg7[%rem3A_414, %dma_wait3A_565, %dma_wait3A_566] : memref<2x32x512xf32, #tpu.memory_space<vmem>> -> memref<1x8x128xf32, #tpu.memory_space<vmem>>
    %dma_wait3A_568 = tpu.memref_squeeze %dma_wait3A_567 : memref<1x8x128xf32, #tpu.memory_space<vmem>> -> memref<8x128xf32, #tpu.memory_space<vmem>>
    tpu.wait_dma2 semaphore(%arg9 : memref<!tpu.dma_semaphore, #tpu.memory_space<semaphore_mem>>) src(%dma_wait3A_568 : memref<8x128xf32, #tpu.memory_space<vmem>>) dst(%dma_wait3A_564 : memref<8x128xf32, #tpu.memory_space<hbm>>)
    %mul3A_569 = arith.constant 4 : i32
    %mul3A_570 = arith.muli %add3A, %mul3A_569 : i32
    %add3A_571 = arith.constant 3 : i32
    %add3A_572 = arith.addi %mul3A_570, %add3A_571 : i32
    %dma_wait3A_573 = arith.constant 49 : i32
    %dma_wait3A_574 = arith.constant 1 : i32
    %dma_wait3A_575 = arith.constant 8 : i32
    %dma_wait3A_576 = arith.constant 384 : i32
    %dma_wait3A_577 = tpu.memref_slice %arg7[%rem3A_414, %dma_wait3A_575, %dma_wait3A_576] : memref<2x32x512xf32, #tpu.memory_space<vmem>> -> memref<1x8x128xf32, #tpu.memory_space<vmem>>
    %dma_wait3A_578 = tpu.memref_squeeze %dma_wait3A_577 : memref<1x8x128xf32, #tpu.memory_space<vmem>> -> memref<8x128xf32, #tpu.memory_space<vmem>>
    %dma_wait3A_579 = arith.constant 0 : i32
    %dma_wait3A_580 = arith.constant 0 : i32
    %dma_wait3A_581 = tpu.memref_slice %arg4[%dma_wait3A_573, %dma_wait3A_574, %add3A_572, %dma_wait3A_579, %dma_wait3A_580] : memref<50x4x128x8x128xf32, #tpu.memory_space<hbm>> -> memref<1x1x1x8x128xf32, #tpu.memory_space<hbm>>
    %dma_wait3A_582 = tpu.memref_squeeze %dma_wait3A_581 : memref<1x1x1x8x128xf32, #tpu.memory_space<hbm>> -> memref<8x128xf32, #tpu.memory_space<hbm>>
    %dma_wait3A_583 = arith.constant 0 : i32
    %dma_wait3A_584 = arith.constant 0 : i32
    %dma_wait3A_585 = tpu.memref_slice %arg4[%dma_wait3A_573, %dma_wait3A_574, %add3A_572, %dma_wait3A_583, %dma_wait3A_584] : memref<50x4x128x8x128xf32, #tpu.memory_space<hbm>> -> memref<1x1x1x8x128xf32, #tpu.memory_space<hbm>>
    %dma_wait3A_586 = tpu.memref_squeeze %dma_wait3A_585 : memref<1x1x1x8x128xf32, #tpu.memory_space<hbm>> -> memref<8x128xf32, #tpu.memory_space<hbm>>
    %dma_wait3A_587 = arith.constant 8 : i32
    %dma_wait3A_588 = arith.constant 384 : i32
    %dma_wait3A_589 = tpu.memref_slice %arg7[%rem3A_414, %dma_wait3A_587, %dma_wait3A_588] : memref<2x32x512xf32, #tpu.memory_space<vmem>> -> memref<1x8x128xf32, #tpu.memory_space<vmem>>
    %dma_wait3A_590 = tpu.memref_squeeze %dma_wait3A_589 : memref<1x8x128xf32, #tpu.memory_space<vmem>> -> memref<8x128xf32, #tpu.memory_space<vmem>>
    tpu.wait_dma2 semaphore(%arg9 : memref<!tpu.dma_semaphore, #tpu.memory_space<semaphore_mem>>) src(%dma_wait3A_590 : memref<8x128xf32, #tpu.memory_space<vmem>>) dst(%dma_wait3A_586 : memref<8x128xf32, #tpu.memory_space<hbm>>)
    %mul3A_591 = arith.constant 4 : i32
    %mul3A_592 = arith.muli %add3A, %mul3A_591 : i32
    %add3A_593 = arith.constant 0 : i32
    %add3A_594 = arith.addi %mul3A_592, %add3A_593 : i32
    %dma_wait3A_595 = arith.constant 49 : i32
    %dma_wait3A_596 = arith.constant 2 : i32
    %dma_wait3A_597 = arith.constant 16 : i32
    %dma_wait3A_598 = arith.constant 0 : i32
    %dma_wait3A_599 = tpu.memref_slice %arg7[%rem3A_414, %dma_wait3A_597, %dma_wait3A_598] : memref<2x32x512xf32, #tpu.memory_space<vmem>> -> memref<1x8x128xf32, #tpu.memory_space<vmem>>
    %dma_wait3A_600 = tpu.memref_squeeze %dma_wait3A_599 : memref<1x8x128xf32, #tpu.memory_space<vmem>> -> memref<8x128xf32, #tpu.memory_space<vmem>>
    %dma_wait3A_601 = arith.constant 0 : i32
    %dma_wait3A_602 = arith.constant 0 : i32
    %dma_wait3A_603 = tpu.memref_slice %arg4[%dma_wait3A_595, %dma_wait3A_596, %add3A_594, %dma_wait3A_601, %dma_wait3A_602] : memref<50x4x128x8x128xf32, #tpu.memory_space<hbm>> -> memref<1x1x1x8x128xf32, #tpu.memory_space<hbm>>
    %dma_wait3A_604 = tpu.memref_squeeze %dma_wait3A_603 : memref<1x1x1x8x128xf32, #tpu.memory_space<hbm>> -> memref<8x128xf32, #tpu.memory_space<hbm>>
    %dma_wait3A_605 = arith.constant 0 : i32
    %dma_wait3A_606 = arith.constant 0 : i32
    %dma_wait3A_607 = tpu.memref_slice %arg4[%dma_wait3A_595, %dma_wait3A_596, %add3A_594, %dma_wait3A_605, %dma_wait3A_606] : memref<50x4x128x8x128xf32, #tpu.memory_space<hbm>> -> memref<1x1x1x8x128xf32, #tpu.memory_space<hbm>>
    %dma_wait3A_608 = tpu.memref_squeeze %dma_wait3A_607 : memref<1x1x1x8x128xf32, #tpu.memory_space<hbm>> -> memref<8x128xf32, #tpu.memory_space<hbm>>
    %dma_wait3A_609 = arith.constant 16 : i32
    %dma_wait3A_610 = arith.constant 0 : i32
    %dma_wait3A_611 = tpu.memref_slice %arg7[%rem3A_414, %dma_wait3A_609, %dma_wait3A_610] : memref<2x32x512xf32, #tpu.memory_space<vmem>> -> memref<1x8x128xf32, #tpu.memory_space<vmem>>
    %dma_wait3A_612 = tpu.memref_squeeze %dma_wait3A_611 : memref<1x8x128xf32, #tpu.memory_space<vmem>> -> memref<8x128xf32, #tpu.memory_space<vmem>>
    tpu.wait_dma2 semaphore(%arg9 : memref<!tpu.dma_semaphore, #tpu.memory_space<semaphore_mem>>) src(%dma_wait3A_612 : memref<8x128xf32, #tpu.memory_space<vmem>>) dst(%dma_wait3A_608 : memref<8x128xf32, #tpu.memory_space<hbm>>)
    %mul3A_613 = arith.constant 4 : i32
    %mul3A_614 = arith.muli %add3A, %mul3A_613 : i32
    %add3A_615 = arith.constant 1 : i32
    %add3A_616 = arith.addi %mul3A_614, %add3A_615 : i32
    %dma_wait3A_617 = arith.constant 49 : i32
    %dma_wait3A_618 = arith.constant 2 : i32
    %dma_wait3A_619 = arith.constant 16 : i32
    %dma_wait3A_620 = arith.constant 128 : i32
    %dma_wait3A_621 = tpu.memref_slice %arg7[%rem3A_414, %dma_wait3A_619, %dma_wait3A_620] : memref<2x32x512xf32, #tpu.memory_space<vmem>> -> memref<1x8x128xf32, #tpu.memory_space<vmem>>
    %dma_wait3A_622 = tpu.memref_squeeze %dma_wait3A_621 : memref<1x8x128xf32, #tpu.memory_space<vmem>> -> memref<8x128xf32, #tpu.memory_space<vmem>>
    %dma_wait3A_623 = arith.constant 0 : i32
    %dma_wait3A_624 = arith.constant 0 : i32
    %dma_wait3A_625 = tpu.memref_slice %arg4[%dma_wait3A_617, %dma_wait3A_618, %add3A_616, %dma_wait3A_623, %dma_wait3A_624] : memref<50x4x128x8x128xf32, #tpu.memory_space<hbm>> -> memref<1x1x1x8x128xf32, #tpu.memory_space<hbm>>
    %dma_wait3A_626 = tpu.memref_squeeze %dma_wait3A_625 : memref<1x1x1x8x128xf32, #tpu.memory_space<hbm>> -> memref<8x128xf32, #tpu.memory_space<hbm>>
    %dma_wait3A_627 = arith.constant 0 : i32
    %dma_wait3A_628 = arith.constant 0 : i32
    %dma_wait3A_629 = tpu.memref_slice %arg4[%dma_wait3A_617, %dma_wait3A_618, %add3A_616, %dma_wait3A_627, %dma_wait3A_628] : memref<50x4x128x8x128xf32, #tpu.memory_space<hbm>> -> memref<1x1x1x8x128xf32, #tpu.memory_space<hbm>>
    %dma_wait3A_630 = tpu.memref_squeeze %dma_wait3A_629 : memref<1x1x1x8x128xf32, #tpu.memory_space<hbm>> -> memref<8x128xf32, #tpu.memory_space<hbm>>
    %dma_wait3A_631 = arith.constant 16 : i32
    %dma_wait3A_632 = arith.constant 128 : i32
    %dma_wait3A_633 = tpu.memref_slice %arg7[%rem3A_414, %dma_wait3A_631, %dma_wait3A_632] : memref<2x32x512xf32, #tpu.memory_space<vmem>> -> memref<1x8x128xf32, #tpu.memory_space<vmem>>
    %dma_wait3A_634 = tpu.memref_squeeze %dma_wait3A_633 : memref<1x8x128xf32, #tpu.memory_space<vmem>> -> memref<8x128xf32, #tpu.memory_space<vmem>>
    tpu.wait_dma2 semaphore(%arg9 : memref<!tpu.dma_semaphore, #tpu.memory_space<semaphore_mem>>) src(%dma_wait3A_634 : memref<8x128xf32, #tpu.memory_space<vmem>>) dst(%dma_wait3A_630 : memref<8x128xf32, #tpu.memory_space<hbm>>)
    %mul3A_635 = arith.constant 4 : i32
    %mul3A_636 = arith.muli %add3A, %mul3A_635 : i32
    %add3A_637 = arith.constant 2 : i32
    %add3A_638 = arith.addi %mul3A_636, %add3A_637 : i32
    %dma_wait3A_639 = arith.constant 49 : i32
    %dma_wait3A_640 = arith.constant 2 : i32
    %dma_wait3A_641 = arith.constant 16 : i32
    %dma_wait3A_642 = arith.constant 256 : i32
    %dma_wait3A_643 = tpu.memref_slice %arg7[%rem3A_414, %dma_wait3A_641, %dma_wait3A_642] : memref<2x32x512xf32, #tpu.memory_space<vmem>> -> memref<1x8x128xf32, #tpu.memory_space<vmem>>
    %dma_wait3A_644 = tpu.memref_squeeze %dma_wait3A_643 : memref<1x8x128xf32, #tpu.memory_space<vmem>> -> memref<8x128xf32, #tpu.memory_space<vmem>>
    %dma_wait3A_645 = arith.constant 0 : i32
    %dma_wait3A_646 = arith.constant 0 : i32
    %dma_wait3A_647 = tpu.memref_slice %arg4[%dma_wait3A_639, %dma_wait3A_640, %add3A_638, %dma_wait3A_645, %dma_wait3A_646] : memref<50x4x128x8x128xf32, #tpu.memory_space<hbm>> -> memref<1x1x1x8x128xf32, #tpu.memory_space<hbm>>
    %dma_wait3A_648 = tpu.memref_squeeze %dma_wait3A_647 : memref<1x1x1x8x128xf32, #tpu.memory_space<hbm>> -> memref<8x128xf32, #tpu.memory_space<hbm>>
    %dma_wait3A_649 = arith.constant 0 : i32
    %dma_wait3A_650 = arith.constant 0 : i32
    %dma_wait3A_651 = tpu.memref_slice %arg4[%dma_wait3A_639, %dma_wait3A_640, %add3A_638, %dma_wait3A_649, %dma_wait3A_650] : memref<50x4x128x8x128xf32, #tpu.memory_space<hbm>> -> memref<1x1x1x8x128xf32, #tpu.memory_space<hbm>>
    %dma_wait3A_652 = tpu.memref_squeeze %dma_wait3A_651 : memref<1x1x1x8x128xf32, #tpu.memory_space<hbm>> -> memref<8x128xf32, #tpu.memory_space<hbm>>
    %dma_wait3A_653 = arith.constant 16 : i32
    %dma_wait3A_654 = arith.constant 256 : i32
    %dma_wait3A_655 = tpu.memref_slice %arg7[%rem3A_414, %dma_wait3A_653, %dma_wait3A_654] : memref<2x32x512xf32, #tpu.memory_space<vmem>> -> memref<1x8x128xf32, #tpu.memory_space<vmem>>
    %dma_wait3A_656 = tpu.memref_squeeze %dma_wait3A_655 : memref<1x8x128xf32, #tpu.memory_space<vmem>> -> memref<8x128xf32, #tpu.memory_space<vmem>>
    tpu.wait_dma2 semaphore(%arg9 : memref<!tpu.dma_semaphore, #tpu.memory_space<semaphore_mem>>) src(%dma_wait3A_656 : memref<8x128xf32, #tpu.memory_space<vmem>>) dst(%dma_wait3A_652 : memref<8x128xf32, #tpu.memory_space<hbm>>)
    %mul3A_657 = arith.constant 4 : i32
    %mul3A_658 = arith.muli %add3A, %mul3A_657 : i32
    %add3A_659 = arith.constant 3 : i32
    %add3A_660 = arith.addi %mul3A_658, %add3A_659 : i32
    %dma_wait3A_661 = arith.constant 49 : i32
    %dma_wait3A_662 = arith.constant 2 : i32
    %dma_wait3A_663 = arith.constant 16 : i32
    %dma_wait3A_664 = arith.constant 384 : i32
    %dma_wait3A_665 = tpu.memref_slice %arg7[%rem3A_414, %dma_wait3A_663, %dma_wait3A_664] : memref<2x32x512xf32, #tpu.memory_space<vmem>> -> memref<1x8x128xf32, #tpu.memory_space<vmem>>
    %dma_wait3A_666 = tpu.memref_squeeze %dma_wait3A_665 : memref<1x8x128xf32, #tpu.memory_space<vmem>> -> memref<8x128xf32, #tpu.memory_space<vmem>>
    %dma_wait3A_667 = arith.constant 0 : i32
    %dma_wait3A_668 = arith.constant 0 : i32
    %dma_wait3A_669 = tpu.memref_slice %arg4[%dma_wait3A_661, %dma_wait3A_662, %add3A_660, %dma_wait3A_667, %dma_wait3A_668] : memref<50x4x128x8x128xf32, #tpu.memory_space<hbm>> -> memref<1x1x1x8x128xf32, #tpu.memory_space<hbm>>
    %dma_wait3A_670 = tpu.memref_squeeze %dma_wait3A_669 : memref<1x1x1x8x128xf32, #tpu.memory_space<hbm>> -> memref<8x128xf32, #tpu.memory_space<hbm>>
    %dma_wait3A_671 = arith.constant 0 : i32
    %dma_wait3A_672 = arith.constant 0 : i32
    %dma_wait3A_673 = tpu.memref_slice %arg4[%dma_wait3A_661, %dma_wait3A_662, %add3A_660, %dma_wait3A_671, %dma_wait3A_672] : memref<50x4x128x8x128xf32, #tpu.memory_space<hbm>> -> memref<1x1x1x8x128xf32, #tpu.memory_space<hbm>>
    %dma_wait3A_674 = tpu.memref_squeeze %dma_wait3A_673 : memref<1x1x1x8x128xf32, #tpu.memory_space<hbm>> -> memref<8x128xf32, #tpu.memory_space<hbm>>
    %dma_wait3A_675 = arith.constant 16 : i32
    %dma_wait3A_676 = arith.constant 384 : i32
    %dma_wait3A_677 = tpu.memref_slice %arg7[%rem3A_414, %dma_wait3A_675, %dma_wait3A_676] : memref<2x32x512xf32, #tpu.memory_space<vmem>> -> memref<1x8x128xf32, #tpu.memory_space<vmem>>
    %dma_wait3A_678 = tpu.memref_squeeze %dma_wait3A_677 : memref<1x8x128xf32, #tpu.memory_space<vmem>> -> memref<8x128xf32, #tpu.memory_space<vmem>>
    tpu.wait_dma2 semaphore(%arg9 : memref<!tpu.dma_semaphore, #tpu.memory_space<semaphore_mem>>) src(%dma_wait3A_678 : memref<8x128xf32, #tpu.memory_space<vmem>>) dst(%dma_wait3A_674 : memref<8x128xf32, #tpu.memory_space<hbm>>)
    %mul3A_679 = arith.constant 4 : i32
    %mul3A_680 = arith.muli %add3A, %mul3A_679 : i32
    %add3A_681 = arith.constant 0 : i32
    %add3A_682 = arith.addi %mul3A_680, %add3A_681 : i32
    %dma_wait3A_683 = arith.constant 49 : i32
    %dma_wait3A_684 = arith.constant 3 : i32
    %dma_wait3A_685 = arith.constant 24 : i32
    %dma_wait3A_686 = arith.constant 0 : i32
    %dma_wait3A_687 = tpu.memref_slice %arg7[%rem3A_414, %dma_wait3A_685, %dma_wait3A_686] : memref<2x32x512xf32, #tpu.memory_space<vmem>> -> memref<1x8x128xf32, #tpu.memory_space<vmem>>
    %dma_wait3A_688 = tpu.memref_squeeze %dma_wait3A_687 : memref<1x8x128xf32, #tpu.memory_space<vmem>> -> memref<8x128xf32, #tpu.memory_space<vmem>>
    %dma_wait3A_689 = arith.constant 0 : i32
    %dma_wait3A_690 = arith.constant 0 : i32
    %dma_wait3A_691 = tpu.memref_slice %arg4[%dma_wait3A_683, %dma_wait3A_684, %add3A_682, %dma_wait3A_689, %dma_wait3A_690] : memref<50x4x128x8x128xf32, #tpu.memory_space<hbm>> -> memref<1x1x1x8x128xf32, #tpu.memory_space<hbm>>
    %dma_wait3A_692 = tpu.memref_squeeze %dma_wait3A_691 : memref<1x1x1x8x128xf32, #tpu.memory_space<hbm>> -> memref<8x128xf32, #tpu.memory_space<hbm>>
    %dma_wait3A_693 = arith.constant 0 : i32
    %dma_wait3A_694 = arith.constant 0 : i32
    %dma_wait3A_695 = tpu.memref_slice %arg4[%dma_wait3A_683, %dma_wait3A_684, %add3A_682, %dma_wait3A_693, %dma_wait3A_694] : memref<50x4x128x8x128xf32, #tpu.memory_space<hbm>> -> memref<1x1x1x8x128xf32, #tpu.memory_space<hbm>>
    %dma_wait3A_696 = tpu.memref_squeeze %dma_wait3A_695 : memref<1x1x1x8x128xf32, #tpu.memory_space<hbm>> -> memref<8x128xf32, #tpu.memory_space<hbm>>
    %dma_wait3A_697 = arith.constant 24 : i32
    %dma_wait3A_698 = arith.constant 0 : i32
    %dma_wait3A_699 = tpu.memref_slice %arg7[%rem3A_414, %dma_wait3A_697, %dma_wait3A_698] : memref<2x32x512xf32, #tpu.memory_space<vmem>> -> memref<1x8x128xf32, #tpu.memory_space<vmem>>
    %dma_wait3A_700 = tpu.memref_squeeze %dma_wait3A_699 : memref<1x8x128xf32, #tpu.memory_space<vmem>> -> memref<8x128xf32, #tpu.memory_space<vmem>>
    tpu.wait_dma2 semaphore(%arg9 : memref<!tpu.dma_semaphore, #tpu.memory_space<semaphore_mem>>) src(%dma_wait3A_700 : memref<8x128xf32, #tpu.memory_space<vmem>>) dst(%dma_wait3A_696 : memref<8x128xf32, #tpu.memory_space<hbm>>)
    %mul3A_701 = arith.constant 4 : i32
    %mul3A_702 = arith.muli %add3A, %mul3A_701 : i32
    %add3A_703 = arith.constant 1 : i32
    %add3A_704 = arith.addi %mul3A_702, %add3A_703 : i32
    %dma_wait3A_705 = arith.constant 49 : i32
    %dma_wait3A_706 = arith.constant 3 : i32
    %dma_wait3A_707 = arith.constant 24 : i32
    %dma_wait3A_708 = arith.constant 128 : i32
    %dma_wait3A_709 = tpu.memref_slice %arg7[%rem3A_414, %dma_wait3A_707, %dma_wait3A_708] : memref<2x32x512xf32, #tpu.memory_space<vmem>> -> memref<1x8x128xf32, #tpu.memory_space<vmem>>
    %dma_wait3A_710 = tpu.memref_squeeze %dma_wait3A_709 : memref<1x8x128xf32, #tpu.memory_space<vmem>> -> memref<8x128xf32, #tpu.memory_space<vmem>>
    %dma_wait3A_711 = arith.constant 0 : i32
    %dma_wait3A_712 = arith.constant 0 : i32
    %dma_wait3A_713 = tpu.memref_slice %arg4[%dma_wait3A_705, %dma_wait3A_706, %add3A_704, %dma_wait3A_711, %dma_wait3A_712] : memref<50x4x128x8x128xf32, #tpu.memory_space<hbm>> -> memref<1x1x1x8x128xf32, #tpu.memory_space<hbm>>
    %dma_wait3A_714 = tpu.memref_squeeze %dma_wait3A_713 : memref<1x1x1x8x128xf32, #tpu.memory_space<hbm>> -> memref<8x128xf32, #tpu.memory_space<hbm>>
    %dma_wait3A_715 = arith.constant 0 : i32
    %dma_wait3A_716 = arith.constant 0 : i32
    %dma_wait3A_717 = tpu.memref_slice %arg4[%dma_wait3A_705, %dma_wait3A_706, %add3A_704, %dma_wait3A_715, %dma_wait3A_716] : memref<50x4x128x8x128xf32, #tpu.memory_space<hbm>> -> memref<1x1x1x8x128xf32, #tpu.memory_space<hbm>>
    %dma_wait3A_718 = tpu.memref_squeeze %dma_wait3A_717 : memref<1x1x1x8x128xf32, #tpu.memory_space<hbm>> -> memref<8x128xf32, #tpu.memory_space<hbm>>
    %dma_wait3A_719 = arith.constant 24 : i32
    %dma_wait3A_720 = arith.constant 128 : i32
    %dma_wait3A_721 = tpu.memref_slice %arg7[%rem3A_414, %dma_wait3A_719, %dma_wait3A_720] : memref<2x32x512xf32, #tpu.memory_space<vmem>> -> memref<1x8x128xf32, #tpu.memory_space<vmem>>
    %dma_wait3A_722 = tpu.memref_squeeze %dma_wait3A_721 : memref<1x8x128xf32, #tpu.memory_space<vmem>> -> memref<8x128xf32, #tpu.memory_space<vmem>>
    tpu.wait_dma2 semaphore(%arg9 : memref<!tpu.dma_semaphore, #tpu.memory_space<semaphore_mem>>) src(%dma_wait3A_722 : memref<8x128xf32, #tpu.memory_space<vmem>>) dst(%dma_wait3A_718 : memref<8x128xf32, #tpu.memory_space<hbm>>)
    %mul3A_723 = arith.constant 4 : i32
    %mul3A_724 = arith.muli %add3A, %mul3A_723 : i32
    %add3A_725 = arith.constant 2 : i32
    %add3A_726 = arith.addi %mul3A_724, %add3A_725 : i32
    %dma_wait3A_727 = arith.constant 49 : i32
    %dma_wait3A_728 = arith.constant 3 : i32
    %dma_wait3A_729 = arith.constant 24 : i32
    %dma_wait3A_730 = arith.constant 256 : i32
    %dma_wait3A_731 = tpu.memref_slice %arg7[%rem3A_414, %dma_wait3A_729, %dma_wait3A_730] : memref<2x32x512xf32, #tpu.memory_space<vmem>> -> memref<1x8x128xf32, #tpu.memory_space<vmem>>
    %dma_wait3A_732 = tpu.memref_squeeze %dma_wait3A_731 : memref<1x8x128xf32, #tpu.memory_space<vmem>> -> memref<8x128xf32, #tpu.memory_space<vmem>>
    %dma_wait3A_733 = arith.constant 0 : i32
    %dma_wait3A_734 = arith.constant 0 : i32
    %dma_wait3A_735 = tpu.memref_slice %arg4[%dma_wait3A_727, %dma_wait3A_728, %add3A_726, %dma_wait3A_733, %dma_wait3A_734] : memref<50x4x128x8x128xf32, #tpu.memory_space<hbm>> -> memref<1x1x1x8x128xf32, #tpu.memory_space<hbm>>
    %dma_wait3A_736 = tpu.memref_squeeze %dma_wait3A_735 : memref<1x1x1x8x128xf32, #tpu.memory_space<hbm>> -> memref<8x128xf32, #tpu.memory_space<hbm>>
    %dma_wait3A_737 = arith.constant 0 : i32
    %dma_wait3A_738 = arith.constant 0 : i32
    %dma_wait3A_739 = tpu.memref_slice %arg4[%dma_wait3A_727, %dma_wait3A_728, %add3A_726, %dma_wait3A_737, %dma_wait3A_738] : memref<50x4x128x8x128xf32, #tpu.memory_space<hbm>> -> memref<1x1x1x8x128xf32, #tpu.memory_space<hbm>>
    %dma_wait3A_740 = tpu.memref_squeeze %dma_wait3A_739 : memref<1x1x1x8x128xf32, #tpu.memory_space<hbm>> -> memref<8x128xf32, #tpu.memory_space<hbm>>
    %dma_wait3A_741 = arith.constant 24 : i32
    %dma_wait3A_742 = arith.constant 256 : i32
    %dma_wait3A_743 = tpu.memref_slice %arg7[%rem3A_414, %dma_wait3A_741, %dma_wait3A_742] : memref<2x32x512xf32, #tpu.memory_space<vmem>> -> memref<1x8x128xf32, #tpu.memory_space<vmem>>
    %dma_wait3A_744 = tpu.memref_squeeze %dma_wait3A_743 : memref<1x8x128xf32, #tpu.memory_space<vmem>> -> memref<8x128xf32, #tpu.memory_space<vmem>>
    tpu.wait_dma2 semaphore(%arg9 : memref<!tpu.dma_semaphore, #tpu.memory_space<semaphore_mem>>) src(%dma_wait3A_744 : memref<8x128xf32, #tpu.memory_space<vmem>>) dst(%dma_wait3A_740 : memref<8x128xf32, #tpu.memory_space<hbm>>)
    %mul3A_745 = arith.constant 4 : i32
    %mul3A_746 = arith.muli %add3A, %mul3A_745 : i32
    %add3A_747 = arith.constant 3 : i32
    %add3A_748 = arith.addi %mul3A_746, %add3A_747 : i32
    %dma_wait3A_749 = arith.constant 49 : i32
    %dma_wait3A_750 = arith.constant 3 : i32
    %dma_wait3A_751 = arith.constant 24 : i32
    %dma_wait3A_752 = arith.constant 384 : i32
    %dma_wait3A_753 = tpu.memref_slice %arg7[%rem3A_414, %dma_wait3A_751, %dma_wait3A_752] : memref<2x32x512xf32, #tpu.memory_space<vmem>> -> memref<1x8x128xf32, #tpu.memory_space<vmem>>
    %dma_wait3A_754 = tpu.memref_squeeze %dma_wait3A_753 : memref<1x8x128xf32, #tpu.memory_space<vmem>> -> memref<8x128xf32, #tpu.memory_space<vmem>>
    %dma_wait3A_755 = arith.constant 0 : i32
    %dma_wait3A_756 = arith.constant 0 : i32
    %dma_wait3A_757 = tpu.memref_slice %arg4[%dma_wait3A_749, %dma_wait3A_750, %add3A_748, %dma_wait3A_755, %dma_wait3A_756] : memref<50x4x128x8x128xf32, #tpu.memory_space<hbm>> -> memref<1x1x1x8x128xf32, #tpu.memory_space<hbm>>
    %dma_wait3A_758 = tpu.memref_squeeze %dma_wait3A_757 : memref<1x1x1x8x128xf32, #tpu.memory_space<hbm>> -> memref<8x128xf32, #tpu.memory_space<hbm>>
    %dma_wait3A_759 = arith.constant 0 : i32
    %dma_wait3A_760 = arith.constant 0 : i32
    %dma_wait3A_761 = tpu.memref_slice %arg4[%dma_wait3A_749, %dma_wait3A_750, %add3A_748, %dma_wait3A_759, %dma_wait3A_760] : memref<50x4x128x8x128xf32, #tpu.memory_space<hbm>> -> memref<1x1x1x8x128xf32, #tpu.memory_space<hbm>>
    %dma_wait3A_762 = tpu.memref_squeeze %dma_wait3A_761 : memref<1x1x1x8x128xf32, #tpu.memory_space<hbm>> -> memref<8x128xf32, #tpu.memory_space<hbm>>
    %dma_wait3A_763 = arith.constant 24 : i32
    %dma_wait3A_764 = arith.constant 384 : i32
    %dma_wait3A_765 = tpu.memref_slice %arg7[%rem3A_414, %dma_wait3A_763, %dma_wait3A_764] : memref<2x32x512xf32, #tpu.memory_space<vmem>> -> memref<1x8x128xf32, #tpu.memory_space<vmem>>
    %dma_wait3A_766 = tpu.memref_squeeze %dma_wait3A_765 : memref<1x8x128xf32, #tpu.memory_space<vmem>> -> memref<8x128xf32, #tpu.memory_space<vmem>>
    tpu.wait_dma2 semaphore(%arg9 : memref<!tpu.dma_semaphore, #tpu.memory_space<semaphore_mem>>) src(%dma_wait3A_766 : memref<8x128xf32, #tpu.memory_space<vmem>>) dst(%dma_wait3A_762 : memref<8x128xf32, #tpu.memory_space<hbm>>)
    return
  }
}

</mosaic_0001>

<sc_bundles>
// kernel: kernel.4.cloned.1.call-start
scs
__scs_entry_jumppad:
0x0: {  	(pc) =	sbr.rel $0x88, $3  }
0x1: {  	(tag) =	ssettag $0x0;
	lr =	simm.s32 $0x1  }
0x2: {  	[smem:$0x3F9F] =	sst lr;
	_ =	strace $0xD0000000  }
0x3: {  	_ = 	snop  }
0x4: {  	_ = 	snop  }
0x5: {  	_ = 	snop  }
0x6: {  	_ = 	snop  }
0x7: {  	_ = 	snop  }
__scs_overlays_trampoline_lowered:
0x8: {  	[smem:$0x3FAE] =	sst s0  }
0x9: {  	[smem:$0x3FAF] =	sst s1  }
0xa: {  	[smem:$0x3FB0] =	sst s2  }
0xb: {  	[smem:$0x3FB1] =	sst s3  }
0xc: {  	[smem:$0x3FB2] =	sst s4  }
0xd: {  	[smem:$0x3FB3] =	sst s5  }
0xe: {  	[smem:$0x3FB4] =	sst s6  }
0xf: {  	[smem:$0x3FB5] =	sst s7  }
0x10: {  	[smem:$0x3FB6] =	sst s8  }
0x11: {  	[smem:$0x3FB7] =	sst s9;
	s0 =	simm.s32 @!p0 $0x0  }
0x12: {  	s1 =	sld [smem:$0x3F9D];
	s0 =	simm.s32 @p0 $0x1  }
0x13: {  	[smem:$0x3FB8] =	sst s0;
	s0 =	simm.s32 @!p1 $0x0  }
0x14: {  	s2 =	sld [smem:$0x3F9C];
	s0 =	simm.s32 @p1 $0x1  }
0x15: {  	[smem:$0x3FB9] =	sst s0;
	s0 =	simm.s32 @!p2 $0x0  }
0x16: {  	s3 =	sld [smem:$0x3FDB];
	s0 =	simm.s32 @p2 $0x1  }
0x17: {  	s4 =	simm.s32 $0x1BF5;
	[smem:$0x3FBB] =	sst s0  }
0x18: {  	s0 =	sld [smem:$0x3F9E];
	_ =	swait.ge [sflag:s4], $0x0  }
0x19: {  	s7 =	sld [smem:$0x3F9F]  }
0x1a: {  	s8 =	sadd.s32 $0xFFFFE003, lr  }
0x1b: {  	s9 =	sadd.s32 $0xFFFFFEF7, lr;
	s5 =	simm.s32 $0xFFFFFFFF;
	p2 =	slt.u32 s8, $0xFFFFF086  }
0x1c: {  	p1 =	slt.u32 s9, $0xF7A;
	s5 =	simm.s32 @!p2 $0x0  }
0x1d: {  	s5 =	simm.s32 @p1 $0x1;
	p0 =	seq.s32 s7, s2  }
0x1e: {  	s7 =	smul.u32 @!p0 $0xF7A, s2;
	p2 =	seq.s32 @!p0 s5, $0x0  }
0x1f: {  	s9 =	smul.u32 $0xF7A, s1;
	s8 =	simm.s32 @!p0 $0x1BF5;
	p2 =	por !p2, p0  }
0x20: {  	[sflag:s8] =	ssyncset.s32 @!p0 $0xFFFFF086;
	s6 =	sadd.s32 @!p0 s3, s7;
	s7 =	simm.s32 @!p0 $0x108  }
0x21: {  	s3 =	sadd.s32 s3, s9;
	s6 =	sadd.s32 @!p0 $0x88, s6;
	s7 =	simm.s32 @p2 $0x1082  }
0x22: {  	[simem:s7], [sflag:s8] =	dma.local @!p0 [hbm:s6], $0xF7A  }
0x23: {  	s9 =	sor.u32 $0xD0000000, s2;
	s6 =	simm.s32 $0x108;
	_ =	swait.ge @!p0 [sflag:s8], $0x0  }
0x24: {  	s3 =	sadd.s32 $0x88, s3;
	s6 =	simm.s32 @!p1 $0x1082;
	[sflag:s4] =	ssyncset.s32 $0xFFFFF086  }
0x25: {  	[simem:s6], [sflag:s4] =	dma.local [hbm:s3], $0xF7A  }
0x26: {  	[smem:$0x3F9F] =	sst s1;
	(tag) =	ssettag s2;
	_ =	strace s9  }
0x27: {  	s1 =	sld [smem:$0x3FAF]  }
0x28: {  	s2 =	sld [smem:$0x3FB0]  }
0x29: {  	s4 =	sld [smem:$0x3FB2]  }
0x2a: {  	p0 =	seq.s32 s5, $0x0;
	s5 =	sld [smem:$0x3FB3]  }
0x2b: {  	s6 =	sld [smem:$0x3FB4]  }
0x2c: {  	s7 =	sld [smem:$0x3FB5]  }
0x2d: {  	s3 =	simm.s32 $0x108;
	s8 =	sld [smem:$0x3FB6]  }
0x2e: {  	s3 =	simm.s32 @!p0 $0x1082;
	s9 =	sld [smem:$0x3FB7]  }
0x2f: {  	lr =	sadd.s32 s0, s3;
	s0 =	sld [smem:$0x3FAE]  }
0x30: {  	s3 =	sld [smem:$0x3FB1]  }
0x31: {  	[smem:$0x3FBA] =	sst s10  }
0x32: {  	s10 =	sld [smem:$0x3FB8];
	_ =	sdelay $0x3  }
0x33: {  	p0 =	seq.s32 s10, $0x1;
	s10 =	sld [smem:$0x3FBA];
	_ =	sdelay $0x3  }
0x34: {  	[smem:$0x3FBA] =	sst s10  }
0x35: {  	s10 =	sld [smem:$0x3FB9];
	_ =	sdelay $0x3  }
0x36: {  	p1 =	seq.s32 s10, $0x1;
	s10 =	sld [smem:$0x3FBA];
	_ =	sdelay $0x3  }
0x37: {  	[smem:$0x3FBA] =	sst s10  }
0x38: {  	s10 =	sld [smem:$0x3FBB]  }
0x39: {  	_ = 	snop;
	(pc) =	sbr.ind lr, $3  }
0x3a: {  	_ = 	snop  }
0x3b: {  	_ = 	snop  }
0x3c: {  	p2 =	seq.s32 s10, $0x1;
	s10 =	sld [smem:$0x3FBA]  }
0x3d: {  	_ =	shalt  }
0x3e: {  	_ =	shalt  }
0x3f: {  	_ =	shalt  }
0x40: {  	_ =	shalt  }
0x41: {  	_ =	shalt  }
0x42: {  	_ =	shalt  }
0x43: {  	_ =	shalt  }
0x44: {  	_ =	shalt  }
0x45: {  	_ =	shalt  }
0x46: {  	_ =	shalt  }
0x47: {  	_ =	shalt  }
0x48: {  	_ =	shalt  }
0x49: {  	_ =	shalt  }
0x4a: {  	_ =	shalt  }
0x4b: {  	_ =	shalt  }
0x4c: {  	_ =	shalt  }
0x4d: {  	_ =	shalt  }
0x4e: {  	_ =	shalt  }
0x4f: {  	_ =	shalt  }
0x50: {  	_ =	shalt  }
0x51: {  	_ =	shalt  }
0x52: {  	_ =	shalt  }
0x53: {  	_ =	shalt  }
0x54: {  	_ =	shalt  }
0x55: {  	_ =	shalt  }
0x56: {  	_ =	shalt  }
0x57: {  	_ =	shalt  }
0x58: {  	_ =	shalt  }
0x59: {  	_ =	shalt  }
0x5a: {  	_ =	shalt  }
0x5b: {  	_ =	shalt  }
0x5c: {  	_ =	shalt  }
0x5d: {  	_ =	shalt  }
0x5e: {  	_ =	shalt  }
0x5f: {  	_ =	shalt  }
0x60: {  	_ =	shalt  }
0x61: {  	_ =	shalt  }
0x62: {  	_ =	shalt  }
0x63: {  	_ =	shalt  }
0x64: {  	_ =	shalt  }
0x65: {  	_ =	shalt  }
0x66: {  	_ =	shalt  }
0x67: {  	_ =	shalt  }
0x68: {  	_ =	shalt  }
0x69: {  	_ =	shalt  }
0x6a: {  	_ =	shalt  }
0x6b: {  	_ =	shalt  }
0x6c: {  	_ =	shalt  }
0x6d: {  	_ =	shalt  }
0x6e: {  	_ =	shalt  }
0x6f: {  	_ =	shalt  }
0x70: {  	_ =	shalt  }
0x71: {  	_ =	shalt  }
0x72: {  	_ =	shalt  }
0x73: {  	_ =	shalt  }
0x74: {  	_ =	shalt  }
0x75: {  	_ =	shalt  }
0x76: {  	_ =	shalt  }
0x77: {  	_ =	shalt  }
0x78: {  	_ =	shalt  }
0x79: {  	_ =	shalt  }
0x7a: {  	_ =	shalt  }
0x7b: {  	_ =	shalt  }
0x7c: {  	_ =	shalt  }
0x7d: {  	_ =	shalt  }
0x7e: {  	_ =	shalt  }
0x7f: {  	_ =	shalt  }
0x80: {  	_ =	shalt  }
0x81: {  	_ =	shalt  }
0x82: {  	_ =	shalt  }
0x83: {  	_ =	shalt  }
0x84: {  	_ =	shalt  }
0x85: {  	_ =	shalt  }
0x86: {  	_ =	shalt  }
0x87: {  	_ =	shalt  }
.Lfunc_end0:
.L_simem_size_0:
called_computation_lowered:
.L_overlay_start_0:
0x88: {  	s2 =	sld [smem:$0x3FD9]  }
0x89: {  	s3 =	sld [smem:$0x3FFE];
	_ =	sdelay $0x1  }
0x8a: {  	s1 =	srdreg.scid  }
0x8b: {  	s0 =	sand.u32 $0x1, s1  }
0x8c: {  	s17 =	sshll.u32 s0, $0xA;
	s2 =	sadd.s32 s3, s2  }
0x8d: {  	s2 =	sadd.s32 s2, s17  }
0x8e: {  	[smem:$0x3FC6] =	sst s2  }
0x8f: {  	_ = 	snop  }
0x90: {  	s2 =	sld [smem:$0x3FC8]  }
0x91: {  	s18 =	sld [smem:$0x3FD0];
	(tm) =	ssettm $0x1  }
0x92: {  	s4 =	sld [smem:$0x3FFB];
	_ =	sdelay $0x3  }
0x93: {  	_ =	strace s4  }
0x94: {  	s4 =	sld [smem:$0x3FFC];
	_ =	sdelay $0x3  }
0x95: {  	_ =	strace s4  }
0x96: {  	s4 =	sld [smem:$0x3FFD];
	_ =	sdelay $0x3  }
0x97: {  	_ =	strace s4  }
0x98: {  	_ =	strace $0x8FFFFFFF  }
0x99: {  	s19 =	sld [smem:$0x3FDB];
	_ =	sdelay $0x1  }
0x9a: {  	s5 =	simm.s32 $_scs_section_size  }
0x9b: {  	s6 =	simm.s32 $_size__tile_overlayer_lowered;
	s7 =	simm.s32 $_tile_overlayer_lowered  }
0x9c: {  	s22 =	simm.s32 $0x1BFF;
	s21 =	sshll.u32 s7, $0x1;
	s4 =	sadd.s32 s5, s19  }
0x9d: {  	s8 =	simm.s32 $0x0;
	s20 =	sshll.u32 s6, $0x1;
	s6 =	sadd.s32 s21, s4  }
0x9e: {  	[timem:s8], [sflag:s22] =	dma.local [hbm:s6], s20  }
0x9f: {  	_ =	swait.ge [sflag:s22], s20  }
0xa0: {  	s5 =	ssub.s32 $0x0, s20;
	[sflag:s22] =	ssyncset.done $0x0  }
0xa1: {  	[sflag:s22] =	ssyncadd.s32 s5;
	_ =	sdelay $0x1  }
0xa2: {  	s23 =	simm.s32 $0x1B8B  }
0xa3: {  	_ =	swait.ge [sflag:s23], $0x1  }
0xa4: {  	[sflag:s23] =	ssyncset.done $0x0  }
0xa5: {  	s25 =	simm.s32 $0x1B8E;
	s24 =	sld [smem:$0x3FFE];
	[sflag:s23] =	ssyncadd.s32 $0xFFFFFFFF  }
0xa6: {  	s26 =	simm.s32 $execute0_lowered;
	[smem:$0x3FD2] =	sst s25  }
0xa7: {  	s6 =	sshll.u32 s26, $0x1;
	_ =	strace $0x80000046;
	[dreg:$0x1] =	wrdreg $0xFFFFFFFF  }
0xa8: {  	s28 =	simm.s32 $_size_execute0_lowered;
	s4 =	sadd.s32 s4, s6;
	[dreg:$0x0] =	wrdreg $0x0  }
0xa9: {  	s6 =	sshll.u32 s28, $0x1;
	[dreg:$0x2] =	wrdreg s4  }
0xaa: {  	[dreg:$0x3] =	wrdreg s6  }
0xab: {  	[dreg:$0x4] =	wrdreg $0xC0  }
0xac: {  	_ =	task [dreg:s8], $0x5FFFF  }
0xad: {  	[dreg:$0x1] =	wrdreg $0xFFFFFFFF  }
0xae: {  	[dreg:$0x0] =	wrdreg $0x60  }
0xaf: {  	[dreg:$0x2] =	wrdreg s2  }
0xb0: {  	[dreg:$0x3] =	wrdreg s18  }
0xb1: {  	[dreg:$0x4] =	wrdreg s24  }
0xb2: {  	[dreg:$0x5] =	wrdreg $0x9  }
0xb3: {  	_ =	task.clear_ibuf [dreg:s8], $0x6FFFF;
	_ =	strace $0x90000046  }
0xb4: {  	s29 =	simm.s32 $0x9;
	_ =	strace $0x80000048  }
0xb5: {  	_ =	swait.ge [sflag:s29], $0x1  }
0xb6: {  	[sflag:s29] =	ssyncadd.s32 $0xFFFFFFFF  }
0xb7: {  	_ =	strace $0x90000048  }
0xb8: {  	_ =	sfence  }
0xb9: {  	s30 =	sld [smem:$0x0];
	_ =	sdelay $0x2  }
0xba: {  	s31 =	sshll.u32 s1, $0xD;
	s1 =	sshrl.u32 s1, $0x2  }
0xbb: {  	s3 =	sand.u32 $0x4000, s31;
	s1 =	sadd.s32 s1, s30  }
0xbc: {  	s0 =	sor.u32 s3, s0;
	s1 =	sshll.u32 s1, $0x11  }
0xbd: {  	s0 =	sor.u32 s1, s0  }
0xbe: {  	s0 =	sadd.s32 $0x8F2B, s0  }
0xbf: {  	[sflag:s0] =	ssyncadd.remote.s32 $0x1  }
0xc0: {  	_ =	sfence.sel $0xFFFF  }
0xc1: {  	[dreg:$0x0] =	wrdreg $0xFFFFFFFF;
	(pc) =	sbr.abs _section_cstart, $3  }
0xc2: {  	[dreg:$0x1] =	wrdreg $0xFFFFFFFF  }
0xc3: {  	_ =	task.clear_ibuf [dreg:s8], $0x2FFFF;
	_ =	strace $0x9FFFFFFF  }
0xc4: {  	(tm) =	ssettm $0x7FFFFFFF  }
0xc5: {  	_ =	shalt  }
tec
execute0_lowered:
.L_overlay_start_1:
0x0: {  	(tag) =	ssettag $0x1  }
0x1: {  	v16 =	vlaneseq.u32  }
0x2: {  	v3 =	vmul.u32 $0x20, v16;
	_ =	sdelay $0x1  }
0x3: {  	v0 =	vor.u32 $0x600, v3  }
0x4: {  	[tilespmem:$0x1FC70] =	vst v0;
	v0 =	vor.u32 $0x40, v16  }
0x5: {  	[tilespmem:$0x1FC80] =	vst v0;
	v0 =	vor.u32 $0x800, v3  }
0x6: {  	[tilespmem:$0x1FC90] =	vst v0;
	v0 =	vor.u32 $0x50, v16  }
0x7: {  	[tilespmem:$0x1FCA0] =	vst v0;
	v0 =	vor.u32 $0xA00, v3  }
0x8: {  	[tilespmem:$0x1FCB0] =	vst v0;
	v0 =	vor.u32 $0x60, v16  }
0x9: {  	[tilespmem:$0x1FCC0] =	vst v0;
	v0 =	vor.u32 $0xC00, v3  }
0xa: {  	[tilespmem:$0x1FCD0] =	vst v0;
	v0 =	vor.u32 $0x70, v16  }
0xb: {  	[tilespmem:$0x1FCE0] =	vst v0;
	v0 =	vor.u32 $0xE00, v3  }
0xc: {  	[tilespmem:$0x1FCF0] =	vst v0;
	v0 =	vor.u32 $0x400, v16  }
0xd: {  	[tilespmem:$0x1FD00] =	vst v0;
	v0 =	vor.u32 $0x1000, v3  }
0xe: {  	[tilespmem:$0x1FD10] =	vst v0;
	v0 =	vor.u32 $0x410, v16  }
0xf: {  	[tilespmem:$0x1FD20] =	vst v0;
	v0 =	vor.u32 $0x1200, v3  }
0x10: {  	[tilespmem:$0x1FD30] =	vst v0;
	v0 =	vor.u32 $0x420, v16  }
0x11: {  	[tilespmem:$0x1FD40] =	vst v0;
	v0 =	vor.u32 $0x1400, v3  }
0x12: {  	[tilespmem:$0x1FD50] =	vst v0;
	v0 =	vor.u32 $0x430, v16  }
0x13: {  	[tilespmem:$0x1FD60] =	vst v0;
	v0 =	vor.u32 $0x1600, v3  }
0x14: {  	[tilespmem:$0x1FD70] =	vst v0;
	v0 =	vor.u32 $0x440, v16  }
0x15: {  	[tilespmem:$0x1FD80] =	vst v0;
	v0 =	vor.u32 $0x1800, v3  }
0x16: {  	[tilespmem:$0x1FD90] =	vst v0;
	v0 =	vor.u32 $0x450, v16  }
0x17: {  	[tilespmem:$0x1FDA0] =	vst v0;
	v0 =	vor.u32 $0x1A00, v3  }
0x18: {  	[tilespmem:$0x1FDB0] =	vst v0;
	v0 =	vor.u32 $0x460, v16  }
0x19: {  	[tilespmem:$0x1FDC0] =	vst v0;
	v0 =	vor.u32 $0x1C00, v3  }
0x1a: {  	[tilespmem:$0x1FDD0] =	vst v0;
	v0 =	vor.u32 $0x470, v16  }
0x1b: {  	[tilespmem:$0x1FDE0] =	vst v0;
	v0 =	vor.u32 $0x1E00, v3  }
0x1c: {  	[tilespmem:$0x1FDF0] =	vst v0;
	v0 =	vor.u32 $0x800, v16  }
0x1d: {  	[tilespmem:$0x1FE00] =	vst v0;
	v0 =	vor.u32 $0x2000, v3  }
0x1e: {  	[tilespmem:$0x1FE10] =	vst v0;
	v0 =	vor.u32 $0x810, v16  }
0x1f: {  	[tilespmem:$0x1FE20] =	vst v0;
	v0 =	vor.u32 $0x2200, v3  }
0x20: {  	[tilespmem:$0x1FE30] =	vst v0;
	v0 =	vor.u32 $0x820, v16  }
0x21: {  	[tilespmem:$0x1FE40] =	vst v0;
	v0 =	vor.u32 $0x2400, v3  }
0x22: {  	[tilespmem:$0x1FE50] =	vst v0;
	v0 =	vor.u32 $0x830, v16  }
0x23: {  	[tilespmem:$0x1FE60] =	vst v0;
	v0 =	vor.u32 $0x2600, v3  }
0x24: {  	s5 =	rddreg [dreg:$0x0];
	[tilespmem:$0x1FE70] =	vst v0;
	v0 =	vor.u32 $0x840, v16  }
0x25: {  	s0 =	rddreg [dreg:$0x1];
	[tilespmem:$0x1FE80] =	vst v0;
	v0 =	vor.u32 $0x2800, v3  }
0x26: {  	s7 =	rddreg [dreg:$0x2];
	s3 =	simm.s32 $0x0;
	[tilespmem:$0x1FE90] =	vst v0;
	v0 =	vor.u32 $0x850, v16  }
0x27: {  	s2 =	srdreg.scid;
	[smem:$0x7FF] =	sst s3;
	[tilespmem:$0x1FEA0] =	vst v0;
	v0 =	vor.u32 $0x2A00, v3  }
0x28: {  	s4 =	sand.u32 $0x1, s2;
	s2 =	rddreg [dreg:$0x3];
	v1 =	vor.u32 $0xC70, v16;
	_ =	strace $0x80000047;
	[tilespmem:$0x1FEB0] =	vst v0  }
0x29: {  	v2 =	vor.u32 $0x3E00, v3;
	[tilespmem:$0x1FF60] =	vst v1  }
0x2a: {  	v6 =	vor.u32 $0xC60, v16;
	[tilespmem:$0x1FF70] =	vst v2  }
0x2b: {  	v4 =	vor.u32 $0x3C00, v3;
	[tilespmem:$0x1FF80] =	vst v6  }
0x2c: {  	v7 =	vor.u32 $0xC50, v16;
	[tilespmem:$0x1FF90] =	vst v4  }
0x2d: {  	v5 =	vor.u32 $0x3800, v3;
	[tilespmem:$0x1FFA0] =	vst v7  }
0x2e: {  	[tilespmem:$0x1FFB0] =	vst v5  }
0x2f: {  	v21 =	vor.u32 $0x200, v3;
	[tilespmem:$0x1FFC0] =	vst v3  }
0x30: {  	v20 =	vor.u32 $0x10, v16;
	[tilespmem:$0x1FFD0] =	vst v21  }
0x31: {  	v8 =	vor.u32 $0xC40, v16;
	[tilespmem:$0x1FFE0] =	vst v20  }
0x32: {  	v0 =	vor.u32 $0x860, v16;
	[tilespmem:$0x1FFF0] =	vst v8  }
0x33: {  	[tilespmem:$0x1FEC0] =	vst v0;
	v0 =	vor.u32 $0x2C00, v3  }
0x34: {  	s1 =	stileid.u32;
	s11 =	simm.s32 $0x1;
	[tilespmem:$0x1FED0] =	vst v0;
	v0 =	vor.u32 $0x870, v16  }
0x35: {  	s12 =	simm.s32 $0x8000;
	s13 =	simm.s32 $0x4000;
	s6 =	sshll.u32 s1, $0x1;
	[tilespmem:$0x1FEE0] =	vst v0;
	v0 =	vor.u32 $0x2E00, v3  }
0x36: {  	s14 =	simm.s32 $0xC000;
	s16 =	simm.s32 $0x0;
	s15 =	sor.u32 s4, s6;
	[tilespmem:$0x1FEF0] =	vst v0;
	v0 =	vor.u32 $0xC00, v16  }
0x37: {  	s8 =	ssub.s32 $0x2, s4;
	s4 =	simm.s32 $0x3E;
	s6 =	sshll.u32 s15, $0xB;
	[tilespmem:$0x1FF00] =	vst v0;
	v0 =	vor.u32 $0x3000, v3  }
.Ltmp0:
0x38: {  	s9 =	sshrl.u32 s8, $0x1;
	p0 =	seq.s32 s15, $0x0;
	[tilespmem:$0x1FF10] =	vst v0;
	v0 =	vor.u32 $0xC10, v16;
	(pc) =	sbr.rel .LBB2_1-.Ltmp0, $4  }
0x39: {  	s10 =	sshll.u32 s15, $0x9;
	s6 =	sadd.s32 s6, s7;
	s8 =	ssub.s32 s8, s9;
	[tilespmem:$0x1FF20] =	vst v0;
	v0 =	vor.u32 $0xC30, v16  }
0x3a: {  	v17 =	vor.u32 $0x20, v16;
	v19 =	vor.u32 $0x30, v16;
	s4 =	simm.s32 @!p0 $0x3D;
	s5 =	sadd.s32 s5, s10;
	s7 =	sadd.s32 $0x3D1200, s7;
	[tilespmem:$0x1FF30] =	vst v0;
	v0 =	vor.u32 $0x3600, v3  }
0x3b: {  	v9 =	vor.u32 $0xC20, v16;
	s9 =	simm.s32 $0x1000;
	s10 =	simm.s32 $0x7A1400;
	p0 =	sne.s32 s15, $0x0;
	[tilespmem:$0x1FF40] =	vst v0;
	v0 =	vor.u32 $0x3A00, v3  }
0x3c: {  	v18 =	vor.u32 $0x400, v3;
	v14 =	vor.u32 $0x3200, v3;
	v10 =	vor.u32 $0x3400, v3;
	s15 =	simm.s32 $0x2;
	s6 =	sadd.s32 $0xA00, s6;
	s8 =	smax.u32 s8, $0x1;
	[tilespmem:$0x1FF50] =	vst v0  }
.LBB2_11:
0x3d: {  	_ =	swait.ge [sflag:s15], $0x4000  }
0x3e: {  	[sflag:s15] =	ssyncset.done $0x0  }
0x3f: {  	[sflag:s15] =	ssyncadd.s32 $0xFFFFC000  }
0x40: {  	_ =	swait.ge [sflag:s15], $0x4000  }
0x41: {  	s17 =	simm.s32 @!p0 $0x0;
	[sflag:s15] =	ssyncset.done $0x0  }
0x42: {  	s18 =	simm.s32 @!p0 $0x8000;
	s19 =	simm.s32 @!p0 $0x3;
	[sflag:s15] =	ssyncadd.s32 $0xFFFFC000  }
0x43: {  	[tilespmem:s18], [sflag:$0x3] =	stream.linear.gather @!p0 [hbm4b:s0+s17], $0x800, $0x38;
	[tilespmem:$0x10000] =	vst v63  }
0x44: {  	s16 =	sadd.s32 $0x1, s16;
	_ =	swait.ge @!p0 [sflag:s19], $0x800  }
0x45: {  	p1 =	sne.s32 s16, s8;
	[sflag:s19] =	ssyncset.done @!p0 $0x0  }
.Ltmp1:
0x46: {  	[sflag:s19] =	ssyncadd.s32 @!p0 $0xFFFFF800;
	(pc) =	sbr.rel @!p1 .LBB2_12-.Ltmp1, $4  }
0x47: {  	[hbm4b:s7+s17] =	stream.linear.scatter @!p0 [tilespmem:s18], [sflag:$0x3], $0x800, $0x38;
	[tilespmem:$0x10000] =	vst v63  }
0x48: {  	_ =	swait.ge @!p0 [sflag:s19], $0x800  }
0x49: {  	[sflag:s19] =	ssyncset.done @!p0 $0x0  }
0x4a: {  	[sflag:s19] =	ssyncadd.s32 @!p0 $0xFFFFF800  }
.LBB2_1:
.Ltmp2:
0x4b: {  	(pc) =	sbr.rel .LBB2_2-.Ltmp2, $3  }
0x4c: {  	_ =	sdelay $0x1  }
0x4d: {  	[tilespmem:s3], [sflag:$0x1] =	stream.strided.gather [hbm4b:s5+s9], $0x4000, s10, s9, $0x38;
	[tilespmem:$0x10000] =	vst v63  }
0x4e: {  	s17 =	simm.s32 $0x0  }
.LBB2_10:
0x4f: {  	s17 =	sadd.s32 $0x1, s17  }
0x50: {  	p1 =	sne.s32 s17, $0x1F  }
.Ltmp3:
0x51: {  	_ = 	snop;
	(pc) =	sbr.rel @!p1 .LBB2_11-.Ltmp3, $2  }
0x52: {  	_ =	sdelay $0x2  }
0x53: {  	v1 =	vld [tilespmem:$0x1FF60]  }
.LBB2_2:
0x54: {  	s19 =	sshll.u32 s17, $0x1  }
0x55: {  	p1 =	slt.u32 s19, s4  }
.Ltmp4:
0x56: {  	_ = 	snop;
	(pc) =	sbr.rel @!p1 .LBB2_6-.Ltmp4, $2  }
0x57: {  	_ =	sdelay $0x2  }
0x58: {  	s18 =	sor.u32 $0x1, s19  }
0x59: {  	s18 =	sor.u32 $0x1, s19;
	_ =	swait.ge [sflag:s11], $0x4000;
	s20 =	simm.s32 $0x0  }
0x5a: {  	p1 =	sge.u32 s18, s4;
	[sflag:s11] =	ssyncset.done $0x0;
	v0 =	vadd.s32 s20, v16  }
0x5b: {  	v15 =	vmovc v7;
	v7 =	vmov v1;
	s21 =	sshll.u32 @!p1 s18, $0xE;
	[sflag:s11] =	ssyncadd.s32 $0xFFFFC000;
	v1 =	vshll.u32 v0, $0x9;
	v2 =	vshll.u32 v0, $0x7;
	s22 =	simm.s32 @!p1 $0x7A1400  }
0x5c: {  	s23 =	simm.s32 @!p1 $0x4000;
	s20 =	sadd.s32 @!p1 s21, s5;
	s21 =	simm.s32 @!p1 $0x1000;
	v1 =	vand.u32 $0x3000, v1;
	v2 =	vand.u32 $0x380, v2  }
0x5d: {  	[tilespmem:s23], [sflag:$0x1] =	stream.strided.gather @!p1 [hbm4b:s20+s21], $0x4000, s22, s21, $0x38;
	v1 =	vor.u32 v2, v1;
	[tilespmem:$0x10000] =	vst v63  }
0x5e: {  	p1 =	seq.s32 s17, $0x0;
	v2 =	vor.u32 v16, v1  }
0x5f: {  	s20 =	simm.s32 @!p1 $0x2  }
0x60: {  	_ =	swait.ge @!p1 [sflag:s20], $0x4000  }
0x61: {  	[sflag:s20] =	ssyncset.done @!p1 $0x0  }
0x62: {  	v0 =	vand.u32 $0x1F, v0;
	[sflag:s20] =	ssyncadd.s32 @!p1 $0xFFFFC000  }
0x63: {  	v13 =	vmov v8;
	v3 =	vor.u32 v3, v0;
	v2 =	vld.idx.msk [tilespmem:v2+s3+$0x0], $0xffff  }
0x64: {  	v8 =	vmovc v10;
	v10 =	vmovc v14;
	v14 =	vmov v6;
	v6 =	vmov v4;
	v4 =	vor.u32 v20, v1;
	_ =	sdelay $0x3  }
0x65: {  	[tilespmem:v3+s12+$0x0] =	vst.idx.msk $0xffff, v2  }
0x66: {  	v3 =	vor.u32 v21, v0;
	v2 =	vld.idx.msk [tilespmem:v4+s3+$0x0], $0xffff  }
0x67: {  	v4 =	vor.u32 v17, v1;
	_ =	sdelay $0x3  }
0x68: {  	[tilespmem:v3+s12+$0x0] =	vst.idx.msk $0xffff, v2  }
0x69: {  	v3 =	vor.u32 v18, v0;
	v2 =	vld.idx.msk [tilespmem:v4+s3+$0x0], $0xffff  }
0x6a: {  	v20 =	vld [tilespmem:$0x1FC70];
	v4 =	vor.u32 v19, v1  }
0x6b: {  	v21 =	vld [tilespmem:$0x1FC80];
	_ =	sdelay $0x2  }
0x6c: {  	[tilespmem:v3+s12+$0x0] =	vst.idx.msk $0xffff, v2  }
0x6d: {  	v3 =	vor.u32 v20, v0;
	v2 =	vld.idx.msk [tilespmem:v4+s3+$0x0], $0xffff  }
0x6e: {  	v22 =	vld [tilespmem:$0x1FC90];
	v4 =	vor.u32 v21, v1  }
0x6f: {  	v23 =	vld [tilespmem:$0x1FCA0];
	_ =	sdelay $0x2  }
0x70: {  	[tilespmem:v3+s12+$0x0] =	vst.idx.msk $0xffff, v2  }
0x71: {  	v3 =	vor.u32 v22, v0;
	v2 =	vld.idx.msk [tilespmem:v4+s3+$0x0], $0xffff  }
0x72: {  	v24 =	vld [tilespmem:$0x1FCB0];
	v4 =	vor.u32 v23, v1  }
0x73: {  	v25 =	vld [tilespmem:$0x1FCC0];
	_ =	sdelay $0x2  }
0x74: {  	[tilespmem:v3+s12+$0x0] =	vst.idx.msk $0xffff, v2  }
0x75: {  	v3 =	vor.u32 v24, v0;
	v2 =	vld.idx.msk [tilespmem:v4+s3+$0x0], $0xffff  }
0x76: {  	v26 =	vld [tilespmem:$0x1FCD0];
	v4 =	vor.u32 v25, v1  }
0x77: {  	v27 =	vld [tilespmem:$0x1FCE0];
	_ =	sdelay $0x2  }
0x78: {  	[tilespmem:v3+s12+$0x0] =	vst.idx.msk $0xffff, v2  }
0x79: {  	v3 =	vor.u32 v26, v0;
	v2 =	vld.idx.msk [tilespmem:v4+s3+$0x0], $0xffff  }
0x7a: {  	v28 =	vld [tilespmem:$0x1FCF0];
	v4 =	vor.u32 v27, v1  }
0x7b: {  	v29 =	vld [tilespmem:$0x1FD00];
	_ =	sdelay $0x2  }
0x7c: {  	[tilespmem:v3+s12+$0x0] =	vst.idx.msk $0xffff, v2  }
0x7d: {  	v3 =	vor.u32 v28, v0;
	v2 =	vld.idx.msk [tilespmem:v4+s3+$0x0], $0xffff  }
0x7e: {  	v30 =	vld [tilespmem:$0x1FD10];
	v4 =	vor.u32 v29, v1  }
0x7f: {  	v31 =	vld [tilespmem:$0x1FD20];
	_ =	sdelay $0x2  }
0x80: {  	[tilespmem:v3+s12+$0x0] =	vst.idx.msk $0xffff, v2  }
0x81: {  	v3 =	vor.u32 v30, v0;
	v2 =	vld.idx.msk [tilespmem:v4+s3+$0x0], $0xffff  }
0x82: {  	v32 =	vld [tilespmem:$0x1FD30];
	v4 =	vor.u32 v31, v1  }
0x83: {  	v33 =	vld [tilespmem:$0x1FD40];
	_ =	sdelay $0x2  }
0x84: {  	[tilespmem:v3+s12+$0x0] =	vst.idx.msk $0xffff, v2  }
0x85: {  	v3 =	vor.u32 v32, v0;
	v2 =	vld.idx.msk [tilespmem:v4+s3+$0x0], $0xffff  }
0x86: {  	v34 =	vld [tilespmem:$0x1FD50];
	v4 =	vor.u32 v33, v1  }
0x87: {  	v35 =	vld [tilespmem:$0x1FD60];
	_ =	sdelay $0x2  }
0x88: {  	[tilespmem:v3+s12+$0x0] =	vst.idx.msk $0xffff, v2  }
0x89: {  	v3 =	vor.u32 v34, v0;
	v2 =	vld.idx.msk [tilespmem:v4+s3+$0x0], $0xffff  }
0x8a: {  	v36 =	vld [tilespmem:$0x1FD70];
	v4 =	vor.u32 v35, v1  }
0x8b: {  	v37 =	vld [tilespmem:$0x1FD80];
	_ =	sdelay $0x2  }
0x8c: {  	[tilespmem:v3+s12+$0x0] =	vst.idx.msk $0xffff, v2  }
0x8d: {  	v3 =	vor.u32 v36, v0;
	v2 =	vld.idx.msk [tilespmem:v4+s3+$0x0], $0xffff  }
0x8e: {  	v38 =	vld [tilespmem:$0x1FD90];
	v4 =	vor.u32 v37, v1  }
0x8f: {  	v39 =	vld [tilespmem:$0x1FDA0];
	_ =	sdelay $0x2  }
0x90: {  	[tilespmem:v3+s12+$0x0] =	vst.idx.msk $0xffff, v2  }
0x91: {  	v3 =	vor.u32 v38, v0;
	v2 =	vld.idx.msk [tilespmem:v4+s3+$0x0], $0xffff  }
0x92: {  	v40 =	vld [tilespmem:$0x1FDB0];
	v4 =	vor.u32 v39, v1  }
0x93: {  	v41 =	vld [tilespmem:$0x1FDC0];
	_ =	sdelay $0x2  }
0x94: {  	[tilespmem:v3+s12+$0x0] =	vst.idx.msk $0xffff, v2  }
0x95: {  	v3 =	vor.u32 v40, v0;
	v2 =	vld.idx.msk [tilespmem:v4+s3+$0x0], $0xffff  }
0x96: {  	v42 =	vld [tilespmem:$0x1FDD0];
	v4 =	vor.u32 v41, v1  }
0x97: {  	v43 =	vld [tilespmem:$0x1FDE0];
	_ =	sdelay $0x2  }
0x98: {  	[tilespmem:v3+s12+$0x0] =	vst.idx.msk $0xffff, v2  }
0x99: {  	v3 =	vor.u32 v42, v0;
	v2 =	vld.idx.msk [tilespmem:v4+s3+$0x0], $0xffff  }
0x9a: {  	v44 =	vld [tilespmem:$0x1FDF0];
	v4 =	vor.u32 v43, v1  }
0x9b: {  	v45 =	vld [tilespmem:$0x1FE00];
	_ =	sdelay $0x2  }
0x9c: {  	[tilespmem:v3+s12+$0x0] =	vst.idx.msk $0xffff, v2  }
0x9d: {  	v3 =	vor.u32 v44, v0;
	v2 =	vld.idx.msk [tilespmem:v4+s3+$0x0], $0xffff  }
0x9e: {  	v46 =	vld [tilespmem:$0x1FE10];
	v4 =	vor.u32 v45, v1  }
0x9f: {  	v47 =	vld [tilespmem:$0x1FE20];
	_ =	sdelay $0x2  }
0xa0: {  	[tilespmem:v3+s12+$0x0] =	vst.idx.msk $0xffff, v2  }
0xa1: {  	v3 =	vor.u32 v46, v0;
	v2 =	vld.idx.msk [tilespmem:v4+s3+$0x0], $0xffff  }
0xa2: {  	v48 =	vld [tilespmem:$0x1FE30];
	v4 =	vor.u32 v47, v1  }
0xa3: {  	v49 =	vld [tilespmem:$0x1FE40];
	_ =	sdelay $0x2  }
0xa4: {  	[tilespmem:v3+s12+$0x0] =	vst.idx.msk $0xffff, v2  }
0xa5: {  	v3 =	vor.u32 v48, v0;
	v2 =	vld.idx.msk [tilespmem:v4+s3+$0x0], $0xffff  }
0xa6: {  	v50 =	vld [tilespmem:$0x1FE50];
	v4 =	vor.u32 v49, v1  }
0xa7: {  	v51 =	vld [tilespmem:$0x1FE60];
	_ =	sdelay $0x2  }
0xa8: {  	[tilespmem:v3+s12+$0x0] =	vst.idx.msk $0xffff, v2  }
0xa9: {  	v3 =	vor.u32 v50, v0;
	v2 =	vld.idx.msk [tilespmem:v4+s3+$0x0], $0xffff  }
0xaa: {  	v52 =	vld [tilespmem:$0x1FE70];
	v4 =	vor.u32 v51, v1  }
0xab: {  	v53 =	vld [tilespmem:$0x1FE80];
	_ =	sdelay $0x2  }
0xac: {  	[tilespmem:v3+s12+$0x0] =	vst.idx.msk $0xffff, v2  }
0xad: {  	v3 =	vor.u32 v52, v0;
	v2 =	vld.idx.msk [tilespmem:v4+s3+$0x0], $0xffff  }
0xae: {  	v54 =	vld [tilespmem:$0x1FE90];
	v4 =	vor.u32 v53, v1  }
0xaf: {  	v55 =	vld [tilespmem:$0x1FEA0];
	_ =	sdelay $0x2  }
0xb0: {  	[tilespmem:v3+s12+$0x0] =	vst.idx.msk $0xffff, v2  }
0xb1: {  	v3 =	vor.u32 v54, v0;
	v2 =	vld.idx.msk [tilespmem:v4+s3+$0x0], $0xffff  }
0xb2: {  	v56 =	vld [tilespmem:$0x1FEB0];
	v4 =	vor.u32 v55, v1  }
0xb3: {  	v57 =	vld [tilespmem:$0x1FEC0];
	_ =	sdelay $0x2  }
0xb4: {  	[tilespmem:v3+s12+$0x0] =	vst.idx.msk $0xffff, v2  }
0xb5: {  	v3 =	vor.u32 v56, v0;
	v2 =	vld.idx.msk [tilespmem:v4+s3+$0x0], $0xffff  }
0xb6: {  	v58 =	vld [tilespmem:$0x1FED0];
	v4 =	vor.u32 v57, v1  }
0xb7: {  	v59 =	vld [tilespmem:$0x1FEE0];
	_ =	sdelay $0x2  }
0xb8: {  	[tilespmem:v3+s12+$0x0] =	vst.idx.msk $0xffff, v2  }
0xb9: {  	v3 =	vor.u32 v58, v0;
	v2 =	vld.idx.msk [tilespmem:v4+s3+$0x0], $0xffff  }
0xba: {  	v60 =	vld [tilespmem:$0x1FEF0];
	v4 =	vor.u32 v59, v1  }
0xbb: {  	v61 =	vld [tilespmem:$0x1FF00];
	_ =	sdelay $0x2  }
0xbc: {  	[tilespmem:v3+s12+$0x0] =	vst.idx.msk $0xffff, v2  }
0xbd: {  	v3 =	vor.u32 v60, v0;
	v2 =	vld.idx.msk [tilespmem:v4+s3+$0x0], $0xffff  }
0xbe: {  	v62 =	vld [tilespmem:$0x1FF10];
	v4 =	vor.u32 v61, v1  }
0xbf: {  	v63 =	vld [tilespmem:$0x1FF20];
	_ =	sdelay $0x2  }
0xc0: {  	[tilespmem:v3+s12+$0x0] =	vst.idx.msk $0xffff, v2  }
0xc1: {  	v3 =	vor.u32 v62, v0;
	v2 =	vld.idx.msk [tilespmem:v4+s3+$0x0], $0xffff  }
0xc2: {  	v4 =	vor.u32 v63, v1;
	_ =	sdelay $0x3  }
0xc3: {  	[tilespmem:v3+s12+$0x0] =	vst.idx.msk $0xffff, v2  }
0xc4: {  	v3 =	vor.u32 v10, v0;
	v2 =	vld.idx.msk [tilespmem:v4+s3+$0x0], $0xffff  }
0xc5: {  	v4 =	vor.u32 v9, v1  }
0xc6: {  	v11 =	vld [tilespmem:$0x1FF30];
	_ =	sdelay $0x2  }
0xc7: {  	[tilespmem:v3+s12+$0x0] =	vst.idx.msk $0xffff, v2  }
0xc8: {  	v3 =	vor.u32 v8, v0;
	v2 =	vld.idx.msk [tilespmem:v4+s3+$0x0], $0xffff  }
0xc9: {  	v12 =	vld [tilespmem:$0x1FF40];
	v4 =	vor.u32 v11, v1;
	_ =	sdelay $0x3  }
0xca: {  	[tilespmem:v3+s12+$0x0] =	vst.idx.msk $0xffff, v2  }
0xcb: {  	v3 =	vor.u32 v12, v0;
	v2 =	vld.idx.msk [tilespmem:v4+s3+$0x0], $0xffff  }
0xcc: {  	v5 =	vld [tilespmem:$0x1FFB0];
	v4 =	vor.u32 v13, v1;
	_ =	sdelay $0x3  }
0xcd: {  	[tilespmem:v3+s12+$0x0] =	vst.idx.msk $0xffff, v2  }
0xce: {  	v3 =	vor.u32 v5, v0;
	v2 =	vld.idx.msk [tilespmem:v4+s3+$0x0], $0xffff;
	_ =	sdelay $0x4  }
0xcf: {  	v4 =	vor.u32 v15, v1;
	[tilespmem:v3+s12+$0x0] =	vst.idx.msk $0xffff, v2;
	v3 =	vld [tilespmem:$0x1FF50];
	_ =	sdelay $0x4  }
0xd0: {  	v2 =	vld.idx.msk [tilespmem:v4+s3+$0x0], $0xffff;
	v3 =	vor.u32 v3, v0  }
0xd1: {  	v4 =	vor.u32 v14, v1;
	_ =	sdelay $0x2  }
0xd2: {  	v15 =	vld [tilespmem:$0x1FFE0]  }
0xd3: {  	v14 =	vld [tilespmem:$0x1FFC0];
	[tilespmem:v3+s12+$0x0] =	vst.idx.msk $0xffff, v2  }
0xd4: {  	s31 =	simm.s32 $0x1;
	v3 =	vld.idx.msk [tilespmem:v4+s3+$0x0], $0xffff;
	v4 =	vor.u32 v6, v0  }
0xd5: {  	s20 =	simm.s32 $0x2;
	v1 =	vor.u32 v7, v1;
	v7 =	vlaneseq.u32;
	v2 =	vadd.s32 s31, v16;
	v16 =	vld [tilespmem:$0x1FFD0]  }
.LBB2_4:
0xd6: {  	_ =	sdelay $0x2  }
0xd7: {  	v5 =	vshll.u32 v2, $0x9;
	v6 =	vshll.u32 v2, $0x7;
	[tilespmem:v4+s12+$0x0] =	vst.idx.msk $0xffff, v3  }
0xd8: {  	v3 =	vand.u32 $0x3000, v5;
	v4 =	vand.u32 $0x380, v6;
	v5 =	vld.idx.msk [tilespmem:v1+s3+$0x0], $0xffff  }
0xd9: {  	v1 =	vor.u32 v4, v3;
	v3 =	vld [tilespmem:$0x1FF70];
	_ =	sdelay $0x4  }
0xda: {  	v0 =	vor.u32 v3, v0  }
0xdb: {  	v3 =	vor.u32 v7, v1;
	_ =	sdelay $0x3  }
0xdc: {  	[tilespmem:v0+s12+$0x0] =	vst.idx.msk $0xffff, v5;
	v0 =	vand.u32 $0x1F, v2  }
0xdd: {  	v2 =	vld.idx.msk [tilespmem:v3+s3+$0x0], $0xffff;
	v3 =	vor.u32 v14, v0  }
0xde: {  	v4 =	vor.u32 v15, v1;
	_ =	sdelay $0x3  }
0xdf: {  	[tilespmem:v3+s12+$0x0] =	vst.idx.msk $0xffff, v2  }
0xe0: {  	v3 =	vor.u32 v16, v0;
	v2 =	vld.idx.msk [tilespmem:v4+s3+$0x0], $0xffff  }
0xe1: {  	v4 =	vor.u32 v17, v1;
	_ =	sdelay $0x3  }
0xe2: {  	[tilespmem:v3+s12+$0x0] =	vst.idx.msk $0xffff, v2  }
0xe3: {  	v3 =	vor.u32 v18, v0;
	v2 =	vld.idx.msk [tilespmem:v4+s3+$0x0], $0xffff  }
0xe4: {  	v4 =	vor.u32 v19, v1;
	_ =	sdelay $0x3  }
0xe5: {  	[tilespmem:v3+s12+$0x0] =	vst.idx.msk $0xffff, v2  }
0xe6: {  	v3 =	vor.u32 v20, v0;
	v2 =	vld.idx.msk [tilespmem:v4+s3+$0x0], $0xffff  }
0xe7: {  	v4 =	vor.u32 v21, v1;
	_ =	sdelay $0x3  }
0xe8: {  	[tilespmem:v3+s12+$0x0] =	vst.idx.msk $0xffff, v2  }
0xe9: {  	v3 =	vor.u32 v22, v0;
	v2 =	vld.idx.msk [tilespmem:v4+s3+$0x0], $0xffff  }
0xea: {  	v4 =	vor.u32 v23, v1;
	_ =	sdelay $0x3  }
0xeb: {  	[tilespmem:v3+s12+$0x0] =	vst.idx.msk $0xffff, v2  }
0xec: {  	v3 =	vor.u32 v24, v0;
	v2 =	vld.idx.msk [tilespmem:v4+s3+$0x0], $0xffff  }
0xed: {  	v4 =	vor.u32 v25, v1;
	_ =	sdelay $0x3  }
0xee: {  	[tilespmem:v3+s12+$0x0] =	vst.idx.msk $0xffff, v2  }
0xef: {  	v3 =	vor.u32 v26, v0;
	v2 =	vld.idx.msk [tilespmem:v4+s3+$0x0], $0xffff  }
0xf0: {  	v4 =	vor.u32 v27, v1;
	_ =	sdelay $0x3  }
0xf1: {  	[tilespmem:v3+s12+$0x0] =	vst.idx.msk $0xffff, v2  }
0xf2: {  	v3 =	vor.u32 v28, v0;
	v2 =	vld.idx.msk [tilespmem:v4+s3+$0x0], $0xffff  }
0xf3: {  	v4 =	vor.u32 v29, v1;
	_ =	sdelay $0x3  }
0xf4: {  	[tilespmem:v3+s12+$0x0] =	vst.idx.msk $0xffff, v2  }
0xf5: {  	v3 =	vor.u32 v30, v0;
	v2 =	vld.idx.msk [tilespmem:v4+s3+$0x0], $0xffff  }
0xf6: {  	v4 =	vor.u32 v31, v1;
	_ =	sdelay $0x3  }
0xf7: {  	[tilespmem:v3+s12+$0x0] =	vst.idx.msk $0xffff, v2  }
0xf8: {  	v3 =	vor.u32 v32, v0;
	v2 =	vld.idx.msk [tilespmem:v4+s3+$0x0], $0xffff  }
0xf9: {  	v4 =	vor.u32 v33, v1;
	_ =	sdelay $0x3  }
0xfa: {  	[tilespmem:v3+s12+$0x0] =	vst.idx.msk $0xffff, v2  }
0xfb: {  	v3 =	vor.u32 v34, v0;
	v2 =	vld.idx.msk [tilespmem:v4+s3+$0x0], $0xffff  }
0xfc: {  	v4 =	vor.u32 v35, v1;
	_ =	sdelay $0x3  }
0xfd: {  	[tilespmem:v3+s12+$0x0] =	vst.idx.msk $0xffff, v2  }
0xfe: {  	v3 =	vor.u32 v36, v0;
	v2 =	vld.idx.msk [tilespmem:v4+s3+$0x0], $0xffff  }
0xff: {  	v4 =	vor.u32 v37, v1;
	_ =	sdelay $0x3  }
0x100: {  	[tilespmem:v3+s12+$0x0] =	vst.idx.msk $0xffff, v2  }
0x101: {  	v3 =	vor.u32 v38, v0;
	v2 =	vld.idx.msk [tilespmem:v4+s3+$0x0], $0xffff  }
0x102: {  	v4 =	vor.u32 v39, v1;
	_ =	sdelay $0x3  }
0x103: {  	[tilespmem:v3+s12+$0x0] =	vst.idx.msk $0xffff, v2  }
0x104: {  	v3 =	vor.u32 v40, v0;
	v2 =	vld.idx.msk [tilespmem:v4+s3+$0x0], $0xffff  }
0x105: {  	v4 =	vor.u32 v41, v1;
	_ =	sdelay $0x3  }
0x106: {  	[tilespmem:v3+s12+$0x0] =	vst.idx.msk $0xffff, v2  }
0x107: {  	v3 =	vor.u32 v42, v0;
	v2 =	vld.idx.msk [tilespmem:v4+s3+$0x0], $0xffff  }
0x108: {  	v4 =	vor.u32 v43, v1;
	_ =	sdelay $0x3  }
0x109: {  	[tilespmem:v3+s12+$0x0] =	vst.idx.msk $0xffff, v2  }
0x10a: {  	v3 =	vor.u32 v44, v0;
	v2 =	vld.idx.msk [tilespmem:v4+s3+$0x0], $0xffff  }
0x10b: {  	v4 =	vor.u32 v45, v1;
	_ =	sdelay $0x3  }
0x10c: {  	[tilespmem:v3+s12+$0x0] =	vst.idx.msk $0xffff, v2  }
0x10d: {  	v3 =	vor.u32 v46, v0;
	v2 =	vld.idx.msk [tilespmem:v4+s3+$0x0], $0xffff  }
0x10e: {  	v4 =	vor.u32 v47, v1;
	_ =	sdelay $0x3  }
0x10f: {  	[tilespmem:v3+s12+$0x0] =	vst.idx.msk $0xffff, v2  }
0x110: {  	v3 =	vor.u32 v48, v0;
	v2 =	vld.idx.msk [tilespmem:v4+s3+$0x0], $0xffff  }
0x111: {  	v4 =	vor.u32 v49, v1;
	_ =	sdelay $0x3  }
0x112: {  	[tilespmem:v3+s12+$0x0] =	vst.idx.msk $0xffff, v2  }
0x113: {  	v3 =	vor.u32 v50, v0;
	v2 =	vld.idx.msk [tilespmem:v4+s3+$0x0], $0xffff  }
0x114: {  	v4 =	vor.u32 v51, v1;
	_ =	sdelay $0x3  }
0x115: {  	[tilespmem:v3+s12+$0x0] =	vst.idx.msk $0xffff, v2  }
0x116: {  	v3 =	vor.u32 v52, v0;
	v2 =	vld.idx.msk [tilespmem:v4+s3+$0x0], $0xffff  }
0x117: {  	v4 =	vor.u32 v53, v1;
	_ =	sdelay $0x3  }
0x118: {  	[tilespmem:v3+s12+$0x0] =	vst.idx.msk $0xffff, v2  }
0x119: {  	v3 =	vor.u32 v54, v0;
	v2 =	vld.idx.msk [tilespmem:v4+s3+$0x0], $0xffff  }
0x11a: {  	v4 =	vor.u32 v55, v1;
	_ =	sdelay $0x3  }
0x11b: {  	[tilespmem:v3+s12+$0x0] =	vst.idx.msk $0xffff, v2  }
0x11c: {  	v3 =	vor.u32 v56, v0;
	v2 =	vld.idx.msk [tilespmem:v4+s3+$0x0], $0xffff  }
0x11d: {  	v4 =	vor.u32 v57, v1;
	_ =	sdelay $0x3  }
0x11e: {  	[tilespmem:v3+s12+$0x0] =	vst.idx.msk $0xffff, v2  }
0x11f: {  	v3 =	vor.u32 v58, v0;
	v2 =	vld.idx.msk [tilespmem:v4+s3+$0x0], $0xffff  }
0x120: {  	v4 =	vor.u32 v59, v1;
	_ =	sdelay $0x3  }
0x121: {  	[tilespmem:v3+s12+$0x0] =	vst.idx.msk $0xffff, v2  }
0x122: {  	v3 =	vor.u32 v60, v0;
	v2 =	vld.idx.msk [tilespmem:v4+s3+$0x0], $0xffff  }
0x123: {  	v4 =	vor.u32 v61, v1;
	_ =	sdelay $0x3  }
0x124: {  	[tilespmem:v3+s12+$0x0] =	vst.idx.msk $0xffff, v2  }
0x125: {  	v3 =	vor.u32 v62, v0;
	v2 =	vld.idx.msk [tilespmem:v4+s3+$0x0], $0xffff  }
0x126: {  	v4 =	vor.u32 v63, v1;
	_ =	sdelay $0x3  }
0x127: {  	[tilespmem:v3+s12+$0x0] =	vst.idx.msk $0xffff, v2  }
0x128: {  	v3 =	vor.u32 v10, v0;
	v2 =	vld.idx.msk [tilespmem:v4+s3+$0x0], $0xffff  }
0x129: {  	v4 =	vor.u32 v9, v1;
	_ =	sdelay $0x3  }
0x12a: {  	[tilespmem:v3+s12+$0x0] =	vst.idx.msk $0xffff, v2  }
0x12b: {  	v3 =	vor.u32 v8, v0;
	v2 =	vld.idx.msk [tilespmem:v4+s3+$0x0], $0xffff  }
0x12c: {  	v4 =	vor.u32 v11, v1;
	_ =	sdelay $0x3  }
0x12d: {  	[tilespmem:v3+s12+$0x0] =	vst.idx.msk $0xffff, v2  }
0x12e: {  	v3 =	vor.u32 v12, v0;
	v2 =	vld.idx.msk [tilespmem:v4+s3+$0x0], $0xffff;
	_ =	sdelay $0x1  }
0x12f: {  	v4 =	vor.u32 v13, v1;
	_ =	sdelay $0x2  }
0x130: {  	[tilespmem:v3+s12+$0x0] =	vst.idx.msk $0xffff, v2;
	v3 =	vld [tilespmem:$0x1FFB0];
	_ =	sdelay $0x1  }
0x131: {  	v2 =	vld.idx.msk [tilespmem:v4+s3+$0x0], $0xffff  }
0x132: {  	v4 =	vld [tilespmem:$0x1FFA0];
	_ =	sdelay $0x1  }
0x133: {  	v3 =	vor.u32 v3, v0;
	_ =	sdelay $0x2  }
0x134: {  	v4 =	vor.u32 v4, v1;
	_ =	sdelay $0x1  }
0x135: {  	[tilespmem:v3+s12+$0x0] =	vst.idx.msk $0xffff, v2;
	v3 =	vld [tilespmem:$0x1FF50];
	_ =	sdelay $0x2  }
0x136: {  	v2 =	vld.idx.msk [tilespmem:v4+s3+$0x0], $0xffff  }
0x137: {  	v4 =	vld [tilespmem:$0x1FF80]  }
0x138: {  	v3 =	vor.u32 v3, v0;
	_ =	sdelay $0x3  }
0x139: {  	v4 =	vor.u32 v4, v1  }
0x13a: {  	[tilespmem:v3+s12+$0x0] =	vst.idx.msk $0xffff, v2;
	v2 =	vld [tilespmem:$0x1FF90];
	_ =	sdelay $0x3  }
0x13b: {  	v3 =	vld.idx.msk [tilespmem:v4+s3+$0x0], $0xffff  }
0x13c: {  	p1 =	sne.s32 s20, $0x1F;
	v4 =	vor.u32 v2, v0;
	v2 =	vld [tilespmem:$0x1FF60]  }
.Ltmp5:
0x13d: {  	_ = 	snop;
	(pc) =	sbr.rel @p1 .LBB2_4-.Ltmp5, $2  }
0x13e: {  	_ =	sdelay $0x2  }
0x13f: {  	v1 =	vor.u32 v2, v1;
	v2 =	vadd.s32 s20, v7;
	s20 =	sadd.s32 $0x1, s20  }
0x140: {  	_ =	sdelay $0x2  }
0x141: {  	v5 =	vshll.u32 v2, $0x9;
	v6 =	vshll.u32 v2, $0x7  }
0x142: {  	[tilespmem:v4+s12+$0x0] =	vst.idx.msk $0xffff, v3;
	v3 =	vand.u32 $0x3000, v5;
	v4 =	vand.u32 $0x380, v6  }
0x143: {  	v3 =	vor.u32 v4, v3;
	v4 =	vld [tilespmem:$0x1FF70];
	_ =	sdelay $0x4  }
0x144: {  	v1 =	vld.idx.msk [tilespmem:v1+s3+$0x0], $0xffff;
	v0 =	vor.u32 v4, v0  }
0x145: {  	v4 =	vor.u32 v7, v3;
	_ =	sdelay $0x3  }
0x146: {  	[tilespmem:v0+s12+$0x0] =	vst.idx.msk $0xffff, v1;
	v0 =	vand.u32 $0x1F, v2  }
0x147: {  	v1 =	vld.idx.msk [tilespmem:v4+s3+$0x0], $0xffff;
	v2 =	vor.u32 v14, v0  }
0x148: {  	v4 =	vor.u32 v15, v3;
	_ =	sdelay $0x3  }
0x149: {  	[tilespmem:v2+s12+$0x0] =	vst.idx.msk $0xffff, v1  }
0x14a: {  	v2 =	vor.u32 v16, v0;
	v1 =	vld.idx.msk [tilespmem:v4+s3+$0x0], $0xffff  }
0x14b: {  	v4 =	vor.u32 v17, v3;
	_ =	sdelay $0x3  }
0x14c: {  	[tilespmem:v2+s12+$0x0] =	vst.idx.msk $0xffff, v1  }
0x14d: {  	v2 =	vor.u32 v18, v0;
	v1 =	vld.idx.msk [tilespmem:v4+s3+$0x0], $0xffff  }
0x14e: {  	v4 =	vor.u32 v19, v3;
	_ =	sdelay $0x3  }
0x14f: {  	[tilespmem:v2+s12+$0x0] =	vst.idx.msk $0xffff, v1  }
0x150: {  	v2 =	vor.u32 v20, v0;
	v1 =	vld.idx.msk [tilespmem:v4+s3+$0x0], $0xffff  }
0x151: {  	v4 =	vor.u32 v21, v3;
	_ =	sdelay $0x3  }
0x152: {  	[tilespmem:v2+s12+$0x0] =	vst.idx.msk $0xffff, v1  }
0x153: {  	v2 =	vor.u32 v22, v0;
	v1 =	vld.idx.msk [tilespmem:v4+s3+$0x0], $0xffff  }
0x154: {  	v4 =	vor.u32 v23, v3;
	_ =	sdelay $0x3  }
0x155: {  	[tilespmem:v2+s12+$0x0] =	vst.idx.msk $0xffff, v1  }
0x156: {  	v2 =	vor.u32 v24, v0;
	v1 =	vld.idx.msk [tilespmem:v4+s3+$0x0], $0xffff  }
0x157: {  	v4 =	vor.u32 v25, v3;
	_ =	sdelay $0x3  }
0x158: {  	[tilespmem:v2+s12+$0x0] =	vst.idx.msk $0xffff, v1  }
0x159: {  	v2 =	vor.u32 v26, v0;
	v1 =	vld.idx.msk [tilespmem:v4+s3+$0x0], $0xffff  }
0x15a: {  	v4 =	vor.u32 v27, v3;
	_ =	sdelay $0x3  }
0x15b: {  	[tilespmem:v2+s12+$0x0] =	vst.idx.msk $0xffff, v1  }
0x15c: {  	v2 =	vor.u32 v28, v0;
	v1 =	vld.idx.msk [tilespmem:v4+s3+$0x0], $0xffff  }
0x15d: {  	v4 =	vor.u32 v29, v3;
	_ =	sdelay $0x3  }
0x15e: {  	[tilespmem:v2+s12+$0x0] =	vst.idx.msk $0xffff, v1  }
0x15f: {  	v2 =	vor.u32 v30, v0;
	v1 =	vld.idx.msk [tilespmem:v4+s3+$0x0], $0xffff  }
0x160: {  	v4 =	vor.u32 v31, v3;
	_ =	sdelay $0x3  }
0x161: {  	[tilespmem:v2+s12+$0x0] =	vst.idx.msk $0xffff, v1  }
0x162: {  	v2 =	vor.u32 v32, v0;
	v1 =	vld.idx.msk [tilespmem:v4+s3+$0x0], $0xffff  }
0x163: {  	v4 =	vor.u32 v33, v3;
	_ =	sdelay $0x3  }
0x164: {  	[tilespmem:v2+s12+$0x0] =	vst.idx.msk $0xffff, v1  }
0x165: {  	v2 =	vor.u32 v34, v0;
	v1 =	vld.idx.msk [tilespmem:v4+s3+$0x0], $0xffff  }
0x166: {  	v4 =	vor.u32 v35, v3;
	_ =	sdelay $0x3  }
0x167: {  	[tilespmem:v2+s12+$0x0] =	vst.idx.msk $0xffff, v1  }
0x168: {  	v2 =	vor.u32 v36, v0;
	v1 =	vld.idx.msk [tilespmem:v4+s3+$0x0], $0xffff  }
0x169: {  	v4 =	vor.u32 v37, v3;
	_ =	sdelay $0x3  }
0x16a: {  	[tilespmem:v2+s12+$0x0] =	vst.idx.msk $0xffff, v1  }
0x16b: {  	v2 =	vor.u32 v38, v0;
	v1 =	vld.idx.msk [tilespmem:v4+s3+$0x0], $0xffff  }
0x16c: {  	v4 =	vor.u32 v39, v3;
	_ =	sdelay $0x3  }
0x16d: {  	[tilespmem:v2+s12+$0x0] =	vst.idx.msk $0xffff, v1  }
0x16e: {  	v2 =	vor.u32 v40, v0;
	v1 =	vld.idx.msk [tilespmem:v4+s3+$0x0], $0xffff  }
0x16f: {  	v4 =	vor.u32 v41, v3;
	_ =	sdelay $0x3  }
0x170: {  	[tilespmem:v2+s12+$0x0] =	vst.idx.msk $0xffff, v1  }
0x171: {  	v2 =	vor.u32 v42, v0;
	v1 =	vld.idx.msk [tilespmem:v4+s3+$0x0], $0xffff  }
0x172: {  	v4 =	vor.u32 v43, v3;
	_ =	sdelay $0x3  }
0x173: {  	[tilespmem:v2+s12+$0x0] =	vst.idx.msk $0xffff, v1  }
0x174: {  	v2 =	vor.u32 v44, v0;
	v1 =	vld.idx.msk [tilespmem:v4+s3+$0x0], $0xffff  }
0x175: {  	v4 =	vor.u32 v45, v3;
	_ =	sdelay $0x3  }
0x176: {  	[tilespmem:v2+s12+$0x0] =	vst.idx.msk $0xffff, v1  }
0x177: {  	v2 =	vor.u32 v46, v0;
	v1 =	vld.idx.msk [tilespmem:v4+s3+$0x0], $0xffff  }
0x178: {  	v4 =	vor.u32 v47, v3;
	_ =	sdelay $0x3  }
0x179: {  	[tilespmem:v2+s12+$0x0] =	vst.idx.msk $0xffff, v1  }
0x17a: {  	v2 =	vor.u32 v48, v0;
	v1 =	vld.idx.msk [tilespmem:v4+s3+$0x0], $0xffff  }
0x17b: {  	v4 =	vor.u32 v49, v3;
	_ =	sdelay $0x3  }
0x17c: {  	[tilespmem:v2+s12+$0x0] =	vst.idx.msk $0xffff, v1  }
0x17d: {  	v2 =	vor.u32 v50, v0;
	v1 =	vld.idx.msk [tilespmem:v4+s3+$0x0], $0xffff  }
0x17e: {  	v4 =	vor.u32 v51, v3;
	_ =	sdelay $0x3  }
0x17f: {  	[tilespmem:v2+s12+$0x0] =	vst.idx.msk $0xffff, v1  }
0x180: {  	v2 =	vor.u32 v52, v0;
	v1 =	vld.idx.msk [tilespmem:v4+s3+$0x0], $0xffff  }
0x181: {  	v4 =	vor.u32 v53, v3;
	_ =	sdelay $0x3  }
0x182: {  	[tilespmem:v2+s12+$0x0] =	vst.idx.msk $0xffff, v1  }
0x183: {  	v2 =	vor.u32 v54, v0;
	v1 =	vld.idx.msk [tilespmem:v4+s3+$0x0], $0xffff  }
0x184: {  	v4 =	vor.u32 v55, v3;
	_ =	sdelay $0x3  }
0x185: {  	[tilespmem:v2+s12+$0x0] =	vst.idx.msk $0xffff, v1  }
0x186: {  	v2 =	vor.u32 v56, v0;
	v1 =	vld.idx.msk [tilespmem:v4+s3+$0x0], $0xffff  }
0x187: {  	v4 =	vor.u32 v57, v3;
	_ =	sdelay $0x3  }
0x188: {  	[tilespmem:v2+s12+$0x0] =	vst.idx.msk $0xffff, v1  }
0x189: {  	v2 =	vor.u32 v58, v0;
	v1 =	vld.idx.msk [tilespmem:v4+s3+$0x0], $0xffff  }
0x18a: {  	v4 =	vor.u32 v59, v3;
	_ =	sdelay $0x3  }
0x18b: {  	[tilespmem:v2+s12+$0x0] =	vst.idx.msk $0xffff, v1  }
0x18c: {  	v2 =	vor.u32 v60, v0;
	v1 =	vld.idx.msk [tilespmem:v4+s3+$0x0], $0xffff  }
0x18d: {  	v4 =	vor.u32 v61, v3;
	_ =	sdelay $0x3  }
0x18e: {  	[tilespmem:v2+s12+$0x0] =	vst.idx.msk $0xffff, v1  }
0x18f: {  	v2 =	vor.u32 v62, v0;
	v1 =	vld.idx.msk [tilespmem:v4+s3+$0x0], $0xffff  }
0x190: {  	v4 =	vor.u32 v63, v3;
	_ =	sdelay $0x3  }
0x191: {  	[tilespmem:v2+s12+$0x0] =	vst.idx.msk $0xffff, v1  }
0x192: {  	v2 =	vor.u32 v10, v0;
	v1 =	vld.idx.msk [tilespmem:v4+s3+$0x0], $0xffff  }
0x193: {  	v4 =	vor.u32 v9, v3;
	_ =	sdelay $0x3  }
0x194: {  	[tilespmem:v2+s12+$0x0] =	vst.idx.msk $0xffff, v1  }
0x195: {  	v2 =	vor.u32 v8, v0;
	v1 =	vld.idx.msk [tilespmem:v4+s3+$0x0], $0xffff  }
0x196: {  	v4 =	vor.u32 v11, v3;
	_ =	sdelay $0x3  }
0x197: {  	[tilespmem:v2+s12+$0x0] =	vst.idx.msk $0xffff, v1  }
0x198: {  	v2 =	vor.u32 v12, v0;
	v1 =	vld.idx.msk [tilespmem:v4+s3+$0x0], $0xffff  }
0x199: {  	v6 =	vmov v13;
	v4 =	vor.u32 v13, v3;
	v13 =	vld [tilespmem:$0x1FFB0];
	_ =	sdelay $0x3  }
0x19a: {  	v7 =	vld [tilespmem:$0x1FFA0];
	[tilespmem:v2+s12+$0x0] =	vst.idx.msk $0xffff, v1  }
0x19b: {  	v2 =	vor.u32 v13, v0;
	v1 =	vld.idx.msk [tilespmem:v4+s3+$0x0], $0xffff;
	_ =	sdelay $0x4  }
0x19c: {  	v4 =	vor.u32 v7, v3;
	[tilespmem:v2+s12+$0x0] =	vst.idx.msk $0xffff, v1;
	v2 =	vld [tilespmem:$0x1FF50]  }
0x19d: {  	v12 =	vld [tilespmem:$0x1FF80];
	_ =	sdelay $0x3  }
0x19e: {  	v1 =	vld.idx.msk [tilespmem:v4+s3+$0x0], $0xffff;
	v2 =	vor.u32 v2, v0  }
0x19f: {  	v4 =	vor.u32 v12, v3;
	_ =	sdelay $0x3  }
0x1a0: {  	[tilespmem:v2+s12+$0x0] =	vst.idx.msk $0xffff, v1  }
0x1a1: {  	v1 =	vld.idx.msk [tilespmem:v4+s3+$0x0], $0xffff  }
0x1a2: {  	v4 =	vld [tilespmem:$0x1FF90];
	_ =	sdelay $0x4  }
0x1a3: {  	v5 =	vld [tilespmem:$0x1FF60];
	v2 =	vor.u32 v4, v0;
	_ =	sdelay $0x4  }
0x1a4: {  	v3 =	vor.u32 v5, v3;
	[tilespmem:v2+s12+$0x0] =	vst.idx.msk $0xffff, v1;
	v2 =	vld [tilespmem:$0x1FF70];
	_ =	sdelay $0x4  }
0x1a5: {  	v1 =	vld.idx.msk [tilespmem:v3+s3+$0x0], $0xffff;
	v0 =	vor.u32 v2, v0;
	_ =	sdelay $0x3  }
0x1a6: {  	s20 =	sshll.u32 s17, $0x11  }
0x1a7: {  	s20 =	sadd.s32 s20, s6;
	v14 =	vmov v10;
	v20 =	vmov v15;
	v21 =	vmov v16;
	[tilespmem:v0+s12+$0x0] =	vst.idx.msk $0xffff, v1  }
0x1a8: {  	v16 =	vlaneseq.u32;
	v10 =	vmovc v8;
	v8 =	vmovc v6;
	v6 =	vmov v12;
	v5 =	vmov v13;
	v3 =	vld [tilespmem:$0x1FFC0];
	[hbm4b:s20+s3] =	stream.linear.scatter [tilespmem:s12], [sflag:$0x2], $0x4000, $0x38  }
.LBB2_6:
0x1a9: {  	p1 =	sge.u32 s18, s4  }
.Ltmp6:
0x1aa: {  	_ = 	snop;
	(pc) =	sbr.rel @p1 .LBB2_10-.Ltmp6, $1  }
0x1ab: {  	_ =	sdelay $0x3  }
0x1ac: {  	s19 =	sadd.s32 $0x2, s19;
	_ =	swait.ge [sflag:s11], $0x4000;
	s20 =	simm.s32 $0x0  }
0x1ad: {  	p1 =	sge.u32 s19, s4;
	[sflag:s11] =	ssyncset.done $0x0;
	v0 =	vadd.s32 s20, v16  }
0x1ae: {  	s19 =	sshll.u32 @!p1 s19, $0xE;
	[sflag:s11] =	ssyncadd.s32 $0xFFFFC000;
	v1 =	vshll.u32 v0, $0x9;
	v2 =	vshll.u32 v0, $0x7;
	s20 =	simm.s32 @!p1 $0x1000  }
0x1af: {  	s21 =	simm.s32 @!p1 $0x7A1400;
	s22 =	simm.s32 @!p1 $0x0;
	s19 =	sadd.s32 @!p1 s19, s5;
	v1 =	vand.u32 $0x3000, v1;
	v2 =	vand.u32 $0x380, v2  }
0x1b0: {  	[tilespmem:s22], [sflag:$0x1] =	stream.strided.gather @!p1 [hbm4b:s19+s20], $0x4000, s21, s20, $0x38;
	v1 =	vor.u32 v2, v1;
	[tilespmem:$0x10000] =	vst v63  }
0x1b1: {  	p1 =	seq.s32 s17, $0x0;
	v2 =	vor.u32 v16, v1  }
0x1b2: {  	s19 =	simm.s32 @!p1 $0x2  }
0x1b3: {  	_ =	swait.ge @!p1 [sflag:s19], $0x4000  }
0x1b4: {  	[sflag:s19] =	ssyncset.done @!p1 $0x0  }
0x1b5: {  	v0 =	vand.u32 $0x1F, v0;
	[sflag:s19] =	ssyncadd.s32 @!p1 $0xFFFFC000  }
0x1b6: {  	v13 =	vmov v3;
	v3 =	vor.u32 v3, v0;
	v2 =	vld.idx.msk [tilespmem:v2+s13+$0x0], $0xffff  }
0x1b7: {  	v6 =	vmov v4;
	v4 =	vor.u32 v20, v1;
	_ =	sdelay $0x3  }
0x1b8: {  	[tilespmem:v3+s14+$0x0] =	vst.idx.msk $0xffff, v2  }
0x1b9: {  	v3 =	vor.u32 v21, v0;
	v2 =	vld.idx.msk [tilespmem:v4+s13+$0x0], $0xffff  }
0x1ba: {  	v4 =	vor.u32 v17, v1;
	_ =	sdelay $0x3  }
0x1bb: {  	[tilespmem:v3+s14+$0x0] =	vst.idx.msk $0xffff, v2  }
0x1bc: {  	v3 =	vor.u32 v18, v0;
	v2 =	vld.idx.msk [tilespmem:v4+s13+$0x0], $0xffff  }
0x1bd: {  	v63 =	vmov v19;
	v4 =	vor.u32 v19, v1;
	v19 =	vld [tilespmem:$0x1FC70]  }
0x1be: {  	v15 =	vmov v20;
	v20 =	vld [tilespmem:$0x1FC80];
	_ =	sdelay $0x2  }
0x1bf: {  	[tilespmem:v3+s14+$0x0] =	vst.idx.msk $0xffff, v2  }
0x1c0: {  	v3 =	vor.u32 v19, v0;
	v2 =	vld.idx.msk [tilespmem:v4+s13+$0x0], $0xffff  }
0x1c1: {  	v16 =	vmov v21;
	v21 =	vld [tilespmem:$0x1FC90];
	v4 =	vor.u32 v20, v1  }
0x1c2: {  	v22 =	vld [tilespmem:$0x1FCA0];
	_ =	sdelay $0x2  }
0x1c3: {  	[tilespmem:v3+s14+$0x0] =	vst.idx.msk $0xffff, v2  }
0x1c4: {  	v3 =	vor.u32 v21, v0;
	v2 =	vld.idx.msk [tilespmem:v4+s13+$0x0], $0xffff  }
0x1c5: {  	v23 =	vld [tilespmem:$0x1FCB0];
	v4 =	vor.u32 v22, v1  }
0x1c6: {  	v24 =	vld [tilespmem:$0x1FCC0];
	_ =	sdelay $0x2  }
0x1c7: {  	[tilespmem:v3+s14+$0x0] =	vst.idx.msk $0xffff, v2  }
0x1c8: {  	v3 =	vor.u32 v23, v0;
	v2 =	vld.idx.msk [tilespmem:v4+s13+$0x0], $0xffff  }
0x1c9: {  	v25 =	vld [tilespmem:$0x1FCD0];
	v4 =	vor.u32 v24, v1  }
0x1ca: {  	v26 =	vld [tilespmem:$0x1FCE0];
	_ =	sdelay $0x2  }
0x1cb: {  	[tilespmem:v3+s14+$0x0] =	vst.idx.msk $0xffff, v2  }
0x1cc: {  	v3 =	vor.u32 v25, v0;
	v2 =	vld.idx.msk [tilespmem:v4+s13+$0x0], $0xffff  }
0x1cd: {  	v27 =	vld [tilespmem:$0x1FCF0];
	v4 =	vor.u32 v26, v1  }
0x1ce: {  	v28 =	vld [tilespmem:$0x1FD00];
	_ =	sdelay $0x2  }
0x1cf: {  	[tilespmem:v3+s14+$0x0] =	vst.idx.msk $0xffff, v2  }
0x1d0: {  	v3 =	vor.u32 v27, v0;
	v2 =	vld.idx.msk [tilespmem:v4+s13+$0x0], $0xffff  }
0x1d1: {  	v29 =	vld [tilespmem:$0x1FD10];
	v4 =	vor.u32 v28, v1  }
0x1d2: {  	v30 =	vld [tilespmem:$0x1FD20];
	_ =	sdelay $0x2  }
0x1d3: {  	[tilespmem:v3+s14+$0x0] =	vst.idx.msk $0xffff, v2  }
0x1d4: {  	v3 =	vor.u32 v29, v0;
	v2 =	vld.idx.msk [tilespmem:v4+s13+$0x0], $0xffff  }
0x1d5: {  	v31 =	vld [tilespmem:$0x1FD30];
	v4 =	vor.u32 v30, v1  }
0x1d6: {  	v32 =	vld [tilespmem:$0x1FD40];
	_ =	sdelay $0x2  }
0x1d7: {  	[tilespmem:v3+s14+$0x0] =	vst.idx.msk $0xffff, v2  }
0x1d8: {  	v3 =	vor.u32 v31, v0;
	v2 =	vld.idx.msk [tilespmem:v4+s13+$0x0], $0xffff  }
0x1d9: {  	v33 =	vld [tilespmem:$0x1FD50];
	v4 =	vor.u32 v32, v1  }
0x1da: {  	v34 =	vld [tilespmem:$0x1FD60];
	_ =	sdelay $0x2  }
0x1db: {  	[tilespmem:v3+s14+$0x0] =	vst.idx.msk $0xffff, v2  }
0x1dc: {  	v3 =	vor.u32 v33, v0;
	v2 =	vld.idx.msk [tilespmem:v4+s13+$0x0], $0xffff  }
0x1dd: {  	v35 =	vld [tilespmem:$0x1FD70];
	v4 =	vor.u32 v34, v1  }
0x1de: {  	v36 =	vld [tilespmem:$0x1FD80];
	_ =	sdelay $0x2  }
0x1df: {  	[tilespmem:v3+s14+$0x0] =	vst.idx.msk $0xffff, v2  }
0x1e0: {  	v3 =	vor.u32 v35, v0;
	v2 =	vld.idx.msk [tilespmem:v4+s13+$0x0], $0xffff  }
0x1e1: {  	v37 =	vld [tilespmem:$0x1FD90];
	v4 =	vor.u32 v36, v1  }
0x1e2: {  	v38 =	vld [tilespmem:$0x1FDA0];
	_ =	sdelay $0x2  }
0x1e3: {  	[tilespmem:v3+s14+$0x0] =	vst.idx.msk $0xffff, v2  }
0x1e4: {  	v3 =	vor.u32 v37, v0;
	v2 =	vld.idx.msk [tilespmem:v4+s13+$0x0], $0xffff  }
0x1e5: {  	v39 =	vld [tilespmem:$0x1FDB0];
	v4 =	vor.u32 v38, v1  }
0x1e6: {  	v40 =	vld [tilespmem:$0x1FDC0];
	_ =	sdelay $0x2  }
0x1e7: {  	[tilespmem:v3+s14+$0x0] =	vst.idx.msk $0xffff, v2  }
0x1e8: {  	v3 =	vor.u32 v39, v0;
	v2 =	vld.idx.msk [tilespmem:v4+s13+$0x0], $0xffff  }
0x1e9: {  	v41 =	vld [tilespmem:$0x1FDD0];
	v4 =	vor.u32 v40, v1  }
0x1ea: {  	v42 =	vld [tilespmem:$0x1FDE0];
	_ =	sdelay $0x2  }
0x1eb: {  	[tilespmem:v3+s14+$0x0] =	vst.idx.msk $0xffff, v2  }
0x1ec: {  	v3 =	vor.u32 v41, v0;
	v2 =	vld.idx.msk [tilespmem:v4+s13+$0x0], $0xffff  }
0x1ed: {  	v43 =	vld [tilespmem:$0x1FDF0];
	v4 =	vor.u32 v42, v1  }
0x1ee: {  	v44 =	vld [tilespmem:$0x1FE00];
	_ =	sdelay $0x2  }
0x1ef: {  	[tilespmem:v3+s14+$0x0] =	vst.idx.msk $0xffff, v2  }
0x1f0: {  	v3 =	vor.u32 v43, v0;
	v2 =	vld.idx.msk [tilespmem:v4+s13+$0x0], $0xffff  }
0x1f1: {  	v45 =	vld [tilespmem:$0x1FE10];
	v4 =	vor.u32 v44, v1  }
0x1f2: {  	v46 =	vld [tilespmem:$0x1FE20];
	_ =	sdelay $0x2  }
0x1f3: {  	[tilespmem:v3+s14+$0x0] =	vst.idx.msk $0xffff, v2  }
0x1f4: {  	v3 =	vor.u32 v45, v0;
	v2 =	vld.idx.msk [tilespmem:v4+s13+$0x0], $0xffff  }
0x1f5: {  	v47 =	vld [tilespmem:$0x1FE30];
	v4 =	vor.u32 v46, v1  }
0x1f6: {  	v48 =	vld [tilespmem:$0x1FE40];
	_ =	sdelay $0x2  }
0x1f7: {  	[tilespmem:v3+s14+$0x0] =	vst.idx.msk $0xffff, v2  }
0x1f8: {  	v3 =	vor.u32 v47, v0;
	v2 =	vld.idx.msk [tilespmem:v4+s13+$0x0], $0xffff  }
0x1f9: {  	v49 =	vld [tilespmem:$0x1FE50];
	v4 =	vor.u32 v48, v1  }
0x1fa: {  	v50 =	vld [tilespmem:$0x1FE60];
	_ =	sdelay $0x2  }
0x1fb: {  	[tilespmem:v3+s14+$0x0] =	vst.idx.msk $0xffff, v2  }
0x1fc: {  	v3 =	vor.u32 v49, v0;
	v2 =	vld.idx.msk [tilespmem:v4+s13+$0x0], $0xffff  }
0x1fd: {  	v51 =	vld [tilespmem:$0x1FE70];
	v4 =	vor.u32 v50, v1  }
0x1fe: {  	v52 =	vld [tilespmem:$0x1FE80];
	_ =	sdelay $0x2  }
0x1ff: {  	[tilespmem:v3+s14+$0x0] =	vst.idx.msk $0xffff, v2  }
0x200: {  	v3 =	vor.u32 v51, v0;
	v2 =	vld.idx.msk [tilespmem:v4+s13+$0x0], $0xffff  }
0x201: {  	v53 =	vld [tilespmem:$0x1FE90];
	v4 =	vor.u32 v52, v1  }
0x202: {  	v54 =	vld [tilespmem:$0x1FEA0];
	_ =	sdelay $0x2  }
0x203: {  	[tilespmem:v3+s14+$0x0] =	vst.idx.msk $0xffff, v2  }
0x204: {  	v3 =	vor.u32 v53, v0;
	v2 =	vld.idx.msk [tilespmem:v4+s13+$0x0], $0xffff  }
0x205: {  	v55 =	vld [tilespmem:$0x1FEB0];
	v4 =	vor.u32 v54, v1  }
0x206: {  	v56 =	vld [tilespmem:$0x1FEC0];
	_ =	sdelay $0x2  }
0x207: {  	[tilespmem:v3+s14+$0x0] =	vst.idx.msk $0xffff, v2  }
0x208: {  	v3 =	vor.u32 v55, v0;
	v2 =	vld.idx.msk [tilespmem:v4+s13+$0x0], $0xffff  }
0x209: {  	v57 =	vld [tilespmem:$0x1FED0];
	v4 =	vor.u32 v56, v1  }
0x20a: {  	v58 =	vld [tilespmem:$0x1FEE0];
	_ =	sdelay $0x2  }
0x20b: {  	[tilespmem:v3+s14+$0x0] =	vst.idx.msk $0xffff, v2  }
0x20c: {  	v3 =	vor.u32 v57, v0;
	v2 =	vld.idx.msk [tilespmem:v4+s13+$0x0], $0xffff  }
0x20d: {  	v59 =	vld [tilespmem:$0x1FEF0];
	v4 =	vor.u32 v58, v1  }
0x20e: {  	v60 =	vld [tilespmem:$0x1FF00];
	_ =	sdelay $0x2  }
0x20f: {  	[tilespmem:v3+s14+$0x0] =	vst.idx.msk $0xffff, v2  }
0x210: {  	v3 =	vor.u32 v59, v0;
	v2 =	vld.idx.msk [tilespmem:v4+s13+$0x0], $0xffff  }
0x211: {  	v61 =	vld [tilespmem:$0x1FF10];
	v4 =	vor.u32 v60, v1  }
0x212: {  	v62 =	vld [tilespmem:$0x1FF20];
	_ =	sdelay $0x2  }
0x213: {  	[tilespmem:v3+s14+$0x0] =	vst.idx.msk $0xffff, v2  }
0x214: {  	v3 =	vor.u32 v61, v0;
	v2 =	vld.idx.msk [tilespmem:v4+s13+$0x0], $0xffff  }
0x215: {  	v4 =	vor.u32 v62, v1;
	_ =	sdelay $0x3  }
0x216: {  	[tilespmem:v3+s14+$0x0] =	vst.idx.msk $0xffff, v2  }
0x217: {  	v3 =	vor.u32 v14, v0;
	v2 =	vld.idx.msk [tilespmem:v4+s13+$0x0], $0xffff  }
0x218: {  	v4 =	vor.u32 v9, v1  }
0x219: {  	v12 =	vld [tilespmem:$0x1FF30];
	_ =	sdelay $0x2  }
0x21a: {  	[tilespmem:v3+s14+$0x0] =	vst.idx.msk $0xffff, v2  }
0x21b: {  	v3 =	vor.u32 v10, v0;
	v2 =	vld.idx.msk [tilespmem:v4+s13+$0x0], $0xffff  }
0x21c: {  	v11 =	vmov v9;
	v9 =	vld [tilespmem:$0x1FF40];
	v4 =	vor.u32 v12, v1;
	_ =	sdelay $0x3  }
0x21d: {  	[tilespmem:v3+s14+$0x0] =	vst.idx.msk $0xffff, v2  }
0x21e: {  	v3 =	vor.u32 v9, v0;
	v2 =	vld.idx.msk [tilespmem:v4+s13+$0x0], $0xffff  }
0x21f: {  	v4 =	vor.u32 v8, v1;
	_ =	sdelay $0x3  }
0x220: {  	[tilespmem:v3+s14+$0x0] =	vst.idx.msk $0xffff, v2  }
0x221: {  	v3 =	vor.u32 v5, v0;
	v2 =	vld.idx.msk [tilespmem:v4+s13+$0x0], $0xffff;
	_ =	sdelay $0x3  }
0x222: {  	v4 =	vor.u32 v7, v1  }
0x223: {  	[tilespmem:v3+s14+$0x0] =	vst.idx.msk $0xffff, v2;
	v3 =	vld [tilespmem:$0x1FF50];
	_ =	sdelay $0x3  }
0x224: {  	v2 =	vld.idx.msk [tilespmem:v4+s13+$0x0], $0xffff  }
0x225: {  	v4 =	vld [tilespmem:$0x1FF80];
	v3 =	vor.u32 v3, v0;
	_ =	sdelay $0x4  }
0x226: {  	v4 =	vor.u32 v4, v1;
	[tilespmem:v3+s14+$0x0] =	vst.idx.msk $0xffff, v2;
	v2 =	vld [tilespmem:$0x1FF60];
	_ =	sdelay $0x3  }
0x227: {  	v8 =	vmov v12;
	v5 =	vmov v14;
	v14 =	vmov v15  }
0x228: {  	s31 =	simm.s32 $0x1;
	v15 =	vmovc v16;
	v16 =	vmovc v17;
	v3 =	vld.idx.msk [tilespmem:v4+s13+$0x0], $0xffff;
	v4 =	vor.u32 v6, v0;
	v1 =	vor.u32 v2, v1;
	v2 =	vlaneseq.u32  }
0x229: {  	s19 =	simm.s32 $0x2;
	v12 =	vld [tilespmem:$0x1FFF0];
	v17 =	vmovc v18;
	v18 =	vmovc v63;
	v7 =	vlaneseq.u32;
	v63 =	vmov v5;
	v2 =	vadd.s32 s31, v2  }
.LBB2_8:
0x22a: {  	_ =	sdelay $0x2  }
0x22b: {  	v5 =	vshll.u32 v2, $0x9;
	v6 =	vshll.u32 v2, $0x7;
	[tilespmem:v4+s14+$0x0] =	vst.idx.msk $0xffff, v3  }
0x22c: {  	v3 =	vand.u32 $0x3000, v5;
	v4 =	vand.u32 $0x380, v6;
	v5 =	vld.idx.msk [tilespmem:v1+s13+$0x0], $0xffff  }
0x22d: {  	v1 =	vor.u32 v4, v3;
	v3 =	vld [tilespmem:$0x1FF70];
	_ =	sdelay $0x4  }
0x22e: {  	v0 =	vor.u32 v3, v0  }
0x22f: {  	v3 =	vor.u32 v7, v1;
	_ =	sdelay $0x3  }
0x230: {  	[tilespmem:v0+s14+$0x0] =	vst.idx.msk $0xffff, v5;
	v0 =	vand.u32 $0x1F, v2  }
0x231: {  	v2 =	vld.idx.msk [tilespmem:v3+s13+$0x0], $0xffff;
	v3 =	vor.u32 v13, v0  }
0x232: {  	v4 =	vor.u32 v14, v1;
	_ =	sdelay $0x3  }
0x233: {  	[tilespmem:v3+s14+$0x0] =	vst.idx.msk $0xffff, v2  }
0x234: {  	v3 =	vor.u32 v15, v0;
	v2 =	vld.idx.msk [tilespmem:v4+s13+$0x0], $0xffff  }
0x235: {  	v4 =	vor.u32 v16, v1;
	_ =	sdelay $0x3  }
0x236: {  	[tilespmem:v3+s14+$0x0] =	vst.idx.msk $0xffff, v2  }
0x237: {  	v3 =	vor.u32 v17, v0;
	v2 =	vld.idx.msk [tilespmem:v4+s13+$0x0], $0xffff  }
0x238: {  	v4 =	vor.u32 v18, v1;
	_ =	sdelay $0x3  }
0x239: {  	[tilespmem:v3+s14+$0x0] =	vst.idx.msk $0xffff, v2  }
0x23a: {  	v3 =	vor.u32 v19, v0;
	v2 =	vld.idx.msk [tilespmem:v4+s13+$0x0], $0xffff  }
0x23b: {  	v4 =	vor.u32 v20, v1;
	_ =	sdelay $0x3  }
0x23c: {  	[tilespmem:v3+s14+$0x0] =	vst.idx.msk $0xffff, v2  }
0x23d: {  	v3 =	vor.u32 v21, v0;
	v2 =	vld.idx.msk [tilespmem:v4+s13+$0x0], $0xffff  }
0x23e: {  	v4 =	vor.u32 v22, v1;
	_ =	sdelay $0x3  }
0x23f: {  	[tilespmem:v3+s14+$0x0] =	vst.idx.msk $0xffff, v2  }
0x240: {  	v3 =	vor.u32 v23, v0;
	v2 =	vld.idx.msk [tilespmem:v4+s13+$0x0], $0xffff  }
0x241: {  	v4 =	vor.u32 v24, v1;
	_ =	sdelay $0x3  }
0x242: {  	[tilespmem:v3+s14+$0x0] =	vst.idx.msk $0xffff, v2  }
0x243: {  	v3 =	vor.u32 v25, v0;
	v2 =	vld.idx.msk [tilespmem:v4+s13+$0x0], $0xffff  }
0x244: {  	v4 =	vor.u32 v26, v1;
	_ =	sdelay $0x3  }
0x245: {  	[tilespmem:v3+s14+$0x0] =	vst.idx.msk $0xffff, v2  }
0x246: {  	v3 =	vor.u32 v27, v0;
	v2 =	vld.idx.msk [tilespmem:v4+s13+$0x0], $0xffff  }
0x247: {  	v4 =	vor.u32 v28, v1;
	_ =	sdelay $0x3  }
0x248: {  	[tilespmem:v3+s14+$0x0] =	vst.idx.msk $0xffff, v2  }
0x249: {  	v3 =	vor.u32 v29, v0;
	v2 =	vld.idx.msk [tilespmem:v4+s13+$0x0], $0xffff  }
0x24a: {  	v4 =	vor.u32 v30, v1;
	_ =	sdelay $0x3  }
0x24b: {  	[tilespmem:v3+s14+$0x0] =	vst.idx.msk $0xffff, v2  }
0x24c: {  	v3 =	vor.u32 v31, v0;
	v2 =	vld.idx.msk [tilespmem:v4+s13+$0x0], $0xffff  }
0x24d: {  	v4 =	vor.u32 v32, v1;
	_ =	sdelay $0x3  }
0x24e: {  	[tilespmem:v3+s14+$0x0] =	vst.idx.msk $0xffff, v2  }
0x24f: {  	v3 =	vor.u32 v33, v0;
	v2 =	vld.idx.msk [tilespmem:v4+s13+$0x0], $0xffff  }
0x250: {  	v4 =	vor.u32 v34, v1;
	_ =	sdelay $0x3  }
0x251: {  	[tilespmem:v3+s14+$0x0] =	vst.idx.msk $0xffff, v2  }
0x252: {  	v3 =	vor.u32 v35, v0;
	v2 =	vld.idx.msk [tilespmem:v4+s13+$0x0], $0xffff  }
0x253: {  	v4 =	vor.u32 v36, v1;
	_ =	sdelay $0x3  }
0x254: {  	[tilespmem:v3+s14+$0x0] =	vst.idx.msk $0xffff, v2  }
0x255: {  	v3 =	vor.u32 v37, v0;
	v2 =	vld.idx.msk [tilespmem:v4+s13+$0x0], $0xffff  }
0x256: {  	v4 =	vor.u32 v38, v1;
	_ =	sdelay $0x3  }
0x257: {  	[tilespmem:v3+s14+$0x0] =	vst.idx.msk $0xffff, v2  }
0x258: {  	v3 =	vor.u32 v39, v0;
	v2 =	vld.idx.msk [tilespmem:v4+s13+$0x0], $0xffff  }
0x259: {  	v4 =	vor.u32 v40, v1;
	_ =	sdelay $0x3  }
0x25a: {  	[tilespmem:v3+s14+$0x0] =	vst.idx.msk $0xffff, v2  }
0x25b: {  	v3 =	vor.u32 v41, v0;
	v2 =	vld.idx.msk [tilespmem:v4+s13+$0x0], $0xffff  }
0x25c: {  	v4 =	vor.u32 v42, v1;
	_ =	sdelay $0x3  }
0x25d: {  	[tilespmem:v3+s14+$0x0] =	vst.idx.msk $0xffff, v2  }
0x25e: {  	v3 =	vor.u32 v43, v0;
	v2 =	vld.idx.msk [tilespmem:v4+s13+$0x0], $0xffff  }
0x25f: {  	v4 =	vor.u32 v44, v1;
	_ =	sdelay $0x3  }
0x260: {  	[tilespmem:v3+s14+$0x0] =	vst.idx.msk $0xffff, v2  }
0x261: {  	v3 =	vor.u32 v45, v0;
	v2 =	vld.idx.msk [tilespmem:v4+s13+$0x0], $0xffff  }
0x262: {  	v4 =	vor.u32 v46, v1;
	_ =	sdelay $0x3  }
0x263: {  	[tilespmem:v3+s14+$0x0] =	vst.idx.msk $0xffff, v2  }
0x264: {  	v3 =	vor.u32 v47, v0;
	v2 =	vld.idx.msk [tilespmem:v4+s13+$0x0], $0xffff  }
0x265: {  	v4 =	vor.u32 v48, v1;
	_ =	sdelay $0x3  }
0x266: {  	[tilespmem:v3+s14+$0x0] =	vst.idx.msk $0xffff, v2  }
0x267: {  	v3 =	vor.u32 v49, v0;
	v2 =	vld.idx.msk [tilespmem:v4+s13+$0x0], $0xffff  }
0x268: {  	v4 =	vor.u32 v50, v1;
	_ =	sdelay $0x3  }
0x269: {  	[tilespmem:v3+s14+$0x0] =	vst.idx.msk $0xffff, v2  }
0x26a: {  	v3 =	vor.u32 v51, v0;
	v2 =	vld.idx.msk [tilespmem:v4+s13+$0x0], $0xffff  }
0x26b: {  	v4 =	vor.u32 v52, v1;
	_ =	sdelay $0x3  }
0x26c: {  	[tilespmem:v3+s14+$0x0] =	vst.idx.msk $0xffff, v2  }
0x26d: {  	v3 =	vor.u32 v53, v0;
	v2 =	vld.idx.msk [tilespmem:v4+s13+$0x0], $0xffff  }
0x26e: {  	v4 =	vor.u32 v54, v1;
	_ =	sdelay $0x3  }
0x26f: {  	[tilespmem:v3+s14+$0x0] =	vst.idx.msk $0xffff, v2  }
0x270: {  	v3 =	vor.u32 v55, v0;
	v2 =	vld.idx.msk [tilespmem:v4+s13+$0x0], $0xffff  }
0x271: {  	v4 =	vor.u32 v56, v1;
	_ =	sdelay $0x3  }
0x272: {  	[tilespmem:v3+s14+$0x0] =	vst.idx.msk $0xffff, v2  }
0x273: {  	v3 =	vor.u32 v57, v0;
	v2 =	vld.idx.msk [tilespmem:v4+s13+$0x0], $0xffff  }
0x274: {  	v4 =	vor.u32 v58, v1;
	_ =	sdelay $0x3  }
0x275: {  	[tilespmem:v3+s14+$0x0] =	vst.idx.msk $0xffff, v2  }
0x276: {  	v3 =	vor.u32 v59, v0;
	v2 =	vld.idx.msk [tilespmem:v4+s13+$0x0], $0xffff  }
0x277: {  	v4 =	vor.u32 v60, v1;
	_ =	sdelay $0x3  }
0x278: {  	[tilespmem:v3+s14+$0x0] =	vst.idx.msk $0xffff, v2  }
0x279: {  	v3 =	vor.u32 v61, v0;
	v2 =	vld.idx.msk [tilespmem:v4+s13+$0x0], $0xffff  }
0x27a: {  	v4 =	vor.u32 v62, v1;
	_ =	sdelay $0x3  }
0x27b: {  	[tilespmem:v3+s14+$0x0] =	vst.idx.msk $0xffff, v2  }
0x27c: {  	v3 =	vor.u32 v63, v0;
	v2 =	vld.idx.msk [tilespmem:v4+s13+$0x0], $0xffff  }
0x27d: {  	v4 =	vor.u32 v11, v1;
	_ =	sdelay $0x3  }
0x27e: {  	[tilespmem:v3+s14+$0x0] =	vst.idx.msk $0xffff, v2  }
0x27f: {  	v3 =	vor.u32 v10, v0;
	v2 =	vld.idx.msk [tilespmem:v4+s13+$0x0], $0xffff  }
0x280: {  	v4 =	vor.u32 v8, v1;
	_ =	sdelay $0x3  }
0x281: {  	[tilespmem:v3+s14+$0x0] =	vst.idx.msk $0xffff, v2  }
0x282: {  	v3 =	vor.u32 v9, v0;
	v2 =	vld.idx.msk [tilespmem:v4+s13+$0x0], $0xffff;
	_ =	sdelay $0x1  }
0x283: {  	v4 =	vor.u32 v12, v1;
	_ =	sdelay $0x2  }
0x284: {  	[tilespmem:v3+s14+$0x0] =	vst.idx.msk $0xffff, v2;
	v3 =	vld [tilespmem:$0x1FFB0];
	_ =	sdelay $0x1  }
0x285: {  	v2 =	vld.idx.msk [tilespmem:v4+s13+$0x0], $0xffff  }
0x286: {  	v4 =	vld [tilespmem:$0x1FFA0];
	_ =	sdelay $0x1  }
0x287: {  	v3 =	vor.u32 v3, v0;
	_ =	sdelay $0x2  }
0x288: {  	v4 =	vor.u32 v4, v1;
	_ =	sdelay $0x1  }
0x289: {  	[tilespmem:v3+s14+$0x0] =	vst.idx.msk $0xffff, v2;
	v3 =	vld [tilespmem:$0x1FF50];
	_ =	sdelay $0x2  }
0x28a: {  	v2 =	vld.idx.msk [tilespmem:v4+s13+$0x0], $0xffff  }
0x28b: {  	v4 =	vld [tilespmem:$0x1FF80]  }
0x28c: {  	v3 =	vor.u32 v3, v0;
	_ =	sdelay $0x3  }
0x28d: {  	v4 =	vor.u32 v4, v1  }
0x28e: {  	[tilespmem:v3+s14+$0x0] =	vst.idx.msk $0xffff, v2;
	v2 =	vld [tilespmem:$0x1FF90];
	_ =	sdelay $0x3  }
0x28f: {  	v3 =	vld.idx.msk [tilespmem:v4+s13+$0x0], $0xffff  }
0x290: {  	p1 =	sne.s32 s19, $0x1F;
	v4 =	vor.u32 v2, v0;
	v2 =	vld [tilespmem:$0x1FF60]  }
.Ltmp7:
0x291: {  	_ = 	snop;
	(pc) =	sbr.rel @p1 .LBB2_8-.Ltmp7, $2  }
0x292: {  	_ =	sdelay $0x2  }
0x293: {  	v1 =	vor.u32 v2, v1;
	v2 =	vadd.s32 s19, v7;
	s19 =	sadd.s32 $0x1, s19  }
0x294: {  	_ =	sdelay $0x2  }
0x295: {  	v5 =	vshll.u32 v2, $0x9;
	v6 =	vshll.u32 v2, $0x7  }
0x296: {  	[tilespmem:v4+s14+$0x0] =	vst.idx.msk $0xffff, v3;
	v3 =	vand.u32 $0x3000, v5;
	v4 =	vand.u32 $0x380, v6  }
0x297: {  	v3 =	vor.u32 v4, v3;
	v4 =	vld [tilespmem:$0x1FF70];
	_ =	sdelay $0x4  }
0x298: {  	v1 =	vld.idx.msk [tilespmem:v1+s13+$0x0], $0xffff;
	v0 =	vor.u32 v4, v0  }
0x299: {  	v4 =	vor.u32 v7, v3;
	_ =	sdelay $0x3  }
0x29a: {  	[tilespmem:v0+s14+$0x0] =	vst.idx.msk $0xffff, v1;
	v0 =	vand.u32 $0x1F, v2  }
0x29b: {  	v1 =	vld.idx.msk [tilespmem:v4+s13+$0x0], $0xffff;
	v2 =	vor.u32 v13, v0  }
0x29c: {  	v4 =	vor.u32 v14, v3;
	_ =	sdelay $0x3  }
0x29d: {  	[tilespmem:v2+s14+$0x0] =	vst.idx.msk $0xffff, v1  }
0x29e: {  	v2 =	vor.u32 v15, v0;
	v1 =	vld.idx.msk [tilespmem:v4+s13+$0x0], $0xffff  }
0x29f: {  	v4 =	vor.u32 v16, v3;
	_ =	sdelay $0x3  }
0x2a0: {  	[tilespmem:v2+s14+$0x0] =	vst.idx.msk $0xffff, v1  }
0x2a1: {  	v2 =	vor.u32 v17, v0;
	v1 =	vld.idx.msk [tilespmem:v4+s13+$0x0], $0xffff  }
0x2a2: {  	v4 =	vor.u32 v18, v3;
	_ =	sdelay $0x3  }
0x2a3: {  	[tilespmem:v2+s14+$0x0] =	vst.idx.msk $0xffff, v1  }
0x2a4: {  	v2 =	vor.u32 v19, v0;
	v1 =	vld.idx.msk [tilespmem:v4+s13+$0x0], $0xffff  }
0x2a5: {  	v4 =	vor.u32 v20, v3;
	_ =	sdelay $0x3  }
0x2a6: {  	[tilespmem:v2+s14+$0x0] =	vst.idx.msk $0xffff, v1  }
0x2a7: {  	v2 =	vor.u32 v21, v0;
	v1 =	vld.idx.msk [tilespmem:v4+s13+$0x0], $0xffff  }
0x2a8: {  	v4 =	vor.u32 v22, v3;
	_ =	sdelay $0x3  }
0x2a9: {  	[tilespmem:v2+s14+$0x0] =	vst.idx.msk $0xffff, v1  }
0x2aa: {  	v2 =	vor.u32 v23, v0;
	v1 =	vld.idx.msk [tilespmem:v4+s13+$0x0], $0xffff  }
0x2ab: {  	v4 =	vor.u32 v24, v3;
	_ =	sdelay $0x3  }
0x2ac: {  	[tilespmem:v2+s14+$0x0] =	vst.idx.msk $0xffff, v1  }
0x2ad: {  	v2 =	vor.u32 v25, v0;
	v1 =	vld.idx.msk [tilespmem:v4+s13+$0x0], $0xffff  }
0x2ae: {  	v4 =	vor.u32 v26, v3;
	_ =	sdelay $0x3  }
0x2af: {  	[tilespmem:v2+s14+$0x0] =	vst.idx.msk $0xffff, v1  }
0x2b0: {  	v2 =	vor.u32 v27, v0;
	v1 =	vld.idx.msk [tilespmem:v4+s13+$0x0], $0xffff  }
0x2b1: {  	v4 =	vor.u32 v28, v3;
	_ =	sdelay $0x3  }
0x2b2: {  	[tilespmem:v2+s14+$0x0] =	vst.idx.msk $0xffff, v1  }
0x2b3: {  	v2 =	vor.u32 v29, v0;
	v1 =	vld.idx.msk [tilespmem:v4+s13+$0x0], $0xffff  }
0x2b4: {  	v4 =	vor.u32 v30, v3;
	_ =	sdelay $0x3  }
0x2b5: {  	[tilespmem:v2+s14+$0x0] =	vst.idx.msk $0xffff, v1  }
0x2b6: {  	v2 =	vor.u32 v31, v0;
	v1 =	vld.idx.msk [tilespmem:v4+s13+$0x0], $0xffff  }
0x2b7: {  	v4 =	vor.u32 v32, v3;
	_ =	sdelay $0x3  }
0x2b8: {  	[tilespmem:v2+s14+$0x0] =	vst.idx.msk $0xffff, v1  }
0x2b9: {  	v2 =	vor.u32 v33, v0;
	v1 =	vld.idx.msk [tilespmem:v4+s13+$0x0], $0xffff  }
0x2ba: {  	v4 =	vor.u32 v34, v3;
	_ =	sdelay $0x3  }
0x2bb: {  	[tilespmem:v2+s14+$0x0] =	vst.idx.msk $0xffff, v1  }
0x2bc: {  	v2 =	vor.u32 v35, v0;
	v1 =	vld.idx.msk [tilespmem:v4+s13+$0x0], $0xffff  }
0x2bd: {  	v4 =	vor.u32 v36, v3;
	_ =	sdelay $0x3  }
0x2be: {  	[tilespmem:v2+s14+$0x0] =	vst.idx.msk $0xffff, v1  }
0x2bf: {  	v2 =	vor.u32 v37, v0;
	v1 =	vld.idx.msk [tilespmem:v4+s13+$0x0], $0xffff  }
0x2c0: {  	v4 =	vor.u32 v38, v3;
	_ =	sdelay $0x3  }
0x2c1: {  	[tilespmem:v2+s14+$0x0] =	vst.idx.msk $0xffff, v1  }
0x2c2: {  	v2 =	vor.u32 v39, v0;
	v1 =	vld.idx.msk [tilespmem:v4+s13+$0x0], $0xffff  }
0x2c3: {  	v4 =	vor.u32 v40, v3;
	_ =	sdelay $0x3  }
0x2c4: {  	[tilespmem:v2+s14+$0x0] =	vst.idx.msk $0xffff, v1  }
0x2c5: {  	v2 =	vor.u32 v41, v0;
	v1 =	vld.idx.msk [tilespmem:v4+s13+$0x0], $0xffff  }
0x2c6: {  	v4 =	vor.u32 v42, v3;
	_ =	sdelay $0x3  }
0x2c7: {  	[tilespmem:v2+s14+$0x0] =	vst.idx.msk $0xffff, v1  }
0x2c8: {  	v2 =	vor.u32 v43, v0;
	v1 =	vld.idx.msk [tilespmem:v4+s13+$0x0], $0xffff  }
0x2c9: {  	v4 =	vor.u32 v44, v3;
	_ =	sdelay $0x3  }
0x2ca: {  	[tilespmem:v2+s14+$0x0] =	vst.idx.msk $0xffff, v1  }
0x2cb: {  	v2 =	vor.u32 v45, v0;
	v1 =	vld.idx.msk [tilespmem:v4+s13+$0x0], $0xffff  }
0x2cc: {  	v4 =	vor.u32 v46, v3;
	_ =	sdelay $0x3  }
0x2cd: {  	[tilespmem:v2+s14+$0x0] =	vst.idx.msk $0xffff, v1  }
0x2ce: {  	v2 =	vor.u32 v47, v0;
	v1 =	vld.idx.msk [tilespmem:v4+s13+$0x0], $0xffff  }
0x2cf: {  	v4 =	vor.u32 v48, v3;
	_ =	sdelay $0x3  }
0x2d0: {  	[tilespmem:v2+s14+$0x0] =	vst.idx.msk $0xffff, v1  }
0x2d1: {  	v2 =	vor.u32 v49, v0;
	v1 =	vld.idx.msk [tilespmem:v4+s13+$0x0], $0xffff  }
0x2d2: {  	v4 =	vor.u32 v50, v3;
	_ =	sdelay $0x3  }
0x2d3: {  	[tilespmem:v2+s14+$0x0] =	vst.idx.msk $0xffff, v1  }
0x2d4: {  	v2 =	vor.u32 v51, v0;
	v1 =	vld.idx.msk [tilespmem:v4+s13+$0x0], $0xffff  }
0x2d5: {  	v4 =	vor.u32 v52, v3;
	_ =	sdelay $0x3  }
0x2d6: {  	[tilespmem:v2+s14+$0x0] =	vst.idx.msk $0xffff, v1  }
0x2d7: {  	v2 =	vor.u32 v53, v0;
	v1 =	vld.idx.msk [tilespmem:v4+s13+$0x0], $0xffff  }
0x2d8: {  	v4 =	vor.u32 v54, v3;
	_ =	sdelay $0x3  }
0x2d9: {  	[tilespmem:v2+s14+$0x0] =	vst.idx.msk $0xffff, v1  }
0x2da: {  	v2 =	vor.u32 v55, v0;
	v1 =	vld.idx.msk [tilespmem:v4+s13+$0x0], $0xffff  }
0x2db: {  	v4 =	vor.u32 v56, v3;
	_ =	sdelay $0x3  }
0x2dc: {  	[tilespmem:v2+s14+$0x0] =	vst.idx.msk $0xffff, v1  }
0x2dd: {  	v2 =	vor.u32 v57, v0;
	v1 =	vld.idx.msk [tilespmem:v4+s13+$0x0], $0xffff  }
0x2de: {  	v4 =	vor.u32 v58, v3;
	_ =	sdelay $0x3  }
0x2df: {  	[tilespmem:v2+s14+$0x0] =	vst.idx.msk $0xffff, v1  }
0x2e0: {  	v2 =	vor.u32 v59, v0;
	v1 =	vld.idx.msk [tilespmem:v4+s13+$0x0], $0xffff  }
0x2e1: {  	v4 =	vor.u32 v60, v3;
	_ =	sdelay $0x3  }
0x2e2: {  	[tilespmem:v2+s14+$0x0] =	vst.idx.msk $0xffff, v1  }
0x2e3: {  	v2 =	vor.u32 v61, v0;
	v1 =	vld.idx.msk [tilespmem:v4+s13+$0x0], $0xffff  }
0x2e4: {  	v4 =	vor.u32 v62, v3;
	_ =	sdelay $0x3  }
0x2e5: {  	[tilespmem:v2+s14+$0x0] =	vst.idx.msk $0xffff, v1  }
0x2e6: {  	v2 =	vor.u32 v63, v0;
	v1 =	vld.idx.msk [tilespmem:v4+s13+$0x0], $0xffff  }
0x2e7: {  	v4 =	vor.u32 v11, v3;
	_ =	sdelay $0x3  }
0x2e8: {  	[tilespmem:v2+s14+$0x0] =	vst.idx.msk $0xffff, v1  }
0x2e9: {  	v2 =	vor.u32 v10, v0;
	v1 =	vld.idx.msk [tilespmem:v4+s13+$0x0], $0xffff  }
0x2ea: {  	v4 =	vor.u32 v8, v3;
	_ =	sdelay $0x3  }
0x2eb: {  	[tilespmem:v2+s14+$0x0] =	vst.idx.msk $0xffff, v1  }
0x2ec: {  	v2 =	vor.u32 v9, v0;
	v1 =	vld.idx.msk [tilespmem:v4+s13+$0x0], $0xffff  }
0x2ed: {  	v5 =	vld [tilespmem:$0x1FFB0];
	v4 =	vor.u32 v12, v3;
	_ =	sdelay $0x3  }
0x2ee: {  	v7 =	vld [tilespmem:$0x1FFA0];
	[tilespmem:v2+s14+$0x0] =	vst.idx.msk $0xffff, v1  }
0x2ef: {  	v2 =	vor.u32 v5, v0;
	v1 =	vld.idx.msk [tilespmem:v4+s13+$0x0], $0xffff;
	_ =	sdelay $0x4  }
0x2f0: {  	v4 =	vor.u32 v7, v3;
	[tilespmem:v2+s14+$0x0] =	vst.idx.msk $0xffff, v1;
	v2 =	vld [tilespmem:$0x1FF50]  }
0x2f1: {  	v6 =	vld [tilespmem:$0x1FF80];
	_ =	sdelay $0x3  }
0x2f2: {  	v1 =	vld.idx.msk [tilespmem:v4+s13+$0x0], $0xffff;
	v2 =	vor.u32 v2, v0  }
0x2f3: {  	v4 =	vor.u32 v6, v3;
	_ =	sdelay $0x3  }
0x2f4: {  	[tilespmem:v2+s14+$0x0] =	vst.idx.msk $0xffff, v1  }
0x2f5: {  	v1 =	vld.idx.msk [tilespmem:v4+s13+$0x0], $0xffff  }
0x2f6: {  	v4 =	vld [tilespmem:$0x1FF90];
	_ =	sdelay $0x4  }
0x2f7: {  	v13 =	vld [tilespmem:$0x1FF60];
	v2 =	vor.u32 v4, v0;
	_ =	sdelay $0x4  }
0x2f8: {  	v3 =	vor.u32 v13, v3;
	[tilespmem:v2+s14+$0x0] =	vst.idx.msk $0xffff, v1;
	v2 =	vld [tilespmem:$0x1FF70];
	_ =	sdelay $0x4  }
0x2f9: {  	v1 =	vld.idx.msk [tilespmem:v3+s13+$0x0], $0xffff;
	v0 =	vor.u32 v2, v0;
	_ =	sdelay $0x1  }
.Ltmp8:
0x2fa: {  	_ = 	snop;
	(pc) =	sbr.rel .LBB2_10-.Ltmp8, $4  }
0x2fb: {  	_ = 	snop  }
0x2fc: {  	s18 =	sshll.u32 s18, $0x10  }
0x2fd: {  	s18 =	sadd.s32 s18, s6;
	v15 =	vmovc v16;
	v16 =	vlaneseq.u32;
	v19 =	vmovc v18;
	v20 =	vmov v14;
	v21 =	vld [tilespmem:$0x1FFD0];
	[tilespmem:v0+s14+$0x0] =	vst.idx.msk $0xffff, v1;
	v0 =	vmov v17  }
0x2fe: {  	v14 =	vmovc v63;
	v8 =	vmovc v12;
	v9 =	vmov v11;
	v3 =	vld [tilespmem:$0x1FFC0];
	v17 =	vmov v15;
	[hbm4b:s18+s3] =	stream.linear.scatter [tilespmem:s14], [sflag:$0x2], $0x4000, $0x38;
	v18 =	vmov v0  }
.LBB2_12:
0x2ff: {  	_ =	sfence.sel $0x180000  }
0x300: {  	[bflag:$0x0] =	sbarrier.arrive $0xFFFF  }
0x301: {  	p0 =	sne.s32 s1, $0x0;
	_ =	strace $0x90000047  }
0x302: {  	s0 =	sadd.s32 @!p0 $0x100000, s2;
	[bflag:$0x2] =	sbarrier.arrive $0xFFFF  }
0x303: {  	[sflag:s0] =	ssyncadd.tile.s32 @!p0 $0x1;
	_ =	shalt  }
.Lfunc_end2:
_tile_overlayer_lowered:
.L_overlay_start_2:
0x304: {  	(tag) =	ssettag $0x2  }
0x305: {  	s0 =	rddreg [dreg:$0x0];
	s2 =	stileid.u32  }
0x306: {  	s1 =	rddreg [dreg:$0x1];
	p0 =	sne.s32 s2, $0x0  }
0x307: {  	s3 =	rddreg [dreg:$0x2];
	[bflag:$0x3] =	sbarrier.arrive $0xFFFF;
	s2 =	simm.s32 @!p0 $0x1C03  }
0x308: {  	[timem:s3], [sflag:s2] =	dma.local @!p0 [hbm:s0], s1  }
0x309: {  	s0 =	simm.s32 @!p0 $0x3  }
0x30a: {  	_ =	swait.ge @!p0 [sflag:s0], s1  }
0x30b: {  	s1 =	ssub.s32 @!p0 $0x0, s1;
	[sflag:s0] =	ssyncset.done @!p0 $0x0  }
0x30c: {  	[sflag:s0] =	ssyncadd.s32 @!p0 s1  }
0x30d: {  	[bflag:$0x3] =	sbarrier.arrive $0xFFFF  }
0x30e: {  	_ =	shalt  }

// kernel: kernel.7.cloned.1.call-start
scs
__scs_entry_jumppad:
0x0: {  	(pc) =	sbr.rel $0x88, $3  }
0x1: {  	(tag) =	ssettag $0x0;
	lr =	simm.s32 $0x1  }
0x2: {  	[smem:$0x3F9F] =	sst lr;
	_ =	strace $0xD0000000  }
0x3: {  	_ = 	snop  }
0x4: {  	_ = 	snop  }
0x5: {  	_ = 	snop  }
0x6: {  	_ = 	snop  }
0x7: {  	_ = 	snop  }
__scs_overlays_trampoline_lowered:
0x8: {  	[smem:$0x3FAE] =	sst s0  }
0x9: {  	[smem:$0x3FAF] =	sst s1  }
0xa: {  	[smem:$0x3FB0] =	sst s2  }
0xb: {  	[smem:$0x3FB1] =	sst s3  }
0xc: {  	[smem:$0x3FB2] =	sst s4  }
0xd: {  	[smem:$0x3FB3] =	sst s5  }
0xe: {  	[smem:$0x3FB4] =	sst s6  }
0xf: {  	[smem:$0x3FB5] =	sst s7  }
0x10: {  	[smem:$0x3FB6] =	sst s8  }
0x11: {  	[smem:$0x3FB7] =	sst s9;
	s0 =	simm.s32 @!p0 $0x0  }
0x12: {  	s1 =	sld [smem:$0x3F9D];
	s0 =	simm.s32 @p0 $0x1  }
0x13: {  	[smem:$0x3FB8] =	sst s0;
	s0 =	simm.s32 @!p1 $0x0  }
0x14: {  	s2 =	sld [smem:$0x3F9C];
	s0 =	simm.s32 @p1 $0x1  }
0x15: {  	[smem:$0x3FB9] =	sst s0;
	s0 =	simm.s32 @!p2 $0x0  }
0x16: {  	s3 =	sld [smem:$0x3FDB];
	s0 =	simm.s32 @p2 $0x1  }
0x17: {  	s4 =	simm.s32 $0x1BF5;
	[smem:$0x3FBB] =	sst s0  }
0x18: {  	s0 =	sld [smem:$0x3F9E];
	_ =	swait.ge [sflag:s4], $0x0  }
0x19: {  	s7 =	sld [smem:$0x3F9F]  }
0x1a: {  	s8 =	sadd.s32 $0xFFFFE003, lr  }
0x1b: {  	s9 =	sadd.s32 $0xFFFFFEF7, lr;
	s5 =	simm.s32 $0xFFFFFFFF;
	p2 =	slt.u32 s8, $0xFFFFF086  }
0x1c: {  	p1 =	slt.u32 s9, $0xF7A;
	s5 =	simm.s32 @!p2 $0x0  }
0x1d: {  	s5 =	simm.s32 @p1 $0x1;
	p0 =	seq.s32 s7, s2  }
0x1e: {  	s7 =	smul.u32 @!p0 $0xF7A, s2;
	p2 =	seq.s32 @!p0 s5, $0x0  }
0x1f: {  	s9 =	smul.u32 $0xF7A, s1;
	s8 =	simm.s32 @!p0 $0x1BF5;
	p2 =	por !p2, p0  }
0x20: {  	[sflag:s8] =	ssyncset.s32 @!p0 $0xFFFFF086;
	s6 =	sadd.s32 @!p0 s3, s7;
	s7 =	simm.s32 @!p0 $0x108  }
0x21: {  	s3 =	sadd.s32 s3, s9;
	s6 =	sadd.s32 @!p0 $0x88, s6;
	s7 =	simm.s32 @p2 $0x1082  }
0x22: {  	[simem:s7], [sflag:s8] =	dma.local @!p0 [hbm:s6], $0xF7A  }
0x23: {  	s9 =	sor.u32 $0xD0000000, s2;
	s6 =	simm.s32 $0x108;
	_ =	swait.ge @!p0 [sflag:s8], $0x0  }
0x24: {  	s3 =	sadd.s32 $0x88, s3;
	s6 =	simm.s32 @!p1 $0x1082;
	[sflag:s4] =	ssyncset.s32 $0xFFFFF086  }
0x25: {  	[simem:s6], [sflag:s4] =	dma.local [hbm:s3], $0xF7A  }
0x26: {  	[smem:$0x3F9F] =	sst s1;
	(tag) =	ssettag s2;
	_ =	strace s9  }
0x27: {  	s1 =	sld [smem:$0x3FAF]  }
0x28: {  	s2 =	sld [smem:$0x3FB0]  }
0x29: {  	s4 =	sld [smem:$0x3FB2]  }
0x2a: {  	p0 =	seq.s32 s5, $0x0;
	s5 =	sld [smem:$0x3FB3]  }
0x2b: {  	s6 =	sld [smem:$0x3FB4]  }
0x2c: {  	s7 =	sld [smem:$0x3FB5]  }
0x2d: {  	s3 =	simm.s32 $0x108;
	s8 =	sld [smem:$0x3FB6]  }
0x2e: {  	s3 =	simm.s32 @!p0 $0x1082;
	s9 =	sld [smem:$0x3FB7]  }
0x2f: {  	lr =	sadd.s32 s0, s3;
	s0 =	sld [smem:$0x3FAE]  }
0x30: {  	s3 =	sld [smem:$0x3FB1]  }
0x31: {  	[smem:$0x3FBA] =	sst s10  }
0x32: {  	s10 =	sld [smem:$0x3FB8];
	_ =	sdelay $0x3  }
0x33: {  	p0 =	seq.s32 s10, $0x1;
	s10 =	sld [smem:$0x3FBA];
	_ =	sdelay $0x3  }
0x34: {  	[smem:$0x3FBA] =	sst s10  }
0x35: {  	s10 =	sld [smem:$0x3FB9];
	_ =	sdelay $0x3  }
0x36: {  	p1 =	seq.s32 s10, $0x1;
	s10 =	sld [smem:$0x3FBA];
	_ =	sdelay $0x3  }
0x37: {  	[smem:$0x3FBA] =	sst s10  }
0x38: {  	s10 =	sld [smem:$0x3FBB]  }
0x39: {  	_ = 	snop;
	(pc) =	sbr.ind lr, $3  }
0x3a: {  	_ = 	snop  }
0x3b: {  	_ = 	snop  }
0x3c: {  	p2 =	seq.s32 s10, $0x1;
	s10 =	sld [smem:$0x3FBA]  }
0x3d: {  	_ =	shalt  }
0x3e: {  	_ =	shalt  }
0x3f: {  	_ =	shalt  }
0x40: {  	_ =	shalt  }
0x41: {  	_ =	shalt  }
0x42: {  	_ =	shalt  }
0x43: {  	_ =	shalt  }
0x44: {  	_ =	shalt  }
0x45: {  	_ =	shalt  }
0x46: {  	_ =	shalt  }
0x47: {  	_ =	shalt  }
0x48: {  	_ =	shalt  }
0x49: {  	_ =	shalt  }
0x4a: {  	_ =	shalt  }
0x4b: {  	_ =	shalt  }
0x4c: {  	_ =	shalt  }
0x4d: {  	_ =	shalt  }
0x4e: {  	_ =	shalt  }
0x4f: {  	_ =	shalt  }
0x50: {  	_ =	shalt  }
0x51: {  	_ =	shalt  }
0x52: {  	_ =	shalt  }
0x53: {  	_ =	shalt  }
0x54: {  	_ =	shalt  }
0x55: {  	_ =	shalt  }
0x56: {  	_ =	shalt  }
0x57: {  	_ =	shalt  }
0x58: {  	_ =	shalt  }
0x59: {  	_ =	shalt  }
0x5a: {  	_ =	shalt  }
0x5b: {  	_ =	shalt  }
0x5c: {  	_ =	shalt  }
0x5d: {  	_ =	shalt  }
0x5e: {  	_ =	shalt  }
0x5f: {  	_ =	shalt  }
0x60: {  	_ =	shalt  }
0x61: {  	_ =	shalt  }
0x62: {  	_ =	shalt  }
0x63: {  	_ =	shalt  }
0x64: {  	_ =	shalt  }
0x65: {  	_ =	shalt  }
0x66: {  	_ =	shalt  }
0x67: {  	_ =	shalt  }
0x68: {  	_ =	shalt  }
0x69: {  	_ =	shalt  }
0x6a: {  	_ =	shalt  }
0x6b: {  	_ =	shalt  }
0x6c: {  	_ =	shalt  }
0x6d: {  	_ =	shalt  }
0x6e: {  	_ =	shalt  }
0x6f: {  	_ =	shalt  }
0x70: {  	_ =	shalt  }
0x71: {  	_ =	shalt  }
0x72: {  	_ =	shalt  }
0x73: {  	_ =	shalt  }
0x74: {  	_ =	shalt  }
0x75: {  	_ =	shalt  }
0x76: {  	_ =	shalt  }
0x77: {  	_ =	shalt  }
0x78: {  	_ =	shalt  }
0x79: {  	_ =	shalt  }
0x7a: {  	_ =	shalt  }
0x7b: {  	_ =	shalt  }
0x7c: {  	_ =	shalt  }
0x7d: {  	_ =	shalt  }
0x7e: {  	_ =	shalt  }
0x7f: {  	_ =	shalt  }
0x80: {  	_ =	shalt  }
0x81: {  	_ =	shalt  }
0x82: {  	_ =	shalt  }
0x83: {  	_ =	shalt  }
0x84: {  	_ =	shalt  }
0x85: {  	_ =	shalt  }
0x86: {  	_ =	shalt  }
0x87: {  	_ =	shalt  }
.Lfunc_end0:
.L_simem_size_0:
called_computation.1_lowered:
.L_overlay_start_0:
0x88: {  	s2 =	sld [smem:$0x3FD9]  }
0x89: {  	s3 =	sld [smem:$0x3FFE];
	_ =	sdelay $0x1  }
0x8a: {  	s1 =	srdreg.scid  }
0x8b: {  	s0 =	sand.u32 $0x1, s1  }
0x8c: {  	s17 =	sshll.u32 s0, $0xA;
	s2 =	sadd.s32 s3, s2  }
0x8d: {  	s2 =	sadd.s32 s2, s17  }
0x8e: {  	[smem:$0x3FC6] =	sst s2  }
0x8f: {  	_ = 	snop  }
0x90: {  	s2 =	sld [smem:$0x3FD0];
	(tm) =	ssettm $0x1  }
0x91: {  	s18 =	sld [smem:$0x3FFB];
	_ =	sdelay $0x3  }
0x92: {  	_ =	strace s18  }
0x93: {  	s3 =	sld [smem:$0x3FFC];
	_ =	sdelay $0x3  }
0x94: {  	_ =	strace s3  }
0x95: {  	s3 =	sld [smem:$0x3FFD];
	_ =	sdelay $0x3  }
0x96: {  	_ =	strace s3  }
0x97: {  	_ =	strace $0x8FFFFFFF  }
0x98: {  	s19 =	sld [smem:$0x3FDB];
	_ =	sdelay $0x1  }
0x99: {  	s4 =	simm.s32 $_scs_section_size  }
0x9a: {  	s5 =	simm.s32 $_size__tile_overlayer_lowered;
	s6 =	simm.s32 $_tile_overlayer_lowered  }
0x9b: {  	s22 =	simm.s32 $0x1BFF;
	s21 =	sshll.u32 s6, $0x1;
	s3 =	sadd.s32 s4, s19  }
0x9c: {  	s7 =	simm.s32 $0x0;
	s20 =	sshll.u32 s5, $0x1;
	s5 =	sadd.s32 s21, s3  }
0x9d: {  	[timem:s7], [sflag:s22] =	dma.local [hbm:s5], s20  }
0x9e: {  	_ =	swait.ge [sflag:s22], s20  }
0x9f: {  	s4 =	ssub.s32 $0x0, s20;
	[sflag:s22] =	ssyncset.done $0x0  }
0xa0: {  	[sflag:s22] =	ssyncadd.s32 s4;
	_ =	sdelay $0x1  }
0xa1: {  	s23 =	simm.s32 $0x1B8B  }
0xa2: {  	_ =	swait.ge [sflag:s23], $0x1  }
0xa3: {  	[sflag:s23] =	ssyncset.done $0x0  }
0xa4: {  	s25 =	simm.s32 $0x1B8E;
	s24 =	sld [smem:$0x3FFE];
	[sflag:s23] =	ssyncadd.s32 $0xFFFFFFFF  }
0xa5: {  	s26 =	simm.s32 $execute0_lowered;
	[smem:$0x3FD2] =	sst s25  }
0xa6: {  	s5 =	sshll.u32 s26, $0x1;
	_ =	strace $0x80000049;
	[dreg:$0x1] =	wrdreg $0xFFFFFFFF  }
0xa7: {  	s28 =	simm.s32 $_size_execute0_lowered;
	s3 =	sadd.s32 s3, s5;
	[dreg:$0x0] =	wrdreg $0x0  }
0xa8: {  	s5 =	sshll.u32 s28, $0x1;
	[dreg:$0x2] =	wrdreg s3  }
0xa9: {  	[dreg:$0x3] =	wrdreg s5  }
0xaa: {  	[dreg:$0x4] =	wrdreg $0xC0  }
0xab: {  	_ =	task [dreg:s7], $0x5FFFF  }
0xac: {  	[dreg:$0x1] =	wrdreg $0xFFFFFFFF  }
0xad: {  	[dreg:$0x0] =	wrdreg $0x60  }
0xae: {  	[dreg:$0x2] =	wrdreg s24  }
0xaf: {  	[dreg:$0x3] =	wrdreg s2  }
0xb0: {  	[dreg:$0x4] =	wrdreg $0x9  }
0xb1: {  	_ =	task.clear_ibuf [dreg:s7], $0x5FFFF;
	_ =	strace $0x90000049  }
0xb2: {  	s29 =	simm.s32 $0x9;
	_ =	strace $0x8000004B  }
0xb3: {  	_ =	swait.ge [sflag:s29], $0x1  }
0xb4: {  	[sflag:s29] =	ssyncadd.s32 $0xFFFFFFFF  }
0xb5: {  	_ =	strace $0x9000004B  }
0xb6: {  	_ =	sfence  }
0xb7: {  	s30 =	sld [smem:$0x0];
	_ =	sdelay $0x2  }
0xb8: {  	s31 =	sshll.u32 s1, $0xD;
	s1 =	sshrl.u32 s1, $0x2  }
0xb9: {  	s3 =	sand.u32 $0x4000, s31;
	s1 =	sadd.s32 s1, s30  }
0xba: {  	s0 =	sor.u32 s3, s0;
	s1 =	sshll.u32 s1, $0x11  }
0xbb: {  	s0 =	sor.u32 s1, s0  }
0xbc: {  	s0 =	sadd.s32 $0x8F2B, s0  }
0xbd: {  	[sflag:s0] =	ssyncadd.remote.s32 $0x1  }
0xbe: {  	_ =	sfence.sel $0xFFFF  }
0xbf: {  	[dreg:$0x0] =	wrdreg $0xFFFFFFFF;
	(pc) =	sbr.abs _section_cstart, $3  }
0xc0: {  	[dreg:$0x1] =	wrdreg $0xFFFFFFFF  }
0xc1: {  	_ =	task.clear_ibuf [dreg:s7], $0x2FFFF;
	_ =	strace $0x9FFFFFFF  }
0xc2: {  	(tm) =	ssettm $0x7FFFFFFF  }
0xc3: {  	_ =	shalt  }
tec
execute0_lowered:
.L_overlay_start_1:
0x0: {  	(tag) =	ssettag $0x1  }
0x1: {  	v0 =	vlaneseq.u32  }
0x2: {  	v2 =	vmul.u32 $0x20, v0;
	_ =	sdelay $0x1  }
0x3: {  	v1 =	vor.u32 $0x200, v2  }
0x4: {  	[tilespmem:$0x1FC10] =	vst v1;
	v1 =	vor.u32 $0x10, v0  }
0x5: {  	[tilespmem:$0x1FC20] =	vst v1;
	v1 =	vor.u32 $0x400, v2  }
0x6: {  	[tilespmem:$0x1FC30] =	vst v1;
	v1 =	vor.u32 $0x20, v0  }
0x7: {  	[tilespmem:$0x1FC40] =	vst v1;
	v1 =	vor.u32 $0x600, v2  }
0x8: {  	[tilespmem:$0x1FC50] =	vst v1;
	v1 =	vor.u32 $0x30, v0  }
0x9: {  	[tilespmem:$0x1FC60] =	vst v1;
	v1 =	vor.u32 $0x800, v2  }
0xa: {  	[tilespmem:$0x1FC70] =	vst v1;
	v1 =	vor.u32 $0x40, v0  }
0xb: {  	[tilespmem:$0x1FC80] =	vst v1;
	v1 =	vor.u32 $0xA00, v2  }
0xc: {  	[tilespmem:$0x1FC90] =	vst v1;
	v1 =	vor.u32 $0x50, v0  }
0xd: {  	[tilespmem:$0x1FCA0] =	vst v1;
	v1 =	vor.u32 $0xC00, v2  }
0xe: {  	[tilespmem:$0x1FCB0] =	vst v1;
	v1 =	vor.u32 $0x60, v0  }
0xf: {  	[tilespmem:$0x1FCC0] =	vst v1;
	v1 =	vor.u32 $0xE00, v2  }
0x10: {  	[tilespmem:$0x1FCD0] =	vst v1;
	v1 =	vor.u32 $0x70, v0  }
0x11: {  	[tilespmem:$0x1FCE0] =	vst v1;
	v1 =	vor.u32 $0x1000, v2  }
0x12: {  	[tilespmem:$0x1FCF0] =	vst v1;
	v1 =	vor.u32 $0x80, v0  }
0x13: {  	[tilespmem:$0x1FD00] =	vst v1;
	v1 =	vor.u32 $0x1200, v2  }
0x14: {  	[tilespmem:$0x1FD10] =	vst v1;
	v1 =	vor.u32 $0x90, v0  }
0x15: {  	[tilespmem:$0x1FD20] =	vst v1;
	v1 =	vor.u32 $0x1400, v2  }
0x16: {  	[tilespmem:$0x1FD30] =	vst v1;
	v1 =	vor.u32 $0xA0, v0  }
0x17: {  	[tilespmem:$0x1FD40] =	vst v1;
	v1 =	vor.u32 $0x1600, v2  }
0x18: {  	[tilespmem:$0x1FD50] =	vst v1;
	v1 =	vor.u32 $0xB0, v0  }
0x19: {  	[tilespmem:$0x1FD60] =	vst v1;
	v1 =	vor.u32 $0x1800, v2  }
0x1a: {  	[tilespmem:$0x1FD70] =	vst v1;
	v1 =	vor.u32 $0xC0, v0  }
0x1b: {  	[tilespmem:$0x1FD80] =	vst v1;
	v1 =	vor.u32 $0x1A00, v2  }
0x1c: {  	[tilespmem:$0x1FD90] =	vst v1;
	v1 =	vor.u32 $0xD0, v0  }
0x1d: {  	[tilespmem:$0x1FDA0] =	vst v1;
	v1 =	vor.u32 $0x1C00, v2  }
0x1e: {  	[tilespmem:$0x1FDB0] =	vst v1;
	v1 =	vor.u32 $0xE0, v0  }
0x1f: {  	[tilespmem:$0x1FDC0] =	vst v1;
	v1 =	vor.u32 $0x1E00, v2  }
0x20: {  	[tilespmem:$0x1FDD0] =	vst v1;
	v1 =	vor.u32 $0xF0, v0  }
0x21: {  	[tilespmem:$0x1FDE0] =	vst v1;
	v1 =	vor.u32 $0x2000, v2  }
0x22: {  	s0 =	rddreg [dreg:$0x0];
	s3 =	simm.s32 $0x0;
	[tilespmem:$0x1FDF0] =	vst v1;
	v1 =	vor.u32 $0x100, v0  }
0x23: {  	[smem:$0x7FF] =	sst s3;
	[tilespmem:$0x1FE00] =	vst v1;
	v1 =	vor.u32 $0x2200, v2  }
0x24: {  	s1 =	rddreg [dreg:$0x1];
	_ =	strace $0x8000004A;
	[tilespmem:$0x1FE10] =	vst v1  }
0x25: {  	v1 =	vor.u32 $0x110, v0;
	[tilespmem:$0x1FFF0] =	vst v2  }
0x26: {  	[tilespmem:$0x1FE20] =	vst v1;
	v1 =	vor.u32 $0x2400, v2  }
0x27: {  	[tilespmem:$0x1FE30] =	vst v1;
	v1 =	vor.u32 $0x120, v0  }
0x28: {  	[tilespmem:$0x1FE40] =	vst v1;
	v1 =	vor.u32 $0x2600, v2  }
0x29: {  	[tilespmem:$0x1FE50] =	vst v1;
	v1 =	vor.u32 $0x130, v0  }
0x2a: {  	[tilespmem:$0x1FE60] =	vst v1;
	v1 =	vor.u32 $0x2800, v2  }
0x2b: {  	[tilespmem:$0x1FE70] =	vst v1;
	v1 =	vor.u32 $0x140, v0  }
0x2c: {  	[tilespmem:$0x1FE80] =	vst v1;
	v1 =	vor.u32 $0x2A00, v2  }
0x2d: {  	[tilespmem:$0x1FE90] =	vst v1;
	v1 =	vor.u32 $0x150, v0  }
0x2e: {  	[tilespmem:$0x1FEA0] =	vst v1;
	v1 =	vor.u32 $0x2C00, v2  }
0x2f: {  	[tilespmem:$0x1FEB0] =	vst v1;
	v1 =	vor.u32 $0x160, v0  }
0x30: {  	[tilespmem:$0x1FEC0] =	vst v1;
	v1 =	vor.u32 $0x2E00, v2  }
0x31: {  	[tilespmem:$0x1FED0] =	vst v1;
	v1 =	vor.u32 $0x170, v0  }
0x32: {  	[tilespmem:$0x1FEE0] =	vst v1;
	v1 =	vor.u32 $0x3000, v2  }
0x33: {  	[tilespmem:$0x1FEF0] =	vst v1;
	v1 =	vor.u32 $0x180, v0  }
0x34: {  	[tilespmem:$0x1FF00] =	vst v1;
	v1 =	vor.u32 $0x3200, v2  }
0x35: {  	[tilespmem:$0x1FF10] =	vst v1;
	v1 =	vor.u32 $0x190, v0  }
0x36: {  	[tilespmem:$0x1FF20] =	vst v1;
	v1 =	vor.u32 $0x3400, v2  }
0x37: {  	[tilespmem:$0x1FF30] =	vst v1;
	v1 =	vor.u32 $0x1A0, v0  }
0x38: {  	s2 =	srdreg.scid;
	[tilespmem:$0x1FF40] =	vst v1;
	v1 =	vor.u32 $0x3600, v2  }
0x39: {  	s4 =	stileid.u32;
	s16 =	simm.s32 $0x3;
	s17 =	simm.s32 $0x80;
	[tilespmem:$0x1FF50] =	vst v1;
	v1 =	vor.u32 $0x1B0, v0  }
0x3a: {  	s19 =	simm.s32 $0x7400;
	s20 =	simm.s32 $0x100;
	s21 =	simm.s32 $0x8400;
	[tilespmem:$0x1FF60] =	vst v1;
	v1 =	vor.u32 $0x3800, v2  }
0x3b: {  	s22 =	simm.s32 $0x180;
	s23 =	simm.s32 $0x9400;
	s24 =	simm.s32 $0x1;
	[tilespmem:$0x1FF70] =	vst v1;
	v1 =	vor.u32 $0x1C0, v0  }
0x3c: {  	s25 =	simm.s32 $0x2;
	s26 =	simm.s32 $0x0;
	s2 =	sand.u32 $0x1, s2;
	[tilespmem:$0x1FF80] =	vst v1;
	v1 =	vor.u32 $0x3A00, v2  }
0x3d: {  	s4 =	sshll.u32 s4, $0x3;
	s10 =	sadd.s32 $0x4000, s1;
	s5 =	sshll.u32 s2, $0x2;
	[tilespmem:$0x1FF90] =	vst v1;
	v1 =	vor.u32 $0x1D0, v0  }
0x3e: {  	s11 =	sadd.s32 $0x8000, s1;
	s31 =	ssub.s32 $0x2, s2;
	s6 =	sor.u32 s5, s4;
	[tilespmem:$0x1FFA0] =	vst v1;
	v1 =	vor.u32 $0x3C00, v2  }
0x3f: {  	s12 =	sadd.s32 $0xC000, s1;
	s2 =	sshrl.u32 s31, $0x1;
	s4 =	sshll.u32 s6, $0x4;
	[tilespmem:$0x1FFB0] =	vst v1;
	v1 =	vor.u32 $0x1E0, v0  }
0x40: {  	s6 =	sshll.u32 s6, $0xA;
	s30 =	sadd.s32 s4, s0;
	s4 =	sadd.s32 $0xA00, s0;
	v0 =	vor.u32 $0x1F0, v0;
	[tilespmem:$0x1FFC0] =	vst v1  }
0x41: {  	s0 =	ssub.s32 s31, s2;
	s7 =	sor.u32 $0x400, s6;
	s8 =	sor.u32 $0x800, s6;
	v1 =	vor.u32 $0x3E00, v2;
	[tilespmem:$0x1FFE0] =	vst v0  }
0x42: {  	v7 =	vlaneseq.u32;
	s9 =	sor.u32 $0xC00, s6;
	s5 =	sadd.s32 $0x3D1400, s30;
	s13 =	smax.u32 s0, $0x1;
	[tilespmem:$0x1FFD0] =	vst v1  }
.LBB2_1:
0x43: {  	s0 =	simm.s32 $0x200;
	s2 =	simm.s32 $0x4000  }
0x44: {  	[tilespmem:s3], [sflag:$0x3] =	stream.strided.gather [hbm4b:s5+s0], $0x6400, s2, s0, $0x38;
	[tilespmem:$0x16400] =	vst v63  }
0x45: {  	_ =	swait.ge [sflag:s16], $0x6400  }
0x46: {  	[sflag:s16] =	ssyncset.done $0x0  }
0x47: {  	s31 =	simm.s32 $0x6400;
	[sflag:s16] =	ssyncadd.s32 $0xFFFF9C00  }
0x48: {  	[tilespmem:s31], [sflag:$0x1] =	stream.indirect.gather [hbm4b:s4+s17], $0x20, s3, s17, $0xb8;
	[tilespmem:$0x16400] =	vst v63  }
0x49: {  	_ = 	snop  }
0x4a: {  	[tilespmem:s19], [sflag:$0x1] =	stream.indirect.gather [hbm4b:s4+s17], $0x20, s17, s17, $0xb8;
	[tilespmem:$0x16400] =	vst v63  }
0x4b: {  	_ = 	snop  }
0x4c: {  	[tilespmem:s21], [sflag:$0x1] =	stream.indirect.gather [hbm4b:s4+s17], $0x20, s20, s17, $0xb8;
	[tilespmem:$0x16400] =	vst v63  }
0x4d: {  	s29 =	simm.s32 $0x0  }
0x4e: {  	[tilespmem:s23], [sflag:$0x1] =	stream.indirect.gather [hbm4b:s4+s17], $0x20, s22, s17, $0xb8;
	[tilespmem:$0x16400] =	vst v63  }
.LBB2_2:
0x4f: {  	_ =	swait.ge [sflag:s24], $0x1000  }
0x50: {  	[sflag:s24] =	ssyncset.done $0x0  }
0x51: {  	[sflag:s24] =	ssyncadd.s32 $0xFFFFF000  }
0x52: {  	_ =	swait.ge [sflag:s24], $0x1000  }
0x53: {  	[sflag:s24] =	ssyncset.done $0x0  }
0x54: {  	[sflag:s24] =	ssyncadd.s32 $0xFFFFF000  }
0x55: {  	_ =	swait.ge [sflag:s24], $0x1000  }
0x56: {  	s30 =	sand.u32 $0x1, s29;
	[sflag:s24] =	ssyncset.done $0x0  }
0x57: {  	s28 =	sadd.s32 $0x1, s29;
	p0 =	seq.s32 s29, $0x31;
	[sflag:s24] =	ssyncadd.s32 $0xFFFFF000  }
0x58: {  	s0 =	sshll.u32 @!p0 s30, $0xE;
	s2 =	sshll.u32 @!p0 s28, $0x9;
	_ =	swait.ge [sflag:s24], $0x1000  }
0x59: {  	s31 =	simm.s32 @!p0 $0x80;
	p1 =	slt.u32 @!p0 s29, $0x2;
	[sflag:s24] =	ssyncset.done $0x0  }
0x5a: {  	s14 =	ssub.s32 @!p0 $0xA400, s0;
	s2 =	sand.u32 @!p0 $0x3FFFFE00, s2;
	[sflag:s24] =	ssyncadd.s32 $0xFFFFF000  }
0x5b: {  	[tilespmem:s14], [sflag:$0x1] =	stream.indirect.gather @!p0 [hbm4b:s4+s31], $0x20, s2, s31, $0xb8;
	[tilespmem:$0x16400] =	vst v63  }
0x5c: {  	p1 =	por p0, !p1;
	s15 =	sor.u32 @!p0 $0x80, s2;
	s14 =	ssub.s32 @!p0 $0xB400, s0  }
0x5d: {  	[tilespmem:s14], [sflag:$0x1] =	stream.indirect.gather @!p0 [hbm4b:s4+s31], $0x20, s15, s31, $0xb8;
	[tilespmem:$0x16400] =	vst v63  }
.Ltmp0:
0x5e: {  	_ = 	snop;
	(pc) =	sbr.rel @!p1 .LBB2_4-.Ltmp0, $4  }
0x5f: {  	s14 =	sxor.u32 @!p0 $0xC400, s0;
	s15 =	sor.u32 @!p0 $0x100, s2  }
0x60: {  	[tilespmem:s14], [sflag:$0x1] =	stream.indirect.gather @!p0 [hbm4b:s4+s31], $0x20, s15, s31, $0xb8;
	[tilespmem:$0x16400] =	vst v63  }
0x61: {  	s2 =	sor.u32 @!p0 $0x180, s2;
	s14 =	sxor.u32 @!p0 $0xD400, s0  }
0x62: {  	[tilespmem:s14], [sflag:$0x1] =	stream.indirect.gather @!p0 [hbm4b:s4+s31], $0x20, s2, s31, $0xb8;
	[tilespmem:$0x16400] =	vst v63  }
0x63: {  	_ =	swait.ge [sflag:s25], $0x400  }
0x64: {  	[sflag:s25] =	ssyncset.done $0x0  }
0x65: {  	[sflag:s25] =	ssyncadd.s32 $0xFFFFFC00  }
0x66: {  	_ =	swait.ge [sflag:s25], $0x400  }
0x67: {  	[sflag:s25] =	ssyncset.done $0x0  }
0x68: {  	[sflag:s25] =	ssyncadd.s32 $0xFFFFFC00  }
0x69: {  	_ =	swait.ge [sflag:s25], $0x400  }
0x6a: {  	[sflag:s25] =	ssyncset.done $0x0  }
0x6b: {  	[sflag:s25] =	ssyncadd.s32 $0xFFFFFC00  }
0x6c: {  	_ =	swait.ge [sflag:s25], $0x400  }
0x6d: {  	[sflag:s25] =	ssyncset.done $0x0  }
0x6e: {  	[sflag:s25] =	ssyncadd.s32 $0xFFFFFC00  }
0x6f: {  	_ =	swait.ge [sflag:s25], $0x400  }
0x70: {  	[sflag:s25] =	ssyncset.done $0x0  }
0x71: {  	[sflag:s25] =	ssyncadd.s32 $0xFFFFFC00  }
0x72: {  	_ =	swait.ge [sflag:s25], $0x400  }
0x73: {  	[sflag:s25] =	ssyncset.done $0x0  }
0x74: {  	[sflag:s25] =	ssyncadd.s32 $0xFFFFFC00  }
0x75: {  	_ =	swait.ge [sflag:s25], $0x400  }
0x76: {  	[sflag:s25] =	ssyncset.done $0x0  }
0x77: {  	[sflag:s25] =	ssyncadd.s32 $0xFFFFFC00  }
0x78: {  	_ =	swait.ge [sflag:s25], $0x400  }
0x79: {  	[sflag:s25] =	ssyncset.done $0x0  }
0x7a: {  	[sflag:s25] =	ssyncadd.s32 $0xFFFFFC00  }
0x7b: {  	_ =	swait.ge [sflag:s25], $0x400  }
0x7c: {  	[sflag:s25] =	ssyncset.done $0x0  }
0x7d: {  	[sflag:s25] =	ssyncadd.s32 $0xFFFFFC00  }
0x7e: {  	_ =	swait.ge [sflag:s25], $0x400  }
0x7f: {  	[sflag:s25] =	ssyncset.done $0x0  }
0x80: {  	[sflag:s25] =	ssyncadd.s32 $0xFFFFFC00  }
0x81: {  	_ =	swait.ge [sflag:s25], $0x400  }
0x82: {  	[sflag:s25] =	ssyncset.done $0x0  }
0x83: {  	[sflag:s25] =	ssyncadd.s32 $0xFFFFFC00  }
0x84: {  	_ =	swait.ge [sflag:s25], $0x400  }
0x85: {  	[sflag:s25] =	ssyncset.done $0x0  }
0x86: {  	[sflag:s25] =	ssyncadd.s32 $0xFFFFFC00  }
0x87: {  	_ =	swait.ge [sflag:s25], $0x400  }
0x88: {  	[sflag:s25] =	ssyncset.done $0x0  }
0x89: {  	[sflag:s25] =	ssyncadd.s32 $0xFFFFFC00  }
0x8a: {  	_ =	swait.ge [sflag:s25], $0x400  }
0x8b: {  	[sflag:s25] =	ssyncset.done $0x0  }
0x8c: {  	[sflag:s25] =	ssyncadd.s32 $0xFFFFFC00  }
0x8d: {  	_ =	swait.ge [sflag:s25], $0x400  }
0x8e: {  	[sflag:s25] =	ssyncset.done $0x0  }
0x8f: {  	[sflag:s25] =	ssyncadd.s32 $0xFFFFFC00  }
0x90: {  	_ =	swait.ge [sflag:s25], $0x400  }
0x91: {  	[sflag:s25] =	ssyncset.done $0x0  }
0x92: {  	s0 =	simm.s32 @p0 $0x4000;
	[sflag:s25] =	ssyncadd.s32 $0xFFFFFC00  }
.LBB2_4:
0x93: {  	s2 =	simm.s32 $0x0;
	v5 =	vlaneseq.u32  }
0x94: {  	v0 =	vadd.s32 s2, v5  }
0x95: {  	v1 =	vand.u32 $0x1F, v0  }
0x96: {  	v6 =	vmov v2;
	v2 =	vor.u32 v2, v1;
	_ =	sdelay $0x2  }
0x97: {  	v4 =	vld [tilespmem:$0x1FC10]  }
0x98: {  	s31 =	sadd.s32 $0x6400, s0  }
0x99: {  	v0 =	vshll.u32 v0, $0x9;
	v2 =	vld.idx.msk [tilespmem:v2+s31+$0x0], $0xffff  }
0x9a: {  	v0 =	vand.u32 $0x3E00, v0  }
0x9b: {  	v3 =	vor.u32 v5, v0  }
0x9c: {  	v8 =	vmov v4;
	v4 =	vor.u32 v4, v1;
	_ =	sdelay $0x1  }
0x9d: {  	v2 =	vmul.f32 $5.656854150e+00, v2  }
0x9e: {  	s0 =	sadd.s32 $0xE400, s0  }
0x9f: {  	[tilespmem:v3+s0+$0x0] =	vst.idx.msk $0xffff, v2;
	v3 =	vld [tilespmem:$0x1FC20]  }
0xa0: {  	v2 =	vld.idx.msk [tilespmem:v4+s31+$0x0], $0xffff  }
0xa1: {  	v4 =	vld [tilespmem:$0x1FC30];
	_ =	sdelay $0x3  }
0xa2: {  	v9 =	vmov v3;
	v3 =	vor.u32 v3, v0  }
0xa3: {  	v10 =	vmov v4;
	v4 =	vor.u32 v4, v1;
	_ =	sdelay $0x1  }
0xa4: {  	v2 =	vmul.f32 $5.656854150e+00, v2;
	_ =	sdelay $0x1  }
0xa5: {  	[tilespmem:v3+s0+$0x0] =	vst.idx.msk $0xffff, v2;
	v3 =	vld [tilespmem:$0x1FC40]  }
0xa6: {  	v2 =	vld.idx.msk [tilespmem:v4+s31+$0x0], $0xffff  }
0xa7: {  	v4 =	vld [tilespmem:$0x1FC50];
	_ =	sdelay $0x3  }
0xa8: {  	v11 =	vmov v3;
	v3 =	vor.u32 v3, v0  }
0xa9: {  	v12 =	vmov v4;
	v4 =	vor.u32 v4, v1;
	_ =	sdelay $0x1  }
0xaa: {  	v2 =	vmul.f32 $5.656854150e+00, v2;
	_ =	sdelay $0x1  }
0xab: {  	[tilespmem:v3+s0+$0x0] =	vst.idx.msk $0xffff, v2;
	v3 =	vld [tilespmem:$0x1FC60]  }
0xac: {  	v2 =	vld.idx.msk [tilespmem:v4+s31+$0x0], $0xffff  }
0xad: {  	v4 =	vld [tilespmem:$0x1FC70];
	_ =	sdelay $0x3  }
0xae: {  	v13 =	vmov v3;
	v3 =	vor.u32 v3, v0  }
0xaf: {  	v14 =	vmov v4;
	v4 =	vor.u32 v4, v1;
	_ =	sdelay $0x1  }
0xb0: {  	v2 =	vmul.f32 $5.656854150e+00, v2;
	_ =	sdelay $0x1  }
0xb1: {  	[tilespmem:v3+s0+$0x0] =	vst.idx.msk $0xffff, v2;
	v3 =	vld [tilespmem:$0x1FC80]  }
0xb2: {  	v2 =	vld.idx.msk [tilespmem:v4+s31+$0x0], $0xffff  }
0xb3: {  	v4 =	vld [tilespmem:$0x1FC90];
	_ =	sdelay $0x3  }
0xb4: {  	v15 =	vmov v3;
	v3 =	vor.u32 v3, v0  }
0xb5: {  	v16 =	vmov v4;
	v4 =	vor.u32 v4, v1;
	_ =	sdelay $0x1  }
0xb6: {  	v2 =	vmul.f32 $5.656854150e+00, v2;
	_ =	sdelay $0x1  }
0xb7: {  	[tilespmem:v3+s0+$0x0] =	vst.idx.msk $0xffff, v2;
	v3 =	vld [tilespmem:$0x1FCA0]  }
0xb8: {  	v2 =	vld.idx.msk [tilespmem:v4+s31+$0x0], $0xffff  }
0xb9: {  	v4 =	vld [tilespmem:$0x1FCB0];
	_ =	sdelay $0x3  }
0xba: {  	v17 =	vmov v3;
	v3 =	vor.u32 v3, v0  }
0xbb: {  	v18 =	vmov v4;
	v4 =	vor.u32 v4, v1;
	_ =	sdelay $0x1  }
0xbc: {  	v2 =	vmul.f32 $5.656854150e+00, v2;
	_ =	sdelay $0x1  }
0xbd: {  	[tilespmem:v3+s0+$0x0] =	vst.idx.msk $0xffff, v2;
	v3 =	vld [tilespmem:$0x1FCC0]  }
0xbe: {  	v2 =	vld.idx.msk [tilespmem:v4+s31+$0x0], $0xffff  }
0xbf: {  	v4 =	vld [tilespmem:$0x1FCD0];
	_ =	sdelay $0x3  }
0xc0: {  	v19 =	vmov v3;
	v3 =	vor.u32 v3, v0  }
0xc1: {  	v20 =	vmov v4;
	v4 =	vor.u32 v4, v1;
	_ =	sdelay $0x1  }
0xc2: {  	v2 =	vmul.f32 $5.656854150e+00, v2;
	_ =	sdelay $0x1  }
0xc3: {  	[tilespmem:v3+s0+$0x0] =	vst.idx.msk $0xffff, v2;
	v3 =	vld [tilespmem:$0x1FCE0]  }
0xc4: {  	v2 =	vld.idx.msk [tilespmem:v4+s31+$0x0], $0xffff  }
0xc5: {  	v4 =	vld [tilespmem:$0x1FCF0];
	_ =	sdelay $0x3  }
0xc6: {  	v21 =	vmov v3;
	v3 =	vor.u32 v3, v0  }
0xc7: {  	v22 =	vmov v4;
	v4 =	vor.u32 v4, v1;
	_ =	sdelay $0x1  }
0xc8: {  	v2 =	vmul.f32 $5.656854150e+00, v2;
	_ =	sdelay $0x1  }
0xc9: {  	[tilespmem:v3+s0+$0x0] =	vst.idx.msk $0xffff, v2;
	v3 =	vld [tilespmem:$0x1FD00]  }
0xca: {  	v2 =	vld.idx.msk [tilespmem:v4+s31+$0x0], $0xffff  }
0xcb: {  	v4 =	vld [tilespmem:$0x1FD10];
	_ =	sdelay $0x3  }
0xcc: {  	v23 =	vmov v3;
	v3 =	vor.u32 v3, v0  }
0xcd: {  	v24 =	vmov v4;
	v4 =	vor.u32 v4, v1;
	_ =	sdelay $0x1  }
0xce: {  	v2 =	vmul.f32 $5.656854150e+00, v2;
	_ =	sdelay $0x1  }
0xcf: {  	[tilespmem:v3+s0+$0x0] =	vst.idx.msk $0xffff, v2;
	v3 =	vld [tilespmem:$0x1FD20]  }
0xd0: {  	v2 =	vld.idx.msk [tilespmem:v4+s31+$0x0], $0xffff  }
0xd1: {  	v4 =	vld [tilespmem:$0x1FD30];
	_ =	sdelay $0x3  }
0xd2: {  	v25 =	vmov v3;
	v3 =	vor.u32 v3, v0  }
0xd3: {  	v26 =	vmov v4;
	v4 =	vor.u32 v4, v1;
	_ =	sdelay $0x1  }
0xd4: {  	v2 =	vmul.f32 $5.656854150e+00, v2;
	_ =	sdelay $0x1  }
0xd5: {  	[tilespmem:v3+s0+$0x0] =	vst.idx.msk $0xffff, v2;
	v3 =	vld [tilespmem:$0x1FD40]  }
0xd6: {  	v2 =	vld.idx.msk [tilespmem:v4+s31+$0x0], $0xffff  }
0xd7: {  	v4 =	vld [tilespmem:$0x1FD50];
	_ =	sdelay $0x3  }
0xd8: {  	v27 =	vmov v3;
	v3 =	vor.u32 v3, v0  }
0xd9: {  	v28 =	vmov v4;
	v4 =	vor.u32 v4, v1;
	_ =	sdelay $0x1  }
0xda: {  	v2 =	vmul.f32 $5.656854150e+00, v2;
	_ =	sdelay $0x1  }
0xdb: {  	[tilespmem:v3+s0+$0x0] =	vst.idx.msk $0xffff, v2;
	v3 =	vld [tilespmem:$0x1FD60]  }
0xdc: {  	v2 =	vld.idx.msk [tilespmem:v4+s31+$0x0], $0xffff  }
0xdd: {  	v4 =	vld [tilespmem:$0x1FD70];
	_ =	sdelay $0x3  }
0xde: {  	v29 =	vmov v3;
	v3 =	vor.u32 v3, v0  }
0xdf: {  	v30 =	vmov v4;
	v4 =	vor.u32 v4, v1;
	_ =	sdelay $0x1  }
0xe0: {  	v2 =	vmul.f32 $5.656854150e+00, v2;
	_ =	sdelay $0x1  }
0xe1: {  	[tilespmem:v3+s0+$0x0] =	vst.idx.msk $0xffff, v2;
	v3 =	vld [tilespmem:$0x1FD80]  }
0xe2: {  	v2 =	vld.idx.msk [tilespmem:v4+s31+$0x0], $0xffff  }
0xe3: {  	v4 =	vld [tilespmem:$0x1FD90];
	_ =	sdelay $0x3  }
0xe4: {  	v31 =	vmov v3;
	v3 =	vor.u32 v3, v0  }
0xe5: {  	v32 =	vmov v4;
	v4 =	vor.u32 v4, v1;
	_ =	sdelay $0x1  }
0xe6: {  	v2 =	vmul.f32 $5.656854150e+00, v2;
	_ =	sdelay $0x1  }
0xe7: {  	[tilespmem:v3+s0+$0x0] =	vst.idx.msk $0xffff, v2;
	v3 =	vld [tilespmem:$0x1FDA0]  }
0xe8: {  	v2 =	vld.idx.msk [tilespmem:v4+s31+$0x0], $0xffff  }
0xe9: {  	v4 =	vld [tilespmem:$0x1FDB0];
	_ =	sdelay $0x3  }
0xea: {  	v33 =	vmov v3;
	v3 =	vor.u32 v3, v0  }
0xeb: {  	v34 =	vmov v4;
	v4 =	vor.u32 v4, v1;
	_ =	sdelay $0x1  }
0xec: {  	v2 =	vmul.f32 $5.656854150e+00, v2;
	_ =	sdelay $0x1  }
0xed: {  	[tilespmem:v3+s0+$0x0] =	vst.idx.msk $0xffff, v2;
	v3 =	vld [tilespmem:$0x1FDC0]  }
0xee: {  	v2 =	vld.idx.msk [tilespmem:v4+s31+$0x0], $0xffff  }
0xef: {  	v4 =	vld [tilespmem:$0x1FDD0];
	_ =	sdelay $0x3  }
0xf0: {  	v35 =	vmov v3;
	v3 =	vor.u32 v3, v0  }
0xf1: {  	v36 =	vmov v4;
	v4 =	vor.u32 v4, v1;
	_ =	sdelay $0x1  }
0xf2: {  	v2 =	vmul.f32 $5.656854150e+00, v2;
	_ =	sdelay $0x1  }
0xf3: {  	[tilespmem:v3+s0+$0x0] =	vst.idx.msk $0xffff, v2;
	v3 =	vld [tilespmem:$0x1FDE0]  }
0xf4: {  	v2 =	vld.idx.msk [tilespmem:v4+s31+$0x0], $0xffff  }
0xf5: {  	v4 =	vld [tilespmem:$0x1FDF0];
	_ =	sdelay $0x3  }
0xf6: {  	v37 =	vmov v3;
	v3 =	vor.u32 v3, v0  }
0xf7: {  	v38 =	vmov v4;
	v4 =	vor.u32 v4, v1;
	_ =	sdelay $0x1  }
0xf8: {  	v2 =	vmul.f32 $5.656854150e+00, v2;
	_ =	sdelay $0x1  }
0xf9: {  	[tilespmem:v3+s0+$0x0] =	vst.idx.msk $0xffff, v2;
	v3 =	vld [tilespmem:$0x1FE00]  }
0xfa: {  	v2 =	vld.idx.msk [tilespmem:v4+s31+$0x0], $0xffff  }
0xfb: {  	v4 =	vld [tilespmem:$0x1FE10];
	_ =	sdelay $0x3  }
0xfc: {  	v39 =	vmov v3;
	v3 =	vor.u32 v3, v0  }
0xfd: {  	v40 =	vmov v4;
	v4 =	vor.u32 v4, v1;
	_ =	sdelay $0x1  }
0xfe: {  	v2 =	vmul.f32 $5.656854150e+00, v2;
	_ =	sdelay $0x1  }
0xff: {  	[tilespmem:v3+s0+$0x0] =	vst.idx.msk $0xffff, v2;
	v3 =	vld [tilespmem:$0x1FE20]  }
0x100: {  	v2 =	vld.idx.msk [tilespmem:v4+s31+$0x0], $0xffff  }
0x101: {  	v4 =	vld [tilespmem:$0x1FE30];
	_ =	sdelay $0x3  }
0x102: {  	v41 =	vmov v3;
	v3 =	vor.u32 v3, v0  }
0x103: {  	v42 =	vmov v4;
	v4 =	vor.u32 v4, v1;
	_ =	sdelay $0x1  }
0x104: {  	v2 =	vmul.f32 $5.656854150e+00, v2;
	_ =	sdelay $0x1  }
0x105: {  	[tilespmem:v3+s0+$0x0] =	vst.idx.msk $0xffff, v2;
	v3 =	vld [tilespmem:$0x1FE40]  }
0x106: {  	v2 =	vld.idx.msk [tilespmem:v4+s31+$0x0], $0xffff  }
0x107: {  	v4 =	vld [tilespmem:$0x1FE50];
	_ =	sdelay $0x3  }
0x108: {  	v43 =	vmov v3;
	v3 =	vor.u32 v3, v0  }
0x109: {  	v44 =	vmov v4;
	v4 =	vor.u32 v4, v1;
	_ =	sdelay $0x1  }
0x10a: {  	v2 =	vmul.f32 $5.656854150e+00, v2;
	_ =	sdelay $0x1  }
0x10b: {  	[tilespmem:v3+s0+$0x0] =	vst.idx.msk $0xffff, v2;
	v3 =	vld [tilespmem:$0x1FE60]  }
0x10c: {  	v2 =	vld.idx.msk [tilespmem:v4+s31+$0x0], $0xffff  }
0x10d: {  	v4 =	vld [tilespmem:$0x1FE70];
	_ =	sdelay $0x3  }
0x10e: {  	v45 =	vmov v3;
	v3 =	vor.u32 v3, v0  }
0x10f: {  	v46 =	vmov v4;
	v4 =	vor.u32 v4, v1;
	_ =	sdelay $0x1  }
0x110: {  	v2 =	vmul.f32 $5.656854150e+00, v2;
	_ =	sdelay $0x1  }
0x111: {  	[tilespmem:v3+s0+$0x0] =	vst.idx.msk $0xffff, v2;
	v3 =	vld [tilespmem:$0x1FE80]  }
0x112: {  	v2 =	vld.idx.msk [tilespmem:v4+s31+$0x0], $0xffff  }
0x113: {  	v4 =	vld [tilespmem:$0x1FE90];
	_ =	sdelay $0x3  }
0x114: {  	v47 =	vmov v3;
	v3 =	vor.u32 v3, v0  }
0x115: {  	v48 =	vmov v4;
	v4 =	vor.u32 v4, v1;
	_ =	sdelay $0x1  }
0x116: {  	v2 =	vmul.f32 $5.656854150e+00, v2;
	_ =	sdelay $0x1  }
0x117: {  	[tilespmem:v3+s0+$0x0] =	vst.idx.msk $0xffff, v2;
	v3 =	vld [tilespmem:$0x1FEA0]  }
0x118: {  	v2 =	vld.idx.msk [tilespmem:v4+s31+$0x0], $0xffff  }
0x119: {  	v4 =	vld [tilespmem:$0x1FEB0];
	_ =	sdelay $0x3  }
0x11a: {  	v49 =	vmov v3;
	v3 =	vor.u32 v3, v0  }
0x11b: {  	v50 =	vmov v4;
	v4 =	vor.u32 v4, v1;
	_ =	sdelay $0x1  }
0x11c: {  	v2 =	vmul.f32 $5.656854150e+00, v2;
	_ =	sdelay $0x1  }
0x11d: {  	[tilespmem:v3+s0+$0x0] =	vst.idx.msk $0xffff, v2;
	v3 =	vld [tilespmem:$0x1FEC0]  }
0x11e: {  	v2 =	vld.idx.msk [tilespmem:v4+s31+$0x0], $0xffff  }
0x11f: {  	v4 =	vld [tilespmem:$0x1FED0];
	_ =	sdelay $0x3  }
0x120: {  	v51 =	vmov v3;
	v3 =	vor.u32 v3, v0  }
0x121: {  	v52 =	vmov v4;
	v4 =	vor.u32 v4, v1;
	_ =	sdelay $0x1  }
0x122: {  	v2 =	vmul.f32 $5.656854150e+00, v2;
	_ =	sdelay $0x1  }
0x123: {  	[tilespmem:v3+s0+$0x0] =	vst.idx.msk $0xffff, v2;
	v3 =	vld [tilespmem:$0x1FEE0]  }
0x124: {  	v2 =	vld.idx.msk [tilespmem:v4+s31+$0x0], $0xffff  }
0x125: {  	v4 =	vld [tilespmem:$0x1FEF0];
	_ =	sdelay $0x3  }
0x126: {  	v53 =	vmov v3;
	v3 =	vor.u32 v3, v0  }
0x127: {  	v54 =	vmov v4;
	v4 =	vor.u32 v4, v1;
	_ =	sdelay $0x1  }
0x128: {  	v2 =	vmul.f32 $5.656854150e+00, v2;
	_ =	sdelay $0x1  }
0x129: {  	[tilespmem:v3+s0+$0x0] =	vst.idx.msk $0xffff, v2;
	v3 =	vld [tilespmem:$0x1FF00]  }
0x12a: {  	v2 =	vld.idx.msk [tilespmem:v4+s31+$0x0], $0xffff  }
0x12b: {  	v4 =	vld [tilespmem:$0x1FF10];
	_ =	sdelay $0x3  }
0x12c: {  	v55 =	vmov v3;
	v3 =	vor.u32 v3, v0  }
0x12d: {  	v56 =	vmov v4;
	v4 =	vor.u32 v4, v1;
	_ =	sdelay $0x1  }
0x12e: {  	v2 =	vmul.f32 $5.656854150e+00, v2;
	_ =	sdelay $0x1  }
0x12f: {  	[tilespmem:v3+s0+$0x0] =	vst.idx.msk $0xffff, v2;
	v3 =	vld [tilespmem:$0x1FF20]  }
0x130: {  	v2 =	vld.idx.msk [tilespmem:v4+s31+$0x0], $0xffff  }
0x131: {  	v4 =	vld [tilespmem:$0x1FF30];
	_ =	sdelay $0x3  }
0x132: {  	v57 =	vmov v3;
	v3 =	vor.u32 v3, v0  }
0x133: {  	v58 =	vmov v4;
	v4 =	vor.u32 v4, v1;
	_ =	sdelay $0x1  }
0x134: {  	v2 =	vmul.f32 $5.656854150e+00, v2;
	_ =	sdelay $0x1  }
0x135: {  	[tilespmem:v3+s0+$0x0] =	vst.idx.msk $0xffff, v2;
	v3 =	vld [tilespmem:$0x1FF40]  }
0x136: {  	v2 =	vld.idx.msk [tilespmem:v4+s31+$0x0], $0xffff  }
0x137: {  	v4 =	vld [tilespmem:$0x1FF50];
	_ =	sdelay $0x2  }
0x138: {  	v59 =	vmov v3;
	v3 =	vor.u32 v3, v0;
	_ =	sdelay $0x1  }
0x139: {  	v60 =	vmov v4;
	v4 =	vor.u32 v4, v1  }
0x13a: {  	v2 =	vmul.f32 $5.656854150e+00, v2;
	_ =	sdelay $0x1  }
0x13b: {  	[tilespmem:v3+s0+$0x0] =	vst.idx.msk $0xffff, v2;
	v3 =	vld [tilespmem:$0x1FF60];
	_ =	sdelay $0x1  }
0x13c: {  	v2 =	vld.idx.msk [tilespmem:v4+s31+$0x0], $0xffff  }
0x13d: {  	v4 =	vld [tilespmem:$0x1FF70];
	_ =	sdelay $0x1  }
0x13e: {  	v61 =	vmov v3;
	v3 =	vor.u32 v3, v0;
	_ =	sdelay $0x2  }
0x13f: {  	v62 =	vmov v4;
	v4 =	vor.u32 v4, v1;
	v2 =	vmul.f32 $5.656854150e+00, v2;
	_ =	sdelay $0x1  }
0x140: {  	[tilespmem:v3+s0+$0x0] =	vst.idx.msk $0xffff, v2;
	v3 =	vld [tilespmem:$0x1FF80]  }
0x141: {  	v63 =	vld [tilespmem:$0x1FF90];
	_ =	sdelay $0x1  }
0x142: {  	v2 =	vld.idx.msk [tilespmem:v4+s31+$0x0], $0xffff;
	_ =	sdelay $0x1  }
0x143: {  	v3 =	vor.u32 v3, v0  }
0x144: {  	v4 =	vor.u32 v63, v1;
	_ =	sdelay $0x1  }
0x145: {  	v2 =	vmul.f32 $5.656854150e+00, v2;
	_ =	sdelay $0x1  }
0x146: {  	[tilespmem:v3+s0+$0x0] =	vst.idx.msk $0xffff, v2;
	v3 =	vld [tilespmem:$0x1FFA0]  }
0x147: {  	v2 =	vld.idx.msk [tilespmem:v4+s31+$0x0], $0xffff  }
0x148: {  	v4 =	vld [tilespmem:$0x1FFB0];
	_ =	sdelay $0x3  }
0x149: {  	v3 =	vor.u32 v3, v0  }
0x14a: {  	v4 =	vor.u32 v4, v1;
	_ =	sdelay $0x1  }
0x14b: {  	v2 =	vmul.f32 $5.656854150e+00, v2;
	_ =	sdelay $0x1  }
0x14c: {  	[tilespmem:v3+s0+$0x0] =	vst.idx.msk $0xffff, v2;
	v3 =	vld [tilespmem:$0x1FFC0]  }
0x14d: {  	v2 =	vld.idx.msk [tilespmem:v4+s31+$0x0], $0xffff  }
0x14e: {  	v4 =	vld [tilespmem:$0x1FFD0];
	_ =	sdelay $0x3  }
0x14f: {  	v3 =	vor.u32 v3, v0  }
0x150: {  	v1 =	vor.u32 v4, v1;
	_ =	sdelay $0x1  }
0x151: {  	v2 =	vmul.f32 $5.656854150e+00, v2  }
0x152: {  	s18 =	simm.s32 $0x1  }
0x153: {  	[tilespmem:v3+s0+$0x0] =	vst.idx.msk $0xffff, v2;
	v2 =	vadd.s32 s18, v5;
	v5 =	vld [tilespmem:$0x1FFE0]  }
0x154: {  	v4 =	vld.idx.msk [tilespmem:v1+s31+$0x0], $0xffff;
	_ =	sdelay $0x3  }
0x155: {  	v1 =	vand.u32 $0x1F, v2;
	v3 =	vshll.u32 v2, $0x9;
	v2 =	vor.u32 v5, v0  }
0x156: {  	s2 =	simm.s32 $0x2;
	v0 =	vand.u32 $0x3E00, v3;
	v3 =	vor.u32 v6, v1;
	v4 =	vmul.f32 $5.656854150e+00, v4  }
.LBB2_5:
0x157: {  	_ =	sdelay $0x2  }
0x158: {  	[tilespmem:v2+s0+$0x0] =	vst.idx.msk $0xffff, v4  }
0x159: {  	v2 =	vld.idx.msk [tilespmem:v3+s31+$0x0], $0xffff  }
0x15a: {  	v6 =	vlaneseq.u32  }
0x15b: {  	v3 =	vor.u32 v6, v0  }
0x15c: {  	v4 =	vor.u32 v8, v1;
	_ =	sdelay $0x1  }
0x15d: {  	v2 =	vmul.f32 $5.656854150e+00, v2;
	_ =	sdelay $0x1  }
0x15e: {  	[tilespmem:v3+s0+$0x0] =	vst.idx.msk $0xffff, v2  }
0x15f: {  	v2 =	vld.idx.msk [tilespmem:v4+s31+$0x0], $0xffff;
	_ =	sdelay $0x1  }
0x160: {  	v3 =	vor.u32 v9, v0  }
0x161: {  	v4 =	vor.u32 v10, v1;
	_ =	sdelay $0x1  }
0x162: {  	v2 =	vmul.f32 $5.656854150e+00, v2;
	_ =	sdelay $0x1  }
0x163: {  	[tilespmem:v3+s0+$0x0] =	vst.idx.msk $0xffff, v2  }
0x164: {  	v2 =	vld.idx.msk [tilespmem:v4+s31+$0x0], $0xffff;
	_ =	sdelay $0x1  }
0x165: {  	v3 =	vor.u32 v11, v0  }
0x166: {  	v4 =	vor.u32 v12, v1;
	_ =	sdelay $0x1  }
0x167: {  	v2 =	vmul.f32 $5.656854150e+00, v2;
	_ =	sdelay $0x1  }
0x168: {  	[tilespmem:v3+s0+$0x0] =	vst.idx.msk $0xffff, v2  }
0x169: {  	v2 =	vld.idx.msk [tilespmem:v4+s31+$0x0], $0xffff;
	_ =	sdelay $0x1  }
0x16a: {  	v3 =	vor.u32 v13, v0  }
0x16b: {  	v4 =	vor.u32 v14, v1;
	_ =	sdelay $0x1  }
0x16c: {  	v2 =	vmul.f32 $5.656854150e+00, v2;
	_ =	sdelay $0x1  }
0x16d: {  	[tilespmem:v3+s0+$0x0] =	vst.idx.msk $0xffff, v2  }
0x16e: {  	v2 =	vld.idx.msk [tilespmem:v4+s31+$0x0], $0xffff;
	_ =	sdelay $0x1  }
0x16f: {  	v3 =	vor.u32 v15, v0  }
0x170: {  	v4 =	vor.u32 v16, v1;
	_ =	sdelay $0x1  }
0x171: {  	v2 =	vmul.f32 $5.656854150e+00, v2;
	_ =	sdelay $0x1  }
0x172: {  	[tilespmem:v3+s0+$0x0] =	vst.idx.msk $0xffff, v2  }
0x173: {  	v2 =	vld.idx.msk [tilespmem:v4+s31+$0x0], $0xffff;
	_ =	sdelay $0x1  }
0x174: {  	v3 =	vor.u32 v17, v0  }
0x175: {  	v4 =	vor.u32 v18, v1;
	_ =	sdelay $0x1  }
0x176: {  	v2 =	vmul.f32 $5.656854150e+00, v2;
	_ =	sdelay $0x1  }
0x177: {  	[tilespmem:v3+s0+$0x0] =	vst.idx.msk $0xffff, v2  }
0x178: {  	v2 =	vld.idx.msk [tilespmem:v4+s31+$0x0], $0xffff;
	_ =	sdelay $0x1  }
0x179: {  	v3 =	vor.u32 v19, v0  }
0x17a: {  	v4 =	vor.u32 v20, v1;
	_ =	sdelay $0x1  }
0x17b: {  	v2 =	vmul.f32 $5.656854150e+00, v2;
	_ =	sdelay $0x1  }
0x17c: {  	[tilespmem:v3+s0+$0x0] =	vst.idx.msk $0xffff, v2  }
0x17d: {  	v2 =	vld.idx.msk [tilespmem:v4+s31+$0x0], $0xffff;
	_ =	sdelay $0x1  }
0x17e: {  	v3 =	vor.u32 v21, v0  }
0x17f: {  	v4 =	vor.u32 v22, v1;
	_ =	sdelay $0x1  }
0x180: {  	v2 =	vmul.f32 $5.656854150e+00, v2;
	_ =	sdelay $0x1  }
0x181: {  	[tilespmem:v3+s0+$0x0] =	vst.idx.msk $0xffff, v2  }
0x182: {  	v2 =	vld.idx.msk [tilespmem:v4+s31+$0x0], $0xffff;
	_ =	sdelay $0x1  }
0x183: {  	v3 =	vor.u32 v23, v0  }
0x184: {  	v4 =	vor.u32 v24, v1;
	_ =	sdelay $0x1  }
0x185: {  	v2 =	vmul.f32 $5.656854150e+00, v2;
	_ =	sdelay $0x1  }
0x186: {  	[tilespmem:v3+s0+$0x0] =	vst.idx.msk $0xffff, v2  }
0x187: {  	v2 =	vld.idx.msk [tilespmem:v4+s31+$0x0], $0xffff;
	_ =	sdelay $0x1  }
0x188: {  	v3 =	vor.u32 v25, v0  }
0x189: {  	v4 =	vor.u32 v26, v1;
	_ =	sdelay $0x1  }
0x18a: {  	v2 =	vmul.f32 $5.656854150e+00, v2;
	_ =	sdelay $0x1  }
0x18b: {  	[tilespmem:v3+s0+$0x0] =	vst.idx.msk $0xffff, v2  }
0x18c: {  	v2 =	vld.idx.msk [tilespmem:v4+s31+$0x0], $0xffff;
	_ =	sdelay $0x1  }
0x18d: {  	v3 =	vor.u32 v27, v0  }
0x18e: {  	v4 =	vor.u32 v28, v1;
	_ =	sdelay $0x1  }
0x18f: {  	v2 =	vmul.f32 $5.656854150e+00, v2;
	_ =	sdelay $0x1  }
0x190: {  	[tilespmem:v3+s0+$0x0] =	vst.idx.msk $0xffff, v2  }
0x191: {  	v2 =	vld.idx.msk [tilespmem:v4+s31+$0x0], $0xffff;
	_ =	sdelay $0x1  }
0x192: {  	v3 =	vor.u32 v29, v0  }
0x193: {  	v4 =	vor.u32 v30, v1;
	_ =	sdelay $0x1  }
0x194: {  	v2 =	vmul.f32 $5.656854150e+00, v2;
	_ =	sdelay $0x1  }
0x195: {  	[tilespmem:v3+s0+$0x0] =	vst.idx.msk $0xffff, v2  }
0x196: {  	v2 =	vld.idx.msk [tilespmem:v4+s31+$0x0], $0xffff;
	_ =	sdelay $0x1  }
0x197: {  	v3 =	vor.u32 v31, v0  }
0x198: {  	v4 =	vor.u32 v32, v1;
	_ =	sdelay $0x1  }
0x199: {  	v2 =	vmul.f32 $5.656854150e+00, v2;
	_ =	sdelay $0x1  }
0x19a: {  	[tilespmem:v3+s0+$0x0] =	vst.idx.msk $0xffff, v2  }
0x19b: {  	v2 =	vld.idx.msk [tilespmem:v4+s31+$0x0], $0xffff;
	_ =	sdelay $0x1  }
0x19c: {  	v3 =	vor.u32 v33, v0  }
0x19d: {  	v4 =	vor.u32 v34, v1;
	_ =	sdelay $0x1  }
0x19e: {  	v2 =	vmul.f32 $5.656854150e+00, v2;
	_ =	sdelay $0x1  }
0x19f: {  	[tilespmem:v3+s0+$0x0] =	vst.idx.msk $0xffff, v2  }
0x1a0: {  	v2 =	vld.idx.msk [tilespmem:v4+s31+$0x0], $0xffff;
	_ =	sdelay $0x1  }
0x1a1: {  	v3 =	vor.u32 v35, v0  }
0x1a2: {  	v4 =	vor.u32 v36, v1;
	_ =	sdelay $0x1  }
0x1a3: {  	v2 =	vmul.f32 $5.656854150e+00, v2;
	_ =	sdelay $0x1  }
0x1a4: {  	[tilespmem:v3+s0+$0x0] =	vst.idx.msk $0xffff, v2  }
0x1a5: {  	v2 =	vld.idx.msk [tilespmem:v4+s31+$0x0], $0xffff;
	_ =	sdelay $0x1  }
0x1a6: {  	v3 =	vor.u32 v37, v0  }
0x1a7: {  	v4 =	vor.u32 v38, v1;
	_ =	sdelay $0x1  }
0x1a8: {  	v2 =	vmul.f32 $5.656854150e+00, v2;
	_ =	sdelay $0x1  }
0x1a9: {  	[tilespmem:v3+s0+$0x0] =	vst.idx.msk $0xffff, v2  }
0x1aa: {  	v2 =	vld.idx.msk [tilespmem:v4+s31+$0x0], $0xffff;
	_ =	sdelay $0x1  }
0x1ab: {  	v3 =	vor.u32 v39, v0  }
0x1ac: {  	v4 =	vor.u32 v40, v1;
	_ =	sdelay $0x1  }
0x1ad: {  	v2 =	vmul.f32 $5.656854150e+00, v2;
	_ =	sdelay $0x1  }
0x1ae: {  	[tilespmem:v3+s0+$0x0] =	vst.idx.msk $0xffff, v2  }
0x1af: {  	v2 =	vld.idx.msk [tilespmem:v4+s31+$0x0], $0xffff;
	_ =	sdelay $0x1  }
0x1b0: {  	v3 =	vor.u32 v41, v0  }
0x1b1: {  	v4 =	vor.u32 v42, v1;
	_ =	sdelay $0x1  }
0x1b2: {  	v2 =	vmul.f32 $5.656854150e+00, v2;
	_ =	sdelay $0x1  }
0x1b3: {  	[tilespmem:v3+s0+$0x0] =	vst.idx.msk $0xffff, v2  }
0x1b4: {  	v2 =	vld.idx.msk [tilespmem:v4+s31+$0x0], $0xffff;
	_ =	sdelay $0x1  }
0x1b5: {  	v3 =	vor.u32 v43, v0  }
0x1b6: {  	v4 =	vor.u32 v44, v1;
	_ =	sdelay $0x1  }
0x1b7: {  	v2 =	vmul.f32 $5.656854150e+00, v2;
	_ =	sdelay $0x1  }
0x1b8: {  	[tilespmem:v3+s0+$0x0] =	vst.idx.msk $0xffff, v2  }
0x1b9: {  	v2 =	vld.idx.msk [tilespmem:v4+s31+$0x0], $0xffff;
	_ =	sdelay $0x1  }
0x1ba: {  	v3 =	vor.u32 v45, v0  }
0x1bb: {  	v4 =	vor.u32 v46, v1;
	_ =	sdelay $0x1  }
0x1bc: {  	v2 =	vmul.f32 $5.656854150e+00, v2;
	_ =	sdelay $0x1  }
0x1bd: {  	[tilespmem:v3+s0+$0x0] =	vst.idx.msk $0xffff, v2  }
0x1be: {  	v2 =	vld.idx.msk [tilespmem:v4+s31+$0x0], $0xffff;
	_ =	sdelay $0x1  }
0x1bf: {  	v3 =	vor.u32 v47, v0  }
0x1c0: {  	v4 =	vor.u32 v48, v1;
	_ =	sdelay $0x1  }
0x1c1: {  	v2 =	vmul.f32 $5.656854150e+00, v2;
	_ =	sdelay $0x1  }
0x1c2: {  	[tilespmem:v3+s0+$0x0] =	vst.idx.msk $0xffff, v2  }
0x1c3: {  	v2 =	vld.idx.msk [tilespmem:v4+s31+$0x0], $0xffff;
	_ =	sdelay $0x1  }
0x1c4: {  	v3 =	vor.u32 v49, v0  }
0x1c5: {  	v4 =	vor.u32 v50, v1;
	_ =	sdelay $0x1  }
0x1c6: {  	v2 =	vmul.f32 $5.656854150e+00, v2;
	_ =	sdelay $0x1  }
0x1c7: {  	[tilespmem:v3+s0+$0x0] =	vst.idx.msk $0xffff, v2  }
0x1c8: {  	v2 =	vld.idx.msk [tilespmem:v4+s31+$0x0], $0xffff;
	_ =	sdelay $0x1  }
0x1c9: {  	v3 =	vor.u32 v51, v0  }
0x1ca: {  	v4 =	vor.u32 v52, v1;
	_ =	sdelay $0x1  }
0x1cb: {  	v2 =	vmul.f32 $5.656854150e+00, v2;
	_ =	sdelay $0x1  }
0x1cc: {  	[tilespmem:v3+s0+$0x0] =	vst.idx.msk $0xffff, v2  }
0x1cd: {  	v2 =	vld.idx.msk [tilespmem:v4+s31+$0x0], $0xffff;
	_ =	sdelay $0x1  }
0x1ce: {  	v3 =	vor.u32 v53, v0  }
0x1cf: {  	v4 =	vor.u32 v54, v1;
	_ =	sdelay $0x1  }
0x1d0: {  	v2 =	vmul.f32 $5.656854150e+00, v2;
	_ =	sdelay $0x1  }
0x1d1: {  	[tilespmem:v3+s0+$0x0] =	vst.idx.msk $0xffff, v2  }
0x1d2: {  	v2 =	vld.idx.msk [tilespmem:v4+s31+$0x0], $0xffff;
	_ =	sdelay $0x1  }
0x1d3: {  	v3 =	vor.u32 v55, v0  }
0x1d4: {  	v4 =	vor.u32 v56, v1;
	_ =	sdelay $0x1  }
0x1d5: {  	v2 =	vmul.f32 $5.656854150e+00, v2;
	_ =	sdelay $0x1  }
0x1d6: {  	[tilespmem:v3+s0+$0x0] =	vst.idx.msk $0xffff, v2  }
0x1d7: {  	v2 =	vld.idx.msk [tilespmem:v4+s31+$0x0], $0xffff;
	_ =	sdelay $0x1  }
0x1d8: {  	v3 =	vor.u32 v57, v0  }
0x1d9: {  	v4 =	vor.u32 v58, v1;
	_ =	sdelay $0x1  }
0x1da: {  	v2 =	vmul.f32 $5.656854150e+00, v2;
	_ =	sdelay $0x1  }
0x1db: {  	[tilespmem:v3+s0+$0x0] =	vst.idx.msk $0xffff, v2  }
0x1dc: {  	v2 =	vld.idx.msk [tilespmem:v4+s31+$0x0], $0xffff;
	_ =	sdelay $0x1  }
0x1dd: {  	v3 =	vor.u32 v59, v0  }
0x1de: {  	v4 =	vor.u32 v60, v1;
	_ =	sdelay $0x1  }
0x1df: {  	v2 =	vmul.f32 $5.656854150e+00, v2;
	_ =	sdelay $0x1  }
0x1e0: {  	[tilespmem:v3+s0+$0x0] =	vst.idx.msk $0xffff, v2  }
0x1e1: {  	v2 =	vld.idx.msk [tilespmem:v4+s31+$0x0], $0xffff;
	_ =	sdelay $0x1  }
0x1e2: {  	v3 =	vor.u32 v61, v0;
	_ =	sdelay $0x2  }
0x1e3: {  	v4 =	vor.u32 v62, v1;
	v2 =	vmul.f32 $5.656854150e+00, v2;
	_ =	sdelay $0x1  }
0x1e4: {  	[tilespmem:v3+s0+$0x0] =	vst.idx.msk $0xffff, v2;
	v3 =	vld [tilespmem:$0x1FF80];
	_ =	sdelay $0x2  }
0x1e5: {  	v2 =	vld.idx.msk [tilespmem:v4+s31+$0x0], $0xffff;
	_ =	sdelay $0x1  }
0x1e6: {  	v3 =	vor.u32 v3, v0  }
0x1e7: {  	v4 =	vor.u32 v63, v1;
	_ =	sdelay $0x1  }
0x1e8: {  	v2 =	vmul.f32 $5.656854150e+00, v2;
	_ =	sdelay $0x1  }
0x1e9: {  	[tilespmem:v3+s0+$0x0] =	vst.idx.msk $0xffff, v2;
	v3 =	vld [tilespmem:$0x1FFA0]  }
0x1ea: {  	v2 =	vld.idx.msk [tilespmem:v4+s31+$0x0], $0xffff  }
0x1eb: {  	v4 =	vld [tilespmem:$0x1FFB0];
	_ =	sdelay $0x3  }
0x1ec: {  	v3 =	vor.u32 v3, v0  }
0x1ed: {  	v4 =	vor.u32 v4, v1;
	_ =	sdelay $0x1  }
0x1ee: {  	v2 =	vmul.f32 $5.656854150e+00, v2;
	_ =	sdelay $0x1  }
0x1ef: {  	[tilespmem:v3+s0+$0x0] =	vst.idx.msk $0xffff, v2;
	v3 =	vld [tilespmem:$0x1FFC0]  }
0x1f0: {  	v2 =	vld.idx.msk [tilespmem:v4+s31+$0x0], $0xffff  }
0x1f1: {  	v4 =	vld [tilespmem:$0x1FFD0];
	_ =	sdelay $0x3  }
0x1f2: {  	v3 =	vor.u32 v3, v0  }
0x1f3: {  	v1 =	vor.u32 v4, v1;
	_ =	sdelay $0x1  }
0x1f4: {  	v2 =	vmul.f32 $5.656854150e+00, v2  }
0x1f5: {  	s14 =	smov.u32 s2  }
0x1f6: {  	[tilespmem:v3+s0+$0x0] =	vst.idx.msk $0xffff, v2;
	v2 =	vadd.s32 s14, v6  }
0x1f7: {  	v4 =	vld.idx.msk [tilespmem:v1+s31+$0x0], $0xffff;
	v3 =	vshll.u32 v2, $0x9  }
0x1f8: {  	p0 =	sne.s32 s2, $0x1F;
	v1 =	vand.u32 $0x1F, v2;
	v2 =	vor.u32 v5, v0;
	v0 =	vand.u32 $0x3E00, v3;
	v3 =	vld [tilespmem:$0x1FFF0]  }
.Ltmp1:
0x1f9: {  	_ = 	snop;
	(pc) =	sbr.rel @p0 .LBB2_5-.Ltmp1, $2  }
0x1fa: {  	_ =	sdelay $0x2  }
0x1fb: {  	s2 =	sadd.s32 $0x1, s2;
	v4 =	vmul.f32 $5.656854150e+00, v4;
	v3 =	vor.u32 v3, v1  }
0x1fc: {  	_ =	sdelay $0x3  }
0x1fd: {  	[tilespmem:v2+s0+$0x0] =	vst.idx.msk $0xffff, v4  }
0x1fe: {  	v2 =	vld.idx.msk [tilespmem:v3+s31+$0x0], $0xffff;
	_ =	sdelay $0x1  }
0x1ff: {  	v3 =	vor.u32 v7, v0  }
0x200: {  	v4 =	vor.u32 v8, v1;
	_ =	sdelay $0x1  }
0x201: {  	v2 =	vmul.f32 $5.656854150e+00, v2;
	_ =	sdelay $0x1  }
0x202: {  	[tilespmem:v3+s0+$0x0] =	vst.idx.msk $0xffff, v2  }
0x203: {  	v2 =	vld.idx.msk [tilespmem:v4+s31+$0x0], $0xffff;
	_ =	sdelay $0x1  }
0x204: {  	v3 =	vor.u32 v9, v0  }
0x205: {  	v4 =	vor.u32 v10, v1;
	_ =	sdelay $0x1  }
0x206: {  	v2 =	vmul.f32 $5.656854150e+00, v2;
	_ =	sdelay $0x1  }
0x207: {  	[tilespmem:v3+s0+$0x0] =	vst.idx.msk $0xffff, v2  }
0x208: {  	v2 =	vld.idx.msk [tilespmem:v4+s31+$0x0], $0xffff;
	_ =	sdelay $0x1  }
0x209: {  	v3 =	vor.u32 v11, v0  }
0x20a: {  	v4 =	vor.u32 v12, v1;
	_ =	sdelay $0x1  }
0x20b: {  	v2 =	vmul.f32 $5.656854150e+00, v2;
	_ =	sdelay $0x1  }
0x20c: {  	[tilespmem:v3+s0+$0x0] =	vst.idx.msk $0xffff, v2  }
0x20d: {  	v2 =	vld.idx.msk [tilespmem:v4+s31+$0x0], $0xffff;
	_ =	sdelay $0x1  }
0x20e: {  	v3 =	vor.u32 v13, v0  }
0x20f: {  	v4 =	vor.u32 v14, v1;
	_ =	sdelay $0x1  }
0x210: {  	v2 =	vmul.f32 $5.656854150e+00, v2;
	_ =	sdelay $0x1  }
0x211: {  	[tilespmem:v3+s0+$0x0] =	vst.idx.msk $0xffff, v2  }
0x212: {  	v2 =	vld.idx.msk [tilespmem:v4+s31+$0x0], $0xffff;
	_ =	sdelay $0x1  }
0x213: {  	v3 =	vor.u32 v15, v0  }
0x214: {  	v4 =	vor.u32 v16, v1;
	_ =	sdelay $0x1  }
0x215: {  	v2 =	vmul.f32 $5.656854150e+00, v2;
	_ =	sdelay $0x1  }
0x216: {  	[tilespmem:v3+s0+$0x0] =	vst.idx.msk $0xffff, v2  }
0x217: {  	v2 =	vld.idx.msk [tilespmem:v4+s31+$0x0], $0xffff;
	_ =	sdelay $0x1  }
0x218: {  	v3 =	vor.u32 v17, v0  }
0x219: {  	v4 =	vor.u32 v18, v1;
	_ =	sdelay $0x1  }
0x21a: {  	v2 =	vmul.f32 $5.656854150e+00, v2;
	_ =	sdelay $0x1  }
0x21b: {  	[tilespmem:v3+s0+$0x0] =	vst.idx.msk $0xffff, v2  }
0x21c: {  	v2 =	vld.idx.msk [tilespmem:v4+s31+$0x0], $0xffff;
	_ =	sdelay $0x1  }
0x21d: {  	v3 =	vor.u32 v19, v0  }
0x21e: {  	v4 =	vor.u32 v20, v1;
	_ =	sdelay $0x1  }
0x21f: {  	v2 =	vmul.f32 $5.656854150e+00, v2;
	_ =	sdelay $0x1  }
0x220: {  	[tilespmem:v3+s0+$0x0] =	vst.idx.msk $0xffff, v2  }
0x221: {  	v2 =	vld.idx.msk [tilespmem:v4+s31+$0x0], $0xffff;
	_ =	sdelay $0x1  }
0x222: {  	v3 =	vor.u32 v21, v0  }
0x223: {  	v4 =	vor.u32 v22, v1;
	_ =	sdelay $0x1  }
0x224: {  	v2 =	vmul.f32 $5.656854150e+00, v2;
	_ =	sdelay $0x1  }
0x225: {  	[tilespmem:v3+s0+$0x0] =	vst.idx.msk $0xffff, v2  }
0x226: {  	v2 =	vld.idx.msk [tilespmem:v4+s31+$0x0], $0xffff;
	_ =	sdelay $0x1  }
0x227: {  	v3 =	vor.u32 v23, v0  }
0x228: {  	v4 =	vor.u32 v24, v1;
	_ =	sdelay $0x1  }
0x229: {  	v2 =	vmul.f32 $5.656854150e+00, v2;
	_ =	sdelay $0x1  }
0x22a: {  	[tilespmem:v3+s0+$0x0] =	vst.idx.msk $0xffff, v2  }
0x22b: {  	v2 =	vld.idx.msk [tilespmem:v4+s31+$0x0], $0xffff;
	_ =	sdelay $0x1  }
0x22c: {  	v3 =	vor.u32 v25, v0  }
0x22d: {  	v4 =	vor.u32 v26, v1;
	_ =	sdelay $0x1  }
0x22e: {  	v2 =	vmul.f32 $5.656854150e+00, v2;
	_ =	sdelay $0x1  }
0x22f: {  	[tilespmem:v3+s0+$0x0] =	vst.idx.msk $0xffff, v2  }
0x230: {  	v2 =	vld.idx.msk [tilespmem:v4+s31+$0x0], $0xffff;
	_ =	sdelay $0x1  }
0x231: {  	v3 =	vor.u32 v27, v0  }
0x232: {  	v4 =	vor.u32 v28, v1;
	_ =	sdelay $0x1  }
0x233: {  	v2 =	vmul.f32 $5.656854150e+00, v2;
	_ =	sdelay $0x1  }
0x234: {  	[tilespmem:v3+s0+$0x0] =	vst.idx.msk $0xffff, v2  }
0x235: {  	v2 =	vld.idx.msk [tilespmem:v4+s31+$0x0], $0xffff;
	_ =	sdelay $0x1  }
0x236: {  	v3 =	vor.u32 v29, v0  }
0x237: {  	v4 =	vor.u32 v30, v1;
	_ =	sdelay $0x1  }
0x238: {  	v2 =	vmul.f32 $5.656854150e+00, v2;
	_ =	sdelay $0x1  }
0x239: {  	[tilespmem:v3+s0+$0x0] =	vst.idx.msk $0xffff, v2  }
0x23a: {  	v2 =	vld.idx.msk [tilespmem:v4+s31+$0x0], $0xffff;
	_ =	sdelay $0x1  }
0x23b: {  	v3 =	vor.u32 v31, v0  }
0x23c: {  	v4 =	vor.u32 v32, v1;
	_ =	sdelay $0x1  }
0x23d: {  	v2 =	vmul.f32 $5.656854150e+00, v2;
	_ =	sdelay $0x1  }
0x23e: {  	[tilespmem:v3+s0+$0x0] =	vst.idx.msk $0xffff, v2  }
0x23f: {  	v2 =	vld.idx.msk [tilespmem:v4+s31+$0x0], $0xffff;
	_ =	sdelay $0x1  }
0x240: {  	v3 =	vor.u32 v33, v0  }
0x241: {  	v4 =	vor.u32 v34, v1;
	_ =	sdelay $0x1  }
0x242: {  	v2 =	vmul.f32 $5.656854150e+00, v2;
	_ =	sdelay $0x1  }
0x243: {  	[tilespmem:v3+s0+$0x0] =	vst.idx.msk $0xffff, v2  }
0x244: {  	v2 =	vld.idx.msk [tilespmem:v4+s31+$0x0], $0xffff;
	_ =	sdelay $0x1  }
0x245: {  	v3 =	vor.u32 v35, v0  }
0x246: {  	v4 =	vor.u32 v36, v1;
	_ =	sdelay $0x1  }
0x247: {  	v2 =	vmul.f32 $5.656854150e+00, v2;
	_ =	sdelay $0x1  }
0x248: {  	[tilespmem:v3+s0+$0x0] =	vst.idx.msk $0xffff, v2  }
0x249: {  	v2 =	vld.idx.msk [tilespmem:v4+s31+$0x0], $0xffff;
	_ =	sdelay $0x1  }
0x24a: {  	v3 =	vor.u32 v37, v0  }
0x24b: {  	v4 =	vor.u32 v38, v1;
	_ =	sdelay $0x1  }
0x24c: {  	v2 =	vmul.f32 $5.656854150e+00, v2;
	_ =	sdelay $0x1  }
0x24d: {  	[tilespmem:v3+s0+$0x0] =	vst.idx.msk $0xffff, v2  }
0x24e: {  	v2 =	vld.idx.msk [tilespmem:v4+s31+$0x0], $0xffff;
	_ =	sdelay $0x1  }
0x24f: {  	v3 =	vor.u32 v39, v0  }
0x250: {  	v4 =	vor.u32 v40, v1;
	_ =	sdelay $0x1  }
0x251: {  	v2 =	vmul.f32 $5.656854150e+00, v2;
	_ =	sdelay $0x1  }
0x252: {  	[tilespmem:v3+s0+$0x0] =	vst.idx.msk $0xffff, v2  }
0x253: {  	v2 =	vld.idx.msk [tilespmem:v4+s31+$0x0], $0xffff;
	_ =	sdelay $0x1  }
0x254: {  	v3 =	vor.u32 v41, v0  }
0x255: {  	v4 =	vor.u32 v42, v1;
	_ =	sdelay $0x1  }
0x256: {  	v2 =	vmul.f32 $5.656854150e+00, v2;
	_ =	sdelay $0x1  }
0x257: {  	[tilespmem:v3+s0+$0x0] =	vst.idx.msk $0xffff, v2  }
0x258: {  	v2 =	vld.idx.msk [tilespmem:v4+s31+$0x0], $0xffff;
	_ =	sdelay $0x1  }
0x259: {  	v3 =	vor.u32 v43, v0  }
0x25a: {  	v4 =	vor.u32 v44, v1;
	_ =	sdelay $0x1  }
0x25b: {  	v2 =	vmul.f32 $5.656854150e+00, v2;
	_ =	sdelay $0x1  }
0x25c: {  	[tilespmem:v3+s0+$0x0] =	vst.idx.msk $0xffff, v2  }
0x25d: {  	v2 =	vld.idx.msk [tilespmem:v4+s31+$0x0], $0xffff;
	_ =	sdelay $0x1  }
0x25e: {  	v3 =	vor.u32 v45, v0  }
0x25f: {  	v4 =	vor.u32 v46, v1;
	_ =	sdelay $0x1  }
0x260: {  	v2 =	vmul.f32 $5.656854150e+00, v2;
	_ =	sdelay $0x1  }
0x261: {  	[tilespmem:v3+s0+$0x0] =	vst.idx.msk $0xffff, v2  }
0x262: {  	v2 =	vld.idx.msk [tilespmem:v4+s31+$0x0], $0xffff;
	_ =	sdelay $0x1  }
0x263: {  	v3 =	vor.u32 v47, v0  }
0x264: {  	v4 =	vor.u32 v48, v1;
	_ =	sdelay $0x1  }
0x265: {  	v2 =	vmul.f32 $5.656854150e+00, v2;
	_ =	sdelay $0x1  }
0x266: {  	[tilespmem:v3+s0+$0x0] =	vst.idx.msk $0xffff, v2  }
0x267: {  	v2 =	vld.idx.msk [tilespmem:v4+s31+$0x0], $0xffff;
	_ =	sdelay $0x1  }
0x268: {  	v3 =	vor.u32 v49, v0  }
0x269: {  	v4 =	vor.u32 v50, v1;
	_ =	sdelay $0x1  }
0x26a: {  	v2 =	vmul.f32 $5.656854150e+00, v2;
	_ =	sdelay $0x1  }
0x26b: {  	[tilespmem:v3+s0+$0x0] =	vst.idx.msk $0xffff, v2  }
0x26c: {  	v2 =	vld.idx.msk [tilespmem:v4+s31+$0x0], $0xffff;
	_ =	sdelay $0x1  }
0x26d: {  	v3 =	vor.u32 v51, v0  }
0x26e: {  	v4 =	vor.u32 v52, v1;
	_ =	sdelay $0x1  }
0x26f: {  	v2 =	vmul.f32 $5.656854150e+00, v2;
	_ =	sdelay $0x1  }
0x270: {  	[tilespmem:v3+s0+$0x0] =	vst.idx.msk $0xffff, v2  }
0x271: {  	v2 =	vld.idx.msk [tilespmem:v4+s31+$0x0], $0xffff;
	_ =	sdelay $0x1  }
0x272: {  	v3 =	vor.u32 v53, v0  }
0x273: {  	v4 =	vor.u32 v54, v1;
	_ =	sdelay $0x1  }
0x274: {  	v2 =	vmul.f32 $5.656854150e+00, v2;
	_ =	sdelay $0x1  }
0x275: {  	[tilespmem:v3+s0+$0x0] =	vst.idx.msk $0xffff, v2  }
0x276: {  	v2 =	vld.idx.msk [tilespmem:v4+s31+$0x0], $0xffff;
	_ =	sdelay $0x1  }
0x277: {  	v3 =	vor.u32 v55, v0  }
0x278: {  	v4 =	vor.u32 v56, v1;
	_ =	sdelay $0x1  }
0x279: {  	v2 =	vmul.f32 $5.656854150e+00, v2;
	_ =	sdelay $0x1  }
0x27a: {  	[tilespmem:v3+s0+$0x0] =	vst.idx.msk $0xffff, v2  }
0x27b: {  	v2 =	vld.idx.msk [tilespmem:v4+s31+$0x0], $0xffff;
	_ =	sdelay $0x1  }
0x27c: {  	v3 =	vor.u32 v57, v0  }
0x27d: {  	v4 =	vor.u32 v58, v1;
	_ =	sdelay $0x1  }
0x27e: {  	v2 =	vmul.f32 $5.656854150e+00, v2;
	_ =	sdelay $0x1  }
0x27f: {  	[tilespmem:v3+s0+$0x0] =	vst.idx.msk $0xffff, v2  }
0x280: {  	v2 =	vld.idx.msk [tilespmem:v4+s31+$0x0], $0xffff;
	_ =	sdelay $0x1  }
0x281: {  	v3 =	vor.u32 v59, v0  }
0x282: {  	v4 =	vor.u32 v60, v1;
	_ =	sdelay $0x1  }
0x283: {  	v2 =	vmul.f32 $5.656854150e+00, v2;
	_ =	sdelay $0x1  }
0x284: {  	[tilespmem:v3+s0+$0x0] =	vst.idx.msk $0xffff, v2  }
0x285: {  	v2 =	vld.idx.msk [tilespmem:v4+s31+$0x0], $0xffff;
	_ =	sdelay $0x1  }
0x286: {  	v3 =	vor.u32 v61, v0;
	_ =	sdelay $0x2  }
0x287: {  	v4 =	vor.u32 v62, v1;
	v2 =	vmul.f32 $5.656854150e+00, v2;
	_ =	sdelay $0x1  }
0x288: {  	[tilespmem:v3+s0+$0x0] =	vst.idx.msk $0xffff, v2;
	v3 =	vld [tilespmem:$0x1FF80];
	_ =	sdelay $0x2  }
0x289: {  	v2 =	vld.idx.msk [tilespmem:v4+s31+$0x0], $0xffff;
	_ =	sdelay $0x1  }
0x28a: {  	v3 =	vor.u32 v3, v0  }
0x28b: {  	v4 =	vor.u32 v63, v1;
	_ =	sdelay $0x1  }
0x28c: {  	v2 =	vmul.f32 $5.656854150e+00, v2;
	_ =	sdelay $0x1  }
0x28d: {  	[tilespmem:v3+s0+$0x0] =	vst.idx.msk $0xffff, v2;
	v3 =	vld [tilespmem:$0x1FFA0]  }
0x28e: {  	v2 =	vld.idx.msk [tilespmem:v4+s31+$0x0], $0xffff  }
0x28f: {  	v4 =	vld [tilespmem:$0x1FFB0];
	_ =	sdelay $0x3  }
0x290: {  	v3 =	vor.u32 v3, v0  }
0x291: {  	v4 =	vor.u32 v4, v1;
	_ =	sdelay $0x1  }
0x292: {  	v2 =	vmul.f32 $5.656854150e+00, v2;
	_ =	sdelay $0x1  }
0x293: {  	[tilespmem:v3+s0+$0x0] =	vst.idx.msk $0xffff, v2;
	v3 =	vld [tilespmem:$0x1FFC0]  }
0x294: {  	v2 =	vld.idx.msk [tilespmem:v4+s31+$0x0], $0xffff  }
0x295: {  	v4 =	vld [tilespmem:$0x1FFD0];
	_ =	sdelay $0x3  }
0x296: {  	v3 =	vor.u32 v3, v0  }
0x297: {  	v1 =	vor.u32 v4, v1;
	_ =	sdelay $0x1  }
0x298: {  	v2 =	vmul.f32 $5.656854150e+00, v2;
	_ =	sdelay $0x1  }
0x299: {  	[tilespmem:v3+s0+$0x0] =	vst.idx.msk $0xffff, v2  }
0x29a: {  	v1 =	vld.idx.msk [tilespmem:v1+s31+$0x0], $0xffff;
	_ =	sdelay $0x1  }
0x29b: {  	v0 =	vor.u32 v5, v0;
	_ =	sdelay $0x1  }
0x29c: {  	s29 =	sshll.u32 s29, $0x13  }
0x29d: {  	s2 =	sor.u32 s6, s29;
	v1 =	vmul.f32 $5.656854150e+00, v1  }
0x29e: {  	s31 =	sshrl.u32 s2, $0x3;
	s2 =	sshll.u32 s30, $0xE  }
0x29f: {  	s14 =	sadd.s32 $0xE400, s2;
	[tilespmem:v0+s0+$0x0] =	vst.idx.msk $0xffff, v1;
	s0 =	sadd.s32 s1, s31  }
0x2a0: {  	[hbm4b:s0+s3] =	stream.linear.scatter [tilespmem:s14], [sflag:$0x2], $0x80, $0x38;
	[tilespmem:$0x16400] =	vst v63  }
0x2a1: {  	s30 =	sadd.s32 $0xE600, s2;
	s15 =	sadd.s32 $0x10, s0  }
0x2a2: {  	[hbm4b:s15+s3] =	stream.linear.scatter [tilespmem:s30], [sflag:$0x2], $0x80, $0x38;
	[tilespmem:$0x16400] =	vst v63  }
0x2a3: {  	s18 =	sadd.s32 $0xE800, s2;
	s30 =	sadd.s32 $0x20, s0  }
0x2a4: {  	[hbm4b:s30+s3] =	stream.linear.scatter [tilespmem:s18], [sflag:$0x2], $0x80, $0x38;
	[tilespmem:$0x16400] =	vst v63  }
0x2a5: {  	s18 =	sadd.s32 $0xEA00, s2;
	s30 =	sadd.s32 $0x30, s0  }
0x2a6: {  	[hbm4b:s30+s3] =	stream.linear.scatter [tilespmem:s18], [sflag:$0x2], $0x80, $0x38;
	[tilespmem:$0x16400] =	vst v63  }
0x2a7: {  	s18 =	sadd.s32 $0xEC00, s2;
	s30 =	sadd.s32 $0x40, s0  }
0x2a8: {  	[hbm4b:s30+s3] =	stream.linear.scatter [tilespmem:s18], [sflag:$0x2], $0x80, $0x38;
	[tilespmem:$0x16400] =	vst v63  }
0x2a9: {  	s18 =	sadd.s32 $0xEE00, s2;
	s30 =	sadd.s32 $0x50, s0  }
0x2aa: {  	[hbm4b:s30+s3] =	stream.linear.scatter [tilespmem:s18], [sflag:$0x2], $0x80, $0x38;
	[tilespmem:$0x16400] =	vst v63  }
0x2ab: {  	s15 =	sadd.s32 $0xF000, s2;
	s18 =	sadd.s32 $0x60, s0  }
0x2ac: {  	[hbm4b:s18+s3] =	stream.linear.scatter [tilespmem:s15], [sflag:$0x2], $0x80, $0x38;
	[tilespmem:$0x16400] =	vst v63  }
0x2ad: {  	s14 =	sor.u32 s7, s29;
	s30 =	sadd.s32 $0xF200, s2;
	s0 =	sadd.s32 $0x70, s0  }
0x2ae: {  	[hbm4b:s0+s3] =	stream.linear.scatter [tilespmem:s30], [sflag:$0x2], $0x80, $0x38;
	[tilespmem:$0x16400] =	vst v63  }
0x2af: {  	s0 =	sshrl.u32 s14, $0x3  }
0x2b0: {  	s15 =	sadd.s32 $0xE480, s2;
	s0 =	sadd.s32 s1, s0  }
0x2b1: {  	[hbm4b:s0+s3] =	stream.linear.scatter [tilespmem:s15], [sflag:$0x2], $0x80, $0x38;
	[tilespmem:$0x16400] =	vst v63  }
0x2b2: {  	s18 =	sadd.s32 $0xE680, s2;
	s30 =	sadd.s32 $0x10, s0  }
0x2b3: {  	[hbm4b:s30+s3] =	stream.linear.scatter [tilespmem:s18], [sflag:$0x2], $0x80, $0x38;
	[tilespmem:$0x16400] =	vst v63  }
0x2b4: {  	s18 =	sadd.s32 $0xE880, s2;
	s30 =	sadd.s32 $0x20, s0  }
0x2b5: {  	[hbm4b:s30+s3] =	stream.linear.scatter [tilespmem:s18], [sflag:$0x2], $0x80, $0x38;
	[tilespmem:$0x16400] =	vst v63  }
0x2b6: {  	s18 =	sadd.s32 $0xEA80, s2;
	s30 =	sadd.s32 $0x30, s0  }
0x2b7: {  	[hbm4b:s30+s3] =	stream.linear.scatter [tilespmem:s18], [sflag:$0x2], $0x80, $0x38;
	[tilespmem:$0x16400] =	vst v63  }
0x2b8: {  	s18 =	sadd.s32 $0xEC80, s2;
	s30 =	sadd.s32 $0x40, s0  }
0x2b9: {  	[hbm4b:s30+s3] =	stream.linear.scatter [tilespmem:s18], [sflag:$0x2], $0x80, $0x38;
	[tilespmem:$0x16400] =	vst v63  }
0x2ba: {  	s18 =	sadd.s32 $0xEE80, s2;
	s30 =	sadd.s32 $0x50, s0  }
0x2bb: {  	[hbm4b:s30+s3] =	stream.linear.scatter [tilespmem:s18], [sflag:$0x2], $0x80, $0x38;
	[tilespmem:$0x16400] =	vst v63  }
0x2bc: {  	s18 =	sadd.s32 $0xF080, s2;
	s30 =	sadd.s32 $0x60, s0  }
0x2bd: {  	[hbm4b:s30+s3] =	stream.linear.scatter [tilespmem:s18], [sflag:$0x2], $0x80, $0x38;
	[tilespmem:$0x16400] =	vst v63  }
0x2be: {  	s18 =	sadd.s32 $0xF280, s2;
	s30 =	sadd.s32 $0x70, s0  }
0x2bf: {  	[hbm4b:s30+s3] =	stream.linear.scatter [tilespmem:s18], [sflag:$0x2], $0x80, $0x38;
	[tilespmem:$0x16400] =	vst v63  }
0x2c0: {  	s18 =	sor.u32 s8, s29  }
0x2c1: {  	s14 =	sshrl.u32 s18, $0x3  }
0x2c2: {  	s30 =	sadd.s32 $0xE500, s2;
	s14 =	sadd.s32 s1, s14  }
0x2c3: {  	[hbm4b:s14+s3] =	stream.linear.scatter [tilespmem:s30], [sflag:$0x2], $0x80, $0x38;
	[tilespmem:$0x16400] =	vst v63  }
0x2c4: {  	s15 =	sadd.s32 $0xE700, s2;
	s18 =	sadd.s32 $0x10, s14  }
0x2c5: {  	[hbm4b:s18+s3] =	stream.linear.scatter [tilespmem:s15], [sflag:$0x2], $0x80, $0x38;
	[tilespmem:$0x16400] =	vst v63  }
0x2c6: {  	s15 =	sadd.s32 $0xE900, s2;
	s18 =	sadd.s32 $0x20, s14  }
0x2c7: {  	[hbm4b:s18+s3] =	stream.linear.scatter [tilespmem:s15], [sflag:$0x2], $0x80, $0x38;
	[tilespmem:$0x16400] =	vst v63  }
0x2c8: {  	s15 =	sadd.s32 $0xEB00, s2;
	s18 =	sadd.s32 $0x30, s14  }
0x2c9: {  	[hbm4b:s18+s3] =	stream.linear.scatter [tilespmem:s15], [sflag:$0x2], $0x80, $0x38;
	[tilespmem:$0x16400] =	vst v63  }
0x2ca: {  	s15 =	sadd.s32 $0xED00, s2;
	s18 =	sadd.s32 $0x40, s14  }
0x2cb: {  	[hbm4b:s18+s3] =	stream.linear.scatter [tilespmem:s15], [sflag:$0x2], $0x80, $0x38;
	[tilespmem:$0x16400] =	vst v63  }
0x2cc: {  	s15 =	sadd.s32 $0xEF00, s2;
	s18 =	sadd.s32 $0x50, s14  }
0x2cd: {  	[hbm4b:s18+s3] =	stream.linear.scatter [tilespmem:s15], [sflag:$0x2], $0x80, $0x38;
	[tilespmem:$0x16400] =	vst v63  }
0x2ce: {  	s15 =	sadd.s32 $0xF100, s2;
	s18 =	sadd.s32 $0x60, s14  }
0x2cf: {  	[hbm4b:s18+s3] =	stream.linear.scatter [tilespmem:s15], [sflag:$0x2], $0x80, $0x38;
	[tilespmem:$0x16400] =	vst v63  }
0x2d0: {  	s15 =	sadd.s32 $0xF300, s2;
	s18 =	sadd.s32 $0x70, s14  }
0x2d1: {  	[hbm4b:s18+s3] =	stream.linear.scatter [tilespmem:s15], [sflag:$0x2], $0x80, $0x38;
	[tilespmem:$0x16400] =	vst v63  }
0x2d2: {  	s18 =	sor.u32 s9, s29  }
0x2d3: {  	s15 =	sshrl.u32 s18, $0x3  }
0x2d4: {  	s30 =	sadd.s32 $0xE580, s2;
	s29 =	sadd.s32 s1, s15  }
0x2d5: {  	[hbm4b:s29+s3] =	stream.linear.scatter [tilespmem:s30], [sflag:$0x2], $0x80, $0x38;
	[tilespmem:$0x16400] =	vst v63  }
0x2d6: {  	s15 =	sadd.s32 $0xE780, s2;
	s18 =	sadd.s32 $0x10, s29  }
0x2d7: {  	[hbm4b:s18+s3] =	stream.linear.scatter [tilespmem:s15], [sflag:$0x2], $0x80, $0x38;
	[tilespmem:$0x16400] =	vst v63  }
0x2d8: {  	s15 =	sadd.s32 $0xE980, s2;
	s18 =	sadd.s32 $0x20, s29  }
0x2d9: {  	[hbm4b:s18+s3] =	stream.linear.scatter [tilespmem:s15], [sflag:$0x2], $0x80, $0x38;
	[tilespmem:$0x16400] =	vst v63  }
0x2da: {  	s15 =	sadd.s32 $0xEB80, s2;
	s18 =	sadd.s32 $0x30, s29  }
0x2db: {  	[hbm4b:s18+s3] =	stream.linear.scatter [tilespmem:s15], [sflag:$0x2], $0x80, $0x38;
	[tilespmem:$0x16400] =	vst v63  }
0x2dc: {  	s15 =	sadd.s32 $0xED80, s2;
	s18 =	sadd.s32 $0x40, s29  }
0x2dd: {  	[hbm4b:s18+s3] =	stream.linear.scatter [tilespmem:s15], [sflag:$0x2], $0x80, $0x38;
	[tilespmem:$0x16400] =	vst v63  }
0x2de: {  	s15 =	sadd.s32 $0xEF80, s2;
	s18 =	sadd.s32 $0x50, s29  }
0x2df: {  	[hbm4b:s18+s3] =	stream.linear.scatter [tilespmem:s15], [sflag:$0x2], $0x80, $0x38;
	[tilespmem:$0x16400] =	vst v63  }
0x2e0: {  	s15 =	sadd.s32 $0xF180, s2;
	s18 =	sadd.s32 $0x60, s29  }
0x2e1: {  	[hbm4b:s18+s3] =	stream.linear.scatter [tilespmem:s15], [sflag:$0x2], $0x80, $0x38;
	[tilespmem:$0x16400] =	vst v63  }
0x2e2: {  	s15 =	sadd.s32 $0xF380, s2;
	s18 =	sadd.s32 $0x70, s29  }
0x2e3: {  	[hbm4b:s18+s3] =	stream.linear.scatter [tilespmem:s15], [sflag:$0x2], $0x80, $0x38;
	[tilespmem:$0x16400] =	vst v63  }
0x2e4: {  	s15 =	sadd.s32 s31, s10;
	s18 =	sadd.s32 $0xF400, s2  }
0x2e5: {  	[hbm4b:s15+s3] =	stream.linear.scatter [tilespmem:s18], [sflag:$0x2], $0x80, $0x38;
	[tilespmem:$0x16400] =	vst v63  }
0x2e6: {  	s30 =	sadd.s32 $0xF600, s2;
	s18 =	sadd.s32 $0x10, s15  }
0x2e7: {  	[hbm4b:s18+s3] =	stream.linear.scatter [tilespmem:s30], [sflag:$0x2], $0x80, $0x38;
	[tilespmem:$0x16400] =	vst v63  }
0x2e8: {  	s18 =	sadd.s32 $0xF800, s2;
	s30 =	sadd.s32 $0x20, s15  }
0x2e9: {  	[hbm4b:s30+s3] =	stream.linear.scatter [tilespmem:s18], [sflag:$0x2], $0x80, $0x38;
	[tilespmem:$0x16400] =	vst v63  }
0x2ea: {  	s18 =	sadd.s32 $0xFA00, s2;
	s30 =	sadd.s32 $0x30, s15  }
0x2eb: {  	[hbm4b:s30+s3] =	stream.linear.scatter [tilespmem:s18], [sflag:$0x2], $0x80, $0x38;
	[tilespmem:$0x16400] =	vst v63  }
0x2ec: {  	s18 =	sadd.s32 $0xFC00, s2;
	s30 =	sadd.s32 $0x40, s15  }
0x2ed: {  	[hbm4b:s30+s3] =	stream.linear.scatter [tilespmem:s18], [sflag:$0x2], $0x80, $0x38;
	[tilespmem:$0x16400] =	vst v63  }
0x2ee: {  	s18 =	sadd.s32 $0xFE00, s2;
	s30 =	sadd.s32 $0x50, s15  }
0x2ef: {  	[hbm4b:s30+s3] =	stream.linear.scatter [tilespmem:s18], [sflag:$0x2], $0x80, $0x38;
	[tilespmem:$0x16400] =	vst v63  }
0x2f0: {  	s18 =	sor.u32 $0x10000, s2;
	s30 =	sadd.s32 $0x60, s15  }
0x2f1: {  	[hbm4b:s30+s3] =	stream.linear.scatter [tilespmem:s18], [sflag:$0x2], $0x80, $0x38;
	[tilespmem:$0x16400] =	vst v63  }
0x2f2: {  	s15 =	sadd.s32 $0x70, s15;
	s30 =	sor.u32 $0x10200, s2  }
0x2f3: {  	[hbm4b:s15+s3] =	stream.linear.scatter [tilespmem:s30], [sflag:$0x2], $0x80, $0x38;
	[tilespmem:$0x16400] =	vst v63  }
0x2f4: {  	s18 =	sadd.s32 $0x4000, s0;
	s30 =	sadd.s32 $0xF480, s2  }
0x2f5: {  	[hbm4b:s18+s3] =	stream.linear.scatter [tilespmem:s30], [sflag:$0x2], $0x80, $0x38;
	[tilespmem:$0x16400] =	vst v63  }
0x2f6: {  	s18 =	sadd.s32 $0xF680, s2;
	s30 =	sadd.s32 $0x4010, s0  }
0x2f7: {  	[hbm4b:s30+s3] =	stream.linear.scatter [tilespmem:s18], [sflag:$0x2], $0x80, $0x38;
	[tilespmem:$0x16400] =	vst v63  }
0x2f8: {  	s18 =	sadd.s32 $0xF880, s2;
	s30 =	sadd.s32 $0x4020, s0  }
0x2f9: {  	[hbm4b:s30+s3] =	stream.linear.scatter [tilespmem:s18], [sflag:$0x2], $0x80, $0x38;
	[tilespmem:$0x16400] =	vst v63  }
0x2fa: {  	s18 =	sadd.s32 $0xFA80, s2;
	s30 =	sadd.s32 $0x4030, s0  }
0x2fb: {  	[hbm4b:s30+s3] =	stream.linear.scatter [tilespmem:s18], [sflag:$0x2], $0x80, $0x38;
	[tilespmem:$0x16400] =	vst v63  }
0x2fc: {  	s18 =	sadd.s32 $0xFC80, s2;
	s30 =	sadd.s32 $0x4040, s0  }
0x2fd: {  	[hbm4b:s30+s3] =	stream.linear.scatter [tilespmem:s18], [sflag:$0x2], $0x80, $0x38;
	[tilespmem:$0x16400] =	vst v63  }
0x2fe: {  	s18 =	sadd.s32 $0xFE80, s2;
	s30 =	sadd.s32 $0x4050, s0  }
0x2ff: {  	[hbm4b:s30+s3] =	stream.linear.scatter [tilespmem:s18], [sflag:$0x2], $0x80, $0x38;
	[tilespmem:$0x16400] =	vst v63  }
0x300: {  	s18 =	sor.u32 $0x10080, s2;
	s30 =	sadd.s32 $0x4060, s0  }
0x301: {  	[hbm4b:s30+s3] =	stream.linear.scatter [tilespmem:s18], [sflag:$0x2], $0x80, $0x38;
	[tilespmem:$0x16400] =	vst v63  }
0x302: {  	s18 =	sor.u32 $0x10280, s2;
	s30 =	sadd.s32 $0x4070, s0  }
0x303: {  	[hbm4b:s30+s3] =	stream.linear.scatter [tilespmem:s18], [sflag:$0x2], $0x80, $0x38;
	[tilespmem:$0x16400] =	vst v63  }
0x304: {  	s18 =	sadd.s32 $0x4000, s14;
	s30 =	sadd.s32 $0xF500, s2  }
0x305: {  	[hbm4b:s18+s3] =	stream.linear.scatter [tilespmem:s30], [sflag:$0x2], $0x80, $0x38;
	[tilespmem:$0x16400] =	vst v63  }
0x306: {  	s18 =	sadd.s32 $0xF700, s2;
	s30 =	sadd.s32 $0x4010, s14  }
0x307: {  	[hbm4b:s30+s3] =	stream.linear.scatter [tilespmem:s18], [sflag:$0x2], $0x80, $0x38;
	[tilespmem:$0x16400] =	vst v63  }
0x308: {  	s18 =	sadd.s32 $0xF900, s2;
	s30 =	sadd.s32 $0x4020, s14  }
0x309: {  	[hbm4b:s30+s3] =	stream.linear.scatter [tilespmem:s18], [sflag:$0x2], $0x80, $0x38;
	[tilespmem:$0x16400] =	vst v63  }
0x30a: {  	s18 =	sadd.s32 $0xFB00, s2;
	s30 =	sadd.s32 $0x4030, s14  }
0x30b: {  	[hbm4b:s30+s3] =	stream.linear.scatter [tilespmem:s18], [sflag:$0x2], $0x80, $0x38;
	[tilespmem:$0x16400] =	vst v63  }
0x30c: {  	s18 =	sadd.s32 $0xFD00, s2;
	s30 =	sadd.s32 $0x4040, s14  }
0x30d: {  	[hbm4b:s30+s3] =	stream.linear.scatter [tilespmem:s18], [sflag:$0x2], $0x80, $0x38;
	[tilespmem:$0x16400] =	vst v63  }
0x30e: {  	s18 =	sadd.s32 $0xFF00, s2;
	s30 =	sadd.s32 $0x4050, s14  }
0x30f: {  	[hbm4b:s30+s3] =	stream.linear.scatter [tilespmem:s18], [sflag:$0x2], $0x80, $0x38;
	[tilespmem:$0x16400] =	vst v63  }
0x310: {  	s18 =	sor.u32 $0x10100, s2;
	s30 =	sadd.s32 $0x4060, s14  }
0x311: {  	[hbm4b:s30+s3] =	stream.linear.scatter [tilespmem:s18], [sflag:$0x2], $0x80, $0x38;
	[tilespmem:$0x16400] =	vst v63  }
0x312: {  	s18 =	sor.u32 $0x10300, s2;
	s30 =	sadd.s32 $0x4070, s14  }
0x313: {  	[hbm4b:s30+s3] =	stream.linear.scatter [tilespmem:s18], [sflag:$0x2], $0x80, $0x38;
	[tilespmem:$0x16400] =	vst v63  }
0x314: {  	s18 =	sadd.s32 $0x4000, s29;
	s30 =	sadd.s32 $0xF580, s2  }
0x315: {  	[hbm4b:s18+s3] =	stream.linear.scatter [tilespmem:s30], [sflag:$0x2], $0x80, $0x38;
	[tilespmem:$0x16400] =	vst v63  }
0x316: {  	s18 =	sadd.s32 $0xF780, s2;
	s30 =	sadd.s32 $0x4010, s29  }
0x317: {  	[hbm4b:s30+s3] =	stream.linear.scatter [tilespmem:s18], [sflag:$0x2], $0x80, $0x38;
	[tilespmem:$0x16400] =	vst v63  }
0x318: {  	s18 =	sadd.s32 $0xF980, s2;
	s30 =	sadd.s32 $0x4020, s29  }
0x319: {  	[hbm4b:s30+s3] =	stream.linear.scatter [tilespmem:s18], [sflag:$0x2], $0x80, $0x38;
	[tilespmem:$0x16400] =	vst v63  }
0x31a: {  	s18 =	sadd.s32 $0xFB80, s2;
	s30 =	sadd.s32 $0x4030, s29  }
0x31b: {  	[hbm4b:s30+s3] =	stream.linear.scatter [tilespmem:s18], [sflag:$0x2], $0x80, $0x38;
	[tilespmem:$0x16400] =	vst v63  }
0x31c: {  	s18 =	sadd.s32 $0xFD80, s2;
	s30 =	sadd.s32 $0x4040, s29  }
0x31d: {  	[hbm4b:s30+s3] =	stream.linear.scatter [tilespmem:s18], [sflag:$0x2], $0x80, $0x38;
	[tilespmem:$0x16400] =	vst v63  }
0x31e: {  	s18 =	sadd.s32 $0xFF80, s2;
	s30 =	sadd.s32 $0x4050, s29  }
0x31f: {  	[hbm4b:s30+s3] =	stream.linear.scatter [tilespmem:s18], [sflag:$0x2], $0x80, $0x38;
	[tilespmem:$0x16400] =	vst v63  }
0x320: {  	s18 =	sor.u32 $0x10180, s2;
	s30 =	sadd.s32 $0x4060, s29  }
0x321: {  	[hbm4b:s30+s3] =	stream.linear.scatter [tilespmem:s18], [sflag:$0x2], $0x80, $0x38;
	[tilespmem:$0x16400] =	vst v63  }
0x322: {  	s18 =	sor.u32 $0x10380, s2;
	s30 =	sadd.s32 $0x4070, s29  }
0x323: {  	[hbm4b:s30+s3] =	stream.linear.scatter [tilespmem:s18], [sflag:$0x2], $0x80, $0x38;
	[tilespmem:$0x16400] =	vst v63  }
0x324: {  	s15 =	sadd.s32 s31, s11;
	s30 =	sor.u32 $0x10400, s2  }
0x325: {  	[hbm4b:s15+s3] =	stream.linear.scatter [tilespmem:s30], [sflag:$0x2], $0x80, $0x38;
	[tilespmem:$0x16400] =	vst v63  }
0x326: {  	s18 =	sor.u32 $0x10600, s2;
	s30 =	sadd.s32 $0x10, s15  }
0x327: {  	[hbm4b:s30+s3] =	stream.linear.scatter [tilespmem:s18], [sflag:$0x2], $0x80, $0x38;
	[tilespmem:$0x16400] =	vst v63  }
0x328: {  	s18 =	sor.u32 $0x10800, s2;
	s30 =	sadd.s32 $0x20, s15  }
0x329: {  	[hbm4b:s30+s3] =	stream.linear.scatter [tilespmem:s18], [sflag:$0x2], $0x80, $0x38;
	[tilespmem:$0x16400] =	vst v63  }
0x32a: {  	s18 =	sor.u32 $0x10A00, s2;
	s30 =	sadd.s32 $0x30, s15  }
0x32b: {  	[hbm4b:s30+s3] =	stream.linear.scatter [tilespmem:s18], [sflag:$0x2], $0x80, $0x38;
	[tilespmem:$0x16400] =	vst v63  }
0x32c: {  	s18 =	sor.u32 $0x10C00, s2;
	s30 =	sadd.s32 $0x40, s15  }
0x32d: {  	[hbm4b:s30+s3] =	stream.linear.scatter [tilespmem:s18], [sflag:$0x2], $0x80, $0x38;
	[tilespmem:$0x16400] =	vst v63  }
0x32e: {  	s18 =	sor.u32 $0x10E00, s2;
	s30 =	sadd.s32 $0x50, s15  }
0x32f: {  	[hbm4b:s30+s3] =	stream.linear.scatter [tilespmem:s18], [sflag:$0x2], $0x80, $0x38;
	[tilespmem:$0x16400] =	vst v63  }
0x330: {  	s18 =	sor.u32 $0x11000, s2;
	s30 =	sadd.s32 $0x60, s15  }
0x331: {  	[hbm4b:s30+s3] =	stream.linear.scatter [tilespmem:s18], [sflag:$0x2], $0x80, $0x38;
	[tilespmem:$0x16400] =	vst v63  }
0x332: {  	s15 =	sadd.s32 $0x70, s15;
	s30 =	sor.u32 $0x11200, s2  }
0x333: {  	[hbm4b:s15+s3] =	stream.linear.scatter [tilespmem:s30], [sflag:$0x2], $0x80, $0x38;
	[tilespmem:$0x16400] =	vst v63  }
0x334: {  	s18 =	sadd.s32 $0x8000, s0;
	s30 =	sor.u32 $0x10480, s2  }
0x335: {  	[hbm4b:s18+s3] =	stream.linear.scatter [tilespmem:s30], [sflag:$0x2], $0x80, $0x38;
	[tilespmem:$0x16400] =	vst v63  }
0x336: {  	s18 =	sor.u32 $0x10680, s2;
	s30 =	sadd.s32 $0x8010, s0  }
0x337: {  	[hbm4b:s30+s3] =	stream.linear.scatter [tilespmem:s18], [sflag:$0x2], $0x80, $0x38;
	[tilespmem:$0x16400] =	vst v63  }
0x338: {  	s18 =	sor.u32 $0x10880, s2;
	s30 =	sadd.s32 $0x8020, s0  }
0x339: {  	[hbm4b:s30+s3] =	stream.linear.scatter [tilespmem:s18], [sflag:$0x2], $0x80, $0x38;
	[tilespmem:$0x16400] =	vst v63  }
0x33a: {  	s18 =	sor.u32 $0x10A80, s2;
	s30 =	sadd.s32 $0x8030, s0  }
0x33b: {  	[hbm4b:s30+s3] =	stream.linear.scatter [tilespmem:s18], [sflag:$0x2], $0x80, $0x38;
	[tilespmem:$0x16400] =	vst v63  }
0x33c: {  	s18 =	sor.u32 $0x10C80, s2;
	s30 =	sadd.s32 $0x8040, s0  }
0x33d: {  	[hbm4b:s30+s3] =	stream.linear.scatter [tilespmem:s18], [sflag:$0x2], $0x80, $0x38;
	[tilespmem:$0x16400] =	vst v63  }
0x33e: {  	s18 =	sor.u32 $0x10E80, s2;
	s30 =	sadd.s32 $0x8050, s0  }
0x33f: {  	[hbm4b:s30+s3] =	stream.linear.scatter [tilespmem:s18], [sflag:$0x2], $0x80, $0x38;
	[tilespmem:$0x16400] =	vst v63  }
0x340: {  	s18 =	sor.u32 $0x11080, s2;
	s30 =	sadd.s32 $0x8060, s0  }
0x341: {  	[hbm4b:s30+s3] =	stream.linear.scatter [tilespmem:s18], [sflag:$0x2], $0x80, $0x38;
	[tilespmem:$0x16400] =	vst v63  }
0x342: {  	s18 =	sor.u32 $0x11280, s2;
	s30 =	sadd.s32 $0x8070, s0  }
0x343: {  	[hbm4b:s30+s3] =	stream.linear.scatter [tilespmem:s18], [sflag:$0x2], $0x80, $0x38;
	[tilespmem:$0x16400] =	vst v63  }
0x344: {  	s18 =	sadd.s32 $0x8000, s14;
	s30 =	sor.u32 $0x10500, s2  }
0x345: {  	[hbm4b:s18+s3] =	stream.linear.scatter [tilespmem:s30], [sflag:$0x2], $0x80, $0x38;
	[tilespmem:$0x16400] =	vst v63  }
0x346: {  	s18 =	sor.u32 $0x10700, s2;
	s30 =	sadd.s32 $0x8010, s14  }
0x347: {  	[hbm4b:s30+s3] =	stream.linear.scatter [tilespmem:s18], [sflag:$0x2], $0x80, $0x38;
	[tilespmem:$0x16400] =	vst v63  }
0x348: {  	s18 =	sor.u32 $0x10900, s2;
	s30 =	sadd.s32 $0x8020, s14  }
0x349: {  	[hbm4b:s30+s3] =	stream.linear.scatter [tilespmem:s18], [sflag:$0x2], $0x80, $0x38;
	[tilespmem:$0x16400] =	vst v63  }
0x34a: {  	s18 =	sor.u32 $0x10B00, s2;
	s30 =	sadd.s32 $0x8030, s14  }
0x34b: {  	[hbm4b:s30+s3] =	stream.linear.scatter [tilespmem:s18], [sflag:$0x2], $0x80, $0x38;
	[tilespmem:$0x16400] =	vst v63  }
0x34c: {  	s18 =	sor.u32 $0x10D00, s2;
	s30 =	sadd.s32 $0x8040, s14  }
0x34d: {  	[hbm4b:s30+s3] =	stream.linear.scatter [tilespmem:s18], [sflag:$0x2], $0x80, $0x38;
	[tilespmem:$0x16400] =	vst v63  }
0x34e: {  	s18 =	sor.u32 $0x10F00, s2;
	s30 =	sadd.s32 $0x8050, s14  }
0x34f: {  	[hbm4b:s30+s3] =	stream.linear.scatter [tilespmem:s18], [sflag:$0x2], $0x80, $0x38;
	[tilespmem:$0x16400] =	vst v63  }
0x350: {  	s18 =	sor.u32 $0x11100, s2;
	s30 =	sadd.s32 $0x8060, s14  }
0x351: {  	[hbm4b:s30+s3] =	stream.linear.scatter [tilespmem:s18], [sflag:$0x2], $0x80, $0x38;
	[tilespmem:$0x16400] =	vst v63  }
0x352: {  	s18 =	sor.u32 $0x11300, s2;
	s30 =	sadd.s32 $0x8070, s14  }
0x353: {  	[hbm4b:s30+s3] =	stream.linear.scatter [tilespmem:s18], [sflag:$0x2], $0x80, $0x38;
	[tilespmem:$0x16400] =	vst v63  }
0x354: {  	s18 =	sadd.s32 $0x8000, s29;
	s30 =	sor.u32 $0x10580, s2  }
0x355: {  	[hbm4b:s18+s3] =	stream.linear.scatter [tilespmem:s30], [sflag:$0x2], $0x80, $0x38;
	[tilespmem:$0x16400] =	vst v63  }
0x356: {  	s18 =	sor.u32 $0x10780, s2;
	s30 =	sadd.s32 $0x8010, s29  }
0x357: {  	[hbm4b:s30+s3] =	stream.linear.scatter [tilespmem:s18], [sflag:$0x2], $0x80, $0x38;
	[tilespmem:$0x16400] =	vst v63  }
0x358: {  	s18 =	sor.u32 $0x10980, s2;
	s30 =	sadd.s32 $0x8020, s29  }
0x359: {  	[hbm4b:s30+s3] =	stream.linear.scatter [tilespmem:s18], [sflag:$0x2], $0x80, $0x38;
	[tilespmem:$0x16400] =	vst v63  }
0x35a: {  	s18 =	sor.u32 $0x10B80, s2;
	s30 =	sadd.s32 $0x8030, s29  }
0x35b: {  	[hbm4b:s30+s3] =	stream.linear.scatter [tilespmem:s18], [sflag:$0x2], $0x80, $0x38;
	[tilespmem:$0x16400] =	vst v63  }
0x35c: {  	s18 =	sor.u32 $0x10D80, s2;
	s30 =	sadd.s32 $0x8040, s29  }
0x35d: {  	[hbm4b:s30+s3] =	stream.linear.scatter [tilespmem:s18], [sflag:$0x2], $0x80, $0x38;
	[tilespmem:$0x16400] =	vst v63  }
0x35e: {  	s18 =	sor.u32 $0x10F80, s2;
	s30 =	sadd.s32 $0x8050, s29  }
0x35f: {  	[hbm4b:s30+s3] =	stream.linear.scatter [tilespmem:s18], [sflag:$0x2], $0x80, $0x38;
	[tilespmem:$0x16400] =	vst v63  }
0x360: {  	s18 =	sor.u32 $0x11180, s2;
	s30 =	sadd.s32 $0x8060, s29  }
0x361: {  	[hbm4b:s30+s3] =	stream.linear.scatter [tilespmem:s18], [sflag:$0x2], $0x80, $0x38;
	[tilespmem:$0x16400] =	vst v63  }
0x362: {  	s18 =	sor.u32 $0x11380, s2;
	s30 =	sadd.s32 $0x8070, s29  }
0x363: {  	[hbm4b:s30+s3] =	stream.linear.scatter [tilespmem:s18], [sflag:$0x2], $0x80, $0x38;
	[tilespmem:$0x16400] =	vst v63  }
0x364: {  	s15 =	sadd.s32 s31, s12;
	s30 =	sor.u32 $0x11400, s2  }
0x365: {  	[hbm4b:s15+s3] =	stream.linear.scatter [tilespmem:s30], [sflag:$0x2], $0x80, $0x38;
	[tilespmem:$0x16400] =	vst v63  }
0x366: {  	s31 =	sadd.s32 $0x10, s15;
	s18 =	sor.u32 $0x11600, s2  }
0x367: {  	[hbm4b:s31+s3] =	stream.linear.scatter [tilespmem:s18], [sflag:$0x2], $0x80, $0x38;
	[tilespmem:$0x16400] =	vst v63  }
0x368: {  	s18 =	sor.u32 $0x11800, s2;
	s31 =	sadd.s32 $0x20, s15  }
0x369: {  	[hbm4b:s31+s3] =	stream.linear.scatter [tilespmem:s18], [sflag:$0x2], $0x80, $0x38;
	[tilespmem:$0x16400] =	vst v63  }
0x36a: {  	s18 =	sor.u32 $0x11A00, s2;
	s31 =	sadd.s32 $0x30, s15  }
0x36b: {  	[hbm4b:s31+s3] =	stream.linear.scatter [tilespmem:s18], [sflag:$0x2], $0x80, $0x38;
	[tilespmem:$0x16400] =	vst v63  }
0x36c: {  	s18 =	sor.u32 $0x11C00, s2;
	s31 =	sadd.s32 $0x40, s15  }
0x36d: {  	[hbm4b:s31+s3] =	stream.linear.scatter [tilespmem:s18], [sflag:$0x2], $0x80, $0x38;
	[tilespmem:$0x16400] =	vst v63  }
0x36e: {  	s18 =	sor.u32 $0x11E00, s2;
	s31 =	sadd.s32 $0x50, s15  }
0x36f: {  	[hbm4b:s31+s3] =	stream.linear.scatter [tilespmem:s18], [sflag:$0x2], $0x80, $0x38;
	[tilespmem:$0x16400] =	vst v63  }
0x370: {  	s18 =	sor.u32 $0x12000, s2;
	s31 =	sadd.s32 $0x60, s15  }
0x371: {  	[hbm4b:s31+s3] =	stream.linear.scatter [tilespmem:s18], [sflag:$0x2], $0x80, $0x38;
	[tilespmem:$0x16400] =	vst v63  }
0x372: {  	s15 =	sadd.s32 $0x70, s15;
	s31 =	sor.u32 $0x12200, s2  }
0x373: {  	[hbm4b:s15+s3] =	stream.linear.scatter [tilespmem:s31], [sflag:$0x2], $0x80, $0x38;
	[tilespmem:$0x16400] =	vst v63  }
0x374: {  	s30 =	sadd.s32 $0xC000, s0;
	s31 =	sor.u32 $0x11480, s2  }
0x375: {  	[hbm4b:s30+s3] =	stream.linear.scatter [tilespmem:s31], [sflag:$0x2], $0x80, $0x38;
	[tilespmem:$0x16400] =	vst v63  }
0x376: {  	s30 =	sor.u32 $0x11680, s2;
	s31 =	sadd.s32 $0xC010, s0  }
0x377: {  	[hbm4b:s31+s3] =	stream.linear.scatter [tilespmem:s30], [sflag:$0x2], $0x80, $0x38;
	[tilespmem:$0x16400] =	vst v63  }
0x378: {  	s30 =	sor.u32 $0x11880, s2;
	s31 =	sadd.s32 $0xC020, s0  }
0x379: {  	[hbm4b:s31+s3] =	stream.linear.scatter [tilespmem:s30], [sflag:$0x2], $0x80, $0x38;
	[tilespmem:$0x16400] =	vst v63  }
0x37a: {  	s30 =	sor.u32 $0x11A80, s2;
	s31 =	sadd.s32 $0xC030, s0  }
0x37b: {  	[hbm4b:s31+s3] =	stream.linear.scatter [tilespmem:s30], [sflag:$0x2], $0x80, $0x38;
	[tilespmem:$0x16400] =	vst v63  }
0x37c: {  	s30 =	sor.u32 $0x11C80, s2;
	s31 =	sadd.s32 $0xC040, s0  }
0x37d: {  	[hbm4b:s31+s3] =	stream.linear.scatter [tilespmem:s30], [sflag:$0x2], $0x80, $0x38;
	[tilespmem:$0x16400] =	vst v63  }
0x37e: {  	s30 =	sor.u32 $0x11E80, s2;
	s31 =	sadd.s32 $0xC050, s0  }
0x37f: {  	[hbm4b:s31+s3] =	stream.linear.scatter [tilespmem:s30], [sflag:$0x2], $0x80, $0x38;
	[tilespmem:$0x16400] =	vst v63  }
0x380: {  	s18 =	sor.u32 $0x12080, s2;
	s30 =	sadd.s32 $0xC060, s0  }
0x381: {  	[hbm4b:s30+s3] =	stream.linear.scatter [tilespmem:s18], [sflag:$0x2], $0x80, $0x38;
	[tilespmem:$0x16400] =	vst v63  }
0x382: {  	s31 =	sor.u32 $0x12280, s2;
	s0 =	sadd.s32 $0xC070, s0  }
0x383: {  	[hbm4b:s0+s3] =	stream.linear.scatter [tilespmem:s31], [sflag:$0x2], $0x80, $0x38;
	[tilespmem:$0x16400] =	vst v63  }
0x384: {  	s15 =	sadd.s32 $0xC000, s14;
	s18 =	sor.u32 $0x11500, s2  }
0x385: {  	[hbm4b:s15+s3] =	stream.linear.scatter [tilespmem:s18], [sflag:$0x2], $0x80, $0x38;
	[tilespmem:$0x16400] =	vst v63  }
0x386: {  	s30 =	sor.u32 $0x11700, s2;
	s31 =	sadd.s32 $0xC010, s14  }
0x387: {  	[hbm4b:s31+s3] =	stream.linear.scatter [tilespmem:s30], [sflag:$0x2], $0x80, $0x38;
	[tilespmem:$0x16400] =	vst v63  }
0x388: {  	s15 =	sor.u32 $0x11900, s2;
	s18 =	sadd.s32 $0xC020, s14  }
0x389: {  	[hbm4b:s18+s3] =	stream.linear.scatter [tilespmem:s15], [sflag:$0x2], $0x80, $0x38;
	[tilespmem:$0x16400] =	vst v63  }
0x38a: {  	s30 =	sor.u32 $0x11B00, s2;
	s31 =	sadd.s32 $0xC030, s14  }
0x38b: {  	[hbm4b:s31+s3] =	stream.linear.scatter [tilespmem:s30], [sflag:$0x2], $0x80, $0x38;
	[tilespmem:$0x16400] =	vst v63  }
0x38c: {  	s15 =	sor.u32 $0x11D00, s2;
	s18 =	sadd.s32 $0xC040, s14  }
0x38d: {  	[hbm4b:s18+s3] =	stream.linear.scatter [tilespmem:s15], [sflag:$0x2], $0x80, $0x38;
	[tilespmem:$0x16400] =	vst v63  }
0x38e: {  	s30 =	sor.u32 $0x11F00, s2;
	s31 =	sadd.s32 $0xC050, s14  }
0x38f: {  	[hbm4b:s31+s3] =	stream.linear.scatter [tilespmem:s30], [sflag:$0x2], $0x80, $0x38;
	[tilespmem:$0x16400] =	vst v63  }
0x390: {  	s18 =	sor.u32 $0x12100, s2;
	s30 =	sadd.s32 $0xC060, s14  }
0x391: {  	[hbm4b:s30+s3] =	stream.linear.scatter [tilespmem:s18], [sflag:$0x2], $0x80, $0x38;
	[tilespmem:$0x16400] =	vst v63  }
0x392: {  	s31 =	sor.u32 $0x12300, s2;
	s14 =	sadd.s32 $0xC070, s14  }
0x393: {  	[hbm4b:s14+s3] =	stream.linear.scatter [tilespmem:s31], [sflag:$0x2], $0x80, $0x38;
	[tilespmem:$0x16400] =	vst v63  }
0x394: {  	s15 =	sadd.s32 $0xC000, s29;
	s18 =	sor.u32 $0x11580, s2  }
0x395: {  	[hbm4b:s15+s3] =	stream.linear.scatter [tilespmem:s18], [sflag:$0x2], $0x80, $0x38;
	[tilespmem:$0x16400] =	vst v63  }
0x396: {  	s30 =	sor.u32 $0x11780, s2;
	s31 =	sadd.s32 $0xC010, s29  }
0x397: {  	[hbm4b:s31+s3] =	stream.linear.scatter [tilespmem:s30], [sflag:$0x2], $0x80, $0x38;
	[tilespmem:$0x16400] =	vst v63  }
0x398: {  	s15 =	sor.u32 $0x11980, s2;
	s18 =	sadd.s32 $0xC020, s29  }
0x399: {  	[hbm4b:s18+s3] =	stream.linear.scatter [tilespmem:s15], [sflag:$0x2], $0x80, $0x38;
	[tilespmem:$0x16400] =	vst v63  }
0x39a: {  	s30 =	sor.u32 $0x11B80, s2;
	s31 =	sadd.s32 $0xC030, s29  }
0x39b: {  	[hbm4b:s31+s3] =	stream.linear.scatter [tilespmem:s30], [sflag:$0x2], $0x80, $0x38;
	[tilespmem:$0x16400] =	vst v63  }
0x39c: {  	s15 =	sor.u32 $0x11D80, s2;
	s18 =	sadd.s32 $0xC040, s29  }
0x39d: {  	[hbm4b:s18+s3] =	stream.linear.scatter [tilespmem:s15], [sflag:$0x2], $0x80, $0x38;
	[tilespmem:$0x16400] =	vst v63  }
0x39e: {  	p0 =	sne.s32 s28, $0x32;
	s30 =	sor.u32 $0x11F80, s2;
	s31 =	sadd.s32 $0xC050, s29  }
0x39f: {  	[hbm4b:s31+s3] =	stream.linear.scatter [tilespmem:s30], [sflag:$0x2], $0x80, $0x38;
	[tilespmem:$0x16400] =	vst v63  }
.Ltmp2:
0x3a0: {  	_ = 	snop;
	(pc) =	sbr.rel @p0 .LBB2_2-.Ltmp2, $4  }
0x3a1: {  	s15 =	sor.u32 $0x12180, s2;
	s18 =	sadd.s32 $0xC060, s29  }
0x3a2: {  	[hbm4b:s18+s3] =	stream.linear.scatter [tilespmem:s15], [sflag:$0x2], $0x80, $0x38;
	[tilespmem:$0x16400] =	vst v63  }
0x3a3: {  	s30 =	sor.u32 $0x12380, s2;
	s31 =	sadd.s32 $0xC070, s29;
	s29 =	smov.u32 s28  }
0x3a4: {  	v2 =	vld [tilespmem:$0x1FFF0];
	[hbm4b:s31+s3] =	stream.linear.scatter [tilespmem:s30], [sflag:$0x2], $0x80, $0x38  }
0x3a5: {  	_ =	swait.ge [sflag:s25], $0x400  }
0x3a6: {  	[sflag:s25] =	ssyncset.done $0x0  }
0x3a7: {  	[sflag:s25] =	ssyncadd.s32 $0xFFFFFC00  }
0x3a8: {  	_ =	swait.ge [sflag:s25], $0x400  }
0x3a9: {  	[sflag:s25] =	ssyncset.done $0x0  }
0x3aa: {  	[sflag:s25] =	ssyncadd.s32 $0xFFFFFC00  }
0x3ab: {  	_ =	swait.ge [sflag:s25], $0x400  }
0x3ac: {  	[sflag:s25] =	ssyncset.done $0x0  }
0x3ad: {  	[sflag:s25] =	ssyncadd.s32 $0xFFFFFC00  }
0x3ae: {  	_ =	swait.ge [sflag:s25], $0x400  }
0x3af: {  	[sflag:s25] =	ssyncset.done $0x0  }
0x3b0: {  	[sflag:s25] =	ssyncadd.s32 $0xFFFFFC00  }
0x3b1: {  	_ =	swait.ge [sflag:s25], $0x400  }
0x3b2: {  	[sflag:s25] =	ssyncset.done $0x0  }
0x3b3: {  	[sflag:s25] =	ssyncadd.s32 $0xFFFFFC00  }
0x3b4: {  	_ =	swait.ge [sflag:s25], $0x400  }
0x3b5: {  	[sflag:s25] =	ssyncset.done $0x0  }
0x3b6: {  	[sflag:s25] =	ssyncadd.s32 $0xFFFFFC00  }
0x3b7: {  	_ =	swait.ge [sflag:s25], $0x400  }
0x3b8: {  	[sflag:s25] =	ssyncset.done $0x0  }
0x3b9: {  	[sflag:s25] =	ssyncadd.s32 $0xFFFFFC00  }
0x3ba: {  	_ =	swait.ge [sflag:s25], $0x400  }
0x3bb: {  	[sflag:s25] =	ssyncset.done $0x0  }
0x3bc: {  	[sflag:s25] =	ssyncadd.s32 $0xFFFFFC00  }
0x3bd: {  	_ =	swait.ge [sflag:s25], $0x400  }
0x3be: {  	[sflag:s25] =	ssyncset.done $0x0  }
0x3bf: {  	[sflag:s25] =	ssyncadd.s32 $0xFFFFFC00  }
0x3c0: {  	_ =	swait.ge [sflag:s25], $0x400  }
0x3c1: {  	[sflag:s25] =	ssyncset.done $0x0  }
0x3c2: {  	[sflag:s25] =	ssyncadd.s32 $0xFFFFFC00  }
0x3c3: {  	_ =	swait.ge [sflag:s25], $0x400  }
0x3c4: {  	[sflag:s25] =	ssyncset.done $0x0  }
0x3c5: {  	[sflag:s25] =	ssyncadd.s32 $0xFFFFFC00  }
0x3c6: {  	_ =	swait.ge [sflag:s25], $0x400  }
0x3c7: {  	[sflag:s25] =	ssyncset.done $0x0  }
0x3c8: {  	[sflag:s25] =	ssyncadd.s32 $0xFFFFFC00  }
0x3c9: {  	_ =	swait.ge [sflag:s25], $0x400  }
0x3ca: {  	[sflag:s25] =	ssyncset.done $0x0  }
0x3cb: {  	[sflag:s25] =	ssyncadd.s32 $0xFFFFFC00  }
0x3cc: {  	_ =	swait.ge [sflag:s25], $0x400  }
0x3cd: {  	[sflag:s25] =	ssyncset.done $0x0  }
0x3ce: {  	[sflag:s25] =	ssyncadd.s32 $0xFFFFFC00  }
0x3cf: {  	_ =	swait.ge [sflag:s25], $0x400  }
0x3d0: {  	[sflag:s25] =	ssyncset.done $0x0  }
0x3d1: {  	[sflag:s25] =	ssyncadd.s32 $0xFFFFFC00  }
0x3d2: {  	_ =	swait.ge [sflag:s25], $0x400  }
0x3d3: {  	[sflag:s25] =	ssyncset.done $0x0  }
0x3d4: {  	[sflag:s25] =	ssyncadd.s32 $0xFFFFFC00  }
0x3d5: {  	_ =	swait.ge [sflag:s25], $0x400  }
0x3d6: {  	[sflag:s25] =	ssyncset.done $0x0  }
0x3d7: {  	[sflag:s25] =	ssyncadd.s32 $0xFFFFFC00  }
0x3d8: {  	_ =	swait.ge [sflag:s25], $0x400  }
0x3d9: {  	[sflag:s25] =	ssyncset.done $0x0  }
0x3da: {  	[sflag:s25] =	ssyncadd.s32 $0xFFFFFC00  }
0x3db: {  	_ =	swait.ge [sflag:s25], $0x400  }
0x3dc: {  	[sflag:s25] =	ssyncset.done $0x0  }
0x3dd: {  	[sflag:s25] =	ssyncadd.s32 $0xFFFFFC00  }
0x3de: {  	_ =	swait.ge [sflag:s25], $0x400  }
0x3df: {  	[sflag:s25] =	ssyncset.done $0x0  }
0x3e0: {  	[sflag:s25] =	ssyncadd.s32 $0xFFFFFC00  }
0x3e1: {  	_ =	swait.ge [sflag:s25], $0x400  }
0x3e2: {  	[sflag:s25] =	ssyncset.done $0x0  }
0x3e3: {  	[sflag:s25] =	ssyncadd.s32 $0xFFFFFC00  }
0x3e4: {  	_ =	swait.ge [sflag:s25], $0x400  }
0x3e5: {  	[sflag:s25] =	ssyncset.done $0x0  }
0x3e6: {  	[sflag:s25] =	ssyncadd.s32 $0xFFFFFC00  }
0x3e7: {  	_ =	swait.ge [sflag:s25], $0x400  }
0x3e8: {  	[sflag:s25] =	ssyncset.done $0x0  }
0x3e9: {  	[sflag:s25] =	ssyncadd.s32 $0xFFFFFC00  }
0x3ea: {  	_ =	swait.ge [sflag:s25], $0x400  }
0x3eb: {  	[sflag:s25] =	ssyncset.done $0x0  }
0x3ec: {  	[sflag:s25] =	ssyncadd.s32 $0xFFFFFC00  }
0x3ed: {  	_ =	swait.ge [sflag:s25], $0x400  }
0x3ee: {  	[sflag:s25] =	ssyncset.done $0x0  }
0x3ef: {  	[sflag:s25] =	ssyncadd.s32 $0xFFFFFC00  }
0x3f0: {  	_ =	swait.ge [sflag:s25], $0x400  }
0x3f1: {  	[sflag:s25] =	ssyncset.done $0x0  }
0x3f2: {  	[sflag:s25] =	ssyncadd.s32 $0xFFFFFC00  }
0x3f3: {  	_ =	swait.ge [sflag:s25], $0x400  }
0x3f4: {  	[sflag:s25] =	ssyncset.done $0x0  }
0x3f5: {  	[sflag:s25] =	ssyncadd.s32 $0xFFFFFC00  }
0x3f6: {  	_ =	swait.ge [sflag:s25], $0x400  }
0x3f7: {  	[sflag:s25] =	ssyncset.done $0x0  }
0x3f8: {  	[sflag:s25] =	ssyncadd.s32 $0xFFFFFC00  }
0x3f9: {  	_ =	swait.ge [sflag:s25], $0x400  }
0x3fa: {  	[sflag:s25] =	ssyncset.done $0x0  }
0x3fb: {  	[sflag:s25] =	ssyncadd.s32 $0xFFFFFC00  }
0x3fc: {  	_ =	swait.ge [sflag:s25], $0x400  }
0x3fd: {  	[sflag:s25] =	ssyncset.done $0x0  }
0x3fe: {  	s26 =	sadd.s32 $0x1, s26;
	[sflag:s25] =	ssyncadd.s32 $0xFFFFFC00  }
0x3ff: {  	p0 =	sne.s32 s26, s13;
	_ =	swait.ge [sflag:s25], $0x400  }
.Ltmp3:
0x400: {  	[sflag:s25] =	ssyncset.done $0x0;
	(pc) =	sbr.rel @p0 .LBB2_1-.Ltmp3, $4  }
0x401: {  	[sflag:s25] =	ssyncadd.s32 $0xFFFFFC00  }
0x402: {  	_ =	swait.ge [sflag:s25], $0x400  }
0x403: {  	[sflag:s25] =	ssyncset.done $0x0  }
0x404: {  	[sflag:s25] =	ssyncadd.s32 $0xFFFFFC00  }
0x405: {  	_ =	sfence.sel $0x180000  }
0x406: {  	[bflag:$0x0] =	sbarrier.arrive $0xFFFF  }
0x407: {  	_ =	strace $0x9000004A  }
0x408: {  	s0 =	stileid.u32;
	[bflag:$0x2] =	sbarrier.arrive $0xFFFF  }
0x409: {  	p0 =	sne.s32 s0, $0x0;
	s0 =	rddreg [dreg:$0x2]  }
0x40a: {  	s0 =	sadd.s32 @!p0 $0x100000, s0  }
0x40b: {  	[sflag:s0] =	ssyncadd.tile.s32 @!p0 $0x1;
	_ =	shalt  }
.Lfunc_end2:
_tile_overlayer_lowered:
.L_overlay_start_2:
0x40c: {  	(tag) =	ssettag $0x2  }
0x40d: {  	s0 =	rddreg [dreg:$0x0];
	s2 =	stileid.u32  }
0x40e: {  	s1 =	rddreg [dreg:$0x1];
	p0 =	sne.s32 s2, $0x0  }
0x40f: {  	s3 =	rddreg [dreg:$0x2];
	[bflag:$0x3] =	sbarrier.arrive $0xFFFF;
	s2 =	simm.s32 @!p0 $0x1C03  }
0x410: {  	[timem:s3], [sflag:s2] =	dma.local @!p0 [hbm:s0], s1  }
0x411: {  	s0 =	simm.s32 @!p0 $0x3  }
0x412: {  	_ =	swait.ge @!p0 [sflag:s0], s1  }
0x413: {  	s1 =	ssub.s32 @!p0 $0x0, s1;
	[sflag:s0] =	ssyncset.done @!p0 $0x0  }
0x414: {  	[sflag:s0] =	ssyncadd.s32 @!p0 s1  }
0x415: {  	[bflag:$0x3] =	sbarrier.arrive $0xFFFF  }
0x416: {  	_ =	shalt  }

</sc_bundles>
